<compile_context>
chip_gen: v7x
topology: tpu7x:2x2x1
jax: 0.10.2.dev20260603
libtpu: 0.0.44.dev20260713+nightly
codegen_flags: <defaults>
</compile_context>

<pallas_src>
import functools

import jax
import jax.numpy as jnp
from jax import lax
from jax.experimental import pallas as pl
from jax.experimental.pallas import tpu as pltpu
from jax.experimental.pallas import tpu_sc as plsc

B = 16384
EMB = 16
NC = 2
NS = 16
L = 16
NW = NC * NS
RPW = B // NW
CH = 128
NCH = RPW // CH

_mesh = plsc.VectorSubcoreMesh(core_axis_name="c", subcore_axis_name="s")


@functools.partial(
    pl.kernel,
    out_type=[
        jax.ShapeDtypeStruct((NW, L), jnp.float32),
        jax.ShapeDtypeStruct((B // CH, CH), jnp.float32),
    ],
    mesh=_mesh,
    compiler_params=pltpu.CompilerParams(use_tc_tiling_on_sc=False),
    scratch_types=[
        pltpu.VMEM((NCH, CH), jnp.int32),
        pltpu.VMEM((NCH, CH), jnp.int32),
        pltpu.VMEM((NCH * EMB, CH), jnp.float32),
        pltpu.VMEM((NCH * EMB, CH), jnp.float32),
        pltpu.VMEM((NCH, CH), jnp.float32),
        pltpu.VMEM((NCH, CH), jnp.float32),
        pltpu.VMEM((NCH, CH), jnp.float32),
        pltpu.VMEM((L,), jnp.float32),
        pltpu.SemaphoreType.DMA,
        pltpu.SemaphoreType.DMA,
    ],
)
def _sc_gather_dot(*args):
    (uidx_hbm, iidx_hbm, ubias_hbm, ibias_hbm) = args[:4]
    ud = args[4:4 + EMB]
    idt = args[4 + EMB:4 + 2 * EMB]
    (partials_hbm, bsum_hbm,
     uidx_v, iidx_v, ug_v, ig_v, ub_v, ib_v, bs_v, acc_v,
     sem, bsem) = args[4 + 2 * EMB:]

    wid = lax.axis_index("s") * NC + lax.axis_index("c")
    rbase = wid * NCH

    pltpu.sync_copy(uidx_hbm.at[pl.ds(rbase, NCH)], uidx_v)
    pltpu.sync_copy(iidx_hbm.at[pl.ds(rbase, NCH)], iidx_v)

    copies = []
    for j in range(NCH):
        copies.append(
            pltpu.async_copy(ubias_hbm.at[uidx_v.at[j]], ub_v.at[j], bsem))
        copies.append(
            pltpu.async_copy(ibias_hbm.at[iidx_v.at[j]], ib_v.at[j], bsem))
        for d in range(EMB):
            copies.append(pltpu.async_copy(
                ud[d].at[uidx_v.at[j]], ug_v.at[j * EMB + d], sem))
            copies.append(pltpu.async_copy(
                idt[d].at[iidx_v.at[j]], ig_v.at[j * EMB + d], sem))
    for c in copies:
        c.wait()

    def dot_body(i, acc):
        r = lax.shift_right_logical(i, 3)
        t = lax.bitwise_and(i, 7)
        sl = pl.ds(t * L, L)
        return acc + ug_v[r, sl] * ig_v[r, sl]
    acc = lax.fori_loop(0, NCH * EMB * (CH // L), dot_body,
                        jnp.zeros((L,), jnp.float32))
    acc_v[...] = acc
    pltpu.sync_copy(acc_v, partials_hbm.at[wid])

    for j in range(NCH):
        def bias_body(cidx, _, j=j):
            sl = pl.ds(cidx * L, L)
            bs_v[j, sl] = ub_v[j, sl] + ib_v[j, sl]
            return 0
        lax.fori_loop(0, CH // L, bias_body, 0)
    pltpu.sync_copy(bs_v, bsum_hbm.at[pl.ds(rbase, NCH)])


def _tc_finalize(partials_ref, bsum_ref, out_ref):
    s = jnp.sum(partials_ref[...])
    out_ref[...] = jax.nn.sigmoid(s + bsum_ref[...])


def kernel(inputs, user_emb, user_bias, item_emb, item_bias):
    uidx = inputs[:, 0].reshape(B // CH, CH)
    iidx = inputs[:, 1].reshape(B // CH, CH)
    ub = user_bias.reshape(-1)
    ib = item_bias.reshape(-1)
    uds = [user_emb[:, d] for d in range(EMB)]
    ids_ = [item_emb[:, d] for d in range(EMB)]
    partials, bsum = _sc_gather_dot(uidx, iidx, ub, ib, *uds, *ids_)
    out = pl.pallas_call(
        _tc_finalize,
        out_shape=jax.ShapeDtypeStruct((B // CH, CH), jnp.float32),
    )(partials, bsum)
    return out.reshape(B, 1)

# --- scband reference (transcript-rebuilt; emitter-appended) ---
"""Pipeline reference for scband-cf-12326556140314 (READ-ONLY COPY).

The authoritative reference and input builder live on the scoring server;
editing this copy changes nothing except your own understanding.
"""

import jax, jax.numpy as jnp
import numpy as np
import math

NUM_USERS = 1000000
NUM_ITEMS = 1000000
EMB = 16
BATCH = 16384

def setup_inputs(seed: int = 0) -> dict:
    key = jax.random.key(seed)
    k1, k2, k3, k4, k5 = jax.random.split(key, 5)
    inputs = jax.random.randint(k1, (BATCH, 2), 0, NUM_USERS, dtype=jnp.int32)
    he_std = math.sqrt(2.0 / EMB)
    user_emb = jax.random.normal(k2, (NUM_USERS, EMB), dtype=jnp.float32) * he_std
    item_emb = jax.random.normal(k3, (NUM_ITEMS, EMB), dtype=jnp.float32) * he_std
    # Keras Embedding default initializer is uniform(-0.05, 0.05)
    user_bias = jax.random.uniform(k4, (NUM_USERS, 1), dtype=jnp.float32, minval=-0.05, maxval=0.05)
    item_bias = jax.random.uniform(k5, (NUM_ITEMS, 1), dtype=jnp.float32, minval=-0.05, maxval=0.05)
    return {"inputs": inputs, "user_emb": user_emb, "user_bias": user_bias, "item_emb": item_emb, "item_bias": item_bias}

def reference(inputs, user_emb, user_bias, item_emb, item_bias):
    # user/item embedding lookups (SparseCore gather)
    user_vector = jnp.take(user_emb, inputs[:, 0], axis=0)   # [B, EMB]
    ub = jnp.take(user_bias, inputs[:, 0], axis=0)           # [B, 1]
    item_vector = jnp.take(item_emb, inputs[:, 1], axis=0)   # [B, EMB]
    ib = jnp.take(item_bias, inputs[:, 1], axis=0)           # [B, 1]
    # Faithful to tf.tensordot(user_vector, item_vector, axes=2): full
    # contraction over both axes -> scalar sum(u * v)
    tdot = jnp.tensordot(user_vector, item_vector, axes=2)   # scalar
    result = tdot + ub + ib                                   # [B, 1] via broadcast
    return jax.nn.sigmoid(result)

if __name__ == "__main__":
    import jax
    _d = setup_inputs()
    print(jax.jit(kernel)(*tuple(_d.values())))

</pallas_src>

<mosaic_0001>
#map = affine_map<(d0, d1) -> (0, 0)>
#map1 = affine_map<(d0, d1) -> (0)>
module attributes {stable_mosaic.version = 14 : i64} {
  func.func @_sc_gather_dot(%arg0: i32, %arg1: i32, %arg2: memref<128x128xi32, #tpu.memory_space<hbm>>, %arg3: memref<128x128xi32, #tpu.memory_space<hbm>>, %arg4: memref<1000000xf32, #tpu.memory_space<hbm>>, %arg5: memref<1000000xf32, #tpu.memory_space<hbm>>, %arg6: memref<1000000xf32, #tpu.memory_space<hbm>>, %arg7: memref<1000000xf32, #tpu.memory_space<hbm>>, %arg8: memref<1000000xf32, #tpu.memory_space<hbm>>, %arg9: memref<1000000xf32, #tpu.memory_space<hbm>>, %arg10: memref<1000000xf32, #tpu.memory_space<hbm>>, %arg11: memref<1000000xf32, #tpu.memory_space<hbm>>, %arg12: memref<1000000xf32, #tpu.memory_space<hbm>>, %arg13: memref<1000000xf32, #tpu.memory_space<hbm>>, %arg14: memref<1000000xf32, #tpu.memory_space<hbm>>, %arg15: memref<1000000xf32, #tpu.memory_space<hbm>>, %arg16: memref<1000000xf32, #tpu.memory_space<hbm>>, %arg17: memref<1000000xf32, #tpu.memory_space<hbm>>, %arg18: memref<1000000xf32, #tpu.memory_space<hbm>>, %arg19: memref<1000000xf32, #tpu.memory_space<hbm>>, %arg20: memref<1000000xf32, #tpu.memory_space<hbm>>, %arg21: memref<1000000xf32, #tpu.memory_space<hbm>>, %arg22: memref<1000000xf32, #tpu.memory_space<hbm>>, %arg23: memref<1000000xf32, #tpu.memory_space<hbm>>, %arg24: memref<1000000xf32, #tpu.memory_space<hbm>>, %arg25: memref<1000000xf32, #tpu.memory_space<hbm>>, %arg26: memref<1000000xf32, #tpu.memory_space<hbm>>, %arg27: memref<1000000xf32, #tpu.memory_space<hbm>>, %arg28: memref<1000000xf32, #tpu.memory_space<hbm>>, %arg29: memref<1000000xf32, #tpu.memory_space<hbm>>, %arg30: memref<1000000xf32, #tpu.memory_space<hbm>>, %arg31: memref<1000000xf32, #tpu.memory_space<hbm>>, %arg32: memref<1000000xf32, #tpu.memory_space<hbm>>, %arg33: memref<1000000xf32, #tpu.memory_space<hbm>>, %arg34: memref<1000000xf32, #tpu.memory_space<hbm>>, %arg35: memref<1000000xf32, #tpu.memory_space<hbm>>, %arg36: memref<1000000xf32, #tpu.memory_space<hbm>>, %arg37: memref<1000000xf32, #tpu.memory_space<hbm>>, %arg38: memref<32x16xf32, #tpu.memory_space<hbm>>, %arg39: memref<128x128xf32, #tpu.memory_space<hbm>>, %arg40: memref<4x128xi32, #tpu.memory_space<vmem>>, %arg41: memref<4x128xi32, #tpu.memory_space<vmem>>, %arg42: memref<64x128xf32, #tpu.memory_space<vmem>>, %arg43: memref<64x128xf32, #tpu.memory_space<vmem>>, %arg44: memref<4x128xf32, #tpu.memory_space<vmem>>, %arg45: memref<4x128xf32, #tpu.memory_space<vmem>>, %arg46: memref<4x128xf32, #tpu.memory_space<vmem>>, %arg47: memref<16xf32, #tpu.memory_space<vmem>>, %arg48: memref<!tpu.dma_semaphore, #tpu.memory_space<semaphore_mem>>, %arg49: memref<!tpu.dma_semaphore, #tpu.memory_space<semaphore_mem>>) attributes {dimension_semantics = [#tpu.dimension_semantics<core_parallel>, #tpu.dimension_semantics<subcore_parallel>], iteration_bounds = array<i64: 2, 16>, scalar_prefetch = 0 : i64, scratch_operands = 10 : i64, tpu.core_type = #tpu.core_type<sc_vector_subcore>, window_params = [{transform_indices = #map}, {transform_indices = #map}, {transform_indices = #map1}, {transform_indices = #map1}, {transform_indices = #map1}, {transform_indices = #map1}, {transform_indices = #map1}, {transform_indices = #map1}, {transform_indices = #map1}, {transform_indices = #map1}, {transform_indices = #map1}, {transform_indices = #map1}, {transform_indices = #map1}, {transform_indices = #map1}, {transform_indices = #map1}, {transform_indices = #map1}, {transform_indices = #map1}, {transform_indices = #map1}, {transform_indices = #map1}, {transform_indices = #map1}, {transform_indices = #map1}, {transform_indices = #map1}, {transform_indices = #map1}, {transform_indices = #map1}, {transform_indices = #map1}, {transform_indices = #map1}, {transform_indices = #map1}, {transform_indices = #map1}, {transform_indices = #map1}, {transform_indices = #map1}, {transform_indices = #map1}, {transform_indices = #map1}, {transform_indices = #map1}, {transform_indices = #map1}, {transform_indices = #map1}, {transform_indices = #map1}, {transform_indices = #map}, {transform_indices = #map}]} {
    %mul3A = arith.constant 2 : i32
    %mul3A_0 = arith.muli %arg1, %mul3A : i32
    %add3A = arith.addi %mul3A_0, %arg0 : i32
    %mul3A_1 = arith.constant 4 : i32
    %mul3A_2 = arith.muli %add3A, %mul3A_1 : i32
    "tpu.region"() ({
      %run_scoped3A = tpu.sem_alloc : memref<!tpu.dma_semaphore, #tpu.memory_space<semaphore_mem>>
      %dma_start3A_2758 = arith.constant 0 : i32
      %dma_start3A_2759 = tpu.memref_slice %arg2[%mul3A_2, %dma_start3A_2758] : memref<128x128xi32, #tpu.memory_space<hbm>> -> memref<4x128xi32, #tpu.memory_space<hbm>>
      %dma_start3A_2760 = arith.constant 0 : i32
      %dma_start3A_2761 = tpu.memref_slice %arg2[%mul3A_2, %dma_start3A_2760] : memref<128x128xi32, #tpu.memory_space<hbm>> -> memref<4x128xi32, #tpu.memory_space<hbm>>
      tpu.enqueue_dma source(%dma_start3A_2761 : memref<4x128xi32, #tpu.memory_space<hbm>>) target(%arg40 : memref<4x128xi32, #tpu.memory_space<vmem>>) target_semaphore(%run_scoped3A : memref<!tpu.dma_semaphore, #tpu.memory_space<semaphore_mem>>)
      %dma_wait3A_2762 = arith.constant 0 : i32
      %dma_wait3A_2763 = tpu.memref_slice %arg2[%mul3A_2, %dma_wait3A_2762] : memref<128x128xi32, #tpu.memory_space<hbm>> -> memref<4x128xi32, #tpu.memory_space<hbm>>
      %dma_wait3A_2764 = arith.constant 0 : i32
      %dma_wait3A_2765 = tpu.memref_slice %arg2[%mul3A_2, %dma_wait3A_2764] : memref<128x128xi32, #tpu.memory_space<hbm>> -> memref<4x128xi32, #tpu.memory_space<hbm>>
      tpu.wait_dma2 semaphore(%run_scoped3A : memref<!tpu.dma_semaphore, #tpu.memory_space<semaphore_mem>>) src(%dma_wait3A_2765 : memref<4x128xi32, #tpu.memory_space<hbm>>) dst(%arg40 : memref<4x128xi32, #tpu.memory_space<vmem>>)
      tpu.yield
    }) : () -> ()
    "tpu.region"() ({
      %run_scoped3A = tpu.sem_alloc : memref<!tpu.dma_semaphore, #tpu.memory_space<semaphore_mem>>
      %dma_start3A_2758 = arith.constant 0 : i32
      %dma_start3A_2759 = tpu.memref_slice %arg3[%mul3A_2, %dma_start3A_2758] : memref<128x128xi32, #tpu.memory_space<hbm>> -> memref<4x128xi32, #tpu.memory_space<hbm>>
      %dma_start3A_2760 = arith.constant 0 : i32
      %dma_start3A_2761 = tpu.memref_slice %arg3[%mul3A_2, %dma_start3A_2760] : memref<128x128xi32, #tpu.memory_space<hbm>> -> memref<4x128xi32, #tpu.memory_space<hbm>>
      tpu.enqueue_dma source(%dma_start3A_2761 : memref<4x128xi32, #tpu.memory_space<hbm>>) target(%arg41 : memref<4x128xi32, #tpu.memory_space<vmem>>) target_semaphore(%run_scoped3A : memref<!tpu.dma_semaphore, #tpu.memory_space<semaphore_mem>>)
      %dma_wait3A_2762 = arith.constant 0 : i32
      %dma_wait3A_2763 = tpu.memref_slice %arg3[%mul3A_2, %dma_wait3A_2762] : memref<128x128xi32, #tpu.memory_space<hbm>> -> memref<4x128xi32, #tpu.memory_space<hbm>>
      %dma_wait3A_2764 = arith.constant 0 : i32
      %dma_wait3A_2765 = tpu.memref_slice %arg3[%mul3A_2, %dma_wait3A_2764] : memref<128x128xi32, #tpu.memory_space<hbm>> -> memref<4x128xi32, #tpu.memory_space<hbm>>
      tpu.wait_dma2 semaphore(%run_scoped3A : memref<!tpu.dma_semaphore, #tpu.memory_space<semaphore_mem>>) src(%dma_wait3A_2765 : memref<4x128xi32, #tpu.memory_space<hbm>>) dst(%arg41 : memref<4x128xi32, #tpu.memory_space<vmem>>)
      tpu.yield
    }) : () -> ()
    %dma_start3A = arith.constant 0 : i32
    %dma_start3A_3 = arith.constant 0 : i32
    %dma_start3A_4 = arith.constant 0 : i32
    %dma_start3A_5 = tpu.memref_slice %arg44[%dma_start3A_3, %dma_start3A_4] : memref<4x128xf32, #tpu.memory_space<vmem>> -> memref<1x128xf32, #tpu.memory_space<vmem>>
    %dma_start3A_6 = tpu.memref_squeeze %dma_start3A_5 : memref<1x128xf32, #tpu.memory_space<vmem>> -> memref<128xf32, #tpu.memory_space<vmem>>
    %dma_start3A_7 = arith.constant 0 : i32
    %dma_start3A_8 = tpu.memref_slice %arg40[%dma_start3A, %dma_start3A_7] : memref<4x128xi32, #tpu.memory_space<vmem>> -> memref<1x128xi32, #tpu.memory_space<vmem>>
    %dma_start3A_9 = tpu.memref_squeeze %dma_start3A_8 : memref<1x128xi32, #tpu.memory_space<vmem>> -> memref<128xi32, #tpu.memory_space<vmem>>
    %dma_start3A_10 = arith.constant 0 : i32
    %dma_start3A_11 = tpu.memref_slice %arg4[%dma_start3A_10] : memref<1000000xf32, #tpu.memory_space<hbm>> -> memref<1000000xf32, #tpu.memory_space<hbm>>
    tpu.enqueue_indirect_dma source(%dma_start3A_11 : memref<1000000xf32, #tpu.memory_space<hbm>>) target(%dma_start3A_6 : memref<128xf32, #tpu.memory_space<vmem>>) offsets(%dma_start3A_9 : memref<128xi32, #tpu.memory_space<vmem>>) semaphore(%arg49 : memref<!tpu.dma_semaphore, #tpu.memory_space<semaphore_mem>>)
    %dma_start3A_12 = arith.constant 0 : i32
    %dma_start3A_13 = arith.constant 0 : i32
    %dma_start3A_14 = arith.constant 0 : i32
    %dma_start3A_15 = tpu.memref_slice %arg45[%dma_start3A_13, %dma_start3A_14] : memref<4x128xf32, #tpu.memory_space<vmem>> -> memref<1x128xf32, #tpu.memory_space<vmem>>
    %dma_start3A_16 = tpu.memref_squeeze %dma_start3A_15 : memref<1x128xf32, #tpu.memory_space<vmem>> -> memref<128xf32, #tpu.memory_space<vmem>>
    %dma_start3A_17 = arith.constant 0 : i32
    %dma_start3A_18 = tpu.memref_slice %arg41[%dma_start3A_12, %dma_start3A_17] : memref<4x128xi32, #tpu.memory_space<vmem>> -> memref<1x128xi32, #tpu.memory_space<vmem>>
    %dma_start3A_19 = tpu.memref_squeeze %dma_start3A_18 : memref<1x128xi32, #tpu.memory_space<vmem>> -> memref<128xi32, #tpu.memory_space<vmem>>
    %dma_start3A_20 = arith.constant 0 : i32
    %dma_start3A_21 = tpu.memref_slice %arg5[%dma_start3A_20] : memref<1000000xf32, #tpu.memory_space<hbm>> -> memref<1000000xf32, #tpu.memory_space<hbm>>
    tpu.enqueue_indirect_dma source(%dma_start3A_21 : memref<1000000xf32, #tpu.memory_space<hbm>>) target(%dma_start3A_16 : memref<128xf32, #tpu.memory_space<vmem>>) offsets(%dma_start3A_19 : memref<128xi32, #tpu.memory_space<vmem>>) semaphore(%arg49 : memref<!tpu.dma_semaphore, #tpu.memory_space<semaphore_mem>>)
    %dma_start3A_22 = arith.constant 0 : i32
    %dma_start3A_23 = arith.constant 0 : i32
    %dma_start3A_24 = arith.constant 0 : i32
    %dma_start3A_25 = tpu.memref_slice %arg42[%dma_start3A_23, %dma_start3A_24] : memref<64x128xf32, #tpu.memory_space<vmem>> -> memref<1x128xf32, #tpu.memory_space<vmem>>
    %dma_start3A_26 = tpu.memref_squeeze %dma_start3A_25 : memref<1x128xf32, #tpu.memory_space<vmem>> -> memref<128xf32, #tpu.memory_space<vmem>>
    %dma_start3A_27 = arith.constant 0 : i32
    %dma_start3A_28 = tpu.memref_slice %arg40[%dma_start3A_22, %dma_start3A_27] : memref<4x128xi32, #tpu.memory_space<vmem>> -> memref<1x128xi32, #tpu.memory_space<vmem>>
    %dma_start3A_29 = tpu.memref_squeeze %dma_start3A_28 : memref<1x128xi32, #tpu.memory_space<vmem>> -> memref<128xi32, #tpu.memory_space<vmem>>
    %dma_start3A_30 = arith.constant 0 : i32
    %dma_start3A_31 = tpu.memref_slice %arg6[%dma_start3A_30] : memref<1000000xf32, #tpu.memory_space<hbm>> -> memref<1000000xf32, #tpu.memory_space<hbm>>
    tpu.enqueue_indirect_dma source(%dma_start3A_31 : memref<1000000xf32, #tpu.memory_space<hbm>>) target(%dma_start3A_26 : memref<128xf32, #tpu.memory_space<vmem>>) offsets(%dma_start3A_29 : memref<128xi32, #tpu.memory_space<vmem>>) semaphore(%arg48 : memref<!tpu.dma_semaphore, #tpu.memory_space<semaphore_mem>>)
    %dma_start3A_32 = arith.constant 0 : i32
    %dma_start3A_33 = arith.constant 0 : i32
    %dma_start3A_34 = arith.constant 0 : i32
    %dma_start3A_35 = tpu.memref_slice %arg43[%dma_start3A_33, %dma_start3A_34] : memref<64x128xf32, #tpu.memory_space<vmem>> -> memref<1x128xf32, #tpu.memory_space<vmem>>
    %dma_start3A_36 = tpu.memref_squeeze %dma_start3A_35 : memref<1x128xf32, #tpu.memory_space<vmem>> -> memref<128xf32, #tpu.memory_space<vmem>>
    %dma_start3A_37 = arith.constant 0 : i32
    %dma_start3A_38 = tpu.memref_slice %arg41[%dma_start3A_32, %dma_start3A_37] : memref<4x128xi32, #tpu.memory_space<vmem>> -> memref<1x128xi32, #tpu.memory_space<vmem>>
    %dma_start3A_39 = tpu.memref_squeeze %dma_start3A_38 : memref<1x128xi32, #tpu.memory_space<vmem>> -> memref<128xi32, #tpu.memory_space<vmem>>
    %dma_start3A_40 = arith.constant 0 : i32
    %dma_start3A_41 = tpu.memref_slice %arg22[%dma_start3A_40] : memref<1000000xf32, #tpu.memory_space<hbm>> -> memref<1000000xf32, #tpu.memory_space<hbm>>
    tpu.enqueue_indirect_dma source(%dma_start3A_41 : memref<1000000xf32, #tpu.memory_space<hbm>>) target(%dma_start3A_36 : memref<128xf32, #tpu.memory_space<vmem>>) offsets(%dma_start3A_39 : memref<128xi32, #tpu.memory_space<vmem>>) semaphore(%arg48 : memref<!tpu.dma_semaphore, #tpu.memory_space<semaphore_mem>>)
    %dma_start3A_42 = arith.constant 0 : i32
    %dma_start3A_43 = arith.constant 1 : i32
    %dma_start3A_44 = arith.constant 0 : i32
    %dma_start3A_45 = tpu.memref_slice %arg42[%dma_start3A_43, %dma_start3A_44] : memref<64x128xf32, #tpu.memory_space<vmem>> -> memref<1x128xf32, #tpu.memory_space<vmem>>
    %dma_start3A_46 = tpu.memref_squeeze %dma_start3A_45 : memref<1x128xf32, #tpu.memory_space<vmem>> -> memref<128xf32, #tpu.memory_space<vmem>>
    %dma_start3A_47 = arith.constant 0 : i32
    %dma_start3A_48 = tpu.memref_slice %arg40[%dma_start3A_42, %dma_start3A_47] : memref<4x128xi32, #tpu.memory_space<vmem>> -> memref<1x128xi32, #tpu.memory_space<vmem>>
    %dma_start3A_49 = tpu.memref_squeeze %dma_start3A_48 : memref<1x128xi32, #tpu.memory_space<vmem>> -> memref<128xi32, #tpu.memory_space<vmem>>
    %dma_start3A_50 = arith.constant 0 : i32
    %dma_start3A_51 = tpu.memref_slice %arg7[%dma_start3A_50] : memref<1000000xf32, #tpu.memory_space<hbm>> -> memref<1000000xf32, #tpu.memory_space<hbm>>
    tpu.enqueue_indirect_dma source(%dma_start3A_51 : memref<1000000xf32, #tpu.memory_space<hbm>>) target(%dma_start3A_46 : memref<128xf32, #tpu.memory_space<vmem>>) offsets(%dma_start3A_49 : memref<128xi32, #tpu.memory_space<vmem>>) semaphore(%arg48 : memref<!tpu.dma_semaphore, #tpu.memory_space<semaphore_mem>>)
    %dma_start3A_52 = arith.constant 0 : i32
    %dma_start3A_53 = arith.constant 1 : i32
    %dma_start3A_54 = arith.constant 0 : i32
    %dma_start3A_55 = tpu.memref_slice %arg43[%dma_start3A_53, %dma_start3A_54] : memref<64x128xf32, #tpu.memory_space<vmem>> -> memref<1x128xf32, #tpu.memory_space<vmem>>
    %dma_start3A_56 = tpu.memref_squeeze %dma_start3A_55 : memref<1x128xf32, #tpu.memory_space<vmem>> -> memref<128xf32, #tpu.memory_space<vmem>>
    %dma_start3A_57 = arith.constant 0 : i32
    %dma_start3A_58 = tpu.memref_slice %arg41[%dma_start3A_52, %dma_start3A_57] : memref<4x128xi32, #tpu.memory_space<vmem>> -> memref<1x128xi32, #tpu.memory_space<vmem>>
    %dma_start3A_59 = tpu.memref_squeeze %dma_start3A_58 : memref<1x128xi32, #tpu.memory_space<vmem>> -> memref<128xi32, #tpu.memory_space<vmem>>
    %dma_start3A_60 = arith.constant 0 : i32
    %dma_start3A_61 = tpu.memref_slice %arg23[%dma_start3A_60] : memref<1000000xf32, #tpu.memory_space<hbm>> -> memref<1000000xf32, #tpu.memory_space<hbm>>
    tpu.enqueue_indirect_dma source(%dma_start3A_61 : memref<1000000xf32, #tpu.memory_space<hbm>>) target(%dma_start3A_56 : memref<128xf32, #tpu.memory_space<vmem>>) offsets(%dma_start3A_59 : memref<128xi32, #tpu.memory_space<vmem>>) semaphore(%arg48 : memref<!tpu.dma_semaphore, #tpu.memory_space<semaphore_mem>>)
    %dma_start3A_62 = arith.constant 0 : i32
    %dma_start3A_63 = arith.constant 2 : i32
    %dma_start3A_64 = arith.constant 0 : i32
    %dma_start3A_65 = tpu.memref_slice %arg42[%dma_start3A_63, %dma_start3A_64] : memref<64x128xf32, #tpu.memory_space<vmem>> -> memref<1x128xf32, #tpu.memory_space<vmem>>
    %dma_start3A_66 = tpu.memref_squeeze %dma_start3A_65 : memref<1x128xf32, #tpu.memory_space<vmem>> -> memref<128xf32, #tpu.memory_space<vmem>>
    %dma_start3A_67 = arith.constant 0 : i32
    %dma_start3A_68 = tpu.memref_slice %arg40[%dma_start3A_62, %dma_start3A_67] : memref<4x128xi32, #tpu.memory_space<vmem>> -> memref<1x128xi32, #tpu.memory_space<vmem>>
    %dma_start3A_69 = tpu.memref_squeeze %dma_start3A_68 : memref<1x128xi32, #tpu.memory_space<vmem>> -> memref<128xi32, #tpu.memory_space<vmem>>
    %dma_start3A_70 = arith.constant 0 : i32
    %dma_start3A_71 = tpu.memref_slice %arg8[%dma_start3A_70] : memref<1000000xf32, #tpu.memory_space<hbm>> -> memref<1000000xf32, #tpu.memory_space<hbm>>
    tpu.enqueue_indirect_dma source(%dma_start3A_71 : memref<1000000xf32, #tpu.memory_space<hbm>>) target(%dma_start3A_66 : memref<128xf32, #tpu.memory_space<vmem>>) offsets(%dma_start3A_69 : memref<128xi32, #tpu.memory_space<vmem>>) semaphore(%arg48 : memref<!tpu.dma_semaphore, #tpu.memory_space<semaphore_mem>>)
    %dma_start3A_72 = arith.constant 0 : i32
    %dma_start3A_73 = arith.constant 2 : i32
    %dma_start3A_74 = arith.constant 0 : i32
    %dma_start3A_75 = tpu.memref_slice %arg43[%dma_start3A_73, %dma_start3A_74] : memref<64x128xf32, #tpu.memory_space<vmem>> -> memref<1x128xf32, #tpu.memory_space<vmem>>
    %dma_start3A_76 = tpu.memref_squeeze %dma_start3A_75 : memref<1x128xf32, #tpu.memory_space<vmem>> -> memref<128xf32, #tpu.memory_space<vmem>>
    %dma_start3A_77 = arith.constant 0 : i32
    %dma_start3A_78 = tpu.memref_slice %arg41[%dma_start3A_72, %dma_start3A_77] : memref<4x128xi32, #tpu.memory_space<vmem>> -> memref<1x128xi32, #tpu.memory_space<vmem>>
    %dma_start3A_79 = tpu.memref_squeeze %dma_start3A_78 : memref<1x128xi32, #tpu.memory_space<vmem>> -> memref<128xi32, #tpu.memory_space<vmem>>
    %dma_start3A_80 = arith.constant 0 : i32
    %dma_start3A_81 = tpu.memref_slice %arg24[%dma_start3A_80] : memref<1000000xf32, #tpu.memory_space<hbm>> -> memref<1000000xf32, #tpu.memory_space<hbm>>
    tpu.enqueue_indirect_dma source(%dma_start3A_81 : memref<1000000xf32, #tpu.memory_space<hbm>>) target(%dma_start3A_76 : memref<128xf32, #tpu.memory_space<vmem>>) offsets(%dma_start3A_79 : memref<128xi32, #tpu.memory_space<vmem>>) semaphore(%arg48 : memref<!tpu.dma_semaphore, #tpu.memory_space<semaphore_mem>>)
    %dma_start3A_82 = arith.constant 0 : i32
    %dma_start3A_83 = arith.constant 3 : i32
    %dma_start3A_84 = arith.constant 0 : i32
    %dma_start3A_85 = tpu.memref_slice %arg42[%dma_start3A_83, %dma_start3A_84] : memref<64x128xf32, #tpu.memory_space<vmem>> -> memref<1x128xf32, #tpu.memory_space<vmem>>
    %dma_start3A_86 = tpu.memref_squeeze %dma_start3A_85 : memref<1x128xf32, #tpu.memory_space<vmem>> -> memref<128xf32, #tpu.memory_space<vmem>>
    %dma_start3A_87 = arith.constant 0 : i32
    %dma_start3A_88 = tpu.memref_slice %arg40[%dma_start3A_82, %dma_start3A_87] : memref<4x128xi32, #tpu.memory_space<vmem>> -> memref<1x128xi32, #tpu.memory_space<vmem>>
    %dma_start3A_89 = tpu.memref_squeeze %dma_start3A_88 : memref<1x128xi32, #tpu.memory_space<vmem>> -> memref<128xi32, #tpu.memory_space<vmem>>
    %dma_start3A_90 = arith.constant 0 : i32
    %dma_start3A_91 = tpu.memref_slice %arg9[%dma_start3A_90] : memref<1000000xf32, #tpu.memory_space<hbm>> -> memref<1000000xf32, #tpu.memory_space<hbm>>
    tpu.enqueue_indirect_dma source(%dma_start3A_91 : memref<1000000xf32, #tpu.memory_space<hbm>>) target(%dma_start3A_86 : memref<128xf32, #tpu.memory_space<vmem>>) offsets(%dma_start3A_89 : memref<128xi32, #tpu.memory_space<vmem>>) semaphore(%arg48 : memref<!tpu.dma_semaphore, #tpu.memory_space<semaphore_mem>>)
    %dma_start3A_92 = arith.constant 0 : i32
    %dma_start3A_93 = arith.constant 3 : i32
    %dma_start3A_94 = arith.constant 0 : i32
    %dma_start3A_95 = tpu.memref_slice %arg43[%dma_start3A_93, %dma_start3A_94] : memref<64x128xf32, #tpu.memory_space<vmem>> -> memref<1x128xf32, #tpu.memory_space<vmem>>
    %dma_start3A_96 = tpu.memref_squeeze %dma_start3A_95 : memref<1x128xf32, #tpu.memory_space<vmem>> -> memref<128xf32, #tpu.memory_space<vmem>>
    %dma_start3A_97 = arith.constant 0 : i32
    %dma_start3A_98 = tpu.memref_slice %arg41[%dma_start3A_92, %dma_start3A_97] : memref<4x128xi32, #tpu.memory_space<vmem>> -> memref<1x128xi32, #tpu.memory_space<vmem>>
    %dma_start3A_99 = tpu.memref_squeeze %dma_start3A_98 : memref<1x128xi32, #tpu.memory_space<vmem>> -> memref<128xi32, #tpu.memory_space<vmem>>
    %dma_start3A_100 = arith.constant 0 : i32
    %dma_start3A_101 = tpu.memref_slice %arg25[%dma_start3A_100] : memref<1000000xf32, #tpu.memory_space<hbm>> -> memref<1000000xf32, #tpu.memory_space<hbm>>
    tpu.enqueue_indirect_dma source(%dma_start3A_101 : memref<1000000xf32, #tpu.memory_space<hbm>>) target(%dma_start3A_96 : memref<128xf32, #tpu.memory_space<vmem>>) offsets(%dma_start3A_99 : memref<128xi32, #tpu.memory_space<vmem>>) semaphore(%arg48 : memref<!tpu.dma_semaphore, #tpu.memory_space<semaphore_mem>>)
    %dma_start3A_102 = arith.constant 0 : i32
    %dma_start3A_103 = arith.constant 4 : i32
    %dma_start3A_104 = arith.constant 0 : i32
    %dma_start3A_105 = tpu.memref_slice %arg42[%dma_start3A_103, %dma_start3A_104] : memref<64x128xf32, #tpu.memory_space<vmem>> -> memref<1x128xf32, #tpu.memory_space<vmem>>
    %dma_start3A_106 = tpu.memref_squeeze %dma_start3A_105 : memref<1x128xf32, #tpu.memory_space<vmem>> -> memref<128xf32, #tpu.memory_space<vmem>>
    %dma_start3A_107 = arith.constant 0 : i32
    %dma_start3A_108 = tpu.memref_slice %arg40[%dma_start3A_102, %dma_start3A_107] : memref<4x128xi32, #tpu.memory_space<vmem>> -> memref<1x128xi32, #tpu.memory_space<vmem>>
    %dma_start3A_109 = tpu.memref_squeeze %dma_start3A_108 : memref<1x128xi32, #tpu.memory_space<vmem>> -> memref<128xi32, #tpu.memory_space<vmem>>
    %dma_start3A_110 = arith.constant 0 : i32
    %dma_start3A_111 = tpu.memref_slice %arg10[%dma_start3A_110] : memref<1000000xf32, #tpu.memory_space<hbm>> -> memref<1000000xf32, #tpu.memory_space<hbm>>
    tpu.enqueue_indirect_dma source(%dma_start3A_111 : memref<1000000xf32, #tpu.memory_space<hbm>>) target(%dma_start3A_106 : memref<128xf32, #tpu.memory_space<vmem>>) offsets(%dma_start3A_109 : memref<128xi32, #tpu.memory_space<vmem>>) semaphore(%arg48 : memref<!tpu.dma_semaphore, #tpu.memory_space<semaphore_mem>>)
    %dma_start3A_112 = arith.constant 0 : i32
    %dma_start3A_113 = arith.constant 4 : i32
    %dma_start3A_114 = arith.constant 0 : i32
    %dma_start3A_115 = tpu.memref_slice %arg43[%dma_start3A_113, %dma_start3A_114] : memref<64x128xf32, #tpu.memory_space<vmem>> -> memref<1x128xf32, #tpu.memory_space<vmem>>
    %dma_start3A_116 = tpu.memref_squeeze %dma_start3A_115 : memref<1x128xf32, #tpu.memory_space<vmem>> -> memref<128xf32, #tpu.memory_space<vmem>>
    %dma_start3A_117 = arith.constant 0 : i32
    %dma_start3A_118 = tpu.memref_slice %arg41[%dma_start3A_112, %dma_start3A_117] : memref<4x128xi32, #tpu.memory_space<vmem>> -> memref<1x128xi32, #tpu.memory_space<vmem>>
    %dma_start3A_119 = tpu.memref_squeeze %dma_start3A_118 : memref<1x128xi32, #tpu.memory_space<vmem>> -> memref<128xi32, #tpu.memory_space<vmem>>
    %dma_start3A_120 = arith.constant 0 : i32
    %dma_start3A_121 = tpu.memref_slice %arg26[%dma_start3A_120] : memref<1000000xf32, #tpu.memory_space<hbm>> -> memref<1000000xf32, #tpu.memory_space<hbm>>
    tpu.enqueue_indirect_dma source(%dma_start3A_121 : memref<1000000xf32, #tpu.memory_space<hbm>>) target(%dma_start3A_116 : memref<128xf32, #tpu.memory_space<vmem>>) offsets(%dma_start3A_119 : memref<128xi32, #tpu.memory_space<vmem>>) semaphore(%arg48 : memref<!tpu.dma_semaphore, #tpu.memory_space<semaphore_mem>>)
    %dma_start3A_122 = arith.constant 0 : i32
    %dma_start3A_123 = arith.constant 5 : i32
    %dma_start3A_124 = arith.constant 0 : i32
    %dma_start3A_125 = tpu.memref_slice %arg42[%dma_start3A_123, %dma_start3A_124] : memref<64x128xf32, #tpu.memory_space<vmem>> -> memref<1x128xf32, #tpu.memory_space<vmem>>
    %dma_start3A_126 = tpu.memref_squeeze %dma_start3A_125 : memref<1x128xf32, #tpu.memory_space<vmem>> -> memref<128xf32, #tpu.memory_space<vmem>>
    %dma_start3A_127 = arith.constant 0 : i32
    %dma_start3A_128 = tpu.memref_slice %arg40[%dma_start3A_122, %dma_start3A_127] : memref<4x128xi32, #tpu.memory_space<vmem>> -> memref<1x128xi32, #tpu.memory_space<vmem>>
    %dma_start3A_129 = tpu.memref_squeeze %dma_start3A_128 : memref<1x128xi32, #tpu.memory_space<vmem>> -> memref<128xi32, #tpu.memory_space<vmem>>
    %dma_start3A_130 = arith.constant 0 : i32
    %dma_start3A_131 = tpu.memref_slice %arg11[%dma_start3A_130] : memref<1000000xf32, #tpu.memory_space<hbm>> -> memref<1000000xf32, #tpu.memory_space<hbm>>
    tpu.enqueue_indirect_dma source(%dma_start3A_131 : memref<1000000xf32, #tpu.memory_space<hbm>>) target(%dma_start3A_126 : memref<128xf32, #tpu.memory_space<vmem>>) offsets(%dma_start3A_129 : memref<128xi32, #tpu.memory_space<vmem>>) semaphore(%arg48 : memref<!tpu.dma_semaphore, #tpu.memory_space<semaphore_mem>>)
    %dma_start3A_132 = arith.constant 0 : i32
    %dma_start3A_133 = arith.constant 5 : i32
    %dma_start3A_134 = arith.constant 0 : i32
    %dma_start3A_135 = tpu.memref_slice %arg43[%dma_start3A_133, %dma_start3A_134] : memref<64x128xf32, #tpu.memory_space<vmem>> -> memref<1x128xf32, #tpu.memory_space<vmem>>
    %dma_start3A_136 = tpu.memref_squeeze %dma_start3A_135 : memref<1x128xf32, #tpu.memory_space<vmem>> -> memref<128xf32, #tpu.memory_space<vmem>>
    %dma_start3A_137 = arith.constant 0 : i32
    %dma_start3A_138 = tpu.memref_slice %arg41[%dma_start3A_132, %dma_start3A_137] : memref<4x128xi32, #tpu.memory_space<vmem>> -> memref<1x128xi32, #tpu.memory_space<vmem>>
    %dma_start3A_139 = tpu.memref_squeeze %dma_start3A_138 : memref<1x128xi32, #tpu.memory_space<vmem>> -> memref<128xi32, #tpu.memory_space<vmem>>
    %dma_start3A_140 = arith.constant 0 : i32
    %dma_start3A_141 = tpu.memref_slice %arg27[%dma_start3A_140] : memref<1000000xf32, #tpu.memory_space<hbm>> -> memref<1000000xf32, #tpu.memory_space<hbm>>
    tpu.enqueue_indirect_dma source(%dma_start3A_141 : memref<1000000xf32, #tpu.memory_space<hbm>>) target(%dma_start3A_136 : memref<128xf32, #tpu.memory_space<vmem>>) offsets(%dma_start3A_139 : memref<128xi32, #tpu.memory_space<vmem>>) semaphore(%arg48 : memref<!tpu.dma_semaphore, #tpu.memory_space<semaphore_mem>>)
    %dma_start3A_142 = arith.constant 0 : i32
    %dma_start3A_143 = arith.constant 6 : i32
    %dma_start3A_144 = arith.constant 0 : i32
    %dma_start3A_145 = tpu.memref_slice %arg42[%dma_start3A_143, %dma_start3A_144] : memref<64x128xf32, #tpu.memory_space<vmem>> -> memref<1x128xf32, #tpu.memory_space<vmem>>
    %dma_start3A_146 = tpu.memref_squeeze %dma_start3A_145 : memref<1x128xf32, #tpu.memory_space<vmem>> -> memref<128xf32, #tpu.memory_space<vmem>>
    %dma_start3A_147 = arith.constant 0 : i32
    %dma_start3A_148 = tpu.memref_slice %arg40[%dma_start3A_142, %dma_start3A_147] : memref<4x128xi32, #tpu.memory_space<vmem>> -> memref<1x128xi32, #tpu.memory_space<vmem>>
    %dma_start3A_149 = tpu.memref_squeeze %dma_start3A_148 : memref<1x128xi32, #tpu.memory_space<vmem>> -> memref<128xi32, #tpu.memory_space<vmem>>
    %dma_start3A_150 = arith.constant 0 : i32
    %dma_start3A_151 = tpu.memref_slice %arg12[%dma_start3A_150] : memref<1000000xf32, #tpu.memory_space<hbm>> -> memref<1000000xf32, #tpu.memory_space<hbm>>
    tpu.enqueue_indirect_dma source(%dma_start3A_151 : memref<1000000xf32, #tpu.memory_space<hbm>>) target(%dma_start3A_146 : memref<128xf32, #tpu.memory_space<vmem>>) offsets(%dma_start3A_149 : memref<128xi32, #tpu.memory_space<vmem>>) semaphore(%arg48 : memref<!tpu.dma_semaphore, #tpu.memory_space<semaphore_mem>>)
    %dma_start3A_152 = arith.constant 0 : i32
    %dma_start3A_153 = arith.constant 6 : i32
    %dma_start3A_154 = arith.constant 0 : i32
    %dma_start3A_155 = tpu.memref_slice %arg43[%dma_start3A_153, %dma_start3A_154] : memref<64x128xf32, #tpu.memory_space<vmem>> -> memref<1x128xf32, #tpu.memory_space<vmem>>
    %dma_start3A_156 = tpu.memref_squeeze %dma_start3A_155 : memref<1x128xf32, #tpu.memory_space<vmem>> -> memref<128xf32, #tpu.memory_space<vmem>>
    %dma_start3A_157 = arith.constant 0 : i32
    %dma_start3A_158 = tpu.memref_slice %arg41[%dma_start3A_152, %dma_start3A_157] : memref<4x128xi32, #tpu.memory_space<vmem>> -> memref<1x128xi32, #tpu.memory_space<vmem>>
    %dma_start3A_159 = tpu.memref_squeeze %dma_start3A_158 : memref<1x128xi32, #tpu.memory_space<vmem>> -> memref<128xi32, #tpu.memory_space<vmem>>
    %dma_start3A_160 = arith.constant 0 : i32
    %dma_start3A_161 = tpu.memref_slice %arg28[%dma_start3A_160] : memref<1000000xf32, #tpu.memory_space<hbm>> -> memref<1000000xf32, #tpu.memory_space<hbm>>
    tpu.enqueue_indirect_dma source(%dma_start3A_161 : memref<1000000xf32, #tpu.memory_space<hbm>>) target(%dma_start3A_156 : memref<128xf32, #tpu.memory_space<vmem>>) offsets(%dma_start3A_159 : memref<128xi32, #tpu.memory_space<vmem>>) semaphore(%arg48 : memref<!tpu.dma_semaphore, #tpu.memory_space<semaphore_mem>>)
    %dma_start3A_162 = arith.constant 0 : i32
    %dma_start3A_163 = arith.constant 7 : i32
    %dma_start3A_164 = arith.constant 0 : i32
    %dma_start3A_165 = tpu.memref_slice %arg42[%dma_start3A_163, %dma_start3A_164] : memref<64x128xf32, #tpu.memory_space<vmem>> -> memref<1x128xf32, #tpu.memory_space<vmem>>
    %dma_start3A_166 = tpu.memref_squeeze %dma_start3A_165 : memref<1x128xf32, #tpu.memory_space<vmem>> -> memref<128xf32, #tpu.memory_space<vmem>>
    %dma_start3A_167 = arith.constant 0 : i32
    %dma_start3A_168 = tpu.memref_slice %arg40[%dma_start3A_162, %dma_start3A_167] : memref<4x128xi32, #tpu.memory_space<vmem>> -> memref<1x128xi32, #tpu.memory_space<vmem>>
    %dma_start3A_169 = tpu.memref_squeeze %dma_start3A_168 : memref<1x128xi32, #tpu.memory_space<vmem>> -> memref<128xi32, #tpu.memory_space<vmem>>
    %dma_start3A_170 = arith.constant 0 : i32
    %dma_start3A_171 = tpu.memref_slice %arg13[%dma_start3A_170] : memref<1000000xf32, #tpu.memory_space<hbm>> -> memref<1000000xf32, #tpu.memory_space<hbm>>
    tpu.enqueue_indirect_dma source(%dma_start3A_171 : memref<1000000xf32, #tpu.memory_space<hbm>>) target(%dma_start3A_166 : memref<128xf32, #tpu.memory_space<vmem>>) offsets(%dma_start3A_169 : memref<128xi32, #tpu.memory_space<vmem>>) semaphore(%arg48 : memref<!tpu.dma_semaphore, #tpu.memory_space<semaphore_mem>>)
    %dma_start3A_172 = arith.constant 0 : i32
    %dma_start3A_173 = arith.constant 7 : i32
    %dma_start3A_174 = arith.constant 0 : i32
    %dma_start3A_175 = tpu.memref_slice %arg43[%dma_start3A_173, %dma_start3A_174] : memref<64x128xf32, #tpu.memory_space<vmem>> -> memref<1x128xf32, #tpu.memory_space<vmem>>
    %dma_start3A_176 = tpu.memref_squeeze %dma_start3A_175 : memref<1x128xf32, #tpu.memory_space<vmem>> -> memref<128xf32, #tpu.memory_space<vmem>>
    %dma_start3A_177 = arith.constant 0 : i32
    %dma_start3A_178 = tpu.memref_slice %arg41[%dma_start3A_172, %dma_start3A_177] : memref<4x128xi32, #tpu.memory_space<vmem>> -> memref<1x128xi32, #tpu.memory_space<vmem>>
    %dma_start3A_179 = tpu.memref_squeeze %dma_start3A_178 : memref<1x128xi32, #tpu.memory_space<vmem>> -> memref<128xi32, #tpu.memory_space<vmem>>
    %dma_start3A_180 = arith.constant 0 : i32
    %dma_start3A_181 = tpu.memref_slice %arg29[%dma_start3A_180] : memref<1000000xf32, #tpu.memory_space<hbm>> -> memref<1000000xf32, #tpu.memory_space<hbm>>
    tpu.enqueue_indirect_dma source(%dma_start3A_181 : memref<1000000xf32, #tpu.memory_space<hbm>>) target(%dma_start3A_176 : memref<128xf32, #tpu.memory_space<vmem>>) offsets(%dma_start3A_179 : memref<128xi32, #tpu.memory_space<vmem>>) semaphore(%arg48 : memref<!tpu.dma_semaphore, #tpu.memory_space<semaphore_mem>>)
    %dma_start3A_182 = arith.constant 0 : i32
    %dma_start3A_183 = arith.constant 8 : i32
    %dma_start3A_184 = arith.constant 0 : i32
    %dma_start3A_185 = tpu.memref_slice %arg42[%dma_start3A_183, %dma_start3A_184] : memref<64x128xf32, #tpu.memory_space<vmem>> -> memref<1x128xf32, #tpu.memory_space<vmem>>
    %dma_start3A_186 = tpu.memref_squeeze %dma_start3A_185 : memref<1x128xf32, #tpu.memory_space<vmem>> -> memref<128xf32, #tpu.memory_space<vmem>>
    %dma_start3A_187 = arith.constant 0 : i32
    %dma_start3A_188 = tpu.memref_slice %arg40[%dma_start3A_182, %dma_start3A_187] : memref<4x128xi32, #tpu.memory_space<vmem>> -> memref<1x128xi32, #tpu.memory_space<vmem>>
    %dma_start3A_189 = tpu.memref_squeeze %dma_start3A_188 : memref<1x128xi32, #tpu.memory_space<vmem>> -> memref<128xi32, #tpu.memory_space<vmem>>
    %dma_start3A_190 = arith.constant 0 : i32
    %dma_start3A_191 = tpu.memref_slice %arg14[%dma_start3A_190] : memref<1000000xf32, #tpu.memory_space<hbm>> -> memref<1000000xf32, #tpu.memory_space<hbm>>
    tpu.enqueue_indirect_dma source(%dma_start3A_191 : memref<1000000xf32, #tpu.memory_space<hbm>>) target(%dma_start3A_186 : memref<128xf32, #tpu.memory_space<vmem>>) offsets(%dma_start3A_189 : memref<128xi32, #tpu.memory_space<vmem>>) semaphore(%arg48 : memref<!tpu.dma_semaphore, #tpu.memory_space<semaphore_mem>>)
    %dma_start3A_192 = arith.constant 0 : i32
    %dma_start3A_193 = arith.constant 8 : i32
    %dma_start3A_194 = arith.constant 0 : i32
    %dma_start3A_195 = tpu.memref_slice %arg43[%dma_start3A_193, %dma_start3A_194] : memref<64x128xf32, #tpu.memory_space<vmem>> -> memref<1x128xf32, #tpu.memory_space<vmem>>
    %dma_start3A_196 = tpu.memref_squeeze %dma_start3A_195 : memref<1x128xf32, #tpu.memory_space<vmem>> -> memref<128xf32, #tpu.memory_space<vmem>>
    %dma_start3A_197 = arith.constant 0 : i32
    %dma_start3A_198 = tpu.memref_slice %arg41[%dma_start3A_192, %dma_start3A_197] : memref<4x128xi32, #tpu.memory_space<vmem>> -> memref<1x128xi32, #tpu.memory_space<vmem>>
    %dma_start3A_199 = tpu.memref_squeeze %dma_start3A_198 : memref<1x128xi32, #tpu.memory_space<vmem>> -> memref<128xi32, #tpu.memory_space<vmem>>
    %dma_start3A_200 = arith.constant 0 : i32
    %dma_start3A_201 = tpu.memref_slice %arg30[%dma_start3A_200] : memref<1000000xf32, #tpu.memory_space<hbm>> -> memref<1000000xf32, #tpu.memory_space<hbm>>
    tpu.enqueue_indirect_dma source(%dma_start3A_201 : memref<1000000xf32, #tpu.memory_space<hbm>>) target(%dma_start3A_196 : memref<128xf32, #tpu.memory_space<vmem>>) offsets(%dma_start3A_199 : memref<128xi32, #tpu.memory_space<vmem>>) semaphore(%arg48 : memref<!tpu.dma_semaphore, #tpu.memory_space<semaphore_mem>>)
    %dma_start3A_202 = arith.constant 0 : i32
    %dma_start3A_203 = arith.constant 9 : i32
    %dma_start3A_204 = arith.constant 0 : i32
    %dma_start3A_205 = tpu.memref_slice %arg42[%dma_start3A_203, %dma_start3A_204] : memref<64x128xf32, #tpu.memory_space<vmem>> -> memref<1x128xf32, #tpu.memory_space<vmem>>
    %dma_start3A_206 = tpu.memref_squeeze %dma_start3A_205 : memref<1x128xf32, #tpu.memory_space<vmem>> -> memref<128xf32, #tpu.memory_space<vmem>>
    %dma_start3A_207 = arith.constant 0 : i32
    %dma_start3A_208 = tpu.memref_slice %arg40[%dma_start3A_202, %dma_start3A_207] : memref<4x128xi32, #tpu.memory_space<vmem>> -> memref<1x128xi32, #tpu.memory_space<vmem>>
    %dma_start3A_209 = tpu.memref_squeeze %dma_start3A_208 : memref<1x128xi32, #tpu.memory_space<vmem>> -> memref<128xi32, #tpu.memory_space<vmem>>
    %dma_start3A_210 = arith.constant 0 : i32
    %dma_start3A_211 = tpu.memref_slice %arg15[%dma_start3A_210] : memref<1000000xf32, #tpu.memory_space<hbm>> -> memref<1000000xf32, #tpu.memory_space<hbm>>
    tpu.enqueue_indirect_dma source(%dma_start3A_211 : memref<1000000xf32, #tpu.memory_space<hbm>>) target(%dma_start3A_206 : memref<128xf32, #tpu.memory_space<vmem>>) offsets(%dma_start3A_209 : memref<128xi32, #tpu.memory_space<vmem>>) semaphore(%arg48 : memref<!tpu.dma_semaphore, #tpu.memory_space<semaphore_mem>>)
    %dma_start3A_212 = arith.constant 0 : i32
    %dma_start3A_213 = arith.constant 9 : i32
    %dma_start3A_214 = arith.constant 0 : i32
    %dma_start3A_215 = tpu.memref_slice %arg43[%dma_start3A_213, %dma_start3A_214] : memref<64x128xf32, #tpu.memory_space<vmem>> -> memref<1x128xf32, #tpu.memory_space<vmem>>
    %dma_start3A_216 = tpu.memref_squeeze %dma_start3A_215 : memref<1x128xf32, #tpu.memory_space<vmem>> -> memref<128xf32, #tpu.memory_space<vmem>>
    %dma_start3A_217 = arith.constant 0 : i32
    %dma_start3A_218 = tpu.memref_slice %arg41[%dma_start3A_212, %dma_start3A_217] : memref<4x128xi32, #tpu.memory_space<vmem>> -> memref<1x128xi32, #tpu.memory_space<vmem>>
    %dma_start3A_219 = tpu.memref_squeeze %dma_start3A_218 : memref<1x128xi32, #tpu.memory_space<vmem>> -> memref<128xi32, #tpu.memory_space<vmem>>
    %dma_start3A_220 = arith.constant 0 : i32
    %dma_start3A_221 = tpu.memref_slice %arg31[%dma_start3A_220] : memref<1000000xf32, #tpu.memory_space<hbm>> -> memref<1000000xf32, #tpu.memory_space<hbm>>
    tpu.enqueue_indirect_dma source(%dma_start3A_221 : memref<1000000xf32, #tpu.memory_space<hbm>>) target(%dma_start3A_216 : memref<128xf32, #tpu.memory_space<vmem>>) offsets(%dma_start3A_219 : memref<128xi32, #tpu.memory_space<vmem>>) semaphore(%arg48 : memref<!tpu.dma_semaphore, #tpu.memory_space<semaphore_mem>>)
    %dma_start3A_222 = arith.constant 0 : i32
    %dma_start3A_223 = arith.constant 10 : i32
    %dma_start3A_224 = arith.constant 0 : i32
    %dma_start3A_225 = tpu.memref_slice %arg42[%dma_start3A_223, %dma_start3A_224] : memref<64x128xf32, #tpu.memory_space<vmem>> -> memref<1x128xf32, #tpu.memory_space<vmem>>
    %dma_start3A_226 = tpu.memref_squeeze %dma_start3A_225 : memref<1x128xf32, #tpu.memory_space<vmem>> -> memref<128xf32, #tpu.memory_space<vmem>>
    %dma_start3A_227 = arith.constant 0 : i32
    %dma_start3A_228 = tpu.memref_slice %arg40[%dma_start3A_222, %dma_start3A_227] : memref<4x128xi32, #tpu.memory_space<vmem>> -> memref<1x128xi32, #tpu.memory_space<vmem>>
    %dma_start3A_229 = tpu.memref_squeeze %dma_start3A_228 : memref<1x128xi32, #tpu.memory_space<vmem>> -> memref<128xi32, #tpu.memory_space<vmem>>
    %dma_start3A_230 = arith.constant 0 : i32
    %dma_start3A_231 = tpu.memref_slice %arg16[%dma_start3A_230] : memref<1000000xf32, #tpu.memory_space<hbm>> -> memref<1000000xf32, #tpu.memory_space<hbm>>
    tpu.enqueue_indirect_dma source(%dma_start3A_231 : memref<1000000xf32, #tpu.memory_space<hbm>>) target(%dma_start3A_226 : memref<128xf32, #tpu.memory_space<vmem>>) offsets(%dma_start3A_229 : memref<128xi32, #tpu.memory_space<vmem>>) semaphore(%arg48 : memref<!tpu.dma_semaphore, #tpu.memory_space<semaphore_mem>>)
    %dma_start3A_232 = arith.constant 0 : i32
    %dma_start3A_233 = arith.constant 10 : i32
    %dma_start3A_234 = arith.constant 0 : i32
    %dma_start3A_235 = tpu.memref_slice %arg43[%dma_start3A_233, %dma_start3A_234] : memref<64x128xf32, #tpu.memory_space<vmem>> -> memref<1x128xf32, #tpu.memory_space<vmem>>
    %dma_start3A_236 = tpu.memref_squeeze %dma_start3A_235 : memref<1x128xf32, #tpu.memory_space<vmem>> -> memref<128xf32, #tpu.memory_space<vmem>>
    %dma_start3A_237 = arith.constant 0 : i32
    %dma_start3A_238 = tpu.memref_slice %arg41[%dma_start3A_232, %dma_start3A_237] : memref<4x128xi32, #tpu.memory_space<vmem>> -> memref<1x128xi32, #tpu.memory_space<vmem>>
    %dma_start3A_239 = tpu.memref_squeeze %dma_start3A_238 : memref<1x128xi32, #tpu.memory_space<vmem>> -> memref<128xi32, #tpu.memory_space<vmem>>
    %dma_start3A_240 = arith.constant 0 : i32
    %dma_start3A_241 = tpu.memref_slice %arg32[%dma_start3A_240] : memref<1000000xf32, #tpu.memory_space<hbm>> -> memref<1000000xf32, #tpu.memory_space<hbm>>
    tpu.enqueue_indirect_dma source(%dma_start3A_241 : memref<1000000xf32, #tpu.memory_space<hbm>>) target(%dma_start3A_236 : memref<128xf32, #tpu.memory_space<vmem>>) offsets(%dma_start3A_239 : memref<128xi32, #tpu.memory_space<vmem>>) semaphore(%arg48 : memref<!tpu.dma_semaphore, #tpu.memory_space<semaphore_mem>>)
    %dma_start3A_242 = arith.constant 0 : i32
    %dma_start3A_243 = arith.constant 11 : i32
    %dma_start3A_244 = arith.constant 0 : i32
    %dma_start3A_245 = tpu.memref_slice %arg42[%dma_start3A_243, %dma_start3A_244] : memref<64x128xf32, #tpu.memory_space<vmem>> -> memref<1x128xf32, #tpu.memory_space<vmem>>
    %dma_start3A_246 = tpu.memref_squeeze %dma_start3A_245 : memref<1x128xf32, #tpu.memory_space<vmem>> -> memref<128xf32, #tpu.memory_space<vmem>>
    %dma_start3A_247 = arith.constant 0 : i32
    %dma_start3A_248 = tpu.memref_slice %arg40[%dma_start3A_242, %dma_start3A_247] : memref<4x128xi32, #tpu.memory_space<vmem>> -> memref<1x128xi32, #tpu.memory_space<vmem>>
    %dma_start3A_249 = tpu.memref_squeeze %dma_start3A_248 : memref<1x128xi32, #tpu.memory_space<vmem>> -> memref<128xi32, #tpu.memory_space<vmem>>
    %dma_start3A_250 = arith.constant 0 : i32
    %dma_start3A_251 = tpu.memref_slice %arg17[%dma_start3A_250] : memref<1000000xf32, #tpu.memory_space<hbm>> -> memref<1000000xf32, #tpu.memory_space<hbm>>
    tpu.enqueue_indirect_dma source(%dma_start3A_251 : memref<1000000xf32, #tpu.memory_space<hbm>>) target(%dma_start3A_246 : memref<128xf32, #tpu.memory_space<vmem>>) offsets(%dma_start3A_249 : memref<128xi32, #tpu.memory_space<vmem>>) semaphore(%arg48 : memref<!tpu.dma_semaphore, #tpu.memory_space<semaphore_mem>>)
    %dma_start3A_252 = arith.constant 0 : i32
    %dma_start3A_253 = arith.constant 11 : i32
    %dma_start3A_254 = arith.constant 0 : i32
    %dma_start3A_255 = tpu.memref_slice %arg43[%dma_start3A_253, %dma_start3A_254] : memref<64x128xf32, #tpu.memory_space<vmem>> -> memref<1x128xf32, #tpu.memory_space<vmem>>
    %dma_start3A_256 = tpu.memref_squeeze %dma_start3A_255 : memref<1x128xf32, #tpu.memory_space<vmem>> -> memref<128xf32, #tpu.memory_space<vmem>>
    %dma_start3A_257 = arith.constant 0 : i32
    %dma_start3A_258 = tpu.memref_slice %arg41[%dma_start3A_252, %dma_start3A_257] : memref<4x128xi32, #tpu.memory_space<vmem>> -> memref<1x128xi32, #tpu.memory_space<vmem>>
    %dma_start3A_259 = tpu.memref_squeeze %dma_start3A_258 : memref<1x128xi32, #tpu.memory_space<vmem>> -> memref<128xi32, #tpu.memory_space<vmem>>
    %dma_start3A_260 = arith.constant 0 : i32
    %dma_start3A_261 = tpu.memref_slice %arg33[%dma_start3A_260] : memref<1000000xf32, #tpu.memory_space<hbm>> -> memref<1000000xf32, #tpu.memory_space<hbm>>
    tpu.enqueue_indirect_dma source(%dma_start3A_261 : memref<1000000xf32, #tpu.memory_space<hbm>>) target(%dma_start3A_256 : memref<128xf32, #tpu.memory_space<vmem>>) offsets(%dma_start3A_259 : memref<128xi32, #tpu.memory_space<vmem>>) semaphore(%arg48 : memref<!tpu.dma_semaphore, #tpu.memory_space<semaphore_mem>>)
    %dma_start3A_262 = arith.constant 0 : i32
    %dma_start3A_263 = arith.constant 12 : i32
    %dma_start3A_264 = arith.constant 0 : i32
    %dma_start3A_265 = tpu.memref_slice %arg42[%dma_start3A_263, %dma_start3A_264] : memref<64x128xf32, #tpu.memory_space<vmem>> -> memref<1x128xf32, #tpu.memory_space<vmem>>
    %dma_start3A_266 = tpu.memref_squeeze %dma_start3A_265 : memref<1x128xf32, #tpu.memory_space<vmem>> -> memref<128xf32, #tpu.memory_space<vmem>>
    %dma_start3A_267 = arith.constant 0 : i32
    %dma_start3A_268 = tpu.memref_slice %arg40[%dma_start3A_262, %dma_start3A_267] : memref<4x128xi32, #tpu.memory_space<vmem>> -> memref<1x128xi32, #tpu.memory_space<vmem>>
    %dma_start3A_269 = tpu.memref_squeeze %dma_start3A_268 : memref<1x128xi32, #tpu.memory_space<vmem>> -> memref<128xi32, #tpu.memory_space<vmem>>
    %dma_start3A_270 = arith.constant 0 : i32
    %dma_start3A_271 = tpu.memref_slice %arg18[%dma_start3A_270] : memref<1000000xf32, #tpu.memory_space<hbm>> -> memref<1000000xf32, #tpu.memory_space<hbm>>
    tpu.enqueue_indirect_dma source(%dma_start3A_271 : memref<1000000xf32, #tpu.memory_space<hbm>>) target(%dma_start3A_266 : memref<128xf32, #tpu.memory_space<vmem>>) offsets(%dma_start3A_269 : memref<128xi32, #tpu.memory_space<vmem>>) semaphore(%arg48 : memref<!tpu.dma_semaphore, #tpu.memory_space<semaphore_mem>>)
    %dma_start3A_272 = arith.constant 0 : i32
    %dma_start3A_273 = arith.constant 12 : i32
    %dma_start3A_274 = arith.constant 0 : i32
    %dma_start3A_275 = tpu.memref_slice %arg43[%dma_start3A_273, %dma_start3A_274] : memref<64x128xf32, #tpu.memory_space<vmem>> -> memref<1x128xf32, #tpu.memory_space<vmem>>
    %dma_start3A_276 = tpu.memref_squeeze %dma_start3A_275 : memref<1x128xf32, #tpu.memory_space<vmem>> -> memref<128xf32, #tpu.memory_space<vmem>>
    %dma_start3A_277 = arith.constant 0 : i32
    %dma_start3A_278 = tpu.memref_slice %arg41[%dma_start3A_272, %dma_start3A_277] : memref<4x128xi32, #tpu.memory_space<vmem>> -> memref<1x128xi32, #tpu.memory_space<vmem>>
    %dma_start3A_279 = tpu.memref_squeeze %dma_start3A_278 : memref<1x128xi32, #tpu.memory_space<vmem>> -> memref<128xi32, #tpu.memory_space<vmem>>
    %dma_start3A_280 = arith.constant 0 : i32
    %dma_start3A_281 = tpu.memref_slice %arg34[%dma_start3A_280] : memref<1000000xf32, #tpu.memory_space<hbm>> -> memref<1000000xf32, #tpu.memory_space<hbm>>
    tpu.enqueue_indirect_dma source(%dma_start3A_281 : memref<1000000xf32, #tpu.memory_space<hbm>>) target(%dma_start3A_276 : memref<128xf32, #tpu.memory_space<vmem>>) offsets(%dma_start3A_279 : memref<128xi32, #tpu.memory_space<vmem>>) semaphore(%arg48 : memref<!tpu.dma_semaphore, #tpu.memory_space<semaphore_mem>>)
    %dma_start3A_282 = arith.constant 0 : i32
    %dma_start3A_283 = arith.constant 13 : i32
    %dma_start3A_284 = arith.constant 0 : i32
    %dma_start3A_285 = tpu.memref_slice %arg42[%dma_start3A_283, %dma_start3A_284] : memref<64x128xf32, #tpu.memory_space<vmem>> -> memref<1x128xf32, #tpu.memory_space<vmem>>
    %dma_start3A_286 = tpu.memref_squeeze %dma_start3A_285 : memref<1x128xf32, #tpu.memory_space<vmem>> -> memref<128xf32, #tpu.memory_space<vmem>>
    %dma_start3A_287 = arith.constant 0 : i32
    %dma_start3A_288 = tpu.memref_slice %arg40[%dma_start3A_282, %dma_start3A_287] : memref<4x128xi32, #tpu.memory_space<vmem>> -> memref<1x128xi32, #tpu.memory_space<vmem>>
    %dma_start3A_289 = tpu.memref_squeeze %dma_start3A_288 : memref<1x128xi32, #tpu.memory_space<vmem>> -> memref<128xi32, #tpu.memory_space<vmem>>
    %dma_start3A_290 = arith.constant 0 : i32
    %dma_start3A_291 = tpu.memref_slice %arg19[%dma_start3A_290] : memref<1000000xf32, #tpu.memory_space<hbm>> -> memref<1000000xf32, #tpu.memory_space<hbm>>
    tpu.enqueue_indirect_dma source(%dma_start3A_291 : memref<1000000xf32, #tpu.memory_space<hbm>>) target(%dma_start3A_286 : memref<128xf32, #tpu.memory_space<vmem>>) offsets(%dma_start3A_289 : memref<128xi32, #tpu.memory_space<vmem>>) semaphore(%arg48 : memref<!tpu.dma_semaphore, #tpu.memory_space<semaphore_mem>>)
    %dma_start3A_292 = arith.constant 0 : i32
    %dma_start3A_293 = arith.constant 13 : i32
    %dma_start3A_294 = arith.constant 0 : i32
    %dma_start3A_295 = tpu.memref_slice %arg43[%dma_start3A_293, %dma_start3A_294] : memref<64x128xf32, #tpu.memory_space<vmem>> -> memref<1x128xf32, #tpu.memory_space<vmem>>
    %dma_start3A_296 = tpu.memref_squeeze %dma_start3A_295 : memref<1x128xf32, #tpu.memory_space<vmem>> -> memref<128xf32, #tpu.memory_space<vmem>>
    %dma_start3A_297 = arith.constant 0 : i32
    %dma_start3A_298 = tpu.memref_slice %arg41[%dma_start3A_292, %dma_start3A_297] : memref<4x128xi32, #tpu.memory_space<vmem>> -> memref<1x128xi32, #tpu.memory_space<vmem>>
    %dma_start3A_299 = tpu.memref_squeeze %dma_start3A_298 : memref<1x128xi32, #tpu.memory_space<vmem>> -> memref<128xi32, #tpu.memory_space<vmem>>
    %dma_start3A_300 = arith.constant 0 : i32
    %dma_start3A_301 = tpu.memref_slice %arg35[%dma_start3A_300] : memref<1000000xf32, #tpu.memory_space<hbm>> -> memref<1000000xf32, #tpu.memory_space<hbm>>
    tpu.enqueue_indirect_dma source(%dma_start3A_301 : memref<1000000xf32, #tpu.memory_space<hbm>>) target(%dma_start3A_296 : memref<128xf32, #tpu.memory_space<vmem>>) offsets(%dma_start3A_299 : memref<128xi32, #tpu.memory_space<vmem>>) semaphore(%arg48 : memref<!tpu.dma_semaphore, #tpu.memory_space<semaphore_mem>>)
    %dma_start3A_302 = arith.constant 0 : i32
    %dma_start3A_303 = arith.constant 14 : i32
    %dma_start3A_304 = arith.constant 0 : i32
    %dma_start3A_305 = tpu.memref_slice %arg42[%dma_start3A_303, %dma_start3A_304] : memref<64x128xf32, #tpu.memory_space<vmem>> -> memref<1x128xf32, #tpu.memory_space<vmem>>
    %dma_start3A_306 = tpu.memref_squeeze %dma_start3A_305 : memref<1x128xf32, #tpu.memory_space<vmem>> -> memref<128xf32, #tpu.memory_space<vmem>>
    %dma_start3A_307 = arith.constant 0 : i32
    %dma_start3A_308 = tpu.memref_slice %arg40[%dma_start3A_302, %dma_start3A_307] : memref<4x128xi32, #tpu.memory_space<vmem>> -> memref<1x128xi32, #tpu.memory_space<vmem>>
    %dma_start3A_309 = tpu.memref_squeeze %dma_start3A_308 : memref<1x128xi32, #tpu.memory_space<vmem>> -> memref<128xi32, #tpu.memory_space<vmem>>
    %dma_start3A_310 = arith.constant 0 : i32
    %dma_start3A_311 = tpu.memref_slice %arg20[%dma_start3A_310] : memref<1000000xf32, #tpu.memory_space<hbm>> -> memref<1000000xf32, #tpu.memory_space<hbm>>
    tpu.enqueue_indirect_dma source(%dma_start3A_311 : memref<1000000xf32, #tpu.memory_space<hbm>>) target(%dma_start3A_306 : memref<128xf32, #tpu.memory_space<vmem>>) offsets(%dma_start3A_309 : memref<128xi32, #tpu.memory_space<vmem>>) semaphore(%arg48 : memref<!tpu.dma_semaphore, #tpu.memory_space<semaphore_mem>>)
    %dma_start3A_312 = arith.constant 0 : i32
    %dma_start3A_313 = arith.constant 14 : i32
    %dma_start3A_314 = arith.constant 0 : i32
    %dma_start3A_315 = tpu.memref_slice %arg43[%dma_start3A_313, %dma_start3A_314] : memref<64x128xf32, #tpu.memory_space<vmem>> -> memref<1x128xf32, #tpu.memory_space<vmem>>
    %dma_start3A_316 = tpu.memref_squeeze %dma_start3A_315 : memref<1x128xf32, #tpu.memory_space<vmem>> -> memref<128xf32, #tpu.memory_space<vmem>>
    %dma_start3A_317 = arith.constant 0 : i32
    %dma_start3A_318 = tpu.memref_slice %arg41[%dma_start3A_312, %dma_start3A_317] : memref<4x128xi32, #tpu.memory_space<vmem>> -> memref<1x128xi32, #tpu.memory_space<vmem>>
    %dma_start3A_319 = tpu.memref_squeeze %dma_start3A_318 : memref<1x128xi32, #tpu.memory_space<vmem>> -> memref<128xi32, #tpu.memory_space<vmem>>
    %dma_start3A_320 = arith.constant 0 : i32
    %dma_start3A_321 = tpu.memref_slice %arg36[%dma_start3A_320] : memref<1000000xf32, #tpu.memory_space<hbm>> -> memref<1000000xf32, #tpu.memory_space<hbm>>
    tpu.enqueue_indirect_dma source(%dma_start3A_321 : memref<1000000xf32, #tpu.memory_space<hbm>>) target(%dma_start3A_316 : memref<128xf32, #tpu.memory_space<vmem>>) offsets(%dma_start3A_319 : memref<128xi32, #tpu.memory_space<vmem>>) semaphore(%arg48 : memref<!tpu.dma_semaphore, #tpu.memory_space<semaphore_mem>>)
    %dma_start3A_322 = arith.constant 0 : i32
    %dma_start3A_323 = arith.constant 15 : i32
    %dma_start3A_324 = arith.constant 0 : i32
    %dma_start3A_325 = tpu.memref_slice %arg42[%dma_start3A_323, %dma_start3A_324] : memref<64x128xf32, #tpu.memory_space<vmem>> -> memref<1x128xf32, #tpu.memory_space<vmem>>
    %dma_start3A_326 = tpu.memref_squeeze %dma_start3A_325 : memref<1x128xf32, #tpu.memory_space<vmem>> -> memref<128xf32, #tpu.memory_space<vmem>>
    %dma_start3A_327 = arith.constant 0 : i32
    %dma_start3A_328 = tpu.memref_slice %arg40[%dma_start3A_322, %dma_start3A_327] : memref<4x128xi32, #tpu.memory_space<vmem>> -> memref<1x128xi32, #tpu.memory_space<vmem>>
    %dma_start3A_329 = tpu.memref_squeeze %dma_start3A_328 : memref<1x128xi32, #tpu.memory_space<vmem>> -> memref<128xi32, #tpu.memory_space<vmem>>
    %dma_start3A_330 = arith.constant 0 : i32
    %dma_start3A_331 = tpu.memref_slice %arg21[%dma_start3A_330] : memref<1000000xf32, #tpu.memory_space<hbm>> -> memref<1000000xf32, #tpu.memory_space<hbm>>
    tpu.enqueue_indirect_dma source(%dma_start3A_331 : memref<1000000xf32, #tpu.memory_space<hbm>>) target(%dma_start3A_326 : memref<128xf32, #tpu.memory_space<vmem>>) offsets(%dma_start3A_329 : memref<128xi32, #tpu.memory_space<vmem>>) semaphore(%arg48 : memref<!tpu.dma_semaphore, #tpu.memory_space<semaphore_mem>>)
    %dma_start3A_332 = arith.constant 0 : i32
    %dma_start3A_333 = arith.constant 15 : i32
    %dma_start3A_334 = arith.constant 0 : i32
    %dma_start3A_335 = tpu.memref_slice %arg43[%dma_start3A_333, %dma_start3A_334] : memref<64x128xf32, #tpu.memory_space<vmem>> -> memref<1x128xf32, #tpu.memory_space<vmem>>
    %dma_start3A_336 = tpu.memref_squeeze %dma_start3A_335 : memref<1x128xf32, #tpu.memory_space<vmem>> -> memref<128xf32, #tpu.memory_space<vmem>>
    %dma_start3A_337 = arith.constant 0 : i32
    %dma_start3A_338 = tpu.memref_slice %arg41[%dma_start3A_332, %dma_start3A_337] : memref<4x128xi32, #tpu.memory_space<vmem>> -> memref<1x128xi32, #tpu.memory_space<vmem>>
    %dma_start3A_339 = tpu.memref_squeeze %dma_start3A_338 : memref<1x128xi32, #tpu.memory_space<vmem>> -> memref<128xi32, #tpu.memory_space<vmem>>
    %dma_start3A_340 = arith.constant 0 : i32
    %dma_start3A_341 = tpu.memref_slice %arg37[%dma_start3A_340] : memref<1000000xf32, #tpu.memory_space<hbm>> -> memref<1000000xf32, #tpu.memory_space<hbm>>
    tpu.enqueue_indirect_dma source(%dma_start3A_341 : memref<1000000xf32, #tpu.memory_space<hbm>>) target(%dma_start3A_336 : memref<128xf32, #tpu.memory_space<vmem>>) offsets(%dma_start3A_339 : memref<128xi32, #tpu.memory_space<vmem>>) semaphore(%arg48 : memref<!tpu.dma_semaphore, #tpu.memory_space<semaphore_mem>>)
    %dma_start3A_342 = arith.constant 1 : i32
    %dma_start3A_343 = arith.constant 1 : i32
    %dma_start3A_344 = arith.constant 0 : i32
    %dma_start3A_345 = tpu.memref_slice %arg44[%dma_start3A_343, %dma_start3A_344] : memref<4x128xf32, #tpu.memory_space<vmem>> -> memref<1x128xf32, #tpu.memory_space<vmem>>
    %dma_start3A_346 = tpu.memref_squeeze %dma_start3A_345 : memref<1x128xf32, #tpu.memory_space<vmem>> -> memref<128xf32, #tpu.memory_space<vmem>>
    %dma_start3A_347 = arith.constant 0 : i32
    %dma_start3A_348 = tpu.memref_slice %arg40[%dma_start3A_342, %dma_start3A_347] : memref<4x128xi32, #tpu.memory_space<vmem>> -> memref<1x128xi32, #tpu.memory_space<vmem>>
    %dma_start3A_349 = tpu.memref_squeeze %dma_start3A_348 : memref<1x128xi32, #tpu.memory_space<vmem>> -> memref<128xi32, #tpu.memory_space<vmem>>
    %dma_start3A_350 = arith.constant 0 : i32
    %dma_start3A_351 = tpu.memref_slice %arg4[%dma_start3A_350] : memref<1000000xf32, #tpu.memory_space<hbm>> -> memref<1000000xf32, #tpu.memory_space<hbm>>
    tpu.enqueue_indirect_dma source(%dma_start3A_351 : memref<1000000xf32, #tpu.memory_space<hbm>>) target(%dma_start3A_346 : memref<128xf32, #tpu.memory_space<vmem>>) offsets(%dma_start3A_349 : memref<128xi32, #tpu.memory_space<vmem>>) semaphore(%arg49 : memref<!tpu.dma_semaphore, #tpu.memory_space<semaphore_mem>>)
    %dma_start3A_352 = arith.constant 1 : i32
    %dma_start3A_353 = arith.constant 1 : i32
    %dma_start3A_354 = arith.constant 0 : i32
    %dma_start3A_355 = tpu.memref_slice %arg45[%dma_start3A_353, %dma_start3A_354] : memref<4x128xf32, #tpu.memory_space<vmem>> -> memref<1x128xf32, #tpu.memory_space<vmem>>
    %dma_start3A_356 = tpu.memref_squeeze %dma_start3A_355 : memref<1x128xf32, #tpu.memory_space<vmem>> -> memref<128xf32, #tpu.memory_space<vmem>>
    %dma_start3A_357 = arith.constant 0 : i32
    %dma_start3A_358 = tpu.memref_slice %arg41[%dma_start3A_352, %dma_start3A_357] : memref<4x128xi32, #tpu.memory_space<vmem>> -> memref<1x128xi32, #tpu.memory_space<vmem>>
    %dma_start3A_359 = tpu.memref_squeeze %dma_start3A_358 : memref<1x128xi32, #tpu.memory_space<vmem>> -> memref<128xi32, #tpu.memory_space<vmem>>
    %dma_start3A_360 = arith.constant 0 : i32
    %dma_start3A_361 = tpu.memref_slice %arg5[%dma_start3A_360] : memref<1000000xf32, #tpu.memory_space<hbm>> -> memref<1000000xf32, #tpu.memory_space<hbm>>
    tpu.enqueue_indirect_dma source(%dma_start3A_361 : memref<1000000xf32, #tpu.memory_space<hbm>>) target(%dma_start3A_356 : memref<128xf32, #tpu.memory_space<vmem>>) offsets(%dma_start3A_359 : memref<128xi32, #tpu.memory_space<vmem>>) semaphore(%arg49 : memref<!tpu.dma_semaphore, #tpu.memory_space<semaphore_mem>>)
    %dma_start3A_362 = arith.constant 1 : i32
    %dma_start3A_363 = arith.constant 16 : i32
    %dma_start3A_364 = arith.constant 0 : i32
    %dma_start3A_365 = tpu.memref_slice %arg42[%dma_start3A_363, %dma_start3A_364] : memref<64x128xf32, #tpu.memory_space<vmem>> -> memref<1x128xf32, #tpu.memory_space<vmem>>
    %dma_start3A_366 = tpu.memref_squeeze %dma_start3A_365 : memref<1x128xf32, #tpu.memory_space<vmem>> -> memref<128xf32, #tpu.memory_space<vmem>>
    %dma_start3A_367 = arith.constant 0 : i32
    %dma_start3A_368 = tpu.memref_slice %arg40[%dma_start3A_362, %dma_start3A_367] : memref<4x128xi32, #tpu.memory_space<vmem>> -> memref<1x128xi32, #tpu.memory_space<vmem>>
    %dma_start3A_369 = tpu.memref_squeeze %dma_start3A_368 : memref<1x128xi32, #tpu.memory_space<vmem>> -> memref<128xi32, #tpu.memory_space<vmem>>
    %dma_start3A_370 = arith.constant 0 : i32
    %dma_start3A_371 = tpu.memref_slice %arg6[%dma_start3A_370] : memref<1000000xf32, #tpu.memory_space<hbm>> -> memref<1000000xf32, #tpu.memory_space<hbm>>
    tpu.enqueue_indirect_dma source(%dma_start3A_371 : memref<1000000xf32, #tpu.memory_space<hbm>>) target(%dma_start3A_366 : memref<128xf32, #tpu.memory_space<vmem>>) offsets(%dma_start3A_369 : memref<128xi32, #tpu.memory_space<vmem>>) semaphore(%arg48 : memref<!tpu.dma_semaphore, #tpu.memory_space<semaphore_mem>>)
    %dma_start3A_372 = arith.constant 1 : i32
    %dma_start3A_373 = arith.constant 16 : i32
    %dma_start3A_374 = arith.constant 0 : i32
    %dma_start3A_375 = tpu.memref_slice %arg43[%dma_start3A_373, %dma_start3A_374] : memref<64x128xf32, #tpu.memory_space<vmem>> -> memref<1x128xf32, #tpu.memory_space<vmem>>
    %dma_start3A_376 = tpu.memref_squeeze %dma_start3A_375 : memref<1x128xf32, #tpu.memory_space<vmem>> -> memref<128xf32, #tpu.memory_space<vmem>>
    %dma_start3A_377 = arith.constant 0 : i32
    %dma_start3A_378 = tpu.memref_slice %arg41[%dma_start3A_372, %dma_start3A_377] : memref<4x128xi32, #tpu.memory_space<vmem>> -> memref<1x128xi32, #tpu.memory_space<vmem>>
    %dma_start3A_379 = tpu.memref_squeeze %dma_start3A_378 : memref<1x128xi32, #tpu.memory_space<vmem>> -> memref<128xi32, #tpu.memory_space<vmem>>
    %dma_start3A_380 = arith.constant 0 : i32
    %dma_start3A_381 = tpu.memref_slice %arg22[%dma_start3A_380] : memref<1000000xf32, #tpu.memory_space<hbm>> -> memref<1000000xf32, #tpu.memory_space<hbm>>
    tpu.enqueue_indirect_dma source(%dma_start3A_381 : memref<1000000xf32, #tpu.memory_space<hbm>>) target(%dma_start3A_376 : memref<128xf32, #tpu.memory_space<vmem>>) offsets(%dma_start3A_379 : memref<128xi32, #tpu.memory_space<vmem>>) semaphore(%arg48 : memref<!tpu.dma_semaphore, #tpu.memory_space<semaphore_mem>>)
    %dma_start3A_382 = arith.constant 1 : i32
    %dma_start3A_383 = arith.constant 17 : i32
    %dma_start3A_384 = arith.constant 0 : i32
    %dma_start3A_385 = tpu.memref_slice %arg42[%dma_start3A_383, %dma_start3A_384] : memref<64x128xf32, #tpu.memory_space<vmem>> -> memref<1x128xf32, #tpu.memory_space<vmem>>
    %dma_start3A_386 = tpu.memref_squeeze %dma_start3A_385 : memref<1x128xf32, #tpu.memory_space<vmem>> -> memref<128xf32, #tpu.memory_space<vmem>>
    %dma_start3A_387 = arith.constant 0 : i32
    %dma_start3A_388 = tpu.memref_slice %arg40[%dma_start3A_382, %dma_start3A_387] : memref<4x128xi32, #tpu.memory_space<vmem>> -> memref<1x128xi32, #tpu.memory_space<vmem>>
    %dma_start3A_389 = tpu.memref_squeeze %dma_start3A_388 : memref<1x128xi32, #tpu.memory_space<vmem>> -> memref<128xi32, #tpu.memory_space<vmem>>
    %dma_start3A_390 = arith.constant 0 : i32
    %dma_start3A_391 = tpu.memref_slice %arg7[%dma_start3A_390] : memref<1000000xf32, #tpu.memory_space<hbm>> -> memref<1000000xf32, #tpu.memory_space<hbm>>
    tpu.enqueue_indirect_dma source(%dma_start3A_391 : memref<1000000xf32, #tpu.memory_space<hbm>>) target(%dma_start3A_386 : memref<128xf32, #tpu.memory_space<vmem>>) offsets(%dma_start3A_389 : memref<128xi32, #tpu.memory_space<vmem>>) semaphore(%arg48 : memref<!tpu.dma_semaphore, #tpu.memory_space<semaphore_mem>>)
    %dma_start3A_392 = arith.constant 1 : i32
    %dma_start3A_393 = arith.constant 17 : i32
    %dma_start3A_394 = arith.constant 0 : i32
    %dma_start3A_395 = tpu.memref_slice %arg43[%dma_start3A_393, %dma_start3A_394] : memref<64x128xf32, #tpu.memory_space<vmem>> -> memref<1x128xf32, #tpu.memory_space<vmem>>
    %dma_start3A_396 = tpu.memref_squeeze %dma_start3A_395 : memref<1x128xf32, #tpu.memory_space<vmem>> -> memref<128xf32, #tpu.memory_space<vmem>>
    %dma_start3A_397 = arith.constant 0 : i32
    %dma_start3A_398 = tpu.memref_slice %arg41[%dma_start3A_392, %dma_start3A_397] : memref<4x128xi32, #tpu.memory_space<vmem>> -> memref<1x128xi32, #tpu.memory_space<vmem>>
    %dma_start3A_399 = tpu.memref_squeeze %dma_start3A_398 : memref<1x128xi32, #tpu.memory_space<vmem>> -> memref<128xi32, #tpu.memory_space<vmem>>
    %dma_start3A_400 = arith.constant 0 : i32
    %dma_start3A_401 = tpu.memref_slice %arg23[%dma_start3A_400] : memref<1000000xf32, #tpu.memory_space<hbm>> -> memref<1000000xf32, #tpu.memory_space<hbm>>
    tpu.enqueue_indirect_dma source(%dma_start3A_401 : memref<1000000xf32, #tpu.memory_space<hbm>>) target(%dma_start3A_396 : memref<128xf32, #tpu.memory_space<vmem>>) offsets(%dma_start3A_399 : memref<128xi32, #tpu.memory_space<vmem>>) semaphore(%arg48 : memref<!tpu.dma_semaphore, #tpu.memory_space<semaphore_mem>>)
    %dma_start3A_402 = arith.constant 1 : i32
    %dma_start3A_403 = arith.constant 18 : i32
    %dma_start3A_404 = arith.constant 0 : i32
    %dma_start3A_405 = tpu.memref_slice %arg42[%dma_start3A_403, %dma_start3A_404] : memref<64x128xf32, #tpu.memory_space<vmem>> -> memref<1x128xf32, #tpu.memory_space<vmem>>
    %dma_start3A_406 = tpu.memref_squeeze %dma_start3A_405 : memref<1x128xf32, #tpu.memory_space<vmem>> -> memref<128xf32, #tpu.memory_space<vmem>>
    %dma_start3A_407 = arith.constant 0 : i32
    %dma_start3A_408 = tpu.memref_slice %arg40[%dma_start3A_402, %dma_start3A_407] : memref<4x128xi32, #tpu.memory_space<vmem>> -> memref<1x128xi32, #tpu.memory_space<vmem>>
    %dma_start3A_409 = tpu.memref_squeeze %dma_start3A_408 : memref<1x128xi32, #tpu.memory_space<vmem>> -> memref<128xi32, #tpu.memory_space<vmem>>
    %dma_start3A_410 = arith.constant 0 : i32
    %dma_start3A_411 = tpu.memref_slice %arg8[%dma_start3A_410] : memref<1000000xf32, #tpu.memory_space<hbm>> -> memref<1000000xf32, #tpu.memory_space<hbm>>
    tpu.enqueue_indirect_dma source(%dma_start3A_411 : memref<1000000xf32, #tpu.memory_space<hbm>>) target(%dma_start3A_406 : memref<128xf32, #tpu.memory_space<vmem>>) offsets(%dma_start3A_409 : memref<128xi32, #tpu.memory_space<vmem>>) semaphore(%arg48 : memref<!tpu.dma_semaphore, #tpu.memory_space<semaphore_mem>>)
    %dma_start3A_412 = arith.constant 1 : i32
    %dma_start3A_413 = arith.constant 18 : i32
    %dma_start3A_414 = arith.constant 0 : i32
    %dma_start3A_415 = tpu.memref_slice %arg43[%dma_start3A_413, %dma_start3A_414] : memref<64x128xf32, #tpu.memory_space<vmem>> -> memref<1x128xf32, #tpu.memory_space<vmem>>
    %dma_start3A_416 = tpu.memref_squeeze %dma_start3A_415 : memref<1x128xf32, #tpu.memory_space<vmem>> -> memref<128xf32, #tpu.memory_space<vmem>>
    %dma_start3A_417 = arith.constant 0 : i32
    %dma_start3A_418 = tpu.memref_slice %arg41[%dma_start3A_412, %dma_start3A_417] : memref<4x128xi32, #tpu.memory_space<vmem>> -> memref<1x128xi32, #tpu.memory_space<vmem>>
    %dma_start3A_419 = tpu.memref_squeeze %dma_start3A_418 : memref<1x128xi32, #tpu.memory_space<vmem>> -> memref<128xi32, #tpu.memory_space<vmem>>
    %dma_start3A_420 = arith.constant 0 : i32
    %dma_start3A_421 = tpu.memref_slice %arg24[%dma_start3A_420] : memref<1000000xf32, #tpu.memory_space<hbm>> -> memref<1000000xf32, #tpu.memory_space<hbm>>
    tpu.enqueue_indirect_dma source(%dma_start3A_421 : memref<1000000xf32, #tpu.memory_space<hbm>>) target(%dma_start3A_416 : memref<128xf32, #tpu.memory_space<vmem>>) offsets(%dma_start3A_419 : memref<128xi32, #tpu.memory_space<vmem>>) semaphore(%arg48 : memref<!tpu.dma_semaphore, #tpu.memory_space<semaphore_mem>>)
    %dma_start3A_422 = arith.constant 1 : i32
    %dma_start3A_423 = arith.constant 19 : i32
    %dma_start3A_424 = arith.constant 0 : i32
    %dma_start3A_425 = tpu.memref_slice %arg42[%dma_start3A_423, %dma_start3A_424] : memref<64x128xf32, #tpu.memory_space<vmem>> -> memref<1x128xf32, #tpu.memory_space<vmem>>
    %dma_start3A_426 = tpu.memref_squeeze %dma_start3A_425 : memref<1x128xf32, #tpu.memory_space<vmem>> -> memref<128xf32, #tpu.memory_space<vmem>>
    %dma_start3A_427 = arith.constant 0 : i32
    %dma_start3A_428 = tpu.memref_slice %arg40[%dma_start3A_422, %dma_start3A_427] : memref<4x128xi32, #tpu.memory_space<vmem>> -> memref<1x128xi32, #tpu.memory_space<vmem>>
    %dma_start3A_429 = tpu.memref_squeeze %dma_start3A_428 : memref<1x128xi32, #tpu.memory_space<vmem>> -> memref<128xi32, #tpu.memory_space<vmem>>
    %dma_start3A_430 = arith.constant 0 : i32
    %dma_start3A_431 = tpu.memref_slice %arg9[%dma_start3A_430] : memref<1000000xf32, #tpu.memory_space<hbm>> -> memref<1000000xf32, #tpu.memory_space<hbm>>
    tpu.enqueue_indirect_dma source(%dma_start3A_431 : memref<1000000xf32, #tpu.memory_space<hbm>>) target(%dma_start3A_426 : memref<128xf32, #tpu.memory_space<vmem>>) offsets(%dma_start3A_429 : memref<128xi32, #tpu.memory_space<vmem>>) semaphore(%arg48 : memref<!tpu.dma_semaphore, #tpu.memory_space<semaphore_mem>>)
    %dma_start3A_432 = arith.constant 1 : i32
    %dma_start3A_433 = arith.constant 19 : i32
    %dma_start3A_434 = arith.constant 0 : i32
    %dma_start3A_435 = tpu.memref_slice %arg43[%dma_start3A_433, %dma_start3A_434] : memref<64x128xf32, #tpu.memory_space<vmem>> -> memref<1x128xf32, #tpu.memory_space<vmem>>
    %dma_start3A_436 = tpu.memref_squeeze %dma_start3A_435 : memref<1x128xf32, #tpu.memory_space<vmem>> -> memref<128xf32, #tpu.memory_space<vmem>>
    %dma_start3A_437 = arith.constant 0 : i32
    %dma_start3A_438 = tpu.memref_slice %arg41[%dma_start3A_432, %dma_start3A_437] : memref<4x128xi32, #tpu.memory_space<vmem>> -> memref<1x128xi32, #tpu.memory_space<vmem>>
    %dma_start3A_439 = tpu.memref_squeeze %dma_start3A_438 : memref<1x128xi32, #tpu.memory_space<vmem>> -> memref<128xi32, #tpu.memory_space<vmem>>
    %dma_start3A_440 = arith.constant 0 : i32
    %dma_start3A_441 = tpu.memref_slice %arg25[%dma_start3A_440] : memref<1000000xf32, #tpu.memory_space<hbm>> -> memref<1000000xf32, #tpu.memory_space<hbm>>
    tpu.enqueue_indirect_dma source(%dma_start3A_441 : memref<1000000xf32, #tpu.memory_space<hbm>>) target(%dma_start3A_436 : memref<128xf32, #tpu.memory_space<vmem>>) offsets(%dma_start3A_439 : memref<128xi32, #tpu.memory_space<vmem>>) semaphore(%arg48 : memref<!tpu.dma_semaphore, #tpu.memory_space<semaphore_mem>>)
    %dma_start3A_442 = arith.constant 1 : i32
    %dma_start3A_443 = arith.constant 20 : i32
    %dma_start3A_444 = arith.constant 0 : i32
    %dma_start3A_445 = tpu.memref_slice %arg42[%dma_start3A_443, %dma_start3A_444] : memref<64x128xf32, #tpu.memory_space<vmem>> -> memref<1x128xf32, #tpu.memory_space<vmem>>
    %dma_start3A_446 = tpu.memref_squeeze %dma_start3A_445 : memref<1x128xf32, #tpu.memory_space<vmem>> -> memref<128xf32, #tpu.memory_space<vmem>>
    %dma_start3A_447 = arith.constant 0 : i32
    %dma_start3A_448 = tpu.memref_slice %arg40[%dma_start3A_442, %dma_start3A_447] : memref<4x128xi32, #tpu.memory_space<vmem>> -> memref<1x128xi32, #tpu.memory_space<vmem>>
    %dma_start3A_449 = tpu.memref_squeeze %dma_start3A_448 : memref<1x128xi32, #tpu.memory_space<vmem>> -> memref<128xi32, #tpu.memory_space<vmem>>
    %dma_start3A_450 = arith.constant 0 : i32
    %dma_start3A_451 = tpu.memref_slice %arg10[%dma_start3A_450] : memref<1000000xf32, #tpu.memory_space<hbm>> -> memref<1000000xf32, #tpu.memory_space<hbm>>
    tpu.enqueue_indirect_dma source(%dma_start3A_451 : memref<1000000xf32, #tpu.memory_space<hbm>>) target(%dma_start3A_446 : memref<128xf32, #tpu.memory_space<vmem>>) offsets(%dma_start3A_449 : memref<128xi32, #tpu.memory_space<vmem>>) semaphore(%arg48 : memref<!tpu.dma_semaphore, #tpu.memory_space<semaphore_mem>>)
    %dma_start3A_452 = arith.constant 1 : i32
    %dma_start3A_453 = arith.constant 20 : i32
    %dma_start3A_454 = arith.constant 0 : i32
    %dma_start3A_455 = tpu.memref_slice %arg43[%dma_start3A_453, %dma_start3A_454] : memref<64x128xf32, #tpu.memory_space<vmem>> -> memref<1x128xf32, #tpu.memory_space<vmem>>
    %dma_start3A_456 = tpu.memref_squeeze %dma_start3A_455 : memref<1x128xf32, #tpu.memory_space<vmem>> -> memref<128xf32, #tpu.memory_space<vmem>>
    %dma_start3A_457 = arith.constant 0 : i32
    %dma_start3A_458 = tpu.memref_slice %arg41[%dma_start3A_452, %dma_start3A_457] : memref<4x128xi32, #tpu.memory_space<vmem>> -> memref<1x128xi32, #tpu.memory_space<vmem>>
    %dma_start3A_459 = tpu.memref_squeeze %dma_start3A_458 : memref<1x128xi32, #tpu.memory_space<vmem>> -> memref<128xi32, #tpu.memory_space<vmem>>
    %dma_start3A_460 = arith.constant 0 : i32
    %dma_start3A_461 = tpu.memref_slice %arg26[%dma_start3A_460] : memref<1000000xf32, #tpu.memory_space<hbm>> -> memref<1000000xf32, #tpu.memory_space<hbm>>
    tpu.enqueue_indirect_dma source(%dma_start3A_461 : memref<1000000xf32, #tpu.memory_space<hbm>>) target(%dma_start3A_456 : memref<128xf32, #tpu.memory_space<vmem>>) offsets(%dma_start3A_459 : memref<128xi32, #tpu.memory_space<vmem>>) semaphore(%arg48 : memref<!tpu.dma_semaphore, #tpu.memory_space<semaphore_mem>>)
    %dma_start3A_462 = arith.constant 1 : i32
    %dma_start3A_463 = arith.constant 21 : i32
    %dma_start3A_464 = arith.constant 0 : i32
    %dma_start3A_465 = tpu.memref_slice %arg42[%dma_start3A_463, %dma_start3A_464] : memref<64x128xf32, #tpu.memory_space<vmem>> -> memref<1x128xf32, #tpu.memory_space<vmem>>
    %dma_start3A_466 = tpu.memref_squeeze %dma_start3A_465 : memref<1x128xf32, #tpu.memory_space<vmem>> -> memref<128xf32, #tpu.memory_space<vmem>>
    %dma_start3A_467 = arith.constant 0 : i32
    %dma_start3A_468 = tpu.memref_slice %arg40[%dma_start3A_462, %dma_start3A_467] : memref<4x128xi32, #tpu.memory_space<vmem>> -> memref<1x128xi32, #tpu.memory_space<vmem>>
    %dma_start3A_469 = tpu.memref_squeeze %dma_start3A_468 : memref<1x128xi32, #tpu.memory_space<vmem>> -> memref<128xi32, #tpu.memory_space<vmem>>
    %dma_start3A_470 = arith.constant 0 : i32
    %dma_start3A_471 = tpu.memref_slice %arg11[%dma_start3A_470] : memref<1000000xf32, #tpu.memory_space<hbm>> -> memref<1000000xf32, #tpu.memory_space<hbm>>
    tpu.enqueue_indirect_dma source(%dma_start3A_471 : memref<1000000xf32, #tpu.memory_space<hbm>>) target(%dma_start3A_466 : memref<128xf32, #tpu.memory_space<vmem>>) offsets(%dma_start3A_469 : memref<128xi32, #tpu.memory_space<vmem>>) semaphore(%arg48 : memref<!tpu.dma_semaphore, #tpu.memory_space<semaphore_mem>>)
    %dma_start3A_472 = arith.constant 1 : i32
    %dma_start3A_473 = arith.constant 21 : i32
    %dma_start3A_474 = arith.constant 0 : i32
    %dma_start3A_475 = tpu.memref_slice %arg43[%dma_start3A_473, %dma_start3A_474] : memref<64x128xf32, #tpu.memory_space<vmem>> -> memref<1x128xf32, #tpu.memory_space<vmem>>
    %dma_start3A_476 = tpu.memref_squeeze %dma_start3A_475 : memref<1x128xf32, #tpu.memory_space<vmem>> -> memref<128xf32, #tpu.memory_space<vmem>>
    %dma_start3A_477 = arith.constant 0 : i32
    %dma_start3A_478 = tpu.memref_slice %arg41[%dma_start3A_472, %dma_start3A_477] : memref<4x128xi32, #tpu.memory_space<vmem>> -> memref<1x128xi32, #tpu.memory_space<vmem>>
    %dma_start3A_479 = tpu.memref_squeeze %dma_start3A_478 : memref<1x128xi32, #tpu.memory_space<vmem>> -> memref<128xi32, #tpu.memory_space<vmem>>
    %dma_start3A_480 = arith.constant 0 : i32
    %dma_start3A_481 = tpu.memref_slice %arg27[%dma_start3A_480] : memref<1000000xf32, #tpu.memory_space<hbm>> -> memref<1000000xf32, #tpu.memory_space<hbm>>
    tpu.enqueue_indirect_dma source(%dma_start3A_481 : memref<1000000xf32, #tpu.memory_space<hbm>>) target(%dma_start3A_476 : memref<128xf32, #tpu.memory_space<vmem>>) offsets(%dma_start3A_479 : memref<128xi32, #tpu.memory_space<vmem>>) semaphore(%arg48 : memref<!tpu.dma_semaphore, #tpu.memory_space<semaphore_mem>>)
    %dma_start3A_482 = arith.constant 1 : i32
    %dma_start3A_483 = arith.constant 22 : i32
    %dma_start3A_484 = arith.constant 0 : i32
    %dma_start3A_485 = tpu.memref_slice %arg42[%dma_start3A_483, %dma_start3A_484] : memref<64x128xf32, #tpu.memory_space<vmem>> -> memref<1x128xf32, #tpu.memory_space<vmem>>
    %dma_start3A_486 = tpu.memref_squeeze %dma_start3A_485 : memref<1x128xf32, #tpu.memory_space<vmem>> -> memref<128xf32, #tpu.memory_space<vmem>>
    %dma_start3A_487 = arith.constant 0 : i32
    %dma_start3A_488 = tpu.memref_slice %arg40[%dma_start3A_482, %dma_start3A_487] : memref<4x128xi32, #tpu.memory_space<vmem>> -> memref<1x128xi32, #tpu.memory_space<vmem>>
    %dma_start3A_489 = tpu.memref_squeeze %dma_start3A_488 : memref<1x128xi32, #tpu.memory_space<vmem>> -> memref<128xi32, #tpu.memory_space<vmem>>
    %dma_start3A_490 = arith.constant 0 : i32
    %dma_start3A_491 = tpu.memref_slice %arg12[%dma_start3A_490] : memref<1000000xf32, #tpu.memory_space<hbm>> -> memref<1000000xf32, #tpu.memory_space<hbm>>
    tpu.enqueue_indirect_dma source(%dma_start3A_491 : memref<1000000xf32, #tpu.memory_space<hbm>>) target(%dma_start3A_486 : memref<128xf32, #tpu.memory_space<vmem>>) offsets(%dma_start3A_489 : memref<128xi32, #tpu.memory_space<vmem>>) semaphore(%arg48 : memref<!tpu.dma_semaphore, #tpu.memory_space<semaphore_mem>>)
    %dma_start3A_492 = arith.constant 1 : i32
    %dma_start3A_493 = arith.constant 22 : i32
    %dma_start3A_494 = arith.constant 0 : i32
    %dma_start3A_495 = tpu.memref_slice %arg43[%dma_start3A_493, %dma_start3A_494] : memref<64x128xf32, #tpu.memory_space<vmem>> -> memref<1x128xf32, #tpu.memory_space<vmem>>
    %dma_start3A_496 = tpu.memref_squeeze %dma_start3A_495 : memref<1x128xf32, #tpu.memory_space<vmem>> -> memref<128xf32, #tpu.memory_space<vmem>>
    %dma_start3A_497 = arith.constant 0 : i32
    %dma_start3A_498 = tpu.memref_slice %arg41[%dma_start3A_492, %dma_start3A_497] : memref<4x128xi32, #tpu.memory_space<vmem>> -> memref<1x128xi32, #tpu.memory_space<vmem>>
    %dma_start3A_499 = tpu.memref_squeeze %dma_start3A_498 : memref<1x128xi32, #tpu.memory_space<vmem>> -> memref<128xi32, #tpu.memory_space<vmem>>
    %dma_start3A_500 = arith.constant 0 : i32
    %dma_start3A_501 = tpu.memref_slice %arg28[%dma_start3A_500] : memref<1000000xf32, #tpu.memory_space<hbm>> -> memref<1000000xf32, #tpu.memory_space<hbm>>
    tpu.enqueue_indirect_dma source(%dma_start3A_501 : memref<1000000xf32, #tpu.memory_space<hbm>>) target(%dma_start3A_496 : memref<128xf32, #tpu.memory_space<vmem>>) offsets(%dma_start3A_499 : memref<128xi32, #tpu.memory_space<vmem>>) semaphore(%arg48 : memref<!tpu.dma_semaphore, #tpu.memory_space<semaphore_mem>>)
    %dma_start3A_502 = arith.constant 1 : i32
    %dma_start3A_503 = arith.constant 23 : i32
    %dma_start3A_504 = arith.constant 0 : i32
    %dma_start3A_505 = tpu.memref_slice %arg42[%dma_start3A_503, %dma_start3A_504] : memref<64x128xf32, #tpu.memory_space<vmem>> -> memref<1x128xf32, #tpu.memory_space<vmem>>
    %dma_start3A_506 = tpu.memref_squeeze %dma_start3A_505 : memref<1x128xf32, #tpu.memory_space<vmem>> -> memref<128xf32, #tpu.memory_space<vmem>>
    %dma_start3A_507 = arith.constant 0 : i32
    %dma_start3A_508 = tpu.memref_slice %arg40[%dma_start3A_502, %dma_start3A_507] : memref<4x128xi32, #tpu.memory_space<vmem>> -> memref<1x128xi32, #tpu.memory_space<vmem>>
    %dma_start3A_509 = tpu.memref_squeeze %dma_start3A_508 : memref<1x128xi32, #tpu.memory_space<vmem>> -> memref<128xi32, #tpu.memory_space<vmem>>
    %dma_start3A_510 = arith.constant 0 : i32
    %dma_start3A_511 = tpu.memref_slice %arg13[%dma_start3A_510] : memref<1000000xf32, #tpu.memory_space<hbm>> -> memref<1000000xf32, #tpu.memory_space<hbm>>
    tpu.enqueue_indirect_dma source(%dma_start3A_511 : memref<1000000xf32, #tpu.memory_space<hbm>>) target(%dma_start3A_506 : memref<128xf32, #tpu.memory_space<vmem>>) offsets(%dma_start3A_509 : memref<128xi32, #tpu.memory_space<vmem>>) semaphore(%arg48 : memref<!tpu.dma_semaphore, #tpu.memory_space<semaphore_mem>>)
    %dma_start3A_512 = arith.constant 1 : i32
    %dma_start3A_513 = arith.constant 23 : i32
    %dma_start3A_514 = arith.constant 0 : i32
    %dma_start3A_515 = tpu.memref_slice %arg43[%dma_start3A_513, %dma_start3A_514] : memref<64x128xf32, #tpu.memory_space<vmem>> -> memref<1x128xf32, #tpu.memory_space<vmem>>
    %dma_start3A_516 = tpu.memref_squeeze %dma_start3A_515 : memref<1x128xf32, #tpu.memory_space<vmem>> -> memref<128xf32, #tpu.memory_space<vmem>>
    %dma_start3A_517 = arith.constant 0 : i32
    %dma_start3A_518 = tpu.memref_slice %arg41[%dma_start3A_512, %dma_start3A_517] : memref<4x128xi32, #tpu.memory_space<vmem>> -> memref<1x128xi32, #tpu.memory_space<vmem>>
    %dma_start3A_519 = tpu.memref_squeeze %dma_start3A_518 : memref<1x128xi32, #tpu.memory_space<vmem>> -> memref<128xi32, #tpu.memory_space<vmem>>
    %dma_start3A_520 = arith.constant 0 : i32
    %dma_start3A_521 = tpu.memref_slice %arg29[%dma_start3A_520] : memref<1000000xf32, #tpu.memory_space<hbm>> -> memref<1000000xf32, #tpu.memory_space<hbm>>
    tpu.enqueue_indirect_dma source(%dma_start3A_521 : memref<1000000xf32, #tpu.memory_space<hbm>>) target(%dma_start3A_516 : memref<128xf32, #tpu.memory_space<vmem>>) offsets(%dma_start3A_519 : memref<128xi32, #tpu.memory_space<vmem>>) semaphore(%arg48 : memref<!tpu.dma_semaphore, #tpu.memory_space<semaphore_mem>>)
    %dma_start3A_522 = arith.constant 1 : i32
    %dma_start3A_523 = arith.constant 24 : i32
    %dma_start3A_524 = arith.constant 0 : i32
    %dma_start3A_525 = tpu.memref_slice %arg42[%dma_start3A_523, %dma_start3A_524] : memref<64x128xf32, #tpu.memory_space<vmem>> -> memref<1x128xf32, #tpu.memory_space<vmem>>
    %dma_start3A_526 = tpu.memref_squeeze %dma_start3A_525 : memref<1x128xf32, #tpu.memory_space<vmem>> -> memref<128xf32, #tpu.memory_space<vmem>>
    %dma_start3A_527 = arith.constant 0 : i32
    %dma_start3A_528 = tpu.memref_slice %arg40[%dma_start3A_522, %dma_start3A_527] : memref<4x128xi32, #tpu.memory_space<vmem>> -> memref<1x128xi32, #tpu.memory_space<vmem>>
    %dma_start3A_529 = tpu.memref_squeeze %dma_start3A_528 : memref<1x128xi32, #tpu.memory_space<vmem>> -> memref<128xi32, #tpu.memory_space<vmem>>
    %dma_start3A_530 = arith.constant 0 : i32
    %dma_start3A_531 = tpu.memref_slice %arg14[%dma_start3A_530] : memref<1000000xf32, #tpu.memory_space<hbm>> -> memref<1000000xf32, #tpu.memory_space<hbm>>
    tpu.enqueue_indirect_dma source(%dma_start3A_531 : memref<1000000xf32, #tpu.memory_space<hbm>>) target(%dma_start3A_526 : memref<128xf32, #tpu.memory_space<vmem>>) offsets(%dma_start3A_529 : memref<128xi32, #tpu.memory_space<vmem>>) semaphore(%arg48 : memref<!tpu.dma_semaphore, #tpu.memory_space<semaphore_mem>>)
    %dma_start3A_532 = arith.constant 1 : i32
    %dma_start3A_533 = arith.constant 24 : i32
    %dma_start3A_534 = arith.constant 0 : i32
    %dma_start3A_535 = tpu.memref_slice %arg43[%dma_start3A_533, %dma_start3A_534] : memref<64x128xf32, #tpu.memory_space<vmem>> -> memref<1x128xf32, #tpu.memory_space<vmem>>
    %dma_start3A_536 = tpu.memref_squeeze %dma_start3A_535 : memref<1x128xf32, #tpu.memory_space<vmem>> -> memref<128xf32, #tpu.memory_space<vmem>>
    %dma_start3A_537 = arith.constant 0 : i32
    %dma_start3A_538 = tpu.memref_slice %arg41[%dma_start3A_532, %dma_start3A_537] : memref<4x128xi32, #tpu.memory_space<vmem>> -> memref<1x128xi32, #tpu.memory_space<vmem>>
    %dma_start3A_539 = tpu.memref_squeeze %dma_start3A_538 : memref<1x128xi32, #tpu.memory_space<vmem>> -> memref<128xi32, #tpu.memory_space<vmem>>
    %dma_start3A_540 = arith.constant 0 : i32
    %dma_start3A_541 = tpu.memref_slice %arg30[%dma_start3A_540] : memref<1000000xf32, #tpu.memory_space<hbm>> -> memref<1000000xf32, #tpu.memory_space<hbm>>
    tpu.enqueue_indirect_dma source(%dma_start3A_541 : memref<1000000xf32, #tpu.memory_space<hbm>>) target(%dma_start3A_536 : memref<128xf32, #tpu.memory_space<vmem>>) offsets(%dma_start3A_539 : memref<128xi32, #tpu.memory_space<vmem>>) semaphore(%arg48 : memref<!tpu.dma_semaphore, #tpu.memory_space<semaphore_mem>>)
    %dma_start3A_542 = arith.constant 1 : i32
    %dma_start3A_543 = arith.constant 25 : i32
    %dma_start3A_544 = arith.constant 0 : i32
    %dma_start3A_545 = tpu.memref_slice %arg42[%dma_start3A_543, %dma_start3A_544] : memref<64x128xf32, #tpu.memory_space<vmem>> -> memref<1x128xf32, #tpu.memory_space<vmem>>
    %dma_start3A_546 = tpu.memref_squeeze %dma_start3A_545 : memref<1x128xf32, #tpu.memory_space<vmem>> -> memref<128xf32, #tpu.memory_space<vmem>>
    %dma_start3A_547 = arith.constant 0 : i32
    %dma_start3A_548 = tpu.memref_slice %arg40[%dma_start3A_542, %dma_start3A_547] : memref<4x128xi32, #tpu.memory_space<vmem>> -> memref<1x128xi32, #tpu.memory_space<vmem>>
    %dma_start3A_549 = tpu.memref_squeeze %dma_start3A_548 : memref<1x128xi32, #tpu.memory_space<vmem>> -> memref<128xi32, #tpu.memory_space<vmem>>
    %dma_start3A_550 = arith.constant 0 : i32
    %dma_start3A_551 = tpu.memref_slice %arg15[%dma_start3A_550] : memref<1000000xf32, #tpu.memory_space<hbm>> -> memref<1000000xf32, #tpu.memory_space<hbm>>
    tpu.enqueue_indirect_dma source(%dma_start3A_551 : memref<1000000xf32, #tpu.memory_space<hbm>>) target(%dma_start3A_546 : memref<128xf32, #tpu.memory_space<vmem>>) offsets(%dma_start3A_549 : memref<128xi32, #tpu.memory_space<vmem>>) semaphore(%arg48 : memref<!tpu.dma_semaphore, #tpu.memory_space<semaphore_mem>>)
    %dma_start3A_552 = arith.constant 1 : i32
    %dma_start3A_553 = arith.constant 25 : i32
    %dma_start3A_554 = arith.constant 0 : i32
    %dma_start3A_555 = tpu.memref_slice %arg43[%dma_start3A_553, %dma_start3A_554] : memref<64x128xf32, #tpu.memory_space<vmem>> -> memref<1x128xf32, #tpu.memory_space<vmem>>
    %dma_start3A_556 = tpu.memref_squeeze %dma_start3A_555 : memref<1x128xf32, #tpu.memory_space<vmem>> -> memref<128xf32, #tpu.memory_space<vmem>>
    %dma_start3A_557 = arith.constant 0 : i32
    %dma_start3A_558 = tpu.memref_slice %arg41[%dma_start3A_552, %dma_start3A_557] : memref<4x128xi32, #tpu.memory_space<vmem>> -> memref<1x128xi32, #tpu.memory_space<vmem>>
    %dma_start3A_559 = tpu.memref_squeeze %dma_start3A_558 : memref<1x128xi32, #tpu.memory_space<vmem>> -> memref<128xi32, #tpu.memory_space<vmem>>
    %dma_start3A_560 = arith.constant 0 : i32
    %dma_start3A_561 = tpu.memref_slice %arg31[%dma_start3A_560] : memref<1000000xf32, #tpu.memory_space<hbm>> -> memref<1000000xf32, #tpu.memory_space<hbm>>
    tpu.enqueue_indirect_dma source(%dma_start3A_561 : memref<1000000xf32, #tpu.memory_space<hbm>>) target(%dma_start3A_556 : memref<128xf32, #tpu.memory_space<vmem>>) offsets(%dma_start3A_559 : memref<128xi32, #tpu.memory_space<vmem>>) semaphore(%arg48 : memref<!tpu.dma_semaphore, #tpu.memory_space<semaphore_mem>>)
    %dma_start3A_562 = arith.constant 1 : i32
    %dma_start3A_563 = arith.constant 26 : i32
    %dma_start3A_564 = arith.constant 0 : i32
    %dma_start3A_565 = tpu.memref_slice %arg42[%dma_start3A_563, %dma_start3A_564] : memref<64x128xf32, #tpu.memory_space<vmem>> -> memref<1x128xf32, #tpu.memory_space<vmem>>
    %dma_start3A_566 = tpu.memref_squeeze %dma_start3A_565 : memref<1x128xf32, #tpu.memory_space<vmem>> -> memref<128xf32, #tpu.memory_space<vmem>>
    %dma_start3A_567 = arith.constant 0 : i32
    %dma_start3A_568 = tpu.memref_slice %arg40[%dma_start3A_562, %dma_start3A_567] : memref<4x128xi32, #tpu.memory_space<vmem>> -> memref<1x128xi32, #tpu.memory_space<vmem>>
    %dma_start3A_569 = tpu.memref_squeeze %dma_start3A_568 : memref<1x128xi32, #tpu.memory_space<vmem>> -> memref<128xi32, #tpu.memory_space<vmem>>
    %dma_start3A_570 = arith.constant 0 : i32
    %dma_start3A_571 = tpu.memref_slice %arg16[%dma_start3A_570] : memref<1000000xf32, #tpu.memory_space<hbm>> -> memref<1000000xf32, #tpu.memory_space<hbm>>
    tpu.enqueue_indirect_dma source(%dma_start3A_571 : memref<1000000xf32, #tpu.memory_space<hbm>>) target(%dma_start3A_566 : memref<128xf32, #tpu.memory_space<vmem>>) offsets(%dma_start3A_569 : memref<128xi32, #tpu.memory_space<vmem>>) semaphore(%arg48 : memref<!tpu.dma_semaphore, #tpu.memory_space<semaphore_mem>>)
    %dma_start3A_572 = arith.constant 1 : i32
    %dma_start3A_573 = arith.constant 26 : i32
    %dma_start3A_574 = arith.constant 0 : i32
    %dma_start3A_575 = tpu.memref_slice %arg43[%dma_start3A_573, %dma_start3A_574] : memref<64x128xf32, #tpu.memory_space<vmem>> -> memref<1x128xf32, #tpu.memory_space<vmem>>
    %dma_start3A_576 = tpu.memref_squeeze %dma_start3A_575 : memref<1x128xf32, #tpu.memory_space<vmem>> -> memref<128xf32, #tpu.memory_space<vmem>>
    %dma_start3A_577 = arith.constant 0 : i32
    %dma_start3A_578 = tpu.memref_slice %arg41[%dma_start3A_572, %dma_start3A_577] : memref<4x128xi32, #tpu.memory_space<vmem>> -> memref<1x128xi32, #tpu.memory_space<vmem>>
    %dma_start3A_579 = tpu.memref_squeeze %dma_start3A_578 : memref<1x128xi32, #tpu.memory_space<vmem>> -> memref<128xi32, #tpu.memory_space<vmem>>
    %dma_start3A_580 = arith.constant 0 : i32
    %dma_start3A_581 = tpu.memref_slice %arg32[%dma_start3A_580] : memref<1000000xf32, #tpu.memory_space<hbm>> -> memref<1000000xf32, #tpu.memory_space<hbm>>
    tpu.enqueue_indirect_dma source(%dma_start3A_581 : memref<1000000xf32, #tpu.memory_space<hbm>>) target(%dma_start3A_576 : memref<128xf32, #tpu.memory_space<vmem>>) offsets(%dma_start3A_579 : memref<128xi32, #tpu.memory_space<vmem>>) semaphore(%arg48 : memref<!tpu.dma_semaphore, #tpu.memory_space<semaphore_mem>>)
    %dma_start3A_582 = arith.constant 1 : i32
    %dma_start3A_583 = arith.constant 27 : i32
    %dma_start3A_584 = arith.constant 0 : i32
    %dma_start3A_585 = tpu.memref_slice %arg42[%dma_start3A_583, %dma_start3A_584] : memref<64x128xf32, #tpu.memory_space<vmem>> -> memref<1x128xf32, #tpu.memory_space<vmem>>
    %dma_start3A_586 = tpu.memref_squeeze %dma_start3A_585 : memref<1x128xf32, #tpu.memory_space<vmem>> -> memref<128xf32, #tpu.memory_space<vmem>>
    %dma_start3A_587 = arith.constant 0 : i32
    %dma_start3A_588 = tpu.memref_slice %arg40[%dma_start3A_582, %dma_start3A_587] : memref<4x128xi32, #tpu.memory_space<vmem>> -> memref<1x128xi32, #tpu.memory_space<vmem>>
    %dma_start3A_589 = tpu.memref_squeeze %dma_start3A_588 : memref<1x128xi32, #tpu.memory_space<vmem>> -> memref<128xi32, #tpu.memory_space<vmem>>
    %dma_start3A_590 = arith.constant 0 : i32
    %dma_start3A_591 = tpu.memref_slice %arg17[%dma_start3A_590] : memref<1000000xf32, #tpu.memory_space<hbm>> -> memref<1000000xf32, #tpu.memory_space<hbm>>
    tpu.enqueue_indirect_dma source(%dma_start3A_591 : memref<1000000xf32, #tpu.memory_space<hbm>>) target(%dma_start3A_586 : memref<128xf32, #tpu.memory_space<vmem>>) offsets(%dma_start3A_589 : memref<128xi32, #tpu.memory_space<vmem>>) semaphore(%arg48 : memref<!tpu.dma_semaphore, #tpu.memory_space<semaphore_mem>>)
    %dma_start3A_592 = arith.constant 1 : i32
    %dma_start3A_593 = arith.constant 27 : i32
    %dma_start3A_594 = arith.constant 0 : i32
    %dma_start3A_595 = tpu.memref_slice %arg43[%dma_start3A_593, %dma_start3A_594] : memref<64x128xf32, #tpu.memory_space<vmem>> -> memref<1x128xf32, #tpu.memory_space<vmem>>
    %dma_start3A_596 = tpu.memref_squeeze %dma_start3A_595 : memref<1x128xf32, #tpu.memory_space<vmem>> -> memref<128xf32, #tpu.memory_space<vmem>>
    %dma_start3A_597 = arith.constant 0 : i32
    %dma_start3A_598 = tpu.memref_slice %arg41[%dma_start3A_592, %dma_start3A_597] : memref<4x128xi32, #tpu.memory_space<vmem>> -> memref<1x128xi32, #tpu.memory_space<vmem>>
    %dma_start3A_599 = tpu.memref_squeeze %dma_start3A_598 : memref<1x128xi32, #tpu.memory_space<vmem>> -> memref<128xi32, #tpu.memory_space<vmem>>
    %dma_start3A_600 = arith.constant 0 : i32
    %dma_start3A_601 = tpu.memref_slice %arg33[%dma_start3A_600] : memref<1000000xf32, #tpu.memory_space<hbm>> -> memref<1000000xf32, #tpu.memory_space<hbm>>
    tpu.enqueue_indirect_dma source(%dma_start3A_601 : memref<1000000xf32, #tpu.memory_space<hbm>>) target(%dma_start3A_596 : memref<128xf32, #tpu.memory_space<vmem>>) offsets(%dma_start3A_599 : memref<128xi32, #tpu.memory_space<vmem>>) semaphore(%arg48 : memref<!tpu.dma_semaphore, #tpu.memory_space<semaphore_mem>>)
    %dma_start3A_602 = arith.constant 1 : i32
    %dma_start3A_603 = arith.constant 28 : i32
    %dma_start3A_604 = arith.constant 0 : i32
    %dma_start3A_605 = tpu.memref_slice %arg42[%dma_start3A_603, %dma_start3A_604] : memref<64x128xf32, #tpu.memory_space<vmem>> -> memref<1x128xf32, #tpu.memory_space<vmem>>
    %dma_start3A_606 = tpu.memref_squeeze %dma_start3A_605 : memref<1x128xf32, #tpu.memory_space<vmem>> -> memref<128xf32, #tpu.memory_space<vmem>>
    %dma_start3A_607 = arith.constant 0 : i32
    %dma_start3A_608 = tpu.memref_slice %arg40[%dma_start3A_602, %dma_start3A_607] : memref<4x128xi32, #tpu.memory_space<vmem>> -> memref<1x128xi32, #tpu.memory_space<vmem>>
    %dma_start3A_609 = tpu.memref_squeeze %dma_start3A_608 : memref<1x128xi32, #tpu.memory_space<vmem>> -> memref<128xi32, #tpu.memory_space<vmem>>
    %dma_start3A_610 = arith.constant 0 : i32
    %dma_start3A_611 = tpu.memref_slice %arg18[%dma_start3A_610] : memref<1000000xf32, #tpu.memory_space<hbm>> -> memref<1000000xf32, #tpu.memory_space<hbm>>
    tpu.enqueue_indirect_dma source(%dma_start3A_611 : memref<1000000xf32, #tpu.memory_space<hbm>>) target(%dma_start3A_606 : memref<128xf32, #tpu.memory_space<vmem>>) offsets(%dma_start3A_609 : memref<128xi32, #tpu.memory_space<vmem>>) semaphore(%arg48 : memref<!tpu.dma_semaphore, #tpu.memory_space<semaphore_mem>>)
    %dma_start3A_612 = arith.constant 1 : i32
    %dma_start3A_613 = arith.constant 28 : i32
    %dma_start3A_614 = arith.constant 0 : i32
    %dma_start3A_615 = tpu.memref_slice %arg43[%dma_start3A_613, %dma_start3A_614] : memref<64x128xf32, #tpu.memory_space<vmem>> -> memref<1x128xf32, #tpu.memory_space<vmem>>
    %dma_start3A_616 = tpu.memref_squeeze %dma_start3A_615 : memref<1x128xf32, #tpu.memory_space<vmem>> -> memref<128xf32, #tpu.memory_space<vmem>>
    %dma_start3A_617 = arith.constant 0 : i32
    %dma_start3A_618 = tpu.memref_slice %arg41[%dma_start3A_612, %dma_start3A_617] : memref<4x128xi32, #tpu.memory_space<vmem>> -> memref<1x128xi32, #tpu.memory_space<vmem>>
    %dma_start3A_619 = tpu.memref_squeeze %dma_start3A_618 : memref<1x128xi32, #tpu.memory_space<vmem>> -> memref<128xi32, #tpu.memory_space<vmem>>
    %dma_start3A_620 = arith.constant 0 : i32
    %dma_start3A_621 = tpu.memref_slice %arg34[%dma_start3A_620] : memref<1000000xf32, #tpu.memory_space<hbm>> -> memref<1000000xf32, #tpu.memory_space<hbm>>
    tpu.enqueue_indirect_dma source(%dma_start3A_621 : memref<1000000xf32, #tpu.memory_space<hbm>>) target(%dma_start3A_616 : memref<128xf32, #tpu.memory_space<vmem>>) offsets(%dma_start3A_619 : memref<128xi32, #tpu.memory_space<vmem>>) semaphore(%arg48 : memref<!tpu.dma_semaphore, #tpu.memory_space<semaphore_mem>>)
    %dma_start3A_622 = arith.constant 1 : i32
    %dma_start3A_623 = arith.constant 29 : i32
    %dma_start3A_624 = arith.constant 0 : i32
    %dma_start3A_625 = tpu.memref_slice %arg42[%dma_start3A_623, %dma_start3A_624] : memref<64x128xf32, #tpu.memory_space<vmem>> -> memref<1x128xf32, #tpu.memory_space<vmem>>
    %dma_start3A_626 = tpu.memref_squeeze %dma_start3A_625 : memref<1x128xf32, #tpu.memory_space<vmem>> -> memref<128xf32, #tpu.memory_space<vmem>>
    %dma_start3A_627 = arith.constant 0 : i32
    %dma_start3A_628 = tpu.memref_slice %arg40[%dma_start3A_622, %dma_start3A_627] : memref<4x128xi32, #tpu.memory_space<vmem>> -> memref<1x128xi32, #tpu.memory_space<vmem>>
    %dma_start3A_629 = tpu.memref_squeeze %dma_start3A_628 : memref<1x128xi32, #tpu.memory_space<vmem>> -> memref<128xi32, #tpu.memory_space<vmem>>
    %dma_start3A_630 = arith.constant 0 : i32
    %dma_start3A_631 = tpu.memref_slice %arg19[%dma_start3A_630] : memref<1000000xf32, #tpu.memory_space<hbm>> -> memref<1000000xf32, #tpu.memory_space<hbm>>
    tpu.enqueue_indirect_dma source(%dma_start3A_631 : memref<1000000xf32, #tpu.memory_space<hbm>>) target(%dma_start3A_626 : memref<128xf32, #tpu.memory_space<vmem>>) offsets(%dma_start3A_629 : memref<128xi32, #tpu.memory_space<vmem>>) semaphore(%arg48 : memref<!tpu.dma_semaphore, #tpu.memory_space<semaphore_mem>>)
    %dma_start3A_632 = arith.constant 1 : i32
    %dma_start3A_633 = arith.constant 29 : i32
    %dma_start3A_634 = arith.constant 0 : i32
    %dma_start3A_635 = tpu.memref_slice %arg43[%dma_start3A_633, %dma_start3A_634] : memref<64x128xf32, #tpu.memory_space<vmem>> -> memref<1x128xf32, #tpu.memory_space<vmem>>
    %dma_start3A_636 = tpu.memref_squeeze %dma_start3A_635 : memref<1x128xf32, #tpu.memory_space<vmem>> -> memref<128xf32, #tpu.memory_space<vmem>>
    %dma_start3A_637 = arith.constant 0 : i32
    %dma_start3A_638 = tpu.memref_slice %arg41[%dma_start3A_632, %dma_start3A_637] : memref<4x128xi32, #tpu.memory_space<vmem>> -> memref<1x128xi32, #tpu.memory_space<vmem>>
    %dma_start3A_639 = tpu.memref_squeeze %dma_start3A_638 : memref<1x128xi32, #tpu.memory_space<vmem>> -> memref<128xi32, #tpu.memory_space<vmem>>
    %dma_start3A_640 = arith.constant 0 : i32
    %dma_start3A_641 = tpu.memref_slice %arg35[%dma_start3A_640] : memref<1000000xf32, #tpu.memory_space<hbm>> -> memref<1000000xf32, #tpu.memory_space<hbm>>
    tpu.enqueue_indirect_dma source(%dma_start3A_641 : memref<1000000xf32, #tpu.memory_space<hbm>>) target(%dma_start3A_636 : memref<128xf32, #tpu.memory_space<vmem>>) offsets(%dma_start3A_639 : memref<128xi32, #tpu.memory_space<vmem>>) semaphore(%arg48 : memref<!tpu.dma_semaphore, #tpu.memory_space<semaphore_mem>>)
    %dma_start3A_642 = arith.constant 1 : i32
    %dma_start3A_643 = arith.constant 30 : i32
    %dma_start3A_644 = arith.constant 0 : i32
    %dma_start3A_645 = tpu.memref_slice %arg42[%dma_start3A_643, %dma_start3A_644] : memref<64x128xf32, #tpu.memory_space<vmem>> -> memref<1x128xf32, #tpu.memory_space<vmem>>
    %dma_start3A_646 = tpu.memref_squeeze %dma_start3A_645 : memref<1x128xf32, #tpu.memory_space<vmem>> -> memref<128xf32, #tpu.memory_space<vmem>>
    %dma_start3A_647 = arith.constant 0 : i32
    %dma_start3A_648 = tpu.memref_slice %arg40[%dma_start3A_642, %dma_start3A_647] : memref<4x128xi32, #tpu.memory_space<vmem>> -> memref<1x128xi32, #tpu.memory_space<vmem>>
    %dma_start3A_649 = tpu.memref_squeeze %dma_start3A_648 : memref<1x128xi32, #tpu.memory_space<vmem>> -> memref<128xi32, #tpu.memory_space<vmem>>
    %dma_start3A_650 = arith.constant 0 : i32
    %dma_start3A_651 = tpu.memref_slice %arg20[%dma_start3A_650] : memref<1000000xf32, #tpu.memory_space<hbm>> -> memref<1000000xf32, #tpu.memory_space<hbm>>
    tpu.enqueue_indirect_dma source(%dma_start3A_651 : memref<1000000xf32, #tpu.memory_space<hbm>>) target(%dma_start3A_646 : memref<128xf32, #tpu.memory_space<vmem>>) offsets(%dma_start3A_649 : memref<128xi32, #tpu.memory_space<vmem>>) semaphore(%arg48 : memref<!tpu.dma_semaphore, #tpu.memory_space<semaphore_mem>>)
    %dma_start3A_652 = arith.constant 1 : i32
    %dma_start3A_653 = arith.constant 30 : i32
    %dma_start3A_654 = arith.constant 0 : i32
    %dma_start3A_655 = tpu.memref_slice %arg43[%dma_start3A_653, %dma_start3A_654] : memref<64x128xf32, #tpu.memory_space<vmem>> -> memref<1x128xf32, #tpu.memory_space<vmem>>
    %dma_start3A_656 = tpu.memref_squeeze %dma_start3A_655 : memref<1x128xf32, #tpu.memory_space<vmem>> -> memref<128xf32, #tpu.memory_space<vmem>>
    %dma_start3A_657 = arith.constant 0 : i32
    %dma_start3A_658 = tpu.memref_slice %arg41[%dma_start3A_652, %dma_start3A_657] : memref<4x128xi32, #tpu.memory_space<vmem>> -> memref<1x128xi32, #tpu.memory_space<vmem>>
    %dma_start3A_659 = tpu.memref_squeeze %dma_start3A_658 : memref<1x128xi32, #tpu.memory_space<vmem>> -> memref<128xi32, #tpu.memory_space<vmem>>
    %dma_start3A_660 = arith.constant 0 : i32
    %dma_start3A_661 = tpu.memref_slice %arg36[%dma_start3A_660] : memref<1000000xf32, #tpu.memory_space<hbm>> -> memref<1000000xf32, #tpu.memory_space<hbm>>
    tpu.enqueue_indirect_dma source(%dma_start3A_661 : memref<1000000xf32, #tpu.memory_space<hbm>>) target(%dma_start3A_656 : memref<128xf32, #tpu.memory_space<vmem>>) offsets(%dma_start3A_659 : memref<128xi32, #tpu.memory_space<vmem>>) semaphore(%arg48 : memref<!tpu.dma_semaphore, #tpu.memory_space<semaphore_mem>>)
    %dma_start3A_662 = arith.constant 1 : i32
    %dma_start3A_663 = arith.constant 31 : i32
    %dma_start3A_664 = arith.constant 0 : i32
    %dma_start3A_665 = tpu.memref_slice %arg42[%dma_start3A_663, %dma_start3A_664] : memref<64x128xf32, #tpu.memory_space<vmem>> -> memref<1x128xf32, #tpu.memory_space<vmem>>
    %dma_start3A_666 = tpu.memref_squeeze %dma_start3A_665 : memref<1x128xf32, #tpu.memory_space<vmem>> -> memref<128xf32, #tpu.memory_space<vmem>>
    %dma_start3A_667 = arith.constant 0 : i32
    %dma_start3A_668 = tpu.memref_slice %arg40[%dma_start3A_662, %dma_start3A_667] : memref<4x128xi32, #tpu.memory_space<vmem>> -> memref<1x128xi32, #tpu.memory_space<vmem>>
    %dma_start3A_669 = tpu.memref_squeeze %dma_start3A_668 : memref<1x128xi32, #tpu.memory_space<vmem>> -> memref<128xi32, #tpu.memory_space<vmem>>
    %dma_start3A_670 = arith.constant 0 : i32
    %dma_start3A_671 = tpu.memref_slice %arg21[%dma_start3A_670] : memref<1000000xf32, #tpu.memory_space<hbm>> -> memref<1000000xf32, #tpu.memory_space<hbm>>
    tpu.enqueue_indirect_dma source(%dma_start3A_671 : memref<1000000xf32, #tpu.memory_space<hbm>>) target(%dma_start3A_666 : memref<128xf32, #tpu.memory_space<vmem>>) offsets(%dma_start3A_669 : memref<128xi32, #tpu.memory_space<vmem>>) semaphore(%arg48 : memref<!tpu.dma_semaphore, #tpu.memory_space<semaphore_mem>>)
    %dma_start3A_672 = arith.constant 1 : i32
    %dma_start3A_673 = arith.constant 31 : i32
    %dma_start3A_674 = arith.constant 0 : i32
    %dma_start3A_675 = tpu.memref_slice %arg43[%dma_start3A_673, %dma_start3A_674] : memref<64x128xf32, #tpu.memory_space<vmem>> -> memref<1x128xf32, #tpu.memory_space<vmem>>
    %dma_start3A_676 = tpu.memref_squeeze %dma_start3A_675 : memref<1x128xf32, #tpu.memory_space<vmem>> -> memref<128xf32, #tpu.memory_space<vmem>>
    %dma_start3A_677 = arith.constant 0 : i32
    %dma_start3A_678 = tpu.memref_slice %arg41[%dma_start3A_672, %dma_start3A_677] : memref<4x128xi32, #tpu.memory_space<vmem>> -> memref<1x128xi32, #tpu.memory_space<vmem>>
    %dma_start3A_679 = tpu.memref_squeeze %dma_start3A_678 : memref<1x128xi32, #tpu.memory_space<vmem>> -> memref<128xi32, #tpu.memory_space<vmem>>
    %dma_start3A_680 = arith.constant 0 : i32
    %dma_start3A_681 = tpu.memref_slice %arg37[%dma_start3A_680] : memref<1000000xf32, #tpu.memory_space<hbm>> -> memref<1000000xf32, #tpu.memory_space<hbm>>
    tpu.enqueue_indirect_dma source(%dma_start3A_681 : memref<1000000xf32, #tpu.memory_space<hbm>>) target(%dma_start3A_676 : memref<128xf32, #tpu.memory_space<vmem>>) offsets(%dma_start3A_679 : memref<128xi32, #tpu.memory_space<vmem>>) semaphore(%arg48 : memref<!tpu.dma_semaphore, #tpu.memory_space<semaphore_mem>>)
    %dma_start3A_682 = arith.constant 2 : i32
    %dma_start3A_683 = arith.constant 2 : i32
    %dma_start3A_684 = arith.constant 0 : i32
    %dma_start3A_685 = tpu.memref_slice %arg44[%dma_start3A_683, %dma_start3A_684] : memref<4x128xf32, #tpu.memory_space<vmem>> -> memref<1x128xf32, #tpu.memory_space<vmem>>
    %dma_start3A_686 = tpu.memref_squeeze %dma_start3A_685 : memref<1x128xf32, #tpu.memory_space<vmem>> -> memref<128xf32, #tpu.memory_space<vmem>>
    %dma_start3A_687 = arith.constant 0 : i32
    %dma_start3A_688 = tpu.memref_slice %arg40[%dma_start3A_682, %dma_start3A_687] : memref<4x128xi32, #tpu.memory_space<vmem>> -> memref<1x128xi32, #tpu.memory_space<vmem>>
    %dma_start3A_689 = tpu.memref_squeeze %dma_start3A_688 : memref<1x128xi32, #tpu.memory_space<vmem>> -> memref<128xi32, #tpu.memory_space<vmem>>
    %dma_start3A_690 = arith.constant 0 : i32
    %dma_start3A_691 = tpu.memref_slice %arg4[%dma_start3A_690] : memref<1000000xf32, #tpu.memory_space<hbm>> -> memref<1000000xf32, #tpu.memory_space<hbm>>
    tpu.enqueue_indirect_dma source(%dma_start3A_691 : memref<1000000xf32, #tpu.memory_space<hbm>>) target(%dma_start3A_686 : memref<128xf32, #tpu.memory_space<vmem>>) offsets(%dma_start3A_689 : memref<128xi32, #tpu.memory_space<vmem>>) semaphore(%arg49 : memref<!tpu.dma_semaphore, #tpu.memory_space<semaphore_mem>>)
    %dma_start3A_692 = arith.constant 2 : i32
    %dma_start3A_693 = arith.constant 2 : i32
    %dma_start3A_694 = arith.constant 0 : i32
    %dma_start3A_695 = tpu.memref_slice %arg45[%dma_start3A_693, %dma_start3A_694] : memref<4x128xf32, #tpu.memory_space<vmem>> -> memref<1x128xf32, #tpu.memory_space<vmem>>
    %dma_start3A_696 = tpu.memref_squeeze %dma_start3A_695 : memref<1x128xf32, #tpu.memory_space<vmem>> -> memref<128xf32, #tpu.memory_space<vmem>>
    %dma_start3A_697 = arith.constant 0 : i32
    %dma_start3A_698 = tpu.memref_slice %arg41[%dma_start3A_692, %dma_start3A_697] : memref<4x128xi32, #tpu.memory_space<vmem>> -> memref<1x128xi32, #tpu.memory_space<vmem>>
    %dma_start3A_699 = tpu.memref_squeeze %dma_start3A_698 : memref<1x128xi32, #tpu.memory_space<vmem>> -> memref<128xi32, #tpu.memory_space<vmem>>
    %dma_start3A_700 = arith.constant 0 : i32
    %dma_start3A_701 = tpu.memref_slice %arg5[%dma_start3A_700] : memref<1000000xf32, #tpu.memory_space<hbm>> -> memref<1000000xf32, #tpu.memory_space<hbm>>
    tpu.enqueue_indirect_dma source(%dma_start3A_701 : memref<1000000xf32, #tpu.memory_space<hbm>>) target(%dma_start3A_696 : memref<128xf32, #tpu.memory_space<vmem>>) offsets(%dma_start3A_699 : memref<128xi32, #tpu.memory_space<vmem>>) semaphore(%arg49 : memref<!tpu.dma_semaphore, #tpu.memory_space<semaphore_mem>>)
    %dma_start3A_702 = arith.constant 2 : i32
    %dma_start3A_703 = arith.constant 32 : i32
    %dma_start3A_704 = arith.constant 0 : i32
    %dma_start3A_705 = tpu.memref_slice %arg42[%dma_start3A_703, %dma_start3A_704] : memref<64x128xf32, #tpu.memory_space<vmem>> -> memref<1x128xf32, #tpu.memory_space<vmem>>
    %dma_start3A_706 = tpu.memref_squeeze %dma_start3A_705 : memref<1x128xf32, #tpu.memory_space<vmem>> -> memref<128xf32, #tpu.memory_space<vmem>>
    %dma_start3A_707 = arith.constant 0 : i32
    %dma_start3A_708 = tpu.memref_slice %arg40[%dma_start3A_702, %dma_start3A_707] : memref<4x128xi32, #tpu.memory_space<vmem>> -> memref<1x128xi32, #tpu.memory_space<vmem>>
    %dma_start3A_709 = tpu.memref_squeeze %dma_start3A_708 : memref<1x128xi32, #tpu.memory_space<vmem>> -> memref<128xi32, #tpu.memory_space<vmem>>
    %dma_start3A_710 = arith.constant 0 : i32
    %dma_start3A_711 = tpu.memref_slice %arg6[%dma_start3A_710] : memref<1000000xf32, #tpu.memory_space<hbm>> -> memref<1000000xf32, #tpu.memory_space<hbm>>
    tpu.enqueue_indirect_dma source(%dma_start3A_711 : memref<1000000xf32, #tpu.memory_space<hbm>>) target(%dma_start3A_706 : memref<128xf32, #tpu.memory_space<vmem>>) offsets(%dma_start3A_709 : memref<128xi32, #tpu.memory_space<vmem>>) semaphore(%arg48 : memref<!tpu.dma_semaphore, #tpu.memory_space<semaphore_mem>>)
    %dma_start3A_712 = arith.constant 2 : i32
    %dma_start3A_713 = arith.constant 32 : i32
    %dma_start3A_714 = arith.constant 0 : i32
    %dma_start3A_715 = tpu.memref_slice %arg43[%dma_start3A_713, %dma_start3A_714] : memref<64x128xf32, #tpu.memory_space<vmem>> -> memref<1x128xf32, #tpu.memory_space<vmem>>
    %dma_start3A_716 = tpu.memref_squeeze %dma_start3A_715 : memref<1x128xf32, #tpu.memory_space<vmem>> -> memref<128xf32, #tpu.memory_space<vmem>>
    %dma_start3A_717 = arith.constant 0 : i32
    %dma_start3A_718 = tpu.memref_slice %arg41[%dma_start3A_712, %dma_start3A_717] : memref<4x128xi32, #tpu.memory_space<vmem>> -> memref<1x128xi32, #tpu.memory_space<vmem>>
    %dma_start3A_719 = tpu.memref_squeeze %dma_start3A_718 : memref<1x128xi32, #tpu.memory_space<vmem>> -> memref<128xi32, #tpu.memory_space<vmem>>
    %dma_start3A_720 = arith.constant 0 : i32
    %dma_start3A_721 = tpu.memref_slice %arg22[%dma_start3A_720] : memref<1000000xf32, #tpu.memory_space<hbm>> -> memref<1000000xf32, #tpu.memory_space<hbm>>
    tpu.enqueue_indirect_dma source(%dma_start3A_721 : memref<1000000xf32, #tpu.memory_space<hbm>>) target(%dma_start3A_716 : memref<128xf32, #tpu.memory_space<vmem>>) offsets(%dma_start3A_719 : memref<128xi32, #tpu.memory_space<vmem>>) semaphore(%arg48 : memref<!tpu.dma_semaphore, #tpu.memory_space<semaphore_mem>>)
    %dma_start3A_722 = arith.constant 2 : i32
    %dma_start3A_723 = arith.constant 33 : i32
    %dma_start3A_724 = arith.constant 0 : i32
    %dma_start3A_725 = tpu.memref_slice %arg42[%dma_start3A_723, %dma_start3A_724] : memref<64x128xf32, #tpu.memory_space<vmem>> -> memref<1x128xf32, #tpu.memory_space<vmem>>
    %dma_start3A_726 = tpu.memref_squeeze %dma_start3A_725 : memref<1x128xf32, #tpu.memory_space<vmem>> -> memref<128xf32, #tpu.memory_space<vmem>>
    %dma_start3A_727 = arith.constant 0 : i32
    %dma_start3A_728 = tpu.memref_slice %arg40[%dma_start3A_722, %dma_start3A_727] : memref<4x128xi32, #tpu.memory_space<vmem>> -> memref<1x128xi32, #tpu.memory_space<vmem>>
    %dma_start3A_729 = tpu.memref_squeeze %dma_start3A_728 : memref<1x128xi32, #tpu.memory_space<vmem>> -> memref<128xi32, #tpu.memory_space<vmem>>
    %dma_start3A_730 = arith.constant 0 : i32
    %dma_start3A_731 = tpu.memref_slice %arg7[%dma_start3A_730] : memref<1000000xf32, #tpu.memory_space<hbm>> -> memref<1000000xf32, #tpu.memory_space<hbm>>
    tpu.enqueue_indirect_dma source(%dma_start3A_731 : memref<1000000xf32, #tpu.memory_space<hbm>>) target(%dma_start3A_726 : memref<128xf32, #tpu.memory_space<vmem>>) offsets(%dma_start3A_729 : memref<128xi32, #tpu.memory_space<vmem>>) semaphore(%arg48 : memref<!tpu.dma_semaphore, #tpu.memory_space<semaphore_mem>>)
    %dma_start3A_732 = arith.constant 2 : i32
    %dma_start3A_733 = arith.constant 33 : i32
    %dma_start3A_734 = arith.constant 0 : i32
    %dma_start3A_735 = tpu.memref_slice %arg43[%dma_start3A_733, %dma_start3A_734] : memref<64x128xf32, #tpu.memory_space<vmem>> -> memref<1x128xf32, #tpu.memory_space<vmem>>
    %dma_start3A_736 = tpu.memref_squeeze %dma_start3A_735 : memref<1x128xf32, #tpu.memory_space<vmem>> -> memref<128xf32, #tpu.memory_space<vmem>>
    %dma_start3A_737 = arith.constant 0 : i32
    %dma_start3A_738 = tpu.memref_slice %arg41[%dma_start3A_732, %dma_start3A_737] : memref<4x128xi32, #tpu.memory_space<vmem>> -> memref<1x128xi32, #tpu.memory_space<vmem>>
    %dma_start3A_739 = tpu.memref_squeeze %dma_start3A_738 : memref<1x128xi32, #tpu.memory_space<vmem>> -> memref<128xi32, #tpu.memory_space<vmem>>
    %dma_start3A_740 = arith.constant 0 : i32
    %dma_start3A_741 = tpu.memref_slice %arg23[%dma_start3A_740] : memref<1000000xf32, #tpu.memory_space<hbm>> -> memref<1000000xf32, #tpu.memory_space<hbm>>
    tpu.enqueue_indirect_dma source(%dma_start3A_741 : memref<1000000xf32, #tpu.memory_space<hbm>>) target(%dma_start3A_736 : memref<128xf32, #tpu.memory_space<vmem>>) offsets(%dma_start3A_739 : memref<128xi32, #tpu.memory_space<vmem>>) semaphore(%arg48 : memref<!tpu.dma_semaphore, #tpu.memory_space<semaphore_mem>>)
    %dma_start3A_742 = arith.constant 2 : i32
    %dma_start3A_743 = arith.constant 34 : i32
    %dma_start3A_744 = arith.constant 0 : i32
    %dma_start3A_745 = tpu.memref_slice %arg42[%dma_start3A_743, %dma_start3A_744] : memref<64x128xf32, #tpu.memory_space<vmem>> -> memref<1x128xf32, #tpu.memory_space<vmem>>
    %dma_start3A_746 = tpu.memref_squeeze %dma_start3A_745 : memref<1x128xf32, #tpu.memory_space<vmem>> -> memref<128xf32, #tpu.memory_space<vmem>>
    %dma_start3A_747 = arith.constant 0 : i32
    %dma_start3A_748 = tpu.memref_slice %arg40[%dma_start3A_742, %dma_start3A_747] : memref<4x128xi32, #tpu.memory_space<vmem>> -> memref<1x128xi32, #tpu.memory_space<vmem>>
    %dma_start3A_749 = tpu.memref_squeeze %dma_start3A_748 : memref<1x128xi32, #tpu.memory_space<vmem>> -> memref<128xi32, #tpu.memory_space<vmem>>
    %dma_start3A_750 = arith.constant 0 : i32
    %dma_start3A_751 = tpu.memref_slice %arg8[%dma_start3A_750] : memref<1000000xf32, #tpu.memory_space<hbm>> -> memref<1000000xf32, #tpu.memory_space<hbm>>
    tpu.enqueue_indirect_dma source(%dma_start3A_751 : memref<1000000xf32, #tpu.memory_space<hbm>>) target(%dma_start3A_746 : memref<128xf32, #tpu.memory_space<vmem>>) offsets(%dma_start3A_749 : memref<128xi32, #tpu.memory_space<vmem>>) semaphore(%arg48 : memref<!tpu.dma_semaphore, #tpu.memory_space<semaphore_mem>>)
    %dma_start3A_752 = arith.constant 2 : i32
    %dma_start3A_753 = arith.constant 34 : i32
    %dma_start3A_754 = arith.constant 0 : i32
    %dma_start3A_755 = tpu.memref_slice %arg43[%dma_start3A_753, %dma_start3A_754] : memref<64x128xf32, #tpu.memory_space<vmem>> -> memref<1x128xf32, #tpu.memory_space<vmem>>
    %dma_start3A_756 = tpu.memref_squeeze %dma_start3A_755 : memref<1x128xf32, #tpu.memory_space<vmem>> -> memref<128xf32, #tpu.memory_space<vmem>>
    %dma_start3A_757 = arith.constant 0 : i32
    %dma_start3A_758 = tpu.memref_slice %arg41[%dma_start3A_752, %dma_start3A_757] : memref<4x128xi32, #tpu.memory_space<vmem>> -> memref<1x128xi32, #tpu.memory_space<vmem>>
    %dma_start3A_759 = tpu.memref_squeeze %dma_start3A_758 : memref<1x128xi32, #tpu.memory_space<vmem>> -> memref<128xi32, #tpu.memory_space<vmem>>
    %dma_start3A_760 = arith.constant 0 : i32
    %dma_start3A_761 = tpu.memref_slice %arg24[%dma_start3A_760] : memref<1000000xf32, #tpu.memory_space<hbm>> -> memref<1000000xf32, #tpu.memory_space<hbm>>
    tpu.enqueue_indirect_dma source(%dma_start3A_761 : memref<1000000xf32, #tpu.memory_space<hbm>>) target(%dma_start3A_756 : memref<128xf32, #tpu.memory_space<vmem>>) offsets(%dma_start3A_759 : memref<128xi32, #tpu.memory_space<vmem>>) semaphore(%arg48 : memref<!tpu.dma_semaphore, #tpu.memory_space<semaphore_mem>>)
    %dma_start3A_762 = arith.constant 2 : i32
    %dma_start3A_763 = arith.constant 35 : i32
    %dma_start3A_764 = arith.constant 0 : i32
    %dma_start3A_765 = tpu.memref_slice %arg42[%dma_start3A_763, %dma_start3A_764] : memref<64x128xf32, #tpu.memory_space<vmem>> -> memref<1x128xf32, #tpu.memory_space<vmem>>
    %dma_start3A_766 = tpu.memref_squeeze %dma_start3A_765 : memref<1x128xf32, #tpu.memory_space<vmem>> -> memref<128xf32, #tpu.memory_space<vmem>>
    %dma_start3A_767 = arith.constant 0 : i32
    %dma_start3A_768 = tpu.memref_slice %arg40[%dma_start3A_762, %dma_start3A_767] : memref<4x128xi32, #tpu.memory_space<vmem>> -> memref<1x128xi32, #tpu.memory_space<vmem>>
    %dma_start3A_769 = tpu.memref_squeeze %dma_start3A_768 : memref<1x128xi32, #tpu.memory_space<vmem>> -> memref<128xi32, #tpu.memory_space<vmem>>
    %dma_start3A_770 = arith.constant 0 : i32
    %dma_start3A_771 = tpu.memref_slice %arg9[%dma_start3A_770] : memref<1000000xf32, #tpu.memory_space<hbm>> -> memref<1000000xf32, #tpu.memory_space<hbm>>
    tpu.enqueue_indirect_dma source(%dma_start3A_771 : memref<1000000xf32, #tpu.memory_space<hbm>>) target(%dma_start3A_766 : memref<128xf32, #tpu.memory_space<vmem>>) offsets(%dma_start3A_769 : memref<128xi32, #tpu.memory_space<vmem>>) semaphore(%arg48 : memref<!tpu.dma_semaphore, #tpu.memory_space<semaphore_mem>>)
    %dma_start3A_772 = arith.constant 2 : i32
    %dma_start3A_773 = arith.constant 35 : i32
    %dma_start3A_774 = arith.constant 0 : i32
    %dma_start3A_775 = tpu.memref_slice %arg43[%dma_start3A_773, %dma_start3A_774] : memref<64x128xf32, #tpu.memory_space<vmem>> -> memref<1x128xf32, #tpu.memory_space<vmem>>
    %dma_start3A_776 = tpu.memref_squeeze %dma_start3A_775 : memref<1x128xf32, #tpu.memory_space<vmem>> -> memref<128xf32, #tpu.memory_space<vmem>>
    %dma_start3A_777 = arith.constant 0 : i32
    %dma_start3A_778 = tpu.memref_slice %arg41[%dma_start3A_772, %dma_start3A_777] : memref<4x128xi32, #tpu.memory_space<vmem>> -> memref<1x128xi32, #tpu.memory_space<vmem>>
    %dma_start3A_779 = tpu.memref_squeeze %dma_start3A_778 : memref<1x128xi32, #tpu.memory_space<vmem>> -> memref<128xi32, #tpu.memory_space<vmem>>
    %dma_start3A_780 = arith.constant 0 : i32
    %dma_start3A_781 = tpu.memref_slice %arg25[%dma_start3A_780] : memref<1000000xf32, #tpu.memory_space<hbm>> -> memref<1000000xf32, #tpu.memory_space<hbm>>
    tpu.enqueue_indirect_dma source(%dma_start3A_781 : memref<1000000xf32, #tpu.memory_space<hbm>>) target(%dma_start3A_776 : memref<128xf32, #tpu.memory_space<vmem>>) offsets(%dma_start3A_779 : memref<128xi32, #tpu.memory_space<vmem>>) semaphore(%arg48 : memref<!tpu.dma_semaphore, #tpu.memory_space<semaphore_mem>>)
    %dma_start3A_782 = arith.constant 2 : i32
    %dma_start3A_783 = arith.constant 36 : i32
    %dma_start3A_784 = arith.constant 0 : i32
    %dma_start3A_785 = tpu.memref_slice %arg42[%dma_start3A_783, %dma_start3A_784] : memref<64x128xf32, #tpu.memory_space<vmem>> -> memref<1x128xf32, #tpu.memory_space<vmem>>
    %dma_start3A_786 = tpu.memref_squeeze %dma_start3A_785 : memref<1x128xf32, #tpu.memory_space<vmem>> -> memref<128xf32, #tpu.memory_space<vmem>>
    %dma_start3A_787 = arith.constant 0 : i32
    %dma_start3A_788 = tpu.memref_slice %arg40[%dma_start3A_782, %dma_start3A_787] : memref<4x128xi32, #tpu.memory_space<vmem>> -> memref<1x128xi32, #tpu.memory_space<vmem>>
    %dma_start3A_789 = tpu.memref_squeeze %dma_start3A_788 : memref<1x128xi32, #tpu.memory_space<vmem>> -> memref<128xi32, #tpu.memory_space<vmem>>
    %dma_start3A_790 = arith.constant 0 : i32
    %dma_start3A_791 = tpu.memref_slice %arg10[%dma_start3A_790] : memref<1000000xf32, #tpu.memory_space<hbm>> -> memref<1000000xf32, #tpu.memory_space<hbm>>
    tpu.enqueue_indirect_dma source(%dma_start3A_791 : memref<1000000xf32, #tpu.memory_space<hbm>>) target(%dma_start3A_786 : memref<128xf32, #tpu.memory_space<vmem>>) offsets(%dma_start3A_789 : memref<128xi32, #tpu.memory_space<vmem>>) semaphore(%arg48 : memref<!tpu.dma_semaphore, #tpu.memory_space<semaphore_mem>>)
    %dma_start3A_792 = arith.constant 2 : i32
    %dma_start3A_793 = arith.constant 36 : i32
    %dma_start3A_794 = arith.constant 0 : i32
    %dma_start3A_795 = tpu.memref_slice %arg43[%dma_start3A_793, %dma_start3A_794] : memref<64x128xf32, #tpu.memory_space<vmem>> -> memref<1x128xf32, #tpu.memory_space<vmem>>
    %dma_start3A_796 = tpu.memref_squeeze %dma_start3A_795 : memref<1x128xf32, #tpu.memory_space<vmem>> -> memref<128xf32, #tpu.memory_space<vmem>>
    %dma_start3A_797 = arith.constant 0 : i32
    %dma_start3A_798 = tpu.memref_slice %arg41[%dma_start3A_792, %dma_start3A_797] : memref<4x128xi32, #tpu.memory_space<vmem>> -> memref<1x128xi32, #tpu.memory_space<vmem>>
    %dma_start3A_799 = tpu.memref_squeeze %dma_start3A_798 : memref<1x128xi32, #tpu.memory_space<vmem>> -> memref<128xi32, #tpu.memory_space<vmem>>
    %dma_start3A_800 = arith.constant 0 : i32
    %dma_start3A_801 = tpu.memref_slice %arg26[%dma_start3A_800] : memref<1000000xf32, #tpu.memory_space<hbm>> -> memref<1000000xf32, #tpu.memory_space<hbm>>
    tpu.enqueue_indirect_dma source(%dma_start3A_801 : memref<1000000xf32, #tpu.memory_space<hbm>>) target(%dma_start3A_796 : memref<128xf32, #tpu.memory_space<vmem>>) offsets(%dma_start3A_799 : memref<128xi32, #tpu.memory_space<vmem>>) semaphore(%arg48 : memref<!tpu.dma_semaphore, #tpu.memory_space<semaphore_mem>>)
    %dma_start3A_802 = arith.constant 2 : i32
    %dma_start3A_803 = arith.constant 37 : i32
    %dma_start3A_804 = arith.constant 0 : i32
    %dma_start3A_805 = tpu.memref_slice %arg42[%dma_start3A_803, %dma_start3A_804] : memref<64x128xf32, #tpu.memory_space<vmem>> -> memref<1x128xf32, #tpu.memory_space<vmem>>
    %dma_start3A_806 = tpu.memref_squeeze %dma_start3A_805 : memref<1x128xf32, #tpu.memory_space<vmem>> -> memref<128xf32, #tpu.memory_space<vmem>>
    %dma_start3A_807 = arith.constant 0 : i32
    %dma_start3A_808 = tpu.memref_slice %arg40[%dma_start3A_802, %dma_start3A_807] : memref<4x128xi32, #tpu.memory_space<vmem>> -> memref<1x128xi32, #tpu.memory_space<vmem>>
    %dma_start3A_809 = tpu.memref_squeeze %dma_start3A_808 : memref<1x128xi32, #tpu.memory_space<vmem>> -> memref<128xi32, #tpu.memory_space<vmem>>
    %dma_start3A_810 = arith.constant 0 : i32
    %dma_start3A_811 = tpu.memref_slice %arg11[%dma_start3A_810] : memref<1000000xf32, #tpu.memory_space<hbm>> -> memref<1000000xf32, #tpu.memory_space<hbm>>
    tpu.enqueue_indirect_dma source(%dma_start3A_811 : memref<1000000xf32, #tpu.memory_space<hbm>>) target(%dma_start3A_806 : memref<128xf32, #tpu.memory_space<vmem>>) offsets(%dma_start3A_809 : memref<128xi32, #tpu.memory_space<vmem>>) semaphore(%arg48 : memref<!tpu.dma_semaphore, #tpu.memory_space<semaphore_mem>>)
    %dma_start3A_812 = arith.constant 2 : i32
    %dma_start3A_813 = arith.constant 37 : i32
    %dma_start3A_814 = arith.constant 0 : i32
    %dma_start3A_815 = tpu.memref_slice %arg43[%dma_start3A_813, %dma_start3A_814] : memref<64x128xf32, #tpu.memory_space<vmem>> -> memref<1x128xf32, #tpu.memory_space<vmem>>
    %dma_start3A_816 = tpu.memref_squeeze %dma_start3A_815 : memref<1x128xf32, #tpu.memory_space<vmem>> -> memref<128xf32, #tpu.memory_space<vmem>>
    %dma_start3A_817 = arith.constant 0 : i32
    %dma_start3A_818 = tpu.memref_slice %arg41[%dma_start3A_812, %dma_start3A_817] : memref<4x128xi32, #tpu.memory_space<vmem>> -> memref<1x128xi32, #tpu.memory_space<vmem>>
    %dma_start3A_819 = tpu.memref_squeeze %dma_start3A_818 : memref<1x128xi32, #tpu.memory_space<vmem>> -> memref<128xi32, #tpu.memory_space<vmem>>
    %dma_start3A_820 = arith.constant 0 : i32
    %dma_start3A_821 = tpu.memref_slice %arg27[%dma_start3A_820] : memref<1000000xf32, #tpu.memory_space<hbm>> -> memref<1000000xf32, #tpu.memory_space<hbm>>
    tpu.enqueue_indirect_dma source(%dma_start3A_821 : memref<1000000xf32, #tpu.memory_space<hbm>>) target(%dma_start3A_816 : memref<128xf32, #tpu.memory_space<vmem>>) offsets(%dma_start3A_819 : memref<128xi32, #tpu.memory_space<vmem>>) semaphore(%arg48 : memref<!tpu.dma_semaphore, #tpu.memory_space<semaphore_mem>>)
    %dma_start3A_822 = arith.constant 2 : i32
    %dma_start3A_823 = arith.constant 38 : i32
    %dma_start3A_824 = arith.constant 0 : i32
    %dma_start3A_825 = tpu.memref_slice %arg42[%dma_start3A_823, %dma_start3A_824] : memref<64x128xf32, #tpu.memory_space<vmem>> -> memref<1x128xf32, #tpu.memory_space<vmem>>
    %dma_start3A_826 = tpu.memref_squeeze %dma_start3A_825 : memref<1x128xf32, #tpu.memory_space<vmem>> -> memref<128xf32, #tpu.memory_space<vmem>>
    %dma_start3A_827 = arith.constant 0 : i32
    %dma_start3A_828 = tpu.memref_slice %arg40[%dma_start3A_822, %dma_start3A_827] : memref<4x128xi32, #tpu.memory_space<vmem>> -> memref<1x128xi32, #tpu.memory_space<vmem>>
    %dma_start3A_829 = tpu.memref_squeeze %dma_start3A_828 : memref<1x128xi32, #tpu.memory_space<vmem>> -> memref<128xi32, #tpu.memory_space<vmem>>
    %dma_start3A_830 = arith.constant 0 : i32
    %dma_start3A_831 = tpu.memref_slice %arg12[%dma_start3A_830] : memref<1000000xf32, #tpu.memory_space<hbm>> -> memref<1000000xf32, #tpu.memory_space<hbm>>
    tpu.enqueue_indirect_dma source(%dma_start3A_831 : memref<1000000xf32, #tpu.memory_space<hbm>>) target(%dma_start3A_826 : memref<128xf32, #tpu.memory_space<vmem>>) offsets(%dma_start3A_829 : memref<128xi32, #tpu.memory_space<vmem>>) semaphore(%arg48 : memref<!tpu.dma_semaphore, #tpu.memory_space<semaphore_mem>>)
    %dma_start3A_832 = arith.constant 2 : i32
    %dma_start3A_833 = arith.constant 38 : i32
    %dma_start3A_834 = arith.constant 0 : i32
    %dma_start3A_835 = tpu.memref_slice %arg43[%dma_start3A_833, %dma_start3A_834] : memref<64x128xf32, #tpu.memory_space<vmem>> -> memref<1x128xf32, #tpu.memory_space<vmem>>
    %dma_start3A_836 = tpu.memref_squeeze %dma_start3A_835 : memref<1x128xf32, #tpu.memory_space<vmem>> -> memref<128xf32, #tpu.memory_space<vmem>>
    %dma_start3A_837 = arith.constant 0 : i32
    %dma_start3A_838 = tpu.memref_slice %arg41[%dma_start3A_832, %dma_start3A_837] : memref<4x128xi32, #tpu.memory_space<vmem>> -> memref<1x128xi32, #tpu.memory_space<vmem>>
    %dma_start3A_839 = tpu.memref_squeeze %dma_start3A_838 : memref<1x128xi32, #tpu.memory_space<vmem>> -> memref<128xi32, #tpu.memory_space<vmem>>
    %dma_start3A_840 = arith.constant 0 : i32
    %dma_start3A_841 = tpu.memref_slice %arg28[%dma_start3A_840] : memref<1000000xf32, #tpu.memory_space<hbm>> -> memref<1000000xf32, #tpu.memory_space<hbm>>
    tpu.enqueue_indirect_dma source(%dma_start3A_841 : memref<1000000xf32, #tpu.memory_space<hbm>>) target(%dma_start3A_836 : memref<128xf32, #tpu.memory_space<vmem>>) offsets(%dma_start3A_839 : memref<128xi32, #tpu.memory_space<vmem>>) semaphore(%arg48 : memref<!tpu.dma_semaphore, #tpu.memory_space<semaphore_mem>>)
    %dma_start3A_842 = arith.constant 2 : i32
    %dma_start3A_843 = arith.constant 39 : i32
    %dma_start3A_844 = arith.constant 0 : i32
    %dma_start3A_845 = tpu.memref_slice %arg42[%dma_start3A_843, %dma_start3A_844] : memref<64x128xf32, #tpu.memory_space<vmem>> -> memref<1x128xf32, #tpu.memory_space<vmem>>
    %dma_start3A_846 = tpu.memref_squeeze %dma_start3A_845 : memref<1x128xf32, #tpu.memory_space<vmem>> -> memref<128xf32, #tpu.memory_space<vmem>>
    %dma_start3A_847 = arith.constant 0 : i32
    %dma_start3A_848 = tpu.memref_slice %arg40[%dma_start3A_842, %dma_start3A_847] : memref<4x128xi32, #tpu.memory_space<vmem>> -> memref<1x128xi32, #tpu.memory_space<vmem>>
    %dma_start3A_849 = tpu.memref_squeeze %dma_start3A_848 : memref<1x128xi32, #tpu.memory_space<vmem>> -> memref<128xi32, #tpu.memory_space<vmem>>
    %dma_start3A_850 = arith.constant 0 : i32
    %dma_start3A_851 = tpu.memref_slice %arg13[%dma_start3A_850] : memref<1000000xf32, #tpu.memory_space<hbm>> -> memref<1000000xf32, #tpu.memory_space<hbm>>
    tpu.enqueue_indirect_dma source(%dma_start3A_851 : memref<1000000xf32, #tpu.memory_space<hbm>>) target(%dma_start3A_846 : memref<128xf32, #tpu.memory_space<vmem>>) offsets(%dma_start3A_849 : memref<128xi32, #tpu.memory_space<vmem>>) semaphore(%arg48 : memref<!tpu.dma_semaphore, #tpu.memory_space<semaphore_mem>>)
    %dma_start3A_852 = arith.constant 2 : i32
    %dma_start3A_853 = arith.constant 39 : i32
    %dma_start3A_854 = arith.constant 0 : i32
    %dma_start3A_855 = tpu.memref_slice %arg43[%dma_start3A_853, %dma_start3A_854] : memref<64x128xf32, #tpu.memory_space<vmem>> -> memref<1x128xf32, #tpu.memory_space<vmem>>
    %dma_start3A_856 = tpu.memref_squeeze %dma_start3A_855 : memref<1x128xf32, #tpu.memory_space<vmem>> -> memref<128xf32, #tpu.memory_space<vmem>>
    %dma_start3A_857 = arith.constant 0 : i32
    %dma_start3A_858 = tpu.memref_slice %arg41[%dma_start3A_852, %dma_start3A_857] : memref<4x128xi32, #tpu.memory_space<vmem>> -> memref<1x128xi32, #tpu.memory_space<vmem>>
    %dma_start3A_859 = tpu.memref_squeeze %dma_start3A_858 : memref<1x128xi32, #tpu.memory_space<vmem>> -> memref<128xi32, #tpu.memory_space<vmem>>
    %dma_start3A_860 = arith.constant 0 : i32
    %dma_start3A_861 = tpu.memref_slice %arg29[%dma_start3A_860] : memref<1000000xf32, #tpu.memory_space<hbm>> -> memref<1000000xf32, #tpu.memory_space<hbm>>
    tpu.enqueue_indirect_dma source(%dma_start3A_861 : memref<1000000xf32, #tpu.memory_space<hbm>>) target(%dma_start3A_856 : memref<128xf32, #tpu.memory_space<vmem>>) offsets(%dma_start3A_859 : memref<128xi32, #tpu.memory_space<vmem>>) semaphore(%arg48 : memref<!tpu.dma_semaphore, #tpu.memory_space<semaphore_mem>>)
    %dma_start3A_862 = arith.constant 2 : i32
    %dma_start3A_863 = arith.constant 40 : i32
    %dma_start3A_864 = arith.constant 0 : i32
    %dma_start3A_865 = tpu.memref_slice %arg42[%dma_start3A_863, %dma_start3A_864] : memref<64x128xf32, #tpu.memory_space<vmem>> -> memref<1x128xf32, #tpu.memory_space<vmem>>
    %dma_start3A_866 = tpu.memref_squeeze %dma_start3A_865 : memref<1x128xf32, #tpu.memory_space<vmem>> -> memref<128xf32, #tpu.memory_space<vmem>>
    %dma_start3A_867 = arith.constant 0 : i32
    %dma_start3A_868 = tpu.memref_slice %arg40[%dma_start3A_862, %dma_start3A_867] : memref<4x128xi32, #tpu.memory_space<vmem>> -> memref<1x128xi32, #tpu.memory_space<vmem>>
    %dma_start3A_869 = tpu.memref_squeeze %dma_start3A_868 : memref<1x128xi32, #tpu.memory_space<vmem>> -> memref<128xi32, #tpu.memory_space<vmem>>
    %dma_start3A_870 = arith.constant 0 : i32
    %dma_start3A_871 = tpu.memref_slice %arg14[%dma_start3A_870] : memref<1000000xf32, #tpu.memory_space<hbm>> -> memref<1000000xf32, #tpu.memory_space<hbm>>
    tpu.enqueue_indirect_dma source(%dma_start3A_871 : memref<1000000xf32, #tpu.memory_space<hbm>>) target(%dma_start3A_866 : memref<128xf32, #tpu.memory_space<vmem>>) offsets(%dma_start3A_869 : memref<128xi32, #tpu.memory_space<vmem>>) semaphore(%arg48 : memref<!tpu.dma_semaphore, #tpu.memory_space<semaphore_mem>>)
    %dma_start3A_872 = arith.constant 2 : i32
    %dma_start3A_873 = arith.constant 40 : i32
    %dma_start3A_874 = arith.constant 0 : i32
    %dma_start3A_875 = tpu.memref_slice %arg43[%dma_start3A_873, %dma_start3A_874] : memref<64x128xf32, #tpu.memory_space<vmem>> -> memref<1x128xf32, #tpu.memory_space<vmem>>
    %dma_start3A_876 = tpu.memref_squeeze %dma_start3A_875 : memref<1x128xf32, #tpu.memory_space<vmem>> -> memref<128xf32, #tpu.memory_space<vmem>>
    %dma_start3A_877 = arith.constant 0 : i32
    %dma_start3A_878 = tpu.memref_slice %arg41[%dma_start3A_872, %dma_start3A_877] : memref<4x128xi32, #tpu.memory_space<vmem>> -> memref<1x128xi32, #tpu.memory_space<vmem>>
    %dma_start3A_879 = tpu.memref_squeeze %dma_start3A_878 : memref<1x128xi32, #tpu.memory_space<vmem>> -> memref<128xi32, #tpu.memory_space<vmem>>
    %dma_start3A_880 = arith.constant 0 : i32
    %dma_start3A_881 = tpu.memref_slice %arg30[%dma_start3A_880] : memref<1000000xf32, #tpu.memory_space<hbm>> -> memref<1000000xf32, #tpu.memory_space<hbm>>
    tpu.enqueue_indirect_dma source(%dma_start3A_881 : memref<1000000xf32, #tpu.memory_space<hbm>>) target(%dma_start3A_876 : memref<128xf32, #tpu.memory_space<vmem>>) offsets(%dma_start3A_879 : memref<128xi32, #tpu.memory_space<vmem>>) semaphore(%arg48 : memref<!tpu.dma_semaphore, #tpu.memory_space<semaphore_mem>>)
    %dma_start3A_882 = arith.constant 2 : i32
    %dma_start3A_883 = arith.constant 41 : i32
    %dma_start3A_884 = arith.constant 0 : i32
    %dma_start3A_885 = tpu.memref_slice %arg42[%dma_start3A_883, %dma_start3A_884] : memref<64x128xf32, #tpu.memory_space<vmem>> -> memref<1x128xf32, #tpu.memory_space<vmem>>
    %dma_start3A_886 = tpu.memref_squeeze %dma_start3A_885 : memref<1x128xf32, #tpu.memory_space<vmem>> -> memref<128xf32, #tpu.memory_space<vmem>>
    %dma_start3A_887 = arith.constant 0 : i32
    %dma_start3A_888 = tpu.memref_slice %arg40[%dma_start3A_882, %dma_start3A_887] : memref<4x128xi32, #tpu.memory_space<vmem>> -> memref<1x128xi32, #tpu.memory_space<vmem>>
    %dma_start3A_889 = tpu.memref_squeeze %dma_start3A_888 : memref<1x128xi32, #tpu.memory_space<vmem>> -> memref<128xi32, #tpu.memory_space<vmem>>
    %dma_start3A_890 = arith.constant 0 : i32
    %dma_start3A_891 = tpu.memref_slice %arg15[%dma_start3A_890] : memref<1000000xf32, #tpu.memory_space<hbm>> -> memref<1000000xf32, #tpu.memory_space<hbm>>
    tpu.enqueue_indirect_dma source(%dma_start3A_891 : memref<1000000xf32, #tpu.memory_space<hbm>>) target(%dma_start3A_886 : memref<128xf32, #tpu.memory_space<vmem>>) offsets(%dma_start3A_889 : memref<128xi32, #tpu.memory_space<vmem>>) semaphore(%arg48 : memref<!tpu.dma_semaphore, #tpu.memory_space<semaphore_mem>>)
    %dma_start3A_892 = arith.constant 2 : i32
    %dma_start3A_893 = arith.constant 41 : i32
    %dma_start3A_894 = arith.constant 0 : i32
    %dma_start3A_895 = tpu.memref_slice %arg43[%dma_start3A_893, %dma_start3A_894] : memref<64x128xf32, #tpu.memory_space<vmem>> -> memref<1x128xf32, #tpu.memory_space<vmem>>
    %dma_start3A_896 = tpu.memref_squeeze %dma_start3A_895 : memref<1x128xf32, #tpu.memory_space<vmem>> -> memref<128xf32, #tpu.memory_space<vmem>>
    %dma_start3A_897 = arith.constant 0 : i32
    %dma_start3A_898 = tpu.memref_slice %arg41[%dma_start3A_892, %dma_start3A_897] : memref<4x128xi32, #tpu.memory_space<vmem>> -> memref<1x128xi32, #tpu.memory_space<vmem>>
    %dma_start3A_899 = tpu.memref_squeeze %dma_start3A_898 : memref<1x128xi32, #tpu.memory_space<vmem>> -> memref<128xi32, #tpu.memory_space<vmem>>
    %dma_start3A_900 = arith.constant 0 : i32
    %dma_start3A_901 = tpu.memref_slice %arg31[%dma_start3A_900] : memref<1000000xf32, #tpu.memory_space<hbm>> -> memref<1000000xf32, #tpu.memory_space<hbm>>
    tpu.enqueue_indirect_dma source(%dma_start3A_901 : memref<1000000xf32, #tpu.memory_space<hbm>>) target(%dma_start3A_896 : memref<128xf32, #tpu.memory_space<vmem>>) offsets(%dma_start3A_899 : memref<128xi32, #tpu.memory_space<vmem>>) semaphore(%arg48 : memref<!tpu.dma_semaphore, #tpu.memory_space<semaphore_mem>>)
    %dma_start3A_902 = arith.constant 2 : i32
    %dma_start3A_903 = arith.constant 42 : i32
    %dma_start3A_904 = arith.constant 0 : i32
    %dma_start3A_905 = tpu.memref_slice %arg42[%dma_start3A_903, %dma_start3A_904] : memref<64x128xf32, #tpu.memory_space<vmem>> -> memref<1x128xf32, #tpu.memory_space<vmem>>
    %dma_start3A_906 = tpu.memref_squeeze %dma_start3A_905 : memref<1x128xf32, #tpu.memory_space<vmem>> -> memref<128xf32, #tpu.memory_space<vmem>>
    %dma_start3A_907 = arith.constant 0 : i32
    %dma_start3A_908 = tpu.memref_slice %arg40[%dma_start3A_902, %dma_start3A_907] : memref<4x128xi32, #tpu.memory_space<vmem>> -> memref<1x128xi32, #tpu.memory_space<vmem>>
    %dma_start3A_909 = tpu.memref_squeeze %dma_start3A_908 : memref<1x128xi32, #tpu.memory_space<vmem>> -> memref<128xi32, #tpu.memory_space<vmem>>
    %dma_start3A_910 = arith.constant 0 : i32
    %dma_start3A_911 = tpu.memref_slice %arg16[%dma_start3A_910] : memref<1000000xf32, #tpu.memory_space<hbm>> -> memref<1000000xf32, #tpu.memory_space<hbm>>
    tpu.enqueue_indirect_dma source(%dma_start3A_911 : memref<1000000xf32, #tpu.memory_space<hbm>>) target(%dma_start3A_906 : memref<128xf32, #tpu.memory_space<vmem>>) offsets(%dma_start3A_909 : memref<128xi32, #tpu.memory_space<vmem>>) semaphore(%arg48 : memref<!tpu.dma_semaphore, #tpu.memory_space<semaphore_mem>>)
    %dma_start3A_912 = arith.constant 2 : i32
    %dma_start3A_913 = arith.constant 42 : i32
    %dma_start3A_914 = arith.constant 0 : i32
    %dma_start3A_915 = tpu.memref_slice %arg43[%dma_start3A_913, %dma_start3A_914] : memref<64x128xf32, #tpu.memory_space<vmem>> -> memref<1x128xf32, #tpu.memory_space<vmem>>
    %dma_start3A_916 = tpu.memref_squeeze %dma_start3A_915 : memref<1x128xf32, #tpu.memory_space<vmem>> -> memref<128xf32, #tpu.memory_space<vmem>>
    %dma_start3A_917 = arith.constant 0 : i32
    %dma_start3A_918 = tpu.memref_slice %arg41[%dma_start3A_912, %dma_start3A_917] : memref<4x128xi32, #tpu.memory_space<vmem>> -> memref<1x128xi32, #tpu.memory_space<vmem>>
    %dma_start3A_919 = tpu.memref_squeeze %dma_start3A_918 : memref<1x128xi32, #tpu.memory_space<vmem>> -> memref<128xi32, #tpu.memory_space<vmem>>
    %dma_start3A_920 = arith.constant 0 : i32
    %dma_start3A_921 = tpu.memref_slice %arg32[%dma_start3A_920] : memref<1000000xf32, #tpu.memory_space<hbm>> -> memref<1000000xf32, #tpu.memory_space<hbm>>
    tpu.enqueue_indirect_dma source(%dma_start3A_921 : memref<1000000xf32, #tpu.memory_space<hbm>>) target(%dma_start3A_916 : memref<128xf32, #tpu.memory_space<vmem>>) offsets(%dma_start3A_919 : memref<128xi32, #tpu.memory_space<vmem>>) semaphore(%arg48 : memref<!tpu.dma_semaphore, #tpu.memory_space<semaphore_mem>>)
    %dma_start3A_922 = arith.constant 2 : i32
    %dma_start3A_923 = arith.constant 43 : i32
    %dma_start3A_924 = arith.constant 0 : i32
    %dma_start3A_925 = tpu.memref_slice %arg42[%dma_start3A_923, %dma_start3A_924] : memref<64x128xf32, #tpu.memory_space<vmem>> -> memref<1x128xf32, #tpu.memory_space<vmem>>
    %dma_start3A_926 = tpu.memref_squeeze %dma_start3A_925 : memref<1x128xf32, #tpu.memory_space<vmem>> -> memref<128xf32, #tpu.memory_space<vmem>>
    %dma_start3A_927 = arith.constant 0 : i32
    %dma_start3A_928 = tpu.memref_slice %arg40[%dma_start3A_922, %dma_start3A_927] : memref<4x128xi32, #tpu.memory_space<vmem>> -> memref<1x128xi32, #tpu.memory_space<vmem>>
    %dma_start3A_929 = tpu.memref_squeeze %dma_start3A_928 : memref<1x128xi32, #tpu.memory_space<vmem>> -> memref<128xi32, #tpu.memory_space<vmem>>
    %dma_start3A_930 = arith.constant 0 : i32
    %dma_start3A_931 = tpu.memref_slice %arg17[%dma_start3A_930] : memref<1000000xf32, #tpu.memory_space<hbm>> -> memref<1000000xf32, #tpu.memory_space<hbm>>
    tpu.enqueue_indirect_dma source(%dma_start3A_931 : memref<1000000xf32, #tpu.memory_space<hbm>>) target(%dma_start3A_926 : memref<128xf32, #tpu.memory_space<vmem>>) offsets(%dma_start3A_929 : memref<128xi32, #tpu.memory_space<vmem>>) semaphore(%arg48 : memref<!tpu.dma_semaphore, #tpu.memory_space<semaphore_mem>>)
    %dma_start3A_932 = arith.constant 2 : i32
    %dma_start3A_933 = arith.constant 43 : i32
    %dma_start3A_934 = arith.constant 0 : i32
    %dma_start3A_935 = tpu.memref_slice %arg43[%dma_start3A_933, %dma_start3A_934] : memref<64x128xf32, #tpu.memory_space<vmem>> -> memref<1x128xf32, #tpu.memory_space<vmem>>
    %dma_start3A_936 = tpu.memref_squeeze %dma_start3A_935 : memref<1x128xf32, #tpu.memory_space<vmem>> -> memref<128xf32, #tpu.memory_space<vmem>>
    %dma_start3A_937 = arith.constant 0 : i32
    %dma_start3A_938 = tpu.memref_slice %arg41[%dma_start3A_932, %dma_start3A_937] : memref<4x128xi32, #tpu.memory_space<vmem>> -> memref<1x128xi32, #tpu.memory_space<vmem>>
    %dma_start3A_939 = tpu.memref_squeeze %dma_start3A_938 : memref<1x128xi32, #tpu.memory_space<vmem>> -> memref<128xi32, #tpu.memory_space<vmem>>
    %dma_start3A_940 = arith.constant 0 : i32
    %dma_start3A_941 = tpu.memref_slice %arg33[%dma_start3A_940] : memref<1000000xf32, #tpu.memory_space<hbm>> -> memref<1000000xf32, #tpu.memory_space<hbm>>
    tpu.enqueue_indirect_dma source(%dma_start3A_941 : memref<1000000xf32, #tpu.memory_space<hbm>>) target(%dma_start3A_936 : memref<128xf32, #tpu.memory_space<vmem>>) offsets(%dma_start3A_939 : memref<128xi32, #tpu.memory_space<vmem>>) semaphore(%arg48 : memref<!tpu.dma_semaphore, #tpu.memory_space<semaphore_mem>>)
    %dma_start3A_942 = arith.constant 2 : i32
    %dma_start3A_943 = arith.constant 44 : i32
    %dma_start3A_944 = arith.constant 0 : i32
    %dma_start3A_945 = tpu.memref_slice %arg42[%dma_start3A_943, %dma_start3A_944] : memref<64x128xf32, #tpu.memory_space<vmem>> -> memref<1x128xf32, #tpu.memory_space<vmem>>
    %dma_start3A_946 = tpu.memref_squeeze %dma_start3A_945 : memref<1x128xf32, #tpu.memory_space<vmem>> -> memref<128xf32, #tpu.memory_space<vmem>>
    %dma_start3A_947 = arith.constant 0 : i32
    %dma_start3A_948 = tpu.memref_slice %arg40[%dma_start3A_942, %dma_start3A_947] : memref<4x128xi32, #tpu.memory_space<vmem>> -> memref<1x128xi32, #tpu.memory_space<vmem>>
    %dma_start3A_949 = tpu.memref_squeeze %dma_start3A_948 : memref<1x128xi32, #tpu.memory_space<vmem>> -> memref<128xi32, #tpu.memory_space<vmem>>
    %dma_start3A_950 = arith.constant 0 : i32
    %dma_start3A_951 = tpu.memref_slice %arg18[%dma_start3A_950] : memref<1000000xf32, #tpu.memory_space<hbm>> -> memref<1000000xf32, #tpu.memory_space<hbm>>
    tpu.enqueue_indirect_dma source(%dma_start3A_951 : memref<1000000xf32, #tpu.memory_space<hbm>>) target(%dma_start3A_946 : memref<128xf32, #tpu.memory_space<vmem>>) offsets(%dma_start3A_949 : memref<128xi32, #tpu.memory_space<vmem>>) semaphore(%arg48 : memref<!tpu.dma_semaphore, #tpu.memory_space<semaphore_mem>>)
    %dma_start3A_952 = arith.constant 2 : i32
    %dma_start3A_953 = arith.constant 44 : i32
    %dma_start3A_954 = arith.constant 0 : i32
    %dma_start3A_955 = tpu.memref_slice %arg43[%dma_start3A_953, %dma_start3A_954] : memref<64x128xf32, #tpu.memory_space<vmem>> -> memref<1x128xf32, #tpu.memory_space<vmem>>
    %dma_start3A_956 = tpu.memref_squeeze %dma_start3A_955 : memref<1x128xf32, #tpu.memory_space<vmem>> -> memref<128xf32, #tpu.memory_space<vmem>>
    %dma_start3A_957 = arith.constant 0 : i32
    %dma_start3A_958 = tpu.memref_slice %arg41[%dma_start3A_952, %dma_start3A_957] : memref<4x128xi32, #tpu.memory_space<vmem>> -> memref<1x128xi32, #tpu.memory_space<vmem>>
    %dma_start3A_959 = tpu.memref_squeeze %dma_start3A_958 : memref<1x128xi32, #tpu.memory_space<vmem>> -> memref<128xi32, #tpu.memory_space<vmem>>
    %dma_start3A_960 = arith.constant 0 : i32
    %dma_start3A_961 = tpu.memref_slice %arg34[%dma_start3A_960] : memref<1000000xf32, #tpu.memory_space<hbm>> -> memref<1000000xf32, #tpu.memory_space<hbm>>
    tpu.enqueue_indirect_dma source(%dma_start3A_961 : memref<1000000xf32, #tpu.memory_space<hbm>>) target(%dma_start3A_956 : memref<128xf32, #tpu.memory_space<vmem>>) offsets(%dma_start3A_959 : memref<128xi32, #tpu.memory_space<vmem>>) semaphore(%arg48 : memref<!tpu.dma_semaphore, #tpu.memory_space<semaphore_mem>>)
    %dma_start3A_962 = arith.constant 2 : i32
    %dma_start3A_963 = arith.constant 45 : i32
    %dma_start3A_964 = arith.constant 0 : i32
    %dma_start3A_965 = tpu.memref_slice %arg42[%dma_start3A_963, %dma_start3A_964] : memref<64x128xf32, #tpu.memory_space<vmem>> -> memref<1x128xf32, #tpu.memory_space<vmem>>
    %dma_start3A_966 = tpu.memref_squeeze %dma_start3A_965 : memref<1x128xf32, #tpu.memory_space<vmem>> -> memref<128xf32, #tpu.memory_space<vmem>>
    %dma_start3A_967 = arith.constant 0 : i32
    %dma_start3A_968 = tpu.memref_slice %arg40[%dma_start3A_962, %dma_start3A_967] : memref<4x128xi32, #tpu.memory_space<vmem>> -> memref<1x128xi32, #tpu.memory_space<vmem>>
    %dma_start3A_969 = tpu.memref_squeeze %dma_start3A_968 : memref<1x128xi32, #tpu.memory_space<vmem>> -> memref<128xi32, #tpu.memory_space<vmem>>
    %dma_start3A_970 = arith.constant 0 : i32
    %dma_start3A_971 = tpu.memref_slice %arg19[%dma_start3A_970] : memref<1000000xf32, #tpu.memory_space<hbm>> -> memref<1000000xf32, #tpu.memory_space<hbm>>
    tpu.enqueue_indirect_dma source(%dma_start3A_971 : memref<1000000xf32, #tpu.memory_space<hbm>>) target(%dma_start3A_966 : memref<128xf32, #tpu.memory_space<vmem>>) offsets(%dma_start3A_969 : memref<128xi32, #tpu.memory_space<vmem>>) semaphore(%arg48 : memref<!tpu.dma_semaphore, #tpu.memory_space<semaphore_mem>>)
    %dma_start3A_972 = arith.constant 2 : i32
    %dma_start3A_973 = arith.constant 45 : i32
    %dma_start3A_974 = arith.constant 0 : i32
    %dma_start3A_975 = tpu.memref_slice %arg43[%dma_start3A_973, %dma_start3A_974] : memref<64x128xf32, #tpu.memory_space<vmem>> -> memref<1x128xf32, #tpu.memory_space<vmem>>
    %dma_start3A_976 = tpu.memref_squeeze %dma_start3A_975 : memref<1x128xf32, #tpu.memory_space<vmem>> -> memref<128xf32, #tpu.memory_space<vmem>>
    %dma_start3A_977 = arith.constant 0 : i32
    %dma_start3A_978 = tpu.memref_slice %arg41[%dma_start3A_972, %dma_start3A_977] : memref<4x128xi32, #tpu.memory_space<vmem>> -> memref<1x128xi32, #tpu.memory_space<vmem>>
    %dma_start3A_979 = tpu.memref_squeeze %dma_start3A_978 : memref<1x128xi32, #tpu.memory_space<vmem>> -> memref<128xi32, #tpu.memory_space<vmem>>
    %dma_start3A_980 = arith.constant 0 : i32
    %dma_start3A_981 = tpu.memref_slice %arg35[%dma_start3A_980] : memref<1000000xf32, #tpu.memory_space<hbm>> -> memref<1000000xf32, #tpu.memory_space<hbm>>
    tpu.enqueue_indirect_dma source(%dma_start3A_981 : memref<1000000xf32, #tpu.memory_space<hbm>>) target(%dma_start3A_976 : memref<128xf32, #tpu.memory_space<vmem>>) offsets(%dma_start3A_979 : memref<128xi32, #tpu.memory_space<vmem>>) semaphore(%arg48 : memref<!tpu.dma_semaphore, #tpu.memory_space<semaphore_mem>>)
    %dma_start3A_982 = arith.constant 2 : i32
    %dma_start3A_983 = arith.constant 46 : i32
    %dma_start3A_984 = arith.constant 0 : i32
    %dma_start3A_985 = tpu.memref_slice %arg42[%dma_start3A_983, %dma_start3A_984] : memref<64x128xf32, #tpu.memory_space<vmem>> -> memref<1x128xf32, #tpu.memory_space<vmem>>
    %dma_start3A_986 = tpu.memref_squeeze %dma_start3A_985 : memref<1x128xf32, #tpu.memory_space<vmem>> -> memref<128xf32, #tpu.memory_space<vmem>>
    %dma_start3A_987 = arith.constant 0 : i32
    %dma_start3A_988 = tpu.memref_slice %arg40[%dma_start3A_982, %dma_start3A_987] : memref<4x128xi32, #tpu.memory_space<vmem>> -> memref<1x128xi32, #tpu.memory_space<vmem>>
    %dma_start3A_989 = tpu.memref_squeeze %dma_start3A_988 : memref<1x128xi32, #tpu.memory_space<vmem>> -> memref<128xi32, #tpu.memory_space<vmem>>
    %dma_start3A_990 = arith.constant 0 : i32
    %dma_start3A_991 = tpu.memref_slice %arg20[%dma_start3A_990] : memref<1000000xf32, #tpu.memory_space<hbm>> -> memref<1000000xf32, #tpu.memory_space<hbm>>
    tpu.enqueue_indirect_dma source(%dma_start3A_991 : memref<1000000xf32, #tpu.memory_space<hbm>>) target(%dma_start3A_986 : memref<128xf32, #tpu.memory_space<vmem>>) offsets(%dma_start3A_989 : memref<128xi32, #tpu.memory_space<vmem>>) semaphore(%arg48 : memref<!tpu.dma_semaphore, #tpu.memory_space<semaphore_mem>>)
    %dma_start3A_992 = arith.constant 2 : i32
    %dma_start3A_993 = arith.constant 46 : i32
    %dma_start3A_994 = arith.constant 0 : i32
    %dma_start3A_995 = tpu.memref_slice %arg43[%dma_start3A_993, %dma_start3A_994] : memref<64x128xf32, #tpu.memory_space<vmem>> -> memref<1x128xf32, #tpu.memory_space<vmem>>
    %dma_start3A_996 = tpu.memref_squeeze %dma_start3A_995 : memref<1x128xf32, #tpu.memory_space<vmem>> -> memref<128xf32, #tpu.memory_space<vmem>>
    %dma_start3A_997 = arith.constant 0 : i32
    %dma_start3A_998 = tpu.memref_slice %arg41[%dma_start3A_992, %dma_start3A_997] : memref<4x128xi32, #tpu.memory_space<vmem>> -> memref<1x128xi32, #tpu.memory_space<vmem>>
    %dma_start3A_999 = tpu.memref_squeeze %dma_start3A_998 : memref<1x128xi32, #tpu.memory_space<vmem>> -> memref<128xi32, #tpu.memory_space<vmem>>
    %dma_start3A_1000 = arith.constant 0 : i32
    %dma_start3A_1001 = tpu.memref_slice %arg36[%dma_start3A_1000] : memref<1000000xf32, #tpu.memory_space<hbm>> -> memref<1000000xf32, #tpu.memory_space<hbm>>
    tpu.enqueue_indirect_dma source(%dma_start3A_1001 : memref<1000000xf32, #tpu.memory_space<hbm>>) target(%dma_start3A_996 : memref<128xf32, #tpu.memory_space<vmem>>) offsets(%dma_start3A_999 : memref<128xi32, #tpu.memory_space<vmem>>) semaphore(%arg48 : memref<!tpu.dma_semaphore, #tpu.memory_space<semaphore_mem>>)
    %dma_start3A_1002 = arith.constant 2 : i32
    %dma_start3A_1003 = arith.constant 47 : i32
    %dma_start3A_1004 = arith.constant 0 : i32
    %dma_start3A_1005 = tpu.memref_slice %arg42[%dma_start3A_1003, %dma_start3A_1004] : memref<64x128xf32, #tpu.memory_space<vmem>> -> memref<1x128xf32, #tpu.memory_space<vmem>>
    %dma_start3A_1006 = tpu.memref_squeeze %dma_start3A_1005 : memref<1x128xf32, #tpu.memory_space<vmem>> -> memref<128xf32, #tpu.memory_space<vmem>>
    %dma_start3A_1007 = arith.constant 0 : i32
    %dma_start3A_1008 = tpu.memref_slice %arg40[%dma_start3A_1002, %dma_start3A_1007] : memref<4x128xi32, #tpu.memory_space<vmem>> -> memref<1x128xi32, #tpu.memory_space<vmem>>
    %dma_start3A_1009 = tpu.memref_squeeze %dma_start3A_1008 : memref<1x128xi32, #tpu.memory_space<vmem>> -> memref<128xi32, #tpu.memory_space<vmem>>
    %dma_start3A_1010 = arith.constant 0 : i32
    %dma_start3A_1011 = tpu.memref_slice %arg21[%dma_start3A_1010] : memref<1000000xf32, #tpu.memory_space<hbm>> -> memref<1000000xf32, #tpu.memory_space<hbm>>
    tpu.enqueue_indirect_dma source(%dma_start3A_1011 : memref<1000000xf32, #tpu.memory_space<hbm>>) target(%dma_start3A_1006 : memref<128xf32, #tpu.memory_space<vmem>>) offsets(%dma_start3A_1009 : memref<128xi32, #tpu.memory_space<vmem>>) semaphore(%arg48 : memref<!tpu.dma_semaphore, #tpu.memory_space<semaphore_mem>>)
    %dma_start3A_1012 = arith.constant 2 : i32
    %dma_start3A_1013 = arith.constant 47 : i32
    %dma_start3A_1014 = arith.constant 0 : i32
    %dma_start3A_1015 = tpu.memref_slice %arg43[%dma_start3A_1013, %dma_start3A_1014] : memref<64x128xf32, #tpu.memory_space<vmem>> -> memref<1x128xf32, #tpu.memory_space<vmem>>
    %dma_start3A_1016 = tpu.memref_squeeze %dma_start3A_1015 : memref<1x128xf32, #tpu.memory_space<vmem>> -> memref<128xf32, #tpu.memory_space<vmem>>
    %dma_start3A_1017 = arith.constant 0 : i32
    %dma_start3A_1018 = tpu.memref_slice %arg41[%dma_start3A_1012, %dma_start3A_1017] : memref<4x128xi32, #tpu.memory_space<vmem>> -> memref<1x128xi32, #tpu.memory_space<vmem>>
    %dma_start3A_1019 = tpu.memref_squeeze %dma_start3A_1018 : memref<1x128xi32, #tpu.memory_space<vmem>> -> memref<128xi32, #tpu.memory_space<vmem>>
    %dma_start3A_1020 = arith.constant 0 : i32
    %dma_start3A_1021 = tpu.memref_slice %arg37[%dma_start3A_1020] : memref<1000000xf32, #tpu.memory_space<hbm>> -> memref<1000000xf32, #tpu.memory_space<hbm>>
    tpu.enqueue_indirect_dma source(%dma_start3A_1021 : memref<1000000xf32, #tpu.memory_space<hbm>>) target(%dma_start3A_1016 : memref<128xf32, #tpu.memory_space<vmem>>) offsets(%dma_start3A_1019 : memref<128xi32, #tpu.memory_space<vmem>>) semaphore(%arg48 : memref<!tpu.dma_semaphore, #tpu.memory_space<semaphore_mem>>)
    %dma_start3A_1022 = arith.constant 3 : i32
    %dma_start3A_1023 = arith.constant 3 : i32
    %dma_start3A_1024 = arith.constant 0 : i32
    %dma_start3A_1025 = tpu.memref_slice %arg44[%dma_start3A_1023, %dma_start3A_1024] : memref<4x128xf32, #tpu.memory_space<vmem>> -> memref<1x128xf32, #tpu.memory_space<vmem>>
    %dma_start3A_1026 = tpu.memref_squeeze %dma_start3A_1025 : memref<1x128xf32, #tpu.memory_space<vmem>> -> memref<128xf32, #tpu.memory_space<vmem>>
    %dma_start3A_1027 = arith.constant 0 : i32
    %dma_start3A_1028 = tpu.memref_slice %arg40[%dma_start3A_1022, %dma_start3A_1027] : memref<4x128xi32, #tpu.memory_space<vmem>> -> memref<1x128xi32, #tpu.memory_space<vmem>>
    %dma_start3A_1029 = tpu.memref_squeeze %dma_start3A_1028 : memref<1x128xi32, #tpu.memory_space<vmem>> -> memref<128xi32, #tpu.memory_space<vmem>>
    %dma_start3A_1030 = arith.constant 0 : i32
    %dma_start3A_1031 = tpu.memref_slice %arg4[%dma_start3A_1030] : memref<1000000xf32, #tpu.memory_space<hbm>> -> memref<1000000xf32, #tpu.memory_space<hbm>>
    tpu.enqueue_indirect_dma source(%dma_start3A_1031 : memref<1000000xf32, #tpu.memory_space<hbm>>) target(%dma_start3A_1026 : memref<128xf32, #tpu.memory_space<vmem>>) offsets(%dma_start3A_1029 : memref<128xi32, #tpu.memory_space<vmem>>) semaphore(%arg49 : memref<!tpu.dma_semaphore, #tpu.memory_space<semaphore_mem>>)
    %dma_start3A_1032 = arith.constant 3 : i32
    %dma_start3A_1033 = arith.constant 3 : i32
    %dma_start3A_1034 = arith.constant 0 : i32
    %dma_start3A_1035 = tpu.memref_slice %arg45[%dma_start3A_1033, %dma_start3A_1034] : memref<4x128xf32, #tpu.memory_space<vmem>> -> memref<1x128xf32, #tpu.memory_space<vmem>>
    %dma_start3A_1036 = tpu.memref_squeeze %dma_start3A_1035 : memref<1x128xf32, #tpu.memory_space<vmem>> -> memref<128xf32, #tpu.memory_space<vmem>>
    %dma_start3A_1037 = arith.constant 0 : i32
    %dma_start3A_1038 = tpu.memref_slice %arg41[%dma_start3A_1032, %dma_start3A_1037] : memref<4x128xi32, #tpu.memory_space<vmem>> -> memref<1x128xi32, #tpu.memory_space<vmem>>
    %dma_start3A_1039 = tpu.memref_squeeze %dma_start3A_1038 : memref<1x128xi32, #tpu.memory_space<vmem>> -> memref<128xi32, #tpu.memory_space<vmem>>
    %dma_start3A_1040 = arith.constant 0 : i32
    %dma_start3A_1041 = tpu.memref_slice %arg5[%dma_start3A_1040] : memref<1000000xf32, #tpu.memory_space<hbm>> -> memref<1000000xf32, #tpu.memory_space<hbm>>
    tpu.enqueue_indirect_dma source(%dma_start3A_1041 : memref<1000000xf32, #tpu.memory_space<hbm>>) target(%dma_start3A_1036 : memref<128xf32, #tpu.memory_space<vmem>>) offsets(%dma_start3A_1039 : memref<128xi32, #tpu.memory_space<vmem>>) semaphore(%arg49 : memref<!tpu.dma_semaphore, #tpu.memory_space<semaphore_mem>>)
    %dma_start3A_1042 = arith.constant 3 : i32
    %dma_start3A_1043 = arith.constant 48 : i32
    %dma_start3A_1044 = arith.constant 0 : i32
    %dma_start3A_1045 = tpu.memref_slice %arg42[%dma_start3A_1043, %dma_start3A_1044] : memref<64x128xf32, #tpu.memory_space<vmem>> -> memref<1x128xf32, #tpu.memory_space<vmem>>
    %dma_start3A_1046 = tpu.memref_squeeze %dma_start3A_1045 : memref<1x128xf32, #tpu.memory_space<vmem>> -> memref<128xf32, #tpu.memory_space<vmem>>
    %dma_start3A_1047 = arith.constant 0 : i32
    %dma_start3A_1048 = tpu.memref_slice %arg40[%dma_start3A_1042, %dma_start3A_1047] : memref<4x128xi32, #tpu.memory_space<vmem>> -> memref<1x128xi32, #tpu.memory_space<vmem>>
    %dma_start3A_1049 = tpu.memref_squeeze %dma_start3A_1048 : memref<1x128xi32, #tpu.memory_space<vmem>> -> memref<128xi32, #tpu.memory_space<vmem>>
    %dma_start3A_1050 = arith.constant 0 : i32
    %dma_start3A_1051 = tpu.memref_slice %arg6[%dma_start3A_1050] : memref<1000000xf32, #tpu.memory_space<hbm>> -> memref<1000000xf32, #tpu.memory_space<hbm>>
    tpu.enqueue_indirect_dma source(%dma_start3A_1051 : memref<1000000xf32, #tpu.memory_space<hbm>>) target(%dma_start3A_1046 : memref<128xf32, #tpu.memory_space<vmem>>) offsets(%dma_start3A_1049 : memref<128xi32, #tpu.memory_space<vmem>>) semaphore(%arg48 : memref<!tpu.dma_semaphore, #tpu.memory_space<semaphore_mem>>)
    %dma_start3A_1052 = arith.constant 3 : i32
    %dma_start3A_1053 = arith.constant 48 : i32
    %dma_start3A_1054 = arith.constant 0 : i32
    %dma_start3A_1055 = tpu.memref_slice %arg43[%dma_start3A_1053, %dma_start3A_1054] : memref<64x128xf32, #tpu.memory_space<vmem>> -> memref<1x128xf32, #tpu.memory_space<vmem>>
    %dma_start3A_1056 = tpu.memref_squeeze %dma_start3A_1055 : memref<1x128xf32, #tpu.memory_space<vmem>> -> memref<128xf32, #tpu.memory_space<vmem>>
    %dma_start3A_1057 = arith.constant 0 : i32
    %dma_start3A_1058 = tpu.memref_slice %arg41[%dma_start3A_1052, %dma_start3A_1057] : memref<4x128xi32, #tpu.memory_space<vmem>> -> memref<1x128xi32, #tpu.memory_space<vmem>>
    %dma_start3A_1059 = tpu.memref_squeeze %dma_start3A_1058 : memref<1x128xi32, #tpu.memory_space<vmem>> -> memref<128xi32, #tpu.memory_space<vmem>>
    %dma_start3A_1060 = arith.constant 0 : i32
    %dma_start3A_1061 = tpu.memref_slice %arg22[%dma_start3A_1060] : memref<1000000xf32, #tpu.memory_space<hbm>> -> memref<1000000xf32, #tpu.memory_space<hbm>>
    tpu.enqueue_indirect_dma source(%dma_start3A_1061 : memref<1000000xf32, #tpu.memory_space<hbm>>) target(%dma_start3A_1056 : memref<128xf32, #tpu.memory_space<vmem>>) offsets(%dma_start3A_1059 : memref<128xi32, #tpu.memory_space<vmem>>) semaphore(%arg48 : memref<!tpu.dma_semaphore, #tpu.memory_space<semaphore_mem>>)
    %dma_start3A_1062 = arith.constant 3 : i32
    %dma_start3A_1063 = arith.constant 49 : i32
    %dma_start3A_1064 = arith.constant 0 : i32
    %dma_start3A_1065 = tpu.memref_slice %arg42[%dma_start3A_1063, %dma_start3A_1064] : memref<64x128xf32, #tpu.memory_space<vmem>> -> memref<1x128xf32, #tpu.memory_space<vmem>>
    %dma_start3A_1066 = tpu.memref_squeeze %dma_start3A_1065 : memref<1x128xf32, #tpu.memory_space<vmem>> -> memref<128xf32, #tpu.memory_space<vmem>>
    %dma_start3A_1067 = arith.constant 0 : i32
    %dma_start3A_1068 = tpu.memref_slice %arg40[%dma_start3A_1062, %dma_start3A_1067] : memref<4x128xi32, #tpu.memory_space<vmem>> -> memref<1x128xi32, #tpu.memory_space<vmem>>
    %dma_start3A_1069 = tpu.memref_squeeze %dma_start3A_1068 : memref<1x128xi32, #tpu.memory_space<vmem>> -> memref<128xi32, #tpu.memory_space<vmem>>
    %dma_start3A_1070 = arith.constant 0 : i32
    %dma_start3A_1071 = tpu.memref_slice %arg7[%dma_start3A_1070] : memref<1000000xf32, #tpu.memory_space<hbm>> -> memref<1000000xf32, #tpu.memory_space<hbm>>
    tpu.enqueue_indirect_dma source(%dma_start3A_1071 : memref<1000000xf32, #tpu.memory_space<hbm>>) target(%dma_start3A_1066 : memref<128xf32, #tpu.memory_space<vmem>>) offsets(%dma_start3A_1069 : memref<128xi32, #tpu.memory_space<vmem>>) semaphore(%arg48 : memref<!tpu.dma_semaphore, #tpu.memory_space<semaphore_mem>>)
    %dma_start3A_1072 = arith.constant 3 : i32
    %dma_start3A_1073 = arith.constant 49 : i32
    %dma_start3A_1074 = arith.constant 0 : i32
    %dma_start3A_1075 = tpu.memref_slice %arg43[%dma_start3A_1073, %dma_start3A_1074] : memref<64x128xf32, #tpu.memory_space<vmem>> -> memref<1x128xf32, #tpu.memory_space<vmem>>
    %dma_start3A_1076 = tpu.memref_squeeze %dma_start3A_1075 : memref<1x128xf32, #tpu.memory_space<vmem>> -> memref<128xf32, #tpu.memory_space<vmem>>
    %dma_start3A_1077 = arith.constant 0 : i32
    %dma_start3A_1078 = tpu.memref_slice %arg41[%dma_start3A_1072, %dma_start3A_1077] : memref<4x128xi32, #tpu.memory_space<vmem>> -> memref<1x128xi32, #tpu.memory_space<vmem>>
    %dma_start3A_1079 = tpu.memref_squeeze %dma_start3A_1078 : memref<1x128xi32, #tpu.memory_space<vmem>> -> memref<128xi32, #tpu.memory_space<vmem>>
    %dma_start3A_1080 = arith.constant 0 : i32
    %dma_start3A_1081 = tpu.memref_slice %arg23[%dma_start3A_1080] : memref<1000000xf32, #tpu.memory_space<hbm>> -> memref<1000000xf32, #tpu.memory_space<hbm>>
    tpu.enqueue_indirect_dma source(%dma_start3A_1081 : memref<1000000xf32, #tpu.memory_space<hbm>>) target(%dma_start3A_1076 : memref<128xf32, #tpu.memory_space<vmem>>) offsets(%dma_start3A_1079 : memref<128xi32, #tpu.memory_space<vmem>>) semaphore(%arg48 : memref<!tpu.dma_semaphore, #tpu.memory_space<semaphore_mem>>)
    %dma_start3A_1082 = arith.constant 3 : i32
    %dma_start3A_1083 = arith.constant 50 : i32
    %dma_start3A_1084 = arith.constant 0 : i32
    %dma_start3A_1085 = tpu.memref_slice %arg42[%dma_start3A_1083, %dma_start3A_1084] : memref<64x128xf32, #tpu.memory_space<vmem>> -> memref<1x128xf32, #tpu.memory_space<vmem>>
    %dma_start3A_1086 = tpu.memref_squeeze %dma_start3A_1085 : memref<1x128xf32, #tpu.memory_space<vmem>> -> memref<128xf32, #tpu.memory_space<vmem>>
    %dma_start3A_1087 = arith.constant 0 : i32
    %dma_start3A_1088 = tpu.memref_slice %arg40[%dma_start3A_1082, %dma_start3A_1087] : memref<4x128xi32, #tpu.memory_space<vmem>> -> memref<1x128xi32, #tpu.memory_space<vmem>>
    %dma_start3A_1089 = tpu.memref_squeeze %dma_start3A_1088 : memref<1x128xi32, #tpu.memory_space<vmem>> -> memref<128xi32, #tpu.memory_space<vmem>>
    %dma_start3A_1090 = arith.constant 0 : i32
    %dma_start3A_1091 = tpu.memref_slice %arg8[%dma_start3A_1090] : memref<1000000xf32, #tpu.memory_space<hbm>> -> memref<1000000xf32, #tpu.memory_space<hbm>>
    tpu.enqueue_indirect_dma source(%dma_start3A_1091 : memref<1000000xf32, #tpu.memory_space<hbm>>) target(%dma_start3A_1086 : memref<128xf32, #tpu.memory_space<vmem>>) offsets(%dma_start3A_1089 : memref<128xi32, #tpu.memory_space<vmem>>) semaphore(%arg48 : memref<!tpu.dma_semaphore, #tpu.memory_space<semaphore_mem>>)
    %dma_start3A_1092 = arith.constant 3 : i32
    %dma_start3A_1093 = arith.constant 50 : i32
    %dma_start3A_1094 = arith.constant 0 : i32
    %dma_start3A_1095 = tpu.memref_slice %arg43[%dma_start3A_1093, %dma_start3A_1094] : memref<64x128xf32, #tpu.memory_space<vmem>> -> memref<1x128xf32, #tpu.memory_space<vmem>>
    %dma_start3A_1096 = tpu.memref_squeeze %dma_start3A_1095 : memref<1x128xf32, #tpu.memory_space<vmem>> -> memref<128xf32, #tpu.memory_space<vmem>>
    %dma_start3A_1097 = arith.constant 0 : i32
    %dma_start3A_1098 = tpu.memref_slice %arg41[%dma_start3A_1092, %dma_start3A_1097] : memref<4x128xi32, #tpu.memory_space<vmem>> -> memref<1x128xi32, #tpu.memory_space<vmem>>
    %dma_start3A_1099 = tpu.memref_squeeze %dma_start3A_1098 : memref<1x128xi32, #tpu.memory_space<vmem>> -> memref<128xi32, #tpu.memory_space<vmem>>
    %dma_start3A_1100 = arith.constant 0 : i32
    %dma_start3A_1101 = tpu.memref_slice %arg24[%dma_start3A_1100] : memref<1000000xf32, #tpu.memory_space<hbm>> -> memref<1000000xf32, #tpu.memory_space<hbm>>
    tpu.enqueue_indirect_dma source(%dma_start3A_1101 : memref<1000000xf32, #tpu.memory_space<hbm>>) target(%dma_start3A_1096 : memref<128xf32, #tpu.memory_space<vmem>>) offsets(%dma_start3A_1099 : memref<128xi32, #tpu.memory_space<vmem>>) semaphore(%arg48 : memref<!tpu.dma_semaphore, #tpu.memory_space<semaphore_mem>>)
    %dma_start3A_1102 = arith.constant 3 : i32
    %dma_start3A_1103 = arith.constant 51 : i32
    %dma_start3A_1104 = arith.constant 0 : i32
    %dma_start3A_1105 = tpu.memref_slice %arg42[%dma_start3A_1103, %dma_start3A_1104] : memref<64x128xf32, #tpu.memory_space<vmem>> -> memref<1x128xf32, #tpu.memory_space<vmem>>
    %dma_start3A_1106 = tpu.memref_squeeze %dma_start3A_1105 : memref<1x128xf32, #tpu.memory_space<vmem>> -> memref<128xf32, #tpu.memory_space<vmem>>
    %dma_start3A_1107 = arith.constant 0 : i32
    %dma_start3A_1108 = tpu.memref_slice %arg40[%dma_start3A_1102, %dma_start3A_1107] : memref<4x128xi32, #tpu.memory_space<vmem>> -> memref<1x128xi32, #tpu.memory_space<vmem>>
    %dma_start3A_1109 = tpu.memref_squeeze %dma_start3A_1108 : memref<1x128xi32, #tpu.memory_space<vmem>> -> memref<128xi32, #tpu.memory_space<vmem>>
    %dma_start3A_1110 = arith.constant 0 : i32
    %dma_start3A_1111 = tpu.memref_slice %arg9[%dma_start3A_1110] : memref<1000000xf32, #tpu.memory_space<hbm>> -> memref<1000000xf32, #tpu.memory_space<hbm>>
    tpu.enqueue_indirect_dma source(%dma_start3A_1111 : memref<1000000xf32, #tpu.memory_space<hbm>>) target(%dma_start3A_1106 : memref<128xf32, #tpu.memory_space<vmem>>) offsets(%dma_start3A_1109 : memref<128xi32, #tpu.memory_space<vmem>>) semaphore(%arg48 : memref<!tpu.dma_semaphore, #tpu.memory_space<semaphore_mem>>)
    %dma_start3A_1112 = arith.constant 3 : i32
    %dma_start3A_1113 = arith.constant 51 : i32
    %dma_start3A_1114 = arith.constant 0 : i32
    %dma_start3A_1115 = tpu.memref_slice %arg43[%dma_start3A_1113, %dma_start3A_1114] : memref<64x128xf32, #tpu.memory_space<vmem>> -> memref<1x128xf32, #tpu.memory_space<vmem>>
    %dma_start3A_1116 = tpu.memref_squeeze %dma_start3A_1115 : memref<1x128xf32, #tpu.memory_space<vmem>> -> memref<128xf32, #tpu.memory_space<vmem>>
    %dma_start3A_1117 = arith.constant 0 : i32
    %dma_start3A_1118 = tpu.memref_slice %arg41[%dma_start3A_1112, %dma_start3A_1117] : memref<4x128xi32, #tpu.memory_space<vmem>> -> memref<1x128xi32, #tpu.memory_space<vmem>>
    %dma_start3A_1119 = tpu.memref_squeeze %dma_start3A_1118 : memref<1x128xi32, #tpu.memory_space<vmem>> -> memref<128xi32, #tpu.memory_space<vmem>>
    %dma_start3A_1120 = arith.constant 0 : i32
    %dma_start3A_1121 = tpu.memref_slice %arg25[%dma_start3A_1120] : memref<1000000xf32, #tpu.memory_space<hbm>> -> memref<1000000xf32, #tpu.memory_space<hbm>>
    tpu.enqueue_indirect_dma source(%dma_start3A_1121 : memref<1000000xf32, #tpu.memory_space<hbm>>) target(%dma_start3A_1116 : memref<128xf32, #tpu.memory_space<vmem>>) offsets(%dma_start3A_1119 : memref<128xi32, #tpu.memory_space<vmem>>) semaphore(%arg48 : memref<!tpu.dma_semaphore, #tpu.memory_space<semaphore_mem>>)
    %dma_start3A_1122 = arith.constant 3 : i32
    %dma_start3A_1123 = arith.constant 52 : i32
    %dma_start3A_1124 = arith.constant 0 : i32
    %dma_start3A_1125 = tpu.memref_slice %arg42[%dma_start3A_1123, %dma_start3A_1124] : memref<64x128xf32, #tpu.memory_space<vmem>> -> memref<1x128xf32, #tpu.memory_space<vmem>>
    %dma_start3A_1126 = tpu.memref_squeeze %dma_start3A_1125 : memref<1x128xf32, #tpu.memory_space<vmem>> -> memref<128xf32, #tpu.memory_space<vmem>>
    %dma_start3A_1127 = arith.constant 0 : i32
    %dma_start3A_1128 = tpu.memref_slice %arg40[%dma_start3A_1122, %dma_start3A_1127] : memref<4x128xi32, #tpu.memory_space<vmem>> -> memref<1x128xi32, #tpu.memory_space<vmem>>
    %dma_start3A_1129 = tpu.memref_squeeze %dma_start3A_1128 : memref<1x128xi32, #tpu.memory_space<vmem>> -> memref<128xi32, #tpu.memory_space<vmem>>
    %dma_start3A_1130 = arith.constant 0 : i32
    %dma_start3A_1131 = tpu.memref_slice %arg10[%dma_start3A_1130] : memref<1000000xf32, #tpu.memory_space<hbm>> -> memref<1000000xf32, #tpu.memory_space<hbm>>
    tpu.enqueue_indirect_dma source(%dma_start3A_1131 : memref<1000000xf32, #tpu.memory_space<hbm>>) target(%dma_start3A_1126 : memref<128xf32, #tpu.memory_space<vmem>>) offsets(%dma_start3A_1129 : memref<128xi32, #tpu.memory_space<vmem>>) semaphore(%arg48 : memref<!tpu.dma_semaphore, #tpu.memory_space<semaphore_mem>>)
    %dma_start3A_1132 = arith.constant 3 : i32
    %dma_start3A_1133 = arith.constant 52 : i32
    %dma_start3A_1134 = arith.constant 0 : i32
    %dma_start3A_1135 = tpu.memref_slice %arg43[%dma_start3A_1133, %dma_start3A_1134] : memref<64x128xf32, #tpu.memory_space<vmem>> -> memref<1x128xf32, #tpu.memory_space<vmem>>
    %dma_start3A_1136 = tpu.memref_squeeze %dma_start3A_1135 : memref<1x128xf32, #tpu.memory_space<vmem>> -> memref<128xf32, #tpu.memory_space<vmem>>
    %dma_start3A_1137 = arith.constant 0 : i32
    %dma_start3A_1138 = tpu.memref_slice %arg41[%dma_start3A_1132, %dma_start3A_1137] : memref<4x128xi32, #tpu.memory_space<vmem>> -> memref<1x128xi32, #tpu.memory_space<vmem>>
    %dma_start3A_1139 = tpu.memref_squeeze %dma_start3A_1138 : memref<1x128xi32, #tpu.memory_space<vmem>> -> memref<128xi32, #tpu.memory_space<vmem>>
    %dma_start3A_1140 = arith.constant 0 : i32
    %dma_start3A_1141 = tpu.memref_slice %arg26[%dma_start3A_1140] : memref<1000000xf32, #tpu.memory_space<hbm>> -> memref<1000000xf32, #tpu.memory_space<hbm>>
    tpu.enqueue_indirect_dma source(%dma_start3A_1141 : memref<1000000xf32, #tpu.memory_space<hbm>>) target(%dma_start3A_1136 : memref<128xf32, #tpu.memory_space<vmem>>) offsets(%dma_start3A_1139 : memref<128xi32, #tpu.memory_space<vmem>>) semaphore(%arg48 : memref<!tpu.dma_semaphore, #tpu.memory_space<semaphore_mem>>)
    %dma_start3A_1142 = arith.constant 3 : i32
    %dma_start3A_1143 = arith.constant 53 : i32
    %dma_start3A_1144 = arith.constant 0 : i32
    %dma_start3A_1145 = tpu.memref_slice %arg42[%dma_start3A_1143, %dma_start3A_1144] : memref<64x128xf32, #tpu.memory_space<vmem>> -> memref<1x128xf32, #tpu.memory_space<vmem>>
    %dma_start3A_1146 = tpu.memref_squeeze %dma_start3A_1145 : memref<1x128xf32, #tpu.memory_space<vmem>> -> memref<128xf32, #tpu.memory_space<vmem>>
    %dma_start3A_1147 = arith.constant 0 : i32
    %dma_start3A_1148 = tpu.memref_slice %arg40[%dma_start3A_1142, %dma_start3A_1147] : memref<4x128xi32, #tpu.memory_space<vmem>> -> memref<1x128xi32, #tpu.memory_space<vmem>>
    %dma_start3A_1149 = tpu.memref_squeeze %dma_start3A_1148 : memref<1x128xi32, #tpu.memory_space<vmem>> -> memref<128xi32, #tpu.memory_space<vmem>>
    %dma_start3A_1150 = arith.constant 0 : i32
    %dma_start3A_1151 = tpu.memref_slice %arg11[%dma_start3A_1150] : memref<1000000xf32, #tpu.memory_space<hbm>> -> memref<1000000xf32, #tpu.memory_space<hbm>>
    tpu.enqueue_indirect_dma source(%dma_start3A_1151 : memref<1000000xf32, #tpu.memory_space<hbm>>) target(%dma_start3A_1146 : memref<128xf32, #tpu.memory_space<vmem>>) offsets(%dma_start3A_1149 : memref<128xi32, #tpu.memory_space<vmem>>) semaphore(%arg48 : memref<!tpu.dma_semaphore, #tpu.memory_space<semaphore_mem>>)
    %dma_start3A_1152 = arith.constant 3 : i32
    %dma_start3A_1153 = arith.constant 53 : i32
    %dma_start3A_1154 = arith.constant 0 : i32
    %dma_start3A_1155 = tpu.memref_slice %arg43[%dma_start3A_1153, %dma_start3A_1154] : memref<64x128xf32, #tpu.memory_space<vmem>> -> memref<1x128xf32, #tpu.memory_space<vmem>>
    %dma_start3A_1156 = tpu.memref_squeeze %dma_start3A_1155 : memref<1x128xf32, #tpu.memory_space<vmem>> -> memref<128xf32, #tpu.memory_space<vmem>>
    %dma_start3A_1157 = arith.constant 0 : i32
    %dma_start3A_1158 = tpu.memref_slice %arg41[%dma_start3A_1152, %dma_start3A_1157] : memref<4x128xi32, #tpu.memory_space<vmem>> -> memref<1x128xi32, #tpu.memory_space<vmem>>
    %dma_start3A_1159 = tpu.memref_squeeze %dma_start3A_1158 : memref<1x128xi32, #tpu.memory_space<vmem>> -> memref<128xi32, #tpu.memory_space<vmem>>
    %dma_start3A_1160 = arith.constant 0 : i32
    %dma_start3A_1161 = tpu.memref_slice %arg27[%dma_start3A_1160] : memref<1000000xf32, #tpu.memory_space<hbm>> -> memref<1000000xf32, #tpu.memory_space<hbm>>
    tpu.enqueue_indirect_dma source(%dma_start3A_1161 : memref<1000000xf32, #tpu.memory_space<hbm>>) target(%dma_start3A_1156 : memref<128xf32, #tpu.memory_space<vmem>>) offsets(%dma_start3A_1159 : memref<128xi32, #tpu.memory_space<vmem>>) semaphore(%arg48 : memref<!tpu.dma_semaphore, #tpu.memory_space<semaphore_mem>>)
    %dma_start3A_1162 = arith.constant 3 : i32
    %dma_start3A_1163 = arith.constant 54 : i32
    %dma_start3A_1164 = arith.constant 0 : i32
    %dma_start3A_1165 = tpu.memref_slice %arg42[%dma_start3A_1163, %dma_start3A_1164] : memref<64x128xf32, #tpu.memory_space<vmem>> -> memref<1x128xf32, #tpu.memory_space<vmem>>
    %dma_start3A_1166 = tpu.memref_squeeze %dma_start3A_1165 : memref<1x128xf32, #tpu.memory_space<vmem>> -> memref<128xf32, #tpu.memory_space<vmem>>
    %dma_start3A_1167 = arith.constant 0 : i32
    %dma_start3A_1168 = tpu.memref_slice %arg40[%dma_start3A_1162, %dma_start3A_1167] : memref<4x128xi32, #tpu.memory_space<vmem>> -> memref<1x128xi32, #tpu.memory_space<vmem>>
    %dma_start3A_1169 = tpu.memref_squeeze %dma_start3A_1168 : memref<1x128xi32, #tpu.memory_space<vmem>> -> memref<128xi32, #tpu.memory_space<vmem>>
    %dma_start3A_1170 = arith.constant 0 : i32
    %dma_start3A_1171 = tpu.memref_slice %arg12[%dma_start3A_1170] : memref<1000000xf32, #tpu.memory_space<hbm>> -> memref<1000000xf32, #tpu.memory_space<hbm>>
    tpu.enqueue_indirect_dma source(%dma_start3A_1171 : memref<1000000xf32, #tpu.memory_space<hbm>>) target(%dma_start3A_1166 : memref<128xf32, #tpu.memory_space<vmem>>) offsets(%dma_start3A_1169 : memref<128xi32, #tpu.memory_space<vmem>>) semaphore(%arg48 : memref<!tpu.dma_semaphore, #tpu.memory_space<semaphore_mem>>)
    %dma_start3A_1172 = arith.constant 3 : i32
    %dma_start3A_1173 = arith.constant 54 : i32
    %dma_start3A_1174 = arith.constant 0 : i32
    %dma_start3A_1175 = tpu.memref_slice %arg43[%dma_start3A_1173, %dma_start3A_1174] : memref<64x128xf32, #tpu.memory_space<vmem>> -> memref<1x128xf32, #tpu.memory_space<vmem>>
    %dma_start3A_1176 = tpu.memref_squeeze %dma_start3A_1175 : memref<1x128xf32, #tpu.memory_space<vmem>> -> memref<128xf32, #tpu.memory_space<vmem>>
    %dma_start3A_1177 = arith.constant 0 : i32
    %dma_start3A_1178 = tpu.memref_slice %arg41[%dma_start3A_1172, %dma_start3A_1177] : memref<4x128xi32, #tpu.memory_space<vmem>> -> memref<1x128xi32, #tpu.memory_space<vmem>>
    %dma_start3A_1179 = tpu.memref_squeeze %dma_start3A_1178 : memref<1x128xi32, #tpu.memory_space<vmem>> -> memref<128xi32, #tpu.memory_space<vmem>>
    %dma_start3A_1180 = arith.constant 0 : i32
    %dma_start3A_1181 = tpu.memref_slice %arg28[%dma_start3A_1180] : memref<1000000xf32, #tpu.memory_space<hbm>> -> memref<1000000xf32, #tpu.memory_space<hbm>>
    tpu.enqueue_indirect_dma source(%dma_start3A_1181 : memref<1000000xf32, #tpu.memory_space<hbm>>) target(%dma_start3A_1176 : memref<128xf32, #tpu.memory_space<vmem>>) offsets(%dma_start3A_1179 : memref<128xi32, #tpu.memory_space<vmem>>) semaphore(%arg48 : memref<!tpu.dma_semaphore, #tpu.memory_space<semaphore_mem>>)
    %dma_start3A_1182 = arith.constant 3 : i32
    %dma_start3A_1183 = arith.constant 55 : i32
    %dma_start3A_1184 = arith.constant 0 : i32
    %dma_start3A_1185 = tpu.memref_slice %arg42[%dma_start3A_1183, %dma_start3A_1184] : memref<64x128xf32, #tpu.memory_space<vmem>> -> memref<1x128xf32, #tpu.memory_space<vmem>>
    %dma_start3A_1186 = tpu.memref_squeeze %dma_start3A_1185 : memref<1x128xf32, #tpu.memory_space<vmem>> -> memref<128xf32, #tpu.memory_space<vmem>>
    %dma_start3A_1187 = arith.constant 0 : i32
    %dma_start3A_1188 = tpu.memref_slice %arg40[%dma_start3A_1182, %dma_start3A_1187] : memref<4x128xi32, #tpu.memory_space<vmem>> -> memref<1x128xi32, #tpu.memory_space<vmem>>
    %dma_start3A_1189 = tpu.memref_squeeze %dma_start3A_1188 : memref<1x128xi32, #tpu.memory_space<vmem>> -> memref<128xi32, #tpu.memory_space<vmem>>
    %dma_start3A_1190 = arith.constant 0 : i32
    %dma_start3A_1191 = tpu.memref_slice %arg13[%dma_start3A_1190] : memref<1000000xf32, #tpu.memory_space<hbm>> -> memref<1000000xf32, #tpu.memory_space<hbm>>
    tpu.enqueue_indirect_dma source(%dma_start3A_1191 : memref<1000000xf32, #tpu.memory_space<hbm>>) target(%dma_start3A_1186 : memref<128xf32, #tpu.memory_space<vmem>>) offsets(%dma_start3A_1189 : memref<128xi32, #tpu.memory_space<vmem>>) semaphore(%arg48 : memref<!tpu.dma_semaphore, #tpu.memory_space<semaphore_mem>>)
    %dma_start3A_1192 = arith.constant 3 : i32
    %dma_start3A_1193 = arith.constant 55 : i32
    %dma_start3A_1194 = arith.constant 0 : i32
    %dma_start3A_1195 = tpu.memref_slice %arg43[%dma_start3A_1193, %dma_start3A_1194] : memref<64x128xf32, #tpu.memory_space<vmem>> -> memref<1x128xf32, #tpu.memory_space<vmem>>
    %dma_start3A_1196 = tpu.memref_squeeze %dma_start3A_1195 : memref<1x128xf32, #tpu.memory_space<vmem>> -> memref<128xf32, #tpu.memory_space<vmem>>
    %dma_start3A_1197 = arith.constant 0 : i32
    %dma_start3A_1198 = tpu.memref_slice %arg41[%dma_start3A_1192, %dma_start3A_1197] : memref<4x128xi32, #tpu.memory_space<vmem>> -> memref<1x128xi32, #tpu.memory_space<vmem>>
    %dma_start3A_1199 = tpu.memref_squeeze %dma_start3A_1198 : memref<1x128xi32, #tpu.memory_space<vmem>> -> memref<128xi32, #tpu.memory_space<vmem>>
    %dma_start3A_1200 = arith.constant 0 : i32
    %dma_start3A_1201 = tpu.memref_slice %arg29[%dma_start3A_1200] : memref<1000000xf32, #tpu.memory_space<hbm>> -> memref<1000000xf32, #tpu.memory_space<hbm>>
    tpu.enqueue_indirect_dma source(%dma_start3A_1201 : memref<1000000xf32, #tpu.memory_space<hbm>>) target(%dma_start3A_1196 : memref<128xf32, #tpu.memory_space<vmem>>) offsets(%dma_start3A_1199 : memref<128xi32, #tpu.memory_space<vmem>>) semaphore(%arg48 : memref<!tpu.dma_semaphore, #tpu.memory_space<semaphore_mem>>)
    %dma_start3A_1202 = arith.constant 3 : i32
    %dma_start3A_1203 = arith.constant 56 : i32
    %dma_start3A_1204 = arith.constant 0 : i32
    %dma_start3A_1205 = tpu.memref_slice %arg42[%dma_start3A_1203, %dma_start3A_1204] : memref<64x128xf32, #tpu.memory_space<vmem>> -> memref<1x128xf32, #tpu.memory_space<vmem>>
    %dma_start3A_1206 = tpu.memref_squeeze %dma_start3A_1205 : memref<1x128xf32, #tpu.memory_space<vmem>> -> memref<128xf32, #tpu.memory_space<vmem>>
    %dma_start3A_1207 = arith.constant 0 : i32
    %dma_start3A_1208 = tpu.memref_slice %arg40[%dma_start3A_1202, %dma_start3A_1207] : memref<4x128xi32, #tpu.memory_space<vmem>> -> memref<1x128xi32, #tpu.memory_space<vmem>>
    %dma_start3A_1209 = tpu.memref_squeeze %dma_start3A_1208 : memref<1x128xi32, #tpu.memory_space<vmem>> -> memref<128xi32, #tpu.memory_space<vmem>>
    %dma_start3A_1210 = arith.constant 0 : i32
    %dma_start3A_1211 = tpu.memref_slice %arg14[%dma_start3A_1210] : memref<1000000xf32, #tpu.memory_space<hbm>> -> memref<1000000xf32, #tpu.memory_space<hbm>>
    tpu.enqueue_indirect_dma source(%dma_start3A_1211 : memref<1000000xf32, #tpu.memory_space<hbm>>) target(%dma_start3A_1206 : memref<128xf32, #tpu.memory_space<vmem>>) offsets(%dma_start3A_1209 : memref<128xi32, #tpu.memory_space<vmem>>) semaphore(%arg48 : memref<!tpu.dma_semaphore, #tpu.memory_space<semaphore_mem>>)
    %dma_start3A_1212 = arith.constant 3 : i32
    %dma_start3A_1213 = arith.constant 56 : i32
    %dma_start3A_1214 = arith.constant 0 : i32
    %dma_start3A_1215 = tpu.memref_slice %arg43[%dma_start3A_1213, %dma_start3A_1214] : memref<64x128xf32, #tpu.memory_space<vmem>> -> memref<1x128xf32, #tpu.memory_space<vmem>>
    %dma_start3A_1216 = tpu.memref_squeeze %dma_start3A_1215 : memref<1x128xf32, #tpu.memory_space<vmem>> -> memref<128xf32, #tpu.memory_space<vmem>>
    %dma_start3A_1217 = arith.constant 0 : i32
    %dma_start3A_1218 = tpu.memref_slice %arg41[%dma_start3A_1212, %dma_start3A_1217] : memref<4x128xi32, #tpu.memory_space<vmem>> -> memref<1x128xi32, #tpu.memory_space<vmem>>
    %dma_start3A_1219 = tpu.memref_squeeze %dma_start3A_1218 : memref<1x128xi32, #tpu.memory_space<vmem>> -> memref<128xi32, #tpu.memory_space<vmem>>
    %dma_start3A_1220 = arith.constant 0 : i32
    %dma_start3A_1221 = tpu.memref_slice %arg30[%dma_start3A_1220] : memref<1000000xf32, #tpu.memory_space<hbm>> -> memref<1000000xf32, #tpu.memory_space<hbm>>
    tpu.enqueue_indirect_dma source(%dma_start3A_1221 : memref<1000000xf32, #tpu.memory_space<hbm>>) target(%dma_start3A_1216 : memref<128xf32, #tpu.memory_space<vmem>>) offsets(%dma_start3A_1219 : memref<128xi32, #tpu.memory_space<vmem>>) semaphore(%arg48 : memref<!tpu.dma_semaphore, #tpu.memory_space<semaphore_mem>>)
    %dma_start3A_1222 = arith.constant 3 : i32
    %dma_start3A_1223 = arith.constant 57 : i32
    %dma_start3A_1224 = arith.constant 0 : i32
    %dma_start3A_1225 = tpu.memref_slice %arg42[%dma_start3A_1223, %dma_start3A_1224] : memref<64x128xf32, #tpu.memory_space<vmem>> -> memref<1x128xf32, #tpu.memory_space<vmem>>
    %dma_start3A_1226 = tpu.memref_squeeze %dma_start3A_1225 : memref<1x128xf32, #tpu.memory_space<vmem>> -> memref<128xf32, #tpu.memory_space<vmem>>
    %dma_start3A_1227 = arith.constant 0 : i32
    %dma_start3A_1228 = tpu.memref_slice %arg40[%dma_start3A_1222, %dma_start3A_1227] : memref<4x128xi32, #tpu.memory_space<vmem>> -> memref<1x128xi32, #tpu.memory_space<vmem>>
    %dma_start3A_1229 = tpu.memref_squeeze %dma_start3A_1228 : memref<1x128xi32, #tpu.memory_space<vmem>> -> memref<128xi32, #tpu.memory_space<vmem>>
    %dma_start3A_1230 = arith.constant 0 : i32
    %dma_start3A_1231 = tpu.memref_slice %arg15[%dma_start3A_1230] : memref<1000000xf32, #tpu.memory_space<hbm>> -> memref<1000000xf32, #tpu.memory_space<hbm>>
    tpu.enqueue_indirect_dma source(%dma_start3A_1231 : memref<1000000xf32, #tpu.memory_space<hbm>>) target(%dma_start3A_1226 : memref<128xf32, #tpu.memory_space<vmem>>) offsets(%dma_start3A_1229 : memref<128xi32, #tpu.memory_space<vmem>>) semaphore(%arg48 : memref<!tpu.dma_semaphore, #tpu.memory_space<semaphore_mem>>)
    %dma_start3A_1232 = arith.constant 3 : i32
    %dma_start3A_1233 = arith.constant 57 : i32
    %dma_start3A_1234 = arith.constant 0 : i32
    %dma_start3A_1235 = tpu.memref_slice %arg43[%dma_start3A_1233, %dma_start3A_1234] : memref<64x128xf32, #tpu.memory_space<vmem>> -> memref<1x128xf32, #tpu.memory_space<vmem>>
    %dma_start3A_1236 = tpu.memref_squeeze %dma_start3A_1235 : memref<1x128xf32, #tpu.memory_space<vmem>> -> memref<128xf32, #tpu.memory_space<vmem>>
    %dma_start3A_1237 = arith.constant 0 : i32
    %dma_start3A_1238 = tpu.memref_slice %arg41[%dma_start3A_1232, %dma_start3A_1237] : memref<4x128xi32, #tpu.memory_space<vmem>> -> memref<1x128xi32, #tpu.memory_space<vmem>>
    %dma_start3A_1239 = tpu.memref_squeeze %dma_start3A_1238 : memref<1x128xi32, #tpu.memory_space<vmem>> -> memref<128xi32, #tpu.memory_space<vmem>>
    %dma_start3A_1240 = arith.constant 0 : i32
    %dma_start3A_1241 = tpu.memref_slice %arg31[%dma_start3A_1240] : memref<1000000xf32, #tpu.memory_space<hbm>> -> memref<1000000xf32, #tpu.memory_space<hbm>>
    tpu.enqueue_indirect_dma source(%dma_start3A_1241 : memref<1000000xf32, #tpu.memory_space<hbm>>) target(%dma_start3A_1236 : memref<128xf32, #tpu.memory_space<vmem>>) offsets(%dma_start3A_1239 : memref<128xi32, #tpu.memory_space<vmem>>) semaphore(%arg48 : memref<!tpu.dma_semaphore, #tpu.memory_space<semaphore_mem>>)
    %dma_start3A_1242 = arith.constant 3 : i32
    %dma_start3A_1243 = arith.constant 58 : i32
    %dma_start3A_1244 = arith.constant 0 : i32
    %dma_start3A_1245 = tpu.memref_slice %arg42[%dma_start3A_1243, %dma_start3A_1244] : memref<64x128xf32, #tpu.memory_space<vmem>> -> memref<1x128xf32, #tpu.memory_space<vmem>>
    %dma_start3A_1246 = tpu.memref_squeeze %dma_start3A_1245 : memref<1x128xf32, #tpu.memory_space<vmem>> -> memref<128xf32, #tpu.memory_space<vmem>>
    %dma_start3A_1247 = arith.constant 0 : i32
    %dma_start3A_1248 = tpu.memref_slice %arg40[%dma_start3A_1242, %dma_start3A_1247] : memref<4x128xi32, #tpu.memory_space<vmem>> -> memref<1x128xi32, #tpu.memory_space<vmem>>
    %dma_start3A_1249 = tpu.memref_squeeze %dma_start3A_1248 : memref<1x128xi32, #tpu.memory_space<vmem>> -> memref<128xi32, #tpu.memory_space<vmem>>
    %dma_start3A_1250 = arith.constant 0 : i32
    %dma_start3A_1251 = tpu.memref_slice %arg16[%dma_start3A_1250] : memref<1000000xf32, #tpu.memory_space<hbm>> -> memref<1000000xf32, #tpu.memory_space<hbm>>
    tpu.enqueue_indirect_dma source(%dma_start3A_1251 : memref<1000000xf32, #tpu.memory_space<hbm>>) target(%dma_start3A_1246 : memref<128xf32, #tpu.memory_space<vmem>>) offsets(%dma_start3A_1249 : memref<128xi32, #tpu.memory_space<vmem>>) semaphore(%arg48 : memref<!tpu.dma_semaphore, #tpu.memory_space<semaphore_mem>>)
    %dma_start3A_1252 = arith.constant 3 : i32
    %dma_start3A_1253 = arith.constant 58 : i32
    %dma_start3A_1254 = arith.constant 0 : i32
    %dma_start3A_1255 = tpu.memref_slice %arg43[%dma_start3A_1253, %dma_start3A_1254] : memref<64x128xf32, #tpu.memory_space<vmem>> -> memref<1x128xf32, #tpu.memory_space<vmem>>
    %dma_start3A_1256 = tpu.memref_squeeze %dma_start3A_1255 : memref<1x128xf32, #tpu.memory_space<vmem>> -> memref<128xf32, #tpu.memory_space<vmem>>
    %dma_start3A_1257 = arith.constant 0 : i32
    %dma_start3A_1258 = tpu.memref_slice %arg41[%dma_start3A_1252, %dma_start3A_1257] : memref<4x128xi32, #tpu.memory_space<vmem>> -> memref<1x128xi32, #tpu.memory_space<vmem>>
    %dma_start3A_1259 = tpu.memref_squeeze %dma_start3A_1258 : memref<1x128xi32, #tpu.memory_space<vmem>> -> memref<128xi32, #tpu.memory_space<vmem>>
    %dma_start3A_1260 = arith.constant 0 : i32
    %dma_start3A_1261 = tpu.memref_slice %arg32[%dma_start3A_1260] : memref<1000000xf32, #tpu.memory_space<hbm>> -> memref<1000000xf32, #tpu.memory_space<hbm>>
    tpu.enqueue_indirect_dma source(%dma_start3A_1261 : memref<1000000xf32, #tpu.memory_space<hbm>>) target(%dma_start3A_1256 : memref<128xf32, #tpu.memory_space<vmem>>) offsets(%dma_start3A_1259 : memref<128xi32, #tpu.memory_space<vmem>>) semaphore(%arg48 : memref<!tpu.dma_semaphore, #tpu.memory_space<semaphore_mem>>)
    %dma_start3A_1262 = arith.constant 3 : i32
    %dma_start3A_1263 = arith.constant 59 : i32
    %dma_start3A_1264 = arith.constant 0 : i32
    %dma_start3A_1265 = tpu.memref_slice %arg42[%dma_start3A_1263, %dma_start3A_1264] : memref<64x128xf32, #tpu.memory_space<vmem>> -> memref<1x128xf32, #tpu.memory_space<vmem>>
    %dma_start3A_1266 = tpu.memref_squeeze %dma_start3A_1265 : memref<1x128xf32, #tpu.memory_space<vmem>> -> memref<128xf32, #tpu.memory_space<vmem>>
    %dma_start3A_1267 = arith.constant 0 : i32
    %dma_start3A_1268 = tpu.memref_slice %arg40[%dma_start3A_1262, %dma_start3A_1267] : memref<4x128xi32, #tpu.memory_space<vmem>> -> memref<1x128xi32, #tpu.memory_space<vmem>>
    %dma_start3A_1269 = tpu.memref_squeeze %dma_start3A_1268 : memref<1x128xi32, #tpu.memory_space<vmem>> -> memref<128xi32, #tpu.memory_space<vmem>>
    %dma_start3A_1270 = arith.constant 0 : i32
    %dma_start3A_1271 = tpu.memref_slice %arg17[%dma_start3A_1270] : memref<1000000xf32, #tpu.memory_space<hbm>> -> memref<1000000xf32, #tpu.memory_space<hbm>>
    tpu.enqueue_indirect_dma source(%dma_start3A_1271 : memref<1000000xf32, #tpu.memory_space<hbm>>) target(%dma_start3A_1266 : memref<128xf32, #tpu.memory_space<vmem>>) offsets(%dma_start3A_1269 : memref<128xi32, #tpu.memory_space<vmem>>) semaphore(%arg48 : memref<!tpu.dma_semaphore, #tpu.memory_space<semaphore_mem>>)
    %dma_start3A_1272 = arith.constant 3 : i32
    %dma_start3A_1273 = arith.constant 59 : i32
    %dma_start3A_1274 = arith.constant 0 : i32
    %dma_start3A_1275 = tpu.memref_slice %arg43[%dma_start3A_1273, %dma_start3A_1274] : memref<64x128xf32, #tpu.memory_space<vmem>> -> memref<1x128xf32, #tpu.memory_space<vmem>>
    %dma_start3A_1276 = tpu.memref_squeeze %dma_start3A_1275 : memref<1x128xf32, #tpu.memory_space<vmem>> -> memref<128xf32, #tpu.memory_space<vmem>>
    %dma_start3A_1277 = arith.constant 0 : i32
    %dma_start3A_1278 = tpu.memref_slice %arg41[%dma_start3A_1272, %dma_start3A_1277] : memref<4x128xi32, #tpu.memory_space<vmem>> -> memref<1x128xi32, #tpu.memory_space<vmem>>
    %dma_start3A_1279 = tpu.memref_squeeze %dma_start3A_1278 : memref<1x128xi32, #tpu.memory_space<vmem>> -> memref<128xi32, #tpu.memory_space<vmem>>
    %dma_start3A_1280 = arith.constant 0 : i32
    %dma_start3A_1281 = tpu.memref_slice %arg33[%dma_start3A_1280] : memref<1000000xf32, #tpu.memory_space<hbm>> -> memref<1000000xf32, #tpu.memory_space<hbm>>
    tpu.enqueue_indirect_dma source(%dma_start3A_1281 : memref<1000000xf32, #tpu.memory_space<hbm>>) target(%dma_start3A_1276 : memref<128xf32, #tpu.memory_space<vmem>>) offsets(%dma_start3A_1279 : memref<128xi32, #tpu.memory_space<vmem>>) semaphore(%arg48 : memref<!tpu.dma_semaphore, #tpu.memory_space<semaphore_mem>>)
    %dma_start3A_1282 = arith.constant 3 : i32
    %dma_start3A_1283 = arith.constant 60 : i32
    %dma_start3A_1284 = arith.constant 0 : i32
    %dma_start3A_1285 = tpu.memref_slice %arg42[%dma_start3A_1283, %dma_start3A_1284] : memref<64x128xf32, #tpu.memory_space<vmem>> -> memref<1x128xf32, #tpu.memory_space<vmem>>
    %dma_start3A_1286 = tpu.memref_squeeze %dma_start3A_1285 : memref<1x128xf32, #tpu.memory_space<vmem>> -> memref<128xf32, #tpu.memory_space<vmem>>
    %dma_start3A_1287 = arith.constant 0 : i32
    %dma_start3A_1288 = tpu.memref_slice %arg40[%dma_start3A_1282, %dma_start3A_1287] : memref<4x128xi32, #tpu.memory_space<vmem>> -> memref<1x128xi32, #tpu.memory_space<vmem>>
    %dma_start3A_1289 = tpu.memref_squeeze %dma_start3A_1288 : memref<1x128xi32, #tpu.memory_space<vmem>> -> memref<128xi32, #tpu.memory_space<vmem>>
    %dma_start3A_1290 = arith.constant 0 : i32
    %dma_start3A_1291 = tpu.memref_slice %arg18[%dma_start3A_1290] : memref<1000000xf32, #tpu.memory_space<hbm>> -> memref<1000000xf32, #tpu.memory_space<hbm>>
    tpu.enqueue_indirect_dma source(%dma_start3A_1291 : memref<1000000xf32, #tpu.memory_space<hbm>>) target(%dma_start3A_1286 : memref<128xf32, #tpu.memory_space<vmem>>) offsets(%dma_start3A_1289 : memref<128xi32, #tpu.memory_space<vmem>>) semaphore(%arg48 : memref<!tpu.dma_semaphore, #tpu.memory_space<semaphore_mem>>)
    %dma_start3A_1292 = arith.constant 3 : i32
    %dma_start3A_1293 = arith.constant 60 : i32
    %dma_start3A_1294 = arith.constant 0 : i32
    %dma_start3A_1295 = tpu.memref_slice %arg43[%dma_start3A_1293, %dma_start3A_1294] : memref<64x128xf32, #tpu.memory_space<vmem>> -> memref<1x128xf32, #tpu.memory_space<vmem>>
    %dma_start3A_1296 = tpu.memref_squeeze %dma_start3A_1295 : memref<1x128xf32, #tpu.memory_space<vmem>> -> memref<128xf32, #tpu.memory_space<vmem>>
    %dma_start3A_1297 = arith.constant 0 : i32
    %dma_start3A_1298 = tpu.memref_slice %arg41[%dma_start3A_1292, %dma_start3A_1297] : memref<4x128xi32, #tpu.memory_space<vmem>> -> memref<1x128xi32, #tpu.memory_space<vmem>>
    %dma_start3A_1299 = tpu.memref_squeeze %dma_start3A_1298 : memref<1x128xi32, #tpu.memory_space<vmem>> -> memref<128xi32, #tpu.memory_space<vmem>>
    %dma_start3A_1300 = arith.constant 0 : i32
    %dma_start3A_1301 = tpu.memref_slice %arg34[%dma_start3A_1300] : memref<1000000xf32, #tpu.memory_space<hbm>> -> memref<1000000xf32, #tpu.memory_space<hbm>>
    tpu.enqueue_indirect_dma source(%dma_start3A_1301 : memref<1000000xf32, #tpu.memory_space<hbm>>) target(%dma_start3A_1296 : memref<128xf32, #tpu.memory_space<vmem>>) offsets(%dma_start3A_1299 : memref<128xi32, #tpu.memory_space<vmem>>) semaphore(%arg48 : memref<!tpu.dma_semaphore, #tpu.memory_space<semaphore_mem>>)
    %dma_start3A_1302 = arith.constant 3 : i32
    %dma_start3A_1303 = arith.constant 61 : i32
    %dma_start3A_1304 = arith.constant 0 : i32
    %dma_start3A_1305 = tpu.memref_slice %arg42[%dma_start3A_1303, %dma_start3A_1304] : memref<64x128xf32, #tpu.memory_space<vmem>> -> memref<1x128xf32, #tpu.memory_space<vmem>>
    %dma_start3A_1306 = tpu.memref_squeeze %dma_start3A_1305 : memref<1x128xf32, #tpu.memory_space<vmem>> -> memref<128xf32, #tpu.memory_space<vmem>>
    %dma_start3A_1307 = arith.constant 0 : i32
    %dma_start3A_1308 = tpu.memref_slice %arg40[%dma_start3A_1302, %dma_start3A_1307] : memref<4x128xi32, #tpu.memory_space<vmem>> -> memref<1x128xi32, #tpu.memory_space<vmem>>
    %dma_start3A_1309 = tpu.memref_squeeze %dma_start3A_1308 : memref<1x128xi32, #tpu.memory_space<vmem>> -> memref<128xi32, #tpu.memory_space<vmem>>
    %dma_start3A_1310 = arith.constant 0 : i32
    %dma_start3A_1311 = tpu.memref_slice %arg19[%dma_start3A_1310] : memref<1000000xf32, #tpu.memory_space<hbm>> -> memref<1000000xf32, #tpu.memory_space<hbm>>
    tpu.enqueue_indirect_dma source(%dma_start3A_1311 : memref<1000000xf32, #tpu.memory_space<hbm>>) target(%dma_start3A_1306 : memref<128xf32, #tpu.memory_space<vmem>>) offsets(%dma_start3A_1309 : memref<128xi32, #tpu.memory_space<vmem>>) semaphore(%arg48 : memref<!tpu.dma_semaphore, #tpu.memory_space<semaphore_mem>>)
    %dma_start3A_1312 = arith.constant 3 : i32
    %dma_start3A_1313 = arith.constant 61 : i32
    %dma_start3A_1314 = arith.constant 0 : i32
    %dma_start3A_1315 = tpu.memref_slice %arg43[%dma_start3A_1313, %dma_start3A_1314] : memref<64x128xf32, #tpu.memory_space<vmem>> -> memref<1x128xf32, #tpu.memory_space<vmem>>
    %dma_start3A_1316 = tpu.memref_squeeze %dma_start3A_1315 : memref<1x128xf32, #tpu.memory_space<vmem>> -> memref<128xf32, #tpu.memory_space<vmem>>
    %dma_start3A_1317 = arith.constant 0 : i32
    %dma_start3A_1318 = tpu.memref_slice %arg41[%dma_start3A_1312, %dma_start3A_1317] : memref<4x128xi32, #tpu.memory_space<vmem>> -> memref<1x128xi32, #tpu.memory_space<vmem>>
    %dma_start3A_1319 = tpu.memref_squeeze %dma_start3A_1318 : memref<1x128xi32, #tpu.memory_space<vmem>> -> memref<128xi32, #tpu.memory_space<vmem>>
    %dma_start3A_1320 = arith.constant 0 : i32
    %dma_start3A_1321 = tpu.memref_slice %arg35[%dma_start3A_1320] : memref<1000000xf32, #tpu.memory_space<hbm>> -> memref<1000000xf32, #tpu.memory_space<hbm>>
    tpu.enqueue_indirect_dma source(%dma_start3A_1321 : memref<1000000xf32, #tpu.memory_space<hbm>>) target(%dma_start3A_1316 : memref<128xf32, #tpu.memory_space<vmem>>) offsets(%dma_start3A_1319 : memref<128xi32, #tpu.memory_space<vmem>>) semaphore(%arg48 : memref<!tpu.dma_semaphore, #tpu.memory_space<semaphore_mem>>)
    %dma_start3A_1322 = arith.constant 3 : i32
    %dma_start3A_1323 = arith.constant 62 : i32
    %dma_start3A_1324 = arith.constant 0 : i32
    %dma_start3A_1325 = tpu.memref_slice %arg42[%dma_start3A_1323, %dma_start3A_1324] : memref<64x128xf32, #tpu.memory_space<vmem>> -> memref<1x128xf32, #tpu.memory_space<vmem>>
    %dma_start3A_1326 = tpu.memref_squeeze %dma_start3A_1325 : memref<1x128xf32, #tpu.memory_space<vmem>> -> memref<128xf32, #tpu.memory_space<vmem>>
    %dma_start3A_1327 = arith.constant 0 : i32
    %dma_start3A_1328 = tpu.memref_slice %arg40[%dma_start3A_1322, %dma_start3A_1327] : memref<4x128xi32, #tpu.memory_space<vmem>> -> memref<1x128xi32, #tpu.memory_space<vmem>>
    %dma_start3A_1329 = tpu.memref_squeeze %dma_start3A_1328 : memref<1x128xi32, #tpu.memory_space<vmem>> -> memref<128xi32, #tpu.memory_space<vmem>>
    %dma_start3A_1330 = arith.constant 0 : i32
    %dma_start3A_1331 = tpu.memref_slice %arg20[%dma_start3A_1330] : memref<1000000xf32, #tpu.memory_space<hbm>> -> memref<1000000xf32, #tpu.memory_space<hbm>>
    tpu.enqueue_indirect_dma source(%dma_start3A_1331 : memref<1000000xf32, #tpu.memory_space<hbm>>) target(%dma_start3A_1326 : memref<128xf32, #tpu.memory_space<vmem>>) offsets(%dma_start3A_1329 : memref<128xi32, #tpu.memory_space<vmem>>) semaphore(%arg48 : memref<!tpu.dma_semaphore, #tpu.memory_space<semaphore_mem>>)
    %dma_start3A_1332 = arith.constant 3 : i32
    %dma_start3A_1333 = arith.constant 62 : i32
    %dma_start3A_1334 = arith.constant 0 : i32
    %dma_start3A_1335 = tpu.memref_slice %arg43[%dma_start3A_1333, %dma_start3A_1334] : memref<64x128xf32, #tpu.memory_space<vmem>> -> memref<1x128xf32, #tpu.memory_space<vmem>>
    %dma_start3A_1336 = tpu.memref_squeeze %dma_start3A_1335 : memref<1x128xf32, #tpu.memory_space<vmem>> -> memref<128xf32, #tpu.memory_space<vmem>>
    %dma_start3A_1337 = arith.constant 0 : i32
    %dma_start3A_1338 = tpu.memref_slice %arg41[%dma_start3A_1332, %dma_start3A_1337] : memref<4x128xi32, #tpu.memory_space<vmem>> -> memref<1x128xi32, #tpu.memory_space<vmem>>
    %dma_start3A_1339 = tpu.memref_squeeze %dma_start3A_1338 : memref<1x128xi32, #tpu.memory_space<vmem>> -> memref<128xi32, #tpu.memory_space<vmem>>
    %dma_start3A_1340 = arith.constant 0 : i32
    %dma_start3A_1341 = tpu.memref_slice %arg36[%dma_start3A_1340] : memref<1000000xf32, #tpu.memory_space<hbm>> -> memref<1000000xf32, #tpu.memory_space<hbm>>
    tpu.enqueue_indirect_dma source(%dma_start3A_1341 : memref<1000000xf32, #tpu.memory_space<hbm>>) target(%dma_start3A_1336 : memref<128xf32, #tpu.memory_space<vmem>>) offsets(%dma_start3A_1339 : memref<128xi32, #tpu.memory_space<vmem>>) semaphore(%arg48 : memref<!tpu.dma_semaphore, #tpu.memory_space<semaphore_mem>>)
    %dma_start3A_1342 = arith.constant 3 : i32
    %dma_start3A_1343 = arith.constant 63 : i32
    %dma_start3A_1344 = arith.constant 0 : i32
    %dma_start3A_1345 = tpu.memref_slice %arg42[%dma_start3A_1343, %dma_start3A_1344] : memref<64x128xf32, #tpu.memory_space<vmem>> -> memref<1x128xf32, #tpu.memory_space<vmem>>
    %dma_start3A_1346 = tpu.memref_squeeze %dma_start3A_1345 : memref<1x128xf32, #tpu.memory_space<vmem>> -> memref<128xf32, #tpu.memory_space<vmem>>
    %dma_start3A_1347 = arith.constant 0 : i32
    %dma_start3A_1348 = tpu.memref_slice %arg40[%dma_start3A_1342, %dma_start3A_1347] : memref<4x128xi32, #tpu.memory_space<vmem>> -> memref<1x128xi32, #tpu.memory_space<vmem>>
    %dma_start3A_1349 = tpu.memref_squeeze %dma_start3A_1348 : memref<1x128xi32, #tpu.memory_space<vmem>> -> memref<128xi32, #tpu.memory_space<vmem>>
    %dma_start3A_1350 = arith.constant 0 : i32
    %dma_start3A_1351 = tpu.memref_slice %arg21[%dma_start3A_1350] : memref<1000000xf32, #tpu.memory_space<hbm>> -> memref<1000000xf32, #tpu.memory_space<hbm>>
    tpu.enqueue_indirect_dma source(%dma_start3A_1351 : memref<1000000xf32, #tpu.memory_space<hbm>>) target(%dma_start3A_1346 : memref<128xf32, #tpu.memory_space<vmem>>) offsets(%dma_start3A_1349 : memref<128xi32, #tpu.memory_space<vmem>>) semaphore(%arg48 : memref<!tpu.dma_semaphore, #tpu.memory_space<semaphore_mem>>)
    %dma_start3A_1352 = arith.constant 3 : i32
    %dma_start3A_1353 = arith.constant 63 : i32
    %dma_start3A_1354 = arith.constant 0 : i32
    %dma_start3A_1355 = tpu.memref_slice %arg43[%dma_start3A_1353, %dma_start3A_1354] : memref<64x128xf32, #tpu.memory_space<vmem>> -> memref<1x128xf32, #tpu.memory_space<vmem>>
    %dma_start3A_1356 = tpu.memref_squeeze %dma_start3A_1355 : memref<1x128xf32, #tpu.memory_space<vmem>> -> memref<128xf32, #tpu.memory_space<vmem>>
    %dma_start3A_1357 = arith.constant 0 : i32
    %dma_start3A_1358 = tpu.memref_slice %arg41[%dma_start3A_1352, %dma_start3A_1357] : memref<4x128xi32, #tpu.memory_space<vmem>> -> memref<1x128xi32, #tpu.memory_space<vmem>>
    %dma_start3A_1359 = tpu.memref_squeeze %dma_start3A_1358 : memref<1x128xi32, #tpu.memory_space<vmem>> -> memref<128xi32, #tpu.memory_space<vmem>>
    %dma_start3A_1360 = arith.constant 0 : i32
    %dma_start3A_1361 = tpu.memref_slice %arg37[%dma_start3A_1360] : memref<1000000xf32, #tpu.memory_space<hbm>> -> memref<1000000xf32, #tpu.memory_space<hbm>>
    tpu.enqueue_indirect_dma source(%dma_start3A_1361 : memref<1000000xf32, #tpu.memory_space<hbm>>) target(%dma_start3A_1356 : memref<128xf32, #tpu.memory_space<vmem>>) offsets(%dma_start3A_1359 : memref<128xi32, #tpu.memory_space<vmem>>) semaphore(%arg48 : memref<!tpu.dma_semaphore, #tpu.memory_space<semaphore_mem>>)
    %dma_wait3A = arith.constant 0 : i32
    %dma_wait3A_1362 = arith.constant 0 : i32
    %dma_wait3A_1363 = arith.constant 0 : i32
    %dma_wait3A_1364 = tpu.memref_slice %arg44[%dma_wait3A_1362, %dma_wait3A_1363] : memref<4x128xf32, #tpu.memory_space<vmem>> -> memref<1x128xf32, #tpu.memory_space<vmem>>
    %dma_wait3A_1365 = tpu.memref_squeeze %dma_wait3A_1364 : memref<1x128xf32, #tpu.memory_space<vmem>> -> memref<128xf32, #tpu.memory_space<vmem>>
    %dma_wait3A_1366 = arith.constant 0 : i32
    %dma_wait3A_1367 = tpu.memref_slice %arg40[%dma_wait3A, %dma_wait3A_1366] : memref<4x128xi32, #tpu.memory_space<vmem>> -> memref<1x128xi32, #tpu.memory_space<vmem>>
    %dma_wait3A_1368 = tpu.memref_squeeze %dma_wait3A_1367 : memref<1x128xi32, #tpu.memory_space<vmem>> -> memref<128xi32, #tpu.memory_space<vmem>>
    %dma_wait3A_1369 = arith.constant 0 : i32
    %dma_wait3A_1370 = tpu.memref_slice %arg4[%dma_wait3A_1369] : memref<1000000xf32, #tpu.memory_space<hbm>> -> memref<1000000xf32, #tpu.memory_space<hbm>>
    tpu.wait_indirect_dma semaphore(%arg49 : memref<!tpu.dma_semaphore, #tpu.memory_space<semaphore_mem>>) src(%dma_wait3A_1370 : memref<1000000xf32, #tpu.memory_space<hbm>>) dst(%dma_wait3A_1365 : memref<128xf32, #tpu.memory_space<vmem>>)
    %dma_wait3A_1371 = arith.constant 0 : i32
    %dma_wait3A_1372 = arith.constant 0 : i32
    %dma_wait3A_1373 = arith.constant 0 : i32
    %dma_wait3A_1374 = tpu.memref_slice %arg45[%dma_wait3A_1372, %dma_wait3A_1373] : memref<4x128xf32, #tpu.memory_space<vmem>> -> memref<1x128xf32, #tpu.memory_space<vmem>>
    %dma_wait3A_1375 = tpu.memref_squeeze %dma_wait3A_1374 : memref<1x128xf32, #tpu.memory_space<vmem>> -> memref<128xf32, #tpu.memory_space<vmem>>
    %dma_wait3A_1376 = arith.constant 0 : i32
    %dma_wait3A_1377 = tpu.memref_slice %arg41[%dma_wait3A_1371, %dma_wait3A_1376] : memref<4x128xi32, #tpu.memory_space<vmem>> -> memref<1x128xi32, #tpu.memory_space<vmem>>
    %dma_wait3A_1378 = tpu.memref_squeeze %dma_wait3A_1377 : memref<1x128xi32, #tpu.memory_space<vmem>> -> memref<128xi32, #tpu.memory_space<vmem>>
    %dma_wait3A_1379 = arith.constant 0 : i32
    %dma_wait3A_1380 = tpu.memref_slice %arg5[%dma_wait3A_1379] : memref<1000000xf32, #tpu.memory_space<hbm>> -> memref<1000000xf32, #tpu.memory_space<hbm>>
    tpu.wait_indirect_dma semaphore(%arg49 : memref<!tpu.dma_semaphore, #tpu.memory_space<semaphore_mem>>) src(%dma_wait3A_1380 : memref<1000000xf32, #tpu.memory_space<hbm>>) dst(%dma_wait3A_1375 : memref<128xf32, #tpu.memory_space<vmem>>)
    %dma_wait3A_1381 = arith.constant 0 : i32
    %dma_wait3A_1382 = arith.constant 0 : i32
    %dma_wait3A_1383 = arith.constant 0 : i32
    %dma_wait3A_1384 = tpu.memref_slice %arg42[%dma_wait3A_1382, %dma_wait3A_1383] : memref<64x128xf32, #tpu.memory_space<vmem>> -> memref<1x128xf32, #tpu.memory_space<vmem>>
    %dma_wait3A_1385 = tpu.memref_squeeze %dma_wait3A_1384 : memref<1x128xf32, #tpu.memory_space<vmem>> -> memref<128xf32, #tpu.memory_space<vmem>>
    %dma_wait3A_1386 = arith.constant 0 : i32
    %dma_wait3A_1387 = tpu.memref_slice %arg40[%dma_wait3A_1381, %dma_wait3A_1386] : memref<4x128xi32, #tpu.memory_space<vmem>> -> memref<1x128xi32, #tpu.memory_space<vmem>>
    %dma_wait3A_1388 = tpu.memref_squeeze %dma_wait3A_1387 : memref<1x128xi32, #tpu.memory_space<vmem>> -> memref<128xi32, #tpu.memory_space<vmem>>
    %dma_wait3A_1389 = arith.constant 0 : i32
    %dma_wait3A_1390 = tpu.memref_slice %arg6[%dma_wait3A_1389] : memref<1000000xf32, #tpu.memory_space<hbm>> -> memref<1000000xf32, #tpu.memory_space<hbm>>
    tpu.wait_indirect_dma semaphore(%arg48 : memref<!tpu.dma_semaphore, #tpu.memory_space<semaphore_mem>>) src(%dma_wait3A_1390 : memref<1000000xf32, #tpu.memory_space<hbm>>) dst(%dma_wait3A_1385 : memref<128xf32, #tpu.memory_space<vmem>>)
    %dma_wait3A_1391 = arith.constant 0 : i32
    %dma_wait3A_1392 = arith.constant 0 : i32
    %dma_wait3A_1393 = arith.constant 0 : i32
    %dma_wait3A_1394 = tpu.memref_slice %arg43[%dma_wait3A_1392, %dma_wait3A_1393] : memref<64x128xf32, #tpu.memory_space<vmem>> -> memref<1x128xf32, #tpu.memory_space<vmem>>
    %dma_wait3A_1395 = tpu.memref_squeeze %dma_wait3A_1394 : memref<1x128xf32, #tpu.memory_space<vmem>> -> memref<128xf32, #tpu.memory_space<vmem>>
    %dma_wait3A_1396 = arith.constant 0 : i32
    %dma_wait3A_1397 = tpu.memref_slice %arg41[%dma_wait3A_1391, %dma_wait3A_1396] : memref<4x128xi32, #tpu.memory_space<vmem>> -> memref<1x128xi32, #tpu.memory_space<vmem>>
    %dma_wait3A_1398 = tpu.memref_squeeze %dma_wait3A_1397 : memref<1x128xi32, #tpu.memory_space<vmem>> -> memref<128xi32, #tpu.memory_space<vmem>>
    %dma_wait3A_1399 = arith.constant 0 : i32
    %dma_wait3A_1400 = tpu.memref_slice %arg22[%dma_wait3A_1399] : memref<1000000xf32, #tpu.memory_space<hbm>> -> memref<1000000xf32, #tpu.memory_space<hbm>>
    tpu.wait_indirect_dma semaphore(%arg48 : memref<!tpu.dma_semaphore, #tpu.memory_space<semaphore_mem>>) src(%dma_wait3A_1400 : memref<1000000xf32, #tpu.memory_space<hbm>>) dst(%dma_wait3A_1395 : memref<128xf32, #tpu.memory_space<vmem>>)
    %dma_wait3A_1401 = arith.constant 0 : i32
    %dma_wait3A_1402 = arith.constant 1 : i32
    %dma_wait3A_1403 = arith.constant 0 : i32
    %dma_wait3A_1404 = tpu.memref_slice %arg42[%dma_wait3A_1402, %dma_wait3A_1403] : memref<64x128xf32, #tpu.memory_space<vmem>> -> memref<1x128xf32, #tpu.memory_space<vmem>>
    %dma_wait3A_1405 = tpu.memref_squeeze %dma_wait3A_1404 : memref<1x128xf32, #tpu.memory_space<vmem>> -> memref<128xf32, #tpu.memory_space<vmem>>
    %dma_wait3A_1406 = arith.constant 0 : i32
    %dma_wait3A_1407 = tpu.memref_slice %arg40[%dma_wait3A_1401, %dma_wait3A_1406] : memref<4x128xi32, #tpu.memory_space<vmem>> -> memref<1x128xi32, #tpu.memory_space<vmem>>
    %dma_wait3A_1408 = tpu.memref_squeeze %dma_wait3A_1407 : memref<1x128xi32, #tpu.memory_space<vmem>> -> memref<128xi32, #tpu.memory_space<vmem>>
    %dma_wait3A_1409 = arith.constant 0 : i32
    %dma_wait3A_1410 = tpu.memref_slice %arg7[%dma_wait3A_1409] : memref<1000000xf32, #tpu.memory_space<hbm>> -> memref<1000000xf32, #tpu.memory_space<hbm>>
    tpu.wait_indirect_dma semaphore(%arg48 : memref<!tpu.dma_semaphore, #tpu.memory_space<semaphore_mem>>) src(%dma_wait3A_1410 : memref<1000000xf32, #tpu.memory_space<hbm>>) dst(%dma_wait3A_1405 : memref<128xf32, #tpu.memory_space<vmem>>)
    %dma_wait3A_1411 = arith.constant 0 : i32
    %dma_wait3A_1412 = arith.constant 1 : i32
    %dma_wait3A_1413 = arith.constant 0 : i32
    %dma_wait3A_1414 = tpu.memref_slice %arg43[%dma_wait3A_1412, %dma_wait3A_1413] : memref<64x128xf32, #tpu.memory_space<vmem>> -> memref<1x128xf32, #tpu.memory_space<vmem>>
    %dma_wait3A_1415 = tpu.memref_squeeze %dma_wait3A_1414 : memref<1x128xf32, #tpu.memory_space<vmem>> -> memref<128xf32, #tpu.memory_space<vmem>>
    %dma_wait3A_1416 = arith.constant 0 : i32
    %dma_wait3A_1417 = tpu.memref_slice %arg41[%dma_wait3A_1411, %dma_wait3A_1416] : memref<4x128xi32, #tpu.memory_space<vmem>> -> memref<1x128xi32, #tpu.memory_space<vmem>>
    %dma_wait3A_1418 = tpu.memref_squeeze %dma_wait3A_1417 : memref<1x128xi32, #tpu.memory_space<vmem>> -> memref<128xi32, #tpu.memory_space<vmem>>
    %dma_wait3A_1419 = arith.constant 0 : i32
    %dma_wait3A_1420 = tpu.memref_slice %arg23[%dma_wait3A_1419] : memref<1000000xf32, #tpu.memory_space<hbm>> -> memref<1000000xf32, #tpu.memory_space<hbm>>
    tpu.wait_indirect_dma semaphore(%arg48 : memref<!tpu.dma_semaphore, #tpu.memory_space<semaphore_mem>>) src(%dma_wait3A_1420 : memref<1000000xf32, #tpu.memory_space<hbm>>) dst(%dma_wait3A_1415 : memref<128xf32, #tpu.memory_space<vmem>>)
    %dma_wait3A_1421 = arith.constant 0 : i32
    %dma_wait3A_1422 = arith.constant 2 : i32
    %dma_wait3A_1423 = arith.constant 0 : i32
    %dma_wait3A_1424 = tpu.memref_slice %arg42[%dma_wait3A_1422, %dma_wait3A_1423] : memref<64x128xf32, #tpu.memory_space<vmem>> -> memref<1x128xf32, #tpu.memory_space<vmem>>
    %dma_wait3A_1425 = tpu.memref_squeeze %dma_wait3A_1424 : memref<1x128xf32, #tpu.memory_space<vmem>> -> memref<128xf32, #tpu.memory_space<vmem>>
    %dma_wait3A_1426 = arith.constant 0 : i32
    %dma_wait3A_1427 = tpu.memref_slice %arg40[%dma_wait3A_1421, %dma_wait3A_1426] : memref<4x128xi32, #tpu.memory_space<vmem>> -> memref<1x128xi32, #tpu.memory_space<vmem>>
    %dma_wait3A_1428 = tpu.memref_squeeze %dma_wait3A_1427 : memref<1x128xi32, #tpu.memory_space<vmem>> -> memref<128xi32, #tpu.memory_space<vmem>>
    %dma_wait3A_1429 = arith.constant 0 : i32
    %dma_wait3A_1430 = tpu.memref_slice %arg8[%dma_wait3A_1429] : memref<1000000xf32, #tpu.memory_space<hbm>> -> memref<1000000xf32, #tpu.memory_space<hbm>>
    tpu.wait_indirect_dma semaphore(%arg48 : memref<!tpu.dma_semaphore, #tpu.memory_space<semaphore_mem>>) src(%dma_wait3A_1430 : memref<1000000xf32, #tpu.memory_space<hbm>>) dst(%dma_wait3A_1425 : memref<128xf32, #tpu.memory_space<vmem>>)
    %dma_wait3A_1431 = arith.constant 0 : i32
    %dma_wait3A_1432 = arith.constant 2 : i32
    %dma_wait3A_1433 = arith.constant 0 : i32
    %dma_wait3A_1434 = tpu.memref_slice %arg43[%dma_wait3A_1432, %dma_wait3A_1433] : memref<64x128xf32, #tpu.memory_space<vmem>> -> memref<1x128xf32, #tpu.memory_space<vmem>>
    %dma_wait3A_1435 = tpu.memref_squeeze %dma_wait3A_1434 : memref<1x128xf32, #tpu.memory_space<vmem>> -> memref<128xf32, #tpu.memory_space<vmem>>
    %dma_wait3A_1436 = arith.constant 0 : i32
    %dma_wait3A_1437 = tpu.memref_slice %arg41[%dma_wait3A_1431, %dma_wait3A_1436] : memref<4x128xi32, #tpu.memory_space<vmem>> -> memref<1x128xi32, #tpu.memory_space<vmem>>
    %dma_wait3A_1438 = tpu.memref_squeeze %dma_wait3A_1437 : memref<1x128xi32, #tpu.memory_space<vmem>> -> memref<128xi32, #tpu.memory_space<vmem>>
    %dma_wait3A_1439 = arith.constant 0 : i32
    %dma_wait3A_1440 = tpu.memref_slice %arg24[%dma_wait3A_1439] : memref<1000000xf32, #tpu.memory_space<hbm>> -> memref<1000000xf32, #tpu.memory_space<hbm>>
    tpu.wait_indirect_dma semaphore(%arg48 : memref<!tpu.dma_semaphore, #tpu.memory_space<semaphore_mem>>) src(%dma_wait3A_1440 : memref<1000000xf32, #tpu.memory_space<hbm>>) dst(%dma_wait3A_1435 : memref<128xf32, #tpu.memory_space<vmem>>)
    %dma_wait3A_1441 = arith.constant 0 : i32
    %dma_wait3A_1442 = arith.constant 3 : i32
    %dma_wait3A_1443 = arith.constant 0 : i32
    %dma_wait3A_1444 = tpu.memref_slice %arg42[%dma_wait3A_1442, %dma_wait3A_1443] : memref<64x128xf32, #tpu.memory_space<vmem>> -> memref<1x128xf32, #tpu.memory_space<vmem>>
    %dma_wait3A_1445 = tpu.memref_squeeze %dma_wait3A_1444 : memref<1x128xf32, #tpu.memory_space<vmem>> -> memref<128xf32, #tpu.memory_space<vmem>>
    %dma_wait3A_1446 = arith.constant 0 : i32
    %dma_wait3A_1447 = tpu.memref_slice %arg40[%dma_wait3A_1441, %dma_wait3A_1446] : memref<4x128xi32, #tpu.memory_space<vmem>> -> memref<1x128xi32, #tpu.memory_space<vmem>>
    %dma_wait3A_1448 = tpu.memref_squeeze %dma_wait3A_1447 : memref<1x128xi32, #tpu.memory_space<vmem>> -> memref<128xi32, #tpu.memory_space<vmem>>
    %dma_wait3A_1449 = arith.constant 0 : i32
    %dma_wait3A_1450 = tpu.memref_slice %arg9[%dma_wait3A_1449] : memref<1000000xf32, #tpu.memory_space<hbm>> -> memref<1000000xf32, #tpu.memory_space<hbm>>
    tpu.wait_indirect_dma semaphore(%arg48 : memref<!tpu.dma_semaphore, #tpu.memory_space<semaphore_mem>>) src(%dma_wait3A_1450 : memref<1000000xf32, #tpu.memory_space<hbm>>) dst(%dma_wait3A_1445 : memref<128xf32, #tpu.memory_space<vmem>>)
    %dma_wait3A_1451 = arith.constant 0 : i32
    %dma_wait3A_1452 = arith.constant 3 : i32
    %dma_wait3A_1453 = arith.constant 0 : i32
    %dma_wait3A_1454 = tpu.memref_slice %arg43[%dma_wait3A_1452, %dma_wait3A_1453] : memref<64x128xf32, #tpu.memory_space<vmem>> -> memref<1x128xf32, #tpu.memory_space<vmem>>
    %dma_wait3A_1455 = tpu.memref_squeeze %dma_wait3A_1454 : memref<1x128xf32, #tpu.memory_space<vmem>> -> memref<128xf32, #tpu.memory_space<vmem>>
    %dma_wait3A_1456 = arith.constant 0 : i32
    %dma_wait3A_1457 = tpu.memref_slice %arg41[%dma_wait3A_1451, %dma_wait3A_1456] : memref<4x128xi32, #tpu.memory_space<vmem>> -> memref<1x128xi32, #tpu.memory_space<vmem>>
    %dma_wait3A_1458 = tpu.memref_squeeze %dma_wait3A_1457 : memref<1x128xi32, #tpu.memory_space<vmem>> -> memref<128xi32, #tpu.memory_space<vmem>>
    %dma_wait3A_1459 = arith.constant 0 : i32
    %dma_wait3A_1460 = tpu.memref_slice %arg25[%dma_wait3A_1459] : memref<1000000xf32, #tpu.memory_space<hbm>> -> memref<1000000xf32, #tpu.memory_space<hbm>>
    tpu.wait_indirect_dma semaphore(%arg48 : memref<!tpu.dma_semaphore, #tpu.memory_space<semaphore_mem>>) src(%dma_wait3A_1460 : memref<1000000xf32, #tpu.memory_space<hbm>>) dst(%dma_wait3A_1455 : memref<128xf32, #tpu.memory_space<vmem>>)
    %dma_wait3A_1461 = arith.constant 0 : i32
    %dma_wait3A_1462 = arith.constant 4 : i32
    %dma_wait3A_1463 = arith.constant 0 : i32
    %dma_wait3A_1464 = tpu.memref_slice %arg42[%dma_wait3A_1462, %dma_wait3A_1463] : memref<64x128xf32, #tpu.memory_space<vmem>> -> memref<1x128xf32, #tpu.memory_space<vmem>>
    %dma_wait3A_1465 = tpu.memref_squeeze %dma_wait3A_1464 : memref<1x128xf32, #tpu.memory_space<vmem>> -> memref<128xf32, #tpu.memory_space<vmem>>
    %dma_wait3A_1466 = arith.constant 0 : i32
    %dma_wait3A_1467 = tpu.memref_slice %arg40[%dma_wait3A_1461, %dma_wait3A_1466] : memref<4x128xi32, #tpu.memory_space<vmem>> -> memref<1x128xi32, #tpu.memory_space<vmem>>
    %dma_wait3A_1468 = tpu.memref_squeeze %dma_wait3A_1467 : memref<1x128xi32, #tpu.memory_space<vmem>> -> memref<128xi32, #tpu.memory_space<vmem>>
    %dma_wait3A_1469 = arith.constant 0 : i32
    %dma_wait3A_1470 = tpu.memref_slice %arg10[%dma_wait3A_1469] : memref<1000000xf32, #tpu.memory_space<hbm>> -> memref<1000000xf32, #tpu.memory_space<hbm>>
    tpu.wait_indirect_dma semaphore(%arg48 : memref<!tpu.dma_semaphore, #tpu.memory_space<semaphore_mem>>) src(%dma_wait3A_1470 : memref<1000000xf32, #tpu.memory_space<hbm>>) dst(%dma_wait3A_1465 : memref<128xf32, #tpu.memory_space<vmem>>)
    %dma_wait3A_1471 = arith.constant 0 : i32
    %dma_wait3A_1472 = arith.constant 4 : i32
    %dma_wait3A_1473 = arith.constant 0 : i32
    %dma_wait3A_1474 = tpu.memref_slice %arg43[%dma_wait3A_1472, %dma_wait3A_1473] : memref<64x128xf32, #tpu.memory_space<vmem>> -> memref<1x128xf32, #tpu.memory_space<vmem>>
    %dma_wait3A_1475 = tpu.memref_squeeze %dma_wait3A_1474 : memref<1x128xf32, #tpu.memory_space<vmem>> -> memref<128xf32, #tpu.memory_space<vmem>>
    %dma_wait3A_1476 = arith.constant 0 : i32
    %dma_wait3A_1477 = tpu.memref_slice %arg41[%dma_wait3A_1471, %dma_wait3A_1476] : memref<4x128xi32, #tpu.memory_space<vmem>> -> memref<1x128xi32, #tpu.memory_space<vmem>>
    %dma_wait3A_1478 = tpu.memref_squeeze %dma_wait3A_1477 : memref<1x128xi32, #tpu.memory_space<vmem>> -> memref<128xi32, #tpu.memory_space<vmem>>
    %dma_wait3A_1479 = arith.constant 0 : i32
    %dma_wait3A_1480 = tpu.memref_slice %arg26[%dma_wait3A_1479] : memref<1000000xf32, #tpu.memory_space<hbm>> -> memref<1000000xf32, #tpu.memory_space<hbm>>
    tpu.wait_indirect_dma semaphore(%arg48 : memref<!tpu.dma_semaphore, #tpu.memory_space<semaphore_mem>>) src(%dma_wait3A_1480 : memref<1000000xf32, #tpu.memory_space<hbm>>) dst(%dma_wait3A_1475 : memref<128xf32, #tpu.memory_space<vmem>>)
    %dma_wait3A_1481 = arith.constant 0 : i32
    %dma_wait3A_1482 = arith.constant 5 : i32
    %dma_wait3A_1483 = arith.constant 0 : i32
    %dma_wait3A_1484 = tpu.memref_slice %arg42[%dma_wait3A_1482, %dma_wait3A_1483] : memref<64x128xf32, #tpu.memory_space<vmem>> -> memref<1x128xf32, #tpu.memory_space<vmem>>
    %dma_wait3A_1485 = tpu.memref_squeeze %dma_wait3A_1484 : memref<1x128xf32, #tpu.memory_space<vmem>> -> memref<128xf32, #tpu.memory_space<vmem>>
    %dma_wait3A_1486 = arith.constant 0 : i32
    %dma_wait3A_1487 = tpu.memref_slice %arg40[%dma_wait3A_1481, %dma_wait3A_1486] : memref<4x128xi32, #tpu.memory_space<vmem>> -> memref<1x128xi32, #tpu.memory_space<vmem>>
    %dma_wait3A_1488 = tpu.memref_squeeze %dma_wait3A_1487 : memref<1x128xi32, #tpu.memory_space<vmem>> -> memref<128xi32, #tpu.memory_space<vmem>>
    %dma_wait3A_1489 = arith.constant 0 : i32
    %dma_wait3A_1490 = tpu.memref_slice %arg11[%dma_wait3A_1489] : memref<1000000xf32, #tpu.memory_space<hbm>> -> memref<1000000xf32, #tpu.memory_space<hbm>>
    tpu.wait_indirect_dma semaphore(%arg48 : memref<!tpu.dma_semaphore, #tpu.memory_space<semaphore_mem>>) src(%dma_wait3A_1490 : memref<1000000xf32, #tpu.memory_space<hbm>>) dst(%dma_wait3A_1485 : memref<128xf32, #tpu.memory_space<vmem>>)
    %dma_wait3A_1491 = arith.constant 0 : i32
    %dma_wait3A_1492 = arith.constant 5 : i32
    %dma_wait3A_1493 = arith.constant 0 : i32
    %dma_wait3A_1494 = tpu.memref_slice %arg43[%dma_wait3A_1492, %dma_wait3A_1493] : memref<64x128xf32, #tpu.memory_space<vmem>> -> memref<1x128xf32, #tpu.memory_space<vmem>>
    %dma_wait3A_1495 = tpu.memref_squeeze %dma_wait3A_1494 : memref<1x128xf32, #tpu.memory_space<vmem>> -> memref<128xf32, #tpu.memory_space<vmem>>
    %dma_wait3A_1496 = arith.constant 0 : i32
    %dma_wait3A_1497 = tpu.memref_slice %arg41[%dma_wait3A_1491, %dma_wait3A_1496] : memref<4x128xi32, #tpu.memory_space<vmem>> -> memref<1x128xi32, #tpu.memory_space<vmem>>
    %dma_wait3A_1498 = tpu.memref_squeeze %dma_wait3A_1497 : memref<1x128xi32, #tpu.memory_space<vmem>> -> memref<128xi32, #tpu.memory_space<vmem>>
    %dma_wait3A_1499 = arith.constant 0 : i32
    %dma_wait3A_1500 = tpu.memref_slice %arg27[%dma_wait3A_1499] : memref<1000000xf32, #tpu.memory_space<hbm>> -> memref<1000000xf32, #tpu.memory_space<hbm>>
    tpu.wait_indirect_dma semaphore(%arg48 : memref<!tpu.dma_semaphore, #tpu.memory_space<semaphore_mem>>) src(%dma_wait3A_1500 : memref<1000000xf32, #tpu.memory_space<hbm>>) dst(%dma_wait3A_1495 : memref<128xf32, #tpu.memory_space<vmem>>)
    %dma_wait3A_1501 = arith.constant 0 : i32
    %dma_wait3A_1502 = arith.constant 6 : i32
    %dma_wait3A_1503 = arith.constant 0 : i32
    %dma_wait3A_1504 = tpu.memref_slice %arg42[%dma_wait3A_1502, %dma_wait3A_1503] : memref<64x128xf32, #tpu.memory_space<vmem>> -> memref<1x128xf32, #tpu.memory_space<vmem>>
    %dma_wait3A_1505 = tpu.memref_squeeze %dma_wait3A_1504 : memref<1x128xf32, #tpu.memory_space<vmem>> -> memref<128xf32, #tpu.memory_space<vmem>>
    %dma_wait3A_1506 = arith.constant 0 : i32
    %dma_wait3A_1507 = tpu.memref_slice %arg40[%dma_wait3A_1501, %dma_wait3A_1506] : memref<4x128xi32, #tpu.memory_space<vmem>> -> memref<1x128xi32, #tpu.memory_space<vmem>>
    %dma_wait3A_1508 = tpu.memref_squeeze %dma_wait3A_1507 : memref<1x128xi32, #tpu.memory_space<vmem>> -> memref<128xi32, #tpu.memory_space<vmem>>
    %dma_wait3A_1509 = arith.constant 0 : i32
    %dma_wait3A_1510 = tpu.memref_slice %arg12[%dma_wait3A_1509] : memref<1000000xf32, #tpu.memory_space<hbm>> -> memref<1000000xf32, #tpu.memory_space<hbm>>
    tpu.wait_indirect_dma semaphore(%arg48 : memref<!tpu.dma_semaphore, #tpu.memory_space<semaphore_mem>>) src(%dma_wait3A_1510 : memref<1000000xf32, #tpu.memory_space<hbm>>) dst(%dma_wait3A_1505 : memref<128xf32, #tpu.memory_space<vmem>>)
    %dma_wait3A_1511 = arith.constant 0 : i32
    %dma_wait3A_1512 = arith.constant 6 : i32
    %dma_wait3A_1513 = arith.constant 0 : i32
    %dma_wait3A_1514 = tpu.memref_slice %arg43[%dma_wait3A_1512, %dma_wait3A_1513] : memref<64x128xf32, #tpu.memory_space<vmem>> -> memref<1x128xf32, #tpu.memory_space<vmem>>
    %dma_wait3A_1515 = tpu.memref_squeeze %dma_wait3A_1514 : memref<1x128xf32, #tpu.memory_space<vmem>> -> memref<128xf32, #tpu.memory_space<vmem>>
    %dma_wait3A_1516 = arith.constant 0 : i32
    %dma_wait3A_1517 = tpu.memref_slice %arg41[%dma_wait3A_1511, %dma_wait3A_1516] : memref<4x128xi32, #tpu.memory_space<vmem>> -> memref<1x128xi32, #tpu.memory_space<vmem>>
    %dma_wait3A_1518 = tpu.memref_squeeze %dma_wait3A_1517 : memref<1x128xi32, #tpu.memory_space<vmem>> -> memref<128xi32, #tpu.memory_space<vmem>>
    %dma_wait3A_1519 = arith.constant 0 : i32
    %dma_wait3A_1520 = tpu.memref_slice %arg28[%dma_wait3A_1519] : memref<1000000xf32, #tpu.memory_space<hbm>> -> memref<1000000xf32, #tpu.memory_space<hbm>>
    tpu.wait_indirect_dma semaphore(%arg48 : memref<!tpu.dma_semaphore, #tpu.memory_space<semaphore_mem>>) src(%dma_wait3A_1520 : memref<1000000xf32, #tpu.memory_space<hbm>>) dst(%dma_wait3A_1515 : memref<128xf32, #tpu.memory_space<vmem>>)
    %dma_wait3A_1521 = arith.constant 0 : i32
    %dma_wait3A_1522 = arith.constant 7 : i32
    %dma_wait3A_1523 = arith.constant 0 : i32
    %dma_wait3A_1524 = tpu.memref_slice %arg42[%dma_wait3A_1522, %dma_wait3A_1523] : memref<64x128xf32, #tpu.memory_space<vmem>> -> memref<1x128xf32, #tpu.memory_space<vmem>>
    %dma_wait3A_1525 = tpu.memref_squeeze %dma_wait3A_1524 : memref<1x128xf32, #tpu.memory_space<vmem>> -> memref<128xf32, #tpu.memory_space<vmem>>
    %dma_wait3A_1526 = arith.constant 0 : i32
    %dma_wait3A_1527 = tpu.memref_slice %arg40[%dma_wait3A_1521, %dma_wait3A_1526] : memref<4x128xi32, #tpu.memory_space<vmem>> -> memref<1x128xi32, #tpu.memory_space<vmem>>
    %dma_wait3A_1528 = tpu.memref_squeeze %dma_wait3A_1527 : memref<1x128xi32, #tpu.memory_space<vmem>> -> memref<128xi32, #tpu.memory_space<vmem>>
    %dma_wait3A_1529 = arith.constant 0 : i32
    %dma_wait3A_1530 = tpu.memref_slice %arg13[%dma_wait3A_1529] : memref<1000000xf32, #tpu.memory_space<hbm>> -> memref<1000000xf32, #tpu.memory_space<hbm>>
    tpu.wait_indirect_dma semaphore(%arg48 : memref<!tpu.dma_semaphore, #tpu.memory_space<semaphore_mem>>) src(%dma_wait3A_1530 : memref<1000000xf32, #tpu.memory_space<hbm>>) dst(%dma_wait3A_1525 : memref<128xf32, #tpu.memory_space<vmem>>)
    %dma_wait3A_1531 = arith.constant 0 : i32
    %dma_wait3A_1532 = arith.constant 7 : i32
    %dma_wait3A_1533 = arith.constant 0 : i32
    %dma_wait3A_1534 = tpu.memref_slice %arg43[%dma_wait3A_1532, %dma_wait3A_1533] : memref<64x128xf32, #tpu.memory_space<vmem>> -> memref<1x128xf32, #tpu.memory_space<vmem>>
    %dma_wait3A_1535 = tpu.memref_squeeze %dma_wait3A_1534 : memref<1x128xf32, #tpu.memory_space<vmem>> -> memref<128xf32, #tpu.memory_space<vmem>>
    %dma_wait3A_1536 = arith.constant 0 : i32
    %dma_wait3A_1537 = tpu.memref_slice %arg41[%dma_wait3A_1531, %dma_wait3A_1536] : memref<4x128xi32, #tpu.memory_space<vmem>> -> memref<1x128xi32, #tpu.memory_space<vmem>>
    %dma_wait3A_1538 = tpu.memref_squeeze %dma_wait3A_1537 : memref<1x128xi32, #tpu.memory_space<vmem>> -> memref<128xi32, #tpu.memory_space<vmem>>
    %dma_wait3A_1539 = arith.constant 0 : i32
    %dma_wait3A_1540 = tpu.memref_slice %arg29[%dma_wait3A_1539] : memref<1000000xf32, #tpu.memory_space<hbm>> -> memref<1000000xf32, #tpu.memory_space<hbm>>
    tpu.wait_indirect_dma semaphore(%arg48 : memref<!tpu.dma_semaphore, #tpu.memory_space<semaphore_mem>>) src(%dma_wait3A_1540 : memref<1000000xf32, #tpu.memory_space<hbm>>) dst(%dma_wait3A_1535 : memref<128xf32, #tpu.memory_space<vmem>>)
    %dma_wait3A_1541 = arith.constant 0 : i32
    %dma_wait3A_1542 = arith.constant 8 : i32
    %dma_wait3A_1543 = arith.constant 0 : i32
    %dma_wait3A_1544 = tpu.memref_slice %arg42[%dma_wait3A_1542, %dma_wait3A_1543] : memref<64x128xf32, #tpu.memory_space<vmem>> -> memref<1x128xf32, #tpu.memory_space<vmem>>
    %dma_wait3A_1545 = tpu.memref_squeeze %dma_wait3A_1544 : memref<1x128xf32, #tpu.memory_space<vmem>> -> memref<128xf32, #tpu.memory_space<vmem>>
    %dma_wait3A_1546 = arith.constant 0 : i32
    %dma_wait3A_1547 = tpu.memref_slice %arg40[%dma_wait3A_1541, %dma_wait3A_1546] : memref<4x128xi32, #tpu.memory_space<vmem>> -> memref<1x128xi32, #tpu.memory_space<vmem>>
    %dma_wait3A_1548 = tpu.memref_squeeze %dma_wait3A_1547 : memref<1x128xi32, #tpu.memory_space<vmem>> -> memref<128xi32, #tpu.memory_space<vmem>>
    %dma_wait3A_1549 = arith.constant 0 : i32
    %dma_wait3A_1550 = tpu.memref_slice %arg14[%dma_wait3A_1549] : memref<1000000xf32, #tpu.memory_space<hbm>> -> memref<1000000xf32, #tpu.memory_space<hbm>>
    tpu.wait_indirect_dma semaphore(%arg48 : memref<!tpu.dma_semaphore, #tpu.memory_space<semaphore_mem>>) src(%dma_wait3A_1550 : memref<1000000xf32, #tpu.memory_space<hbm>>) dst(%dma_wait3A_1545 : memref<128xf32, #tpu.memory_space<vmem>>)
    %dma_wait3A_1551 = arith.constant 0 : i32
    %dma_wait3A_1552 = arith.constant 8 : i32
    %dma_wait3A_1553 = arith.constant 0 : i32
    %dma_wait3A_1554 = tpu.memref_slice %arg43[%dma_wait3A_1552, %dma_wait3A_1553] : memref<64x128xf32, #tpu.memory_space<vmem>> -> memref<1x128xf32, #tpu.memory_space<vmem>>
    %dma_wait3A_1555 = tpu.memref_squeeze %dma_wait3A_1554 : memref<1x128xf32, #tpu.memory_space<vmem>> -> memref<128xf32, #tpu.memory_space<vmem>>
    %dma_wait3A_1556 = arith.constant 0 : i32
    %dma_wait3A_1557 = tpu.memref_slice %arg41[%dma_wait3A_1551, %dma_wait3A_1556] : memref<4x128xi32, #tpu.memory_space<vmem>> -> memref<1x128xi32, #tpu.memory_space<vmem>>
    %dma_wait3A_1558 = tpu.memref_squeeze %dma_wait3A_1557 : memref<1x128xi32, #tpu.memory_space<vmem>> -> memref<128xi32, #tpu.memory_space<vmem>>
    %dma_wait3A_1559 = arith.constant 0 : i32
    %dma_wait3A_1560 = tpu.memref_slice %arg30[%dma_wait3A_1559] : memref<1000000xf32, #tpu.memory_space<hbm>> -> memref<1000000xf32, #tpu.memory_space<hbm>>
    tpu.wait_indirect_dma semaphore(%arg48 : memref<!tpu.dma_semaphore, #tpu.memory_space<semaphore_mem>>) src(%dma_wait3A_1560 : memref<1000000xf32, #tpu.memory_space<hbm>>) dst(%dma_wait3A_1555 : memref<128xf32, #tpu.memory_space<vmem>>)
    %dma_wait3A_1561 = arith.constant 0 : i32
    %dma_wait3A_1562 = arith.constant 9 : i32
    %dma_wait3A_1563 = arith.constant 0 : i32
    %dma_wait3A_1564 = tpu.memref_slice %arg42[%dma_wait3A_1562, %dma_wait3A_1563] : memref<64x128xf32, #tpu.memory_space<vmem>> -> memref<1x128xf32, #tpu.memory_space<vmem>>
    %dma_wait3A_1565 = tpu.memref_squeeze %dma_wait3A_1564 : memref<1x128xf32, #tpu.memory_space<vmem>> -> memref<128xf32, #tpu.memory_space<vmem>>
    %dma_wait3A_1566 = arith.constant 0 : i32
    %dma_wait3A_1567 = tpu.memref_slice %arg40[%dma_wait3A_1561, %dma_wait3A_1566] : memref<4x128xi32, #tpu.memory_space<vmem>> -> memref<1x128xi32, #tpu.memory_space<vmem>>
    %dma_wait3A_1568 = tpu.memref_squeeze %dma_wait3A_1567 : memref<1x128xi32, #tpu.memory_space<vmem>> -> memref<128xi32, #tpu.memory_space<vmem>>
    %dma_wait3A_1569 = arith.constant 0 : i32
    %dma_wait3A_1570 = tpu.memref_slice %arg15[%dma_wait3A_1569] : memref<1000000xf32, #tpu.memory_space<hbm>> -> memref<1000000xf32, #tpu.memory_space<hbm>>
    tpu.wait_indirect_dma semaphore(%arg48 : memref<!tpu.dma_semaphore, #tpu.memory_space<semaphore_mem>>) src(%dma_wait3A_1570 : memref<1000000xf32, #tpu.memory_space<hbm>>) dst(%dma_wait3A_1565 : memref<128xf32, #tpu.memory_space<vmem>>)
    %dma_wait3A_1571 = arith.constant 0 : i32
    %dma_wait3A_1572 = arith.constant 9 : i32
    %dma_wait3A_1573 = arith.constant 0 : i32
    %dma_wait3A_1574 = tpu.memref_slice %arg43[%dma_wait3A_1572, %dma_wait3A_1573] : memref<64x128xf32, #tpu.memory_space<vmem>> -> memref<1x128xf32, #tpu.memory_space<vmem>>
    %dma_wait3A_1575 = tpu.memref_squeeze %dma_wait3A_1574 : memref<1x128xf32, #tpu.memory_space<vmem>> -> memref<128xf32, #tpu.memory_space<vmem>>
    %dma_wait3A_1576 = arith.constant 0 : i32
    %dma_wait3A_1577 = tpu.memref_slice %arg41[%dma_wait3A_1571, %dma_wait3A_1576] : memref<4x128xi32, #tpu.memory_space<vmem>> -> memref<1x128xi32, #tpu.memory_space<vmem>>
    %dma_wait3A_1578 = tpu.memref_squeeze %dma_wait3A_1577 : memref<1x128xi32, #tpu.memory_space<vmem>> -> memref<128xi32, #tpu.memory_space<vmem>>
    %dma_wait3A_1579 = arith.constant 0 : i32
    %dma_wait3A_1580 = tpu.memref_slice %arg31[%dma_wait3A_1579] : memref<1000000xf32, #tpu.memory_space<hbm>> -> memref<1000000xf32, #tpu.memory_space<hbm>>
    tpu.wait_indirect_dma semaphore(%arg48 : memref<!tpu.dma_semaphore, #tpu.memory_space<semaphore_mem>>) src(%dma_wait3A_1580 : memref<1000000xf32, #tpu.memory_space<hbm>>) dst(%dma_wait3A_1575 : memref<128xf32, #tpu.memory_space<vmem>>)
    %dma_wait3A_1581 = arith.constant 0 : i32
    %dma_wait3A_1582 = arith.constant 10 : i32
    %dma_wait3A_1583 = arith.constant 0 : i32
    %dma_wait3A_1584 = tpu.memref_slice %arg42[%dma_wait3A_1582, %dma_wait3A_1583] : memref<64x128xf32, #tpu.memory_space<vmem>> -> memref<1x128xf32, #tpu.memory_space<vmem>>
    %dma_wait3A_1585 = tpu.memref_squeeze %dma_wait3A_1584 : memref<1x128xf32, #tpu.memory_space<vmem>> -> memref<128xf32, #tpu.memory_space<vmem>>
    %dma_wait3A_1586 = arith.constant 0 : i32
    %dma_wait3A_1587 = tpu.memref_slice %arg40[%dma_wait3A_1581, %dma_wait3A_1586] : memref<4x128xi32, #tpu.memory_space<vmem>> -> memref<1x128xi32, #tpu.memory_space<vmem>>
    %dma_wait3A_1588 = tpu.memref_squeeze %dma_wait3A_1587 : memref<1x128xi32, #tpu.memory_space<vmem>> -> memref<128xi32, #tpu.memory_space<vmem>>
    %dma_wait3A_1589 = arith.constant 0 : i32
    %dma_wait3A_1590 = tpu.memref_slice %arg16[%dma_wait3A_1589] : memref<1000000xf32, #tpu.memory_space<hbm>> -> memref<1000000xf32, #tpu.memory_space<hbm>>
    tpu.wait_indirect_dma semaphore(%arg48 : memref<!tpu.dma_semaphore, #tpu.memory_space<semaphore_mem>>) src(%dma_wait3A_1590 : memref<1000000xf32, #tpu.memory_space<hbm>>) dst(%dma_wait3A_1585 : memref<128xf32, #tpu.memory_space<vmem>>)
    %dma_wait3A_1591 = arith.constant 0 : i32
    %dma_wait3A_1592 = arith.constant 10 : i32
    %dma_wait3A_1593 = arith.constant 0 : i32
    %dma_wait3A_1594 = tpu.memref_slice %arg43[%dma_wait3A_1592, %dma_wait3A_1593] : memref<64x128xf32, #tpu.memory_space<vmem>> -> memref<1x128xf32, #tpu.memory_space<vmem>>
    %dma_wait3A_1595 = tpu.memref_squeeze %dma_wait3A_1594 : memref<1x128xf32, #tpu.memory_space<vmem>> -> memref<128xf32, #tpu.memory_space<vmem>>
    %dma_wait3A_1596 = arith.constant 0 : i32
    %dma_wait3A_1597 = tpu.memref_slice %arg41[%dma_wait3A_1591, %dma_wait3A_1596] : memref<4x128xi32, #tpu.memory_space<vmem>> -> memref<1x128xi32, #tpu.memory_space<vmem>>
    %dma_wait3A_1598 = tpu.memref_squeeze %dma_wait3A_1597 : memref<1x128xi32, #tpu.memory_space<vmem>> -> memref<128xi32, #tpu.memory_space<vmem>>
    %dma_wait3A_1599 = arith.constant 0 : i32
    %dma_wait3A_1600 = tpu.memref_slice %arg32[%dma_wait3A_1599] : memref<1000000xf32, #tpu.memory_space<hbm>> -> memref<1000000xf32, #tpu.memory_space<hbm>>
    tpu.wait_indirect_dma semaphore(%arg48 : memref<!tpu.dma_semaphore, #tpu.memory_space<semaphore_mem>>) src(%dma_wait3A_1600 : memref<1000000xf32, #tpu.memory_space<hbm>>) dst(%dma_wait3A_1595 : memref<128xf32, #tpu.memory_space<vmem>>)
    %dma_wait3A_1601 = arith.constant 0 : i32
    %dma_wait3A_1602 = arith.constant 11 : i32
    %dma_wait3A_1603 = arith.constant 0 : i32
    %dma_wait3A_1604 = tpu.memref_slice %arg42[%dma_wait3A_1602, %dma_wait3A_1603] : memref<64x128xf32, #tpu.memory_space<vmem>> -> memref<1x128xf32, #tpu.memory_space<vmem>>
    %dma_wait3A_1605 = tpu.memref_squeeze %dma_wait3A_1604 : memref<1x128xf32, #tpu.memory_space<vmem>> -> memref<128xf32, #tpu.memory_space<vmem>>
    %dma_wait3A_1606 = arith.constant 0 : i32
    %dma_wait3A_1607 = tpu.memref_slice %arg40[%dma_wait3A_1601, %dma_wait3A_1606] : memref<4x128xi32, #tpu.memory_space<vmem>> -> memref<1x128xi32, #tpu.memory_space<vmem>>
    %dma_wait3A_1608 = tpu.memref_squeeze %dma_wait3A_1607 : memref<1x128xi32, #tpu.memory_space<vmem>> -> memref<128xi32, #tpu.memory_space<vmem>>
    %dma_wait3A_1609 = arith.constant 0 : i32
    %dma_wait3A_1610 = tpu.memref_slice %arg17[%dma_wait3A_1609] : memref<1000000xf32, #tpu.memory_space<hbm>> -> memref<1000000xf32, #tpu.memory_space<hbm>>
    tpu.wait_indirect_dma semaphore(%arg48 : memref<!tpu.dma_semaphore, #tpu.memory_space<semaphore_mem>>) src(%dma_wait3A_1610 : memref<1000000xf32, #tpu.memory_space<hbm>>) dst(%dma_wait3A_1605 : memref<128xf32, #tpu.memory_space<vmem>>)
    %dma_wait3A_1611 = arith.constant 0 : i32
    %dma_wait3A_1612 = arith.constant 11 : i32
    %dma_wait3A_1613 = arith.constant 0 : i32
    %dma_wait3A_1614 = tpu.memref_slice %arg43[%dma_wait3A_1612, %dma_wait3A_1613] : memref<64x128xf32, #tpu.memory_space<vmem>> -> memref<1x128xf32, #tpu.memory_space<vmem>>
    %dma_wait3A_1615 = tpu.memref_squeeze %dma_wait3A_1614 : memref<1x128xf32, #tpu.memory_space<vmem>> -> memref<128xf32, #tpu.memory_space<vmem>>
    %dma_wait3A_1616 = arith.constant 0 : i32
    %dma_wait3A_1617 = tpu.memref_slice %arg41[%dma_wait3A_1611, %dma_wait3A_1616] : memref<4x128xi32, #tpu.memory_space<vmem>> -> memref<1x128xi32, #tpu.memory_space<vmem>>
    %dma_wait3A_1618 = tpu.memref_squeeze %dma_wait3A_1617 : memref<1x128xi32, #tpu.memory_space<vmem>> -> memref<128xi32, #tpu.memory_space<vmem>>
    %dma_wait3A_1619 = arith.constant 0 : i32
    %dma_wait3A_1620 = tpu.memref_slice %arg33[%dma_wait3A_1619] : memref<1000000xf32, #tpu.memory_space<hbm>> -> memref<1000000xf32, #tpu.memory_space<hbm>>
    tpu.wait_indirect_dma semaphore(%arg48 : memref<!tpu.dma_semaphore, #tpu.memory_space<semaphore_mem>>) src(%dma_wait3A_1620 : memref<1000000xf32, #tpu.memory_space<hbm>>) dst(%dma_wait3A_1615 : memref<128xf32, #tpu.memory_space<vmem>>)
    %dma_wait3A_1621 = arith.constant 0 : i32
    %dma_wait3A_1622 = arith.constant 12 : i32
    %dma_wait3A_1623 = arith.constant 0 : i32
    %dma_wait3A_1624 = tpu.memref_slice %arg42[%dma_wait3A_1622, %dma_wait3A_1623] : memref<64x128xf32, #tpu.memory_space<vmem>> -> memref<1x128xf32, #tpu.memory_space<vmem>>
    %dma_wait3A_1625 = tpu.memref_squeeze %dma_wait3A_1624 : memref<1x128xf32, #tpu.memory_space<vmem>> -> memref<128xf32, #tpu.memory_space<vmem>>
    %dma_wait3A_1626 = arith.constant 0 : i32
    %dma_wait3A_1627 = tpu.memref_slice %arg40[%dma_wait3A_1621, %dma_wait3A_1626] : memref<4x128xi32, #tpu.memory_space<vmem>> -> memref<1x128xi32, #tpu.memory_space<vmem>>
    %dma_wait3A_1628 = tpu.memref_squeeze %dma_wait3A_1627 : memref<1x128xi32, #tpu.memory_space<vmem>> -> memref<128xi32, #tpu.memory_space<vmem>>
    %dma_wait3A_1629 = arith.constant 0 : i32
    %dma_wait3A_1630 = tpu.memref_slice %arg18[%dma_wait3A_1629] : memref<1000000xf32, #tpu.memory_space<hbm>> -> memref<1000000xf32, #tpu.memory_space<hbm>>
    tpu.wait_indirect_dma semaphore(%arg48 : memref<!tpu.dma_semaphore, #tpu.memory_space<semaphore_mem>>) src(%dma_wait3A_1630 : memref<1000000xf32, #tpu.memory_space<hbm>>) dst(%dma_wait3A_1625 : memref<128xf32, #tpu.memory_space<vmem>>)
    %dma_wait3A_1631 = arith.constant 0 : i32
    %dma_wait3A_1632 = arith.constant 12 : i32
    %dma_wait3A_1633 = arith.constant 0 : i32
    %dma_wait3A_1634 = tpu.memref_slice %arg43[%dma_wait3A_1632, %dma_wait3A_1633] : memref<64x128xf32, #tpu.memory_space<vmem>> -> memref<1x128xf32, #tpu.memory_space<vmem>>
    %dma_wait3A_1635 = tpu.memref_squeeze %dma_wait3A_1634 : memref<1x128xf32, #tpu.memory_space<vmem>> -> memref<128xf32, #tpu.memory_space<vmem>>
    %dma_wait3A_1636 = arith.constant 0 : i32
    %dma_wait3A_1637 = tpu.memref_slice %arg41[%dma_wait3A_1631, %dma_wait3A_1636] : memref<4x128xi32, #tpu.memory_space<vmem>> -> memref<1x128xi32, #tpu.memory_space<vmem>>
    %dma_wait3A_1638 = tpu.memref_squeeze %dma_wait3A_1637 : memref<1x128xi32, #tpu.memory_space<vmem>> -> memref<128xi32, #tpu.memory_space<vmem>>
    %dma_wait3A_1639 = arith.constant 0 : i32
    %dma_wait3A_1640 = tpu.memref_slice %arg34[%dma_wait3A_1639] : memref<1000000xf32, #tpu.memory_space<hbm>> -> memref<1000000xf32, #tpu.memory_space<hbm>>
    tpu.wait_indirect_dma semaphore(%arg48 : memref<!tpu.dma_semaphore, #tpu.memory_space<semaphore_mem>>) src(%dma_wait3A_1640 : memref<1000000xf32, #tpu.memory_space<hbm>>) dst(%dma_wait3A_1635 : memref<128xf32, #tpu.memory_space<vmem>>)
    %dma_wait3A_1641 = arith.constant 0 : i32
    %dma_wait3A_1642 = arith.constant 13 : i32
    %dma_wait3A_1643 = arith.constant 0 : i32
    %dma_wait3A_1644 = tpu.memref_slice %arg42[%dma_wait3A_1642, %dma_wait3A_1643] : memref<64x128xf32, #tpu.memory_space<vmem>> -> memref<1x128xf32, #tpu.memory_space<vmem>>
    %dma_wait3A_1645 = tpu.memref_squeeze %dma_wait3A_1644 : memref<1x128xf32, #tpu.memory_space<vmem>> -> memref<128xf32, #tpu.memory_space<vmem>>
    %dma_wait3A_1646 = arith.constant 0 : i32
    %dma_wait3A_1647 = tpu.memref_slice %arg40[%dma_wait3A_1641, %dma_wait3A_1646] : memref<4x128xi32, #tpu.memory_space<vmem>> -> memref<1x128xi32, #tpu.memory_space<vmem>>
    %dma_wait3A_1648 = tpu.memref_squeeze %dma_wait3A_1647 : memref<1x128xi32, #tpu.memory_space<vmem>> -> memref<128xi32, #tpu.memory_space<vmem>>
    %dma_wait3A_1649 = arith.constant 0 : i32
    %dma_wait3A_1650 = tpu.memref_slice %arg19[%dma_wait3A_1649] : memref<1000000xf32, #tpu.memory_space<hbm>> -> memref<1000000xf32, #tpu.memory_space<hbm>>
    tpu.wait_indirect_dma semaphore(%arg48 : memref<!tpu.dma_semaphore, #tpu.memory_space<semaphore_mem>>) src(%dma_wait3A_1650 : memref<1000000xf32, #tpu.memory_space<hbm>>) dst(%dma_wait3A_1645 : memref<128xf32, #tpu.memory_space<vmem>>)
    %dma_wait3A_1651 = arith.constant 0 : i32
    %dma_wait3A_1652 = arith.constant 13 : i32
    %dma_wait3A_1653 = arith.constant 0 : i32
    %dma_wait3A_1654 = tpu.memref_slice %arg43[%dma_wait3A_1652, %dma_wait3A_1653] : memref<64x128xf32, #tpu.memory_space<vmem>> -> memref<1x128xf32, #tpu.memory_space<vmem>>
    %dma_wait3A_1655 = tpu.memref_squeeze %dma_wait3A_1654 : memref<1x128xf32, #tpu.memory_space<vmem>> -> memref<128xf32, #tpu.memory_space<vmem>>
    %dma_wait3A_1656 = arith.constant 0 : i32
    %dma_wait3A_1657 = tpu.memref_slice %arg41[%dma_wait3A_1651, %dma_wait3A_1656] : memref<4x128xi32, #tpu.memory_space<vmem>> -> memref<1x128xi32, #tpu.memory_space<vmem>>
    %dma_wait3A_1658 = tpu.memref_squeeze %dma_wait3A_1657 : memref<1x128xi32, #tpu.memory_space<vmem>> -> memref<128xi32, #tpu.memory_space<vmem>>
    %dma_wait3A_1659 = arith.constant 0 : i32
    %dma_wait3A_1660 = tpu.memref_slice %arg35[%dma_wait3A_1659] : memref<1000000xf32, #tpu.memory_space<hbm>> -> memref<1000000xf32, #tpu.memory_space<hbm>>
    tpu.wait_indirect_dma semaphore(%arg48 : memref<!tpu.dma_semaphore, #tpu.memory_space<semaphore_mem>>) src(%dma_wait3A_1660 : memref<1000000xf32, #tpu.memory_space<hbm>>) dst(%dma_wait3A_1655 : memref<128xf32, #tpu.memory_space<vmem>>)
    %dma_wait3A_1661 = arith.constant 0 : i32
    %dma_wait3A_1662 = arith.constant 14 : i32
    %dma_wait3A_1663 = arith.constant 0 : i32
    %dma_wait3A_1664 = tpu.memref_slice %arg42[%dma_wait3A_1662, %dma_wait3A_1663] : memref<64x128xf32, #tpu.memory_space<vmem>> -> memref<1x128xf32, #tpu.memory_space<vmem>>
    %dma_wait3A_1665 = tpu.memref_squeeze %dma_wait3A_1664 : memref<1x128xf32, #tpu.memory_space<vmem>> -> memref<128xf32, #tpu.memory_space<vmem>>
    %dma_wait3A_1666 = arith.constant 0 : i32
    %dma_wait3A_1667 = tpu.memref_slice %arg40[%dma_wait3A_1661, %dma_wait3A_1666] : memref<4x128xi32, #tpu.memory_space<vmem>> -> memref<1x128xi32, #tpu.memory_space<vmem>>
    %dma_wait3A_1668 = tpu.memref_squeeze %dma_wait3A_1667 : memref<1x128xi32, #tpu.memory_space<vmem>> -> memref<128xi32, #tpu.memory_space<vmem>>
    %dma_wait3A_1669 = arith.constant 0 : i32
    %dma_wait3A_1670 = tpu.memref_slice %arg20[%dma_wait3A_1669] : memref<1000000xf32, #tpu.memory_space<hbm>> -> memref<1000000xf32, #tpu.memory_space<hbm>>
    tpu.wait_indirect_dma semaphore(%arg48 : memref<!tpu.dma_semaphore, #tpu.memory_space<semaphore_mem>>) src(%dma_wait3A_1670 : memref<1000000xf32, #tpu.memory_space<hbm>>) dst(%dma_wait3A_1665 : memref<128xf32, #tpu.memory_space<vmem>>)
    %dma_wait3A_1671 = arith.constant 0 : i32
    %dma_wait3A_1672 = arith.constant 14 : i32
    %dma_wait3A_1673 = arith.constant 0 : i32
    %dma_wait3A_1674 = tpu.memref_slice %arg43[%dma_wait3A_1672, %dma_wait3A_1673] : memref<64x128xf32, #tpu.memory_space<vmem>> -> memref<1x128xf32, #tpu.memory_space<vmem>>
    %dma_wait3A_1675 = tpu.memref_squeeze %dma_wait3A_1674 : memref<1x128xf32, #tpu.memory_space<vmem>> -> memref<128xf32, #tpu.memory_space<vmem>>
    %dma_wait3A_1676 = arith.constant 0 : i32
    %dma_wait3A_1677 = tpu.memref_slice %arg41[%dma_wait3A_1671, %dma_wait3A_1676] : memref<4x128xi32, #tpu.memory_space<vmem>> -> memref<1x128xi32, #tpu.memory_space<vmem>>
    %dma_wait3A_1678 = tpu.memref_squeeze %dma_wait3A_1677 : memref<1x128xi32, #tpu.memory_space<vmem>> -> memref<128xi32, #tpu.memory_space<vmem>>
    %dma_wait3A_1679 = arith.constant 0 : i32
    %dma_wait3A_1680 = tpu.memref_slice %arg36[%dma_wait3A_1679] : memref<1000000xf32, #tpu.memory_space<hbm>> -> memref<1000000xf32, #tpu.memory_space<hbm>>
    tpu.wait_indirect_dma semaphore(%arg48 : memref<!tpu.dma_semaphore, #tpu.memory_space<semaphore_mem>>) src(%dma_wait3A_1680 : memref<1000000xf32, #tpu.memory_space<hbm>>) dst(%dma_wait3A_1675 : memref<128xf32, #tpu.memory_space<vmem>>)
    %dma_wait3A_1681 = arith.constant 0 : i32
    %dma_wait3A_1682 = arith.constant 15 : i32
    %dma_wait3A_1683 = arith.constant 0 : i32
    %dma_wait3A_1684 = tpu.memref_slice %arg42[%dma_wait3A_1682, %dma_wait3A_1683] : memref<64x128xf32, #tpu.memory_space<vmem>> -> memref<1x128xf32, #tpu.memory_space<vmem>>
    %dma_wait3A_1685 = tpu.memref_squeeze %dma_wait3A_1684 : memref<1x128xf32, #tpu.memory_space<vmem>> -> memref<128xf32, #tpu.memory_space<vmem>>
    %dma_wait3A_1686 = arith.constant 0 : i32
    %dma_wait3A_1687 = tpu.memref_slice %arg40[%dma_wait3A_1681, %dma_wait3A_1686] : memref<4x128xi32, #tpu.memory_space<vmem>> -> memref<1x128xi32, #tpu.memory_space<vmem>>
    %dma_wait3A_1688 = tpu.memref_squeeze %dma_wait3A_1687 : memref<1x128xi32, #tpu.memory_space<vmem>> -> memref<128xi32, #tpu.memory_space<vmem>>
    %dma_wait3A_1689 = arith.constant 0 : i32
    %dma_wait3A_1690 = tpu.memref_slice %arg21[%dma_wait3A_1689] : memref<1000000xf32, #tpu.memory_space<hbm>> -> memref<1000000xf32, #tpu.memory_space<hbm>>
    tpu.wait_indirect_dma semaphore(%arg48 : memref<!tpu.dma_semaphore, #tpu.memory_space<semaphore_mem>>) src(%dma_wait3A_1690 : memref<1000000xf32, #tpu.memory_space<hbm>>) dst(%dma_wait3A_1685 : memref<128xf32, #tpu.memory_space<vmem>>)
    %dma_wait3A_1691 = arith.constant 0 : i32
    %dma_wait3A_1692 = arith.constant 15 : i32
    %dma_wait3A_1693 = arith.constant 0 : i32
    %dma_wait3A_1694 = tpu.memref_slice %arg43[%dma_wait3A_1692, %dma_wait3A_1693] : memref<64x128xf32, #tpu.memory_space<vmem>> -> memref<1x128xf32, #tpu.memory_space<vmem>>
    %dma_wait3A_1695 = tpu.memref_squeeze %dma_wait3A_1694 : memref<1x128xf32, #tpu.memory_space<vmem>> -> memref<128xf32, #tpu.memory_space<vmem>>
    %dma_wait3A_1696 = arith.constant 0 : i32
    %dma_wait3A_1697 = tpu.memref_slice %arg41[%dma_wait3A_1691, %dma_wait3A_1696] : memref<4x128xi32, #tpu.memory_space<vmem>> -> memref<1x128xi32, #tpu.memory_space<vmem>>
    %dma_wait3A_1698 = tpu.memref_squeeze %dma_wait3A_1697 : memref<1x128xi32, #tpu.memory_space<vmem>> -> memref<128xi32, #tpu.memory_space<vmem>>
    %dma_wait3A_1699 = arith.constant 0 : i32
    %dma_wait3A_1700 = tpu.memref_slice %arg37[%dma_wait3A_1699] : memref<1000000xf32, #tpu.memory_space<hbm>> -> memref<1000000xf32, #tpu.memory_space<hbm>>
    tpu.wait_indirect_dma semaphore(%arg48 : memref<!tpu.dma_semaphore, #tpu.memory_space<semaphore_mem>>) src(%dma_wait3A_1700 : memref<1000000xf32, #tpu.memory_space<hbm>>) dst(%dma_wait3A_1695 : memref<128xf32, #tpu.memory_space<vmem>>)
    %dma_wait3A_1701 = arith.constant 1 : i32
    %dma_wait3A_1702 = arith.constant 1 : i32
    %dma_wait3A_1703 = arith.constant 0 : i32
    %dma_wait3A_1704 = tpu.memref_slice %arg44[%dma_wait3A_1702, %dma_wait3A_1703] : memref<4x128xf32, #tpu.memory_space<vmem>> -> memref<1x128xf32, #tpu.memory_space<vmem>>
    %dma_wait3A_1705 = tpu.memref_squeeze %dma_wait3A_1704 : memref<1x128xf32, #tpu.memory_space<vmem>> -> memref<128xf32, #tpu.memory_space<vmem>>
    %dma_wait3A_1706 = arith.constant 0 : i32
    %dma_wait3A_1707 = tpu.memref_slice %arg40[%dma_wait3A_1701, %dma_wait3A_1706] : memref<4x128xi32, #tpu.memory_space<vmem>> -> memref<1x128xi32, #tpu.memory_space<vmem>>
    %dma_wait3A_1708 = tpu.memref_squeeze %dma_wait3A_1707 : memref<1x128xi32, #tpu.memory_space<vmem>> -> memref<128xi32, #tpu.memory_space<vmem>>
    %dma_wait3A_1709 = arith.constant 0 : i32
    %dma_wait3A_1710 = tpu.memref_slice %arg4[%dma_wait3A_1709] : memref<1000000xf32, #tpu.memory_space<hbm>> -> memref<1000000xf32, #tpu.memory_space<hbm>>
    tpu.wait_indirect_dma semaphore(%arg49 : memref<!tpu.dma_semaphore, #tpu.memory_space<semaphore_mem>>) src(%dma_wait3A_1710 : memref<1000000xf32, #tpu.memory_space<hbm>>) dst(%dma_wait3A_1705 : memref<128xf32, #tpu.memory_space<vmem>>)
    %dma_wait3A_1711 = arith.constant 1 : i32
    %dma_wait3A_1712 = arith.constant 1 : i32
    %dma_wait3A_1713 = arith.constant 0 : i32
    %dma_wait3A_1714 = tpu.memref_slice %arg45[%dma_wait3A_1712, %dma_wait3A_1713] : memref<4x128xf32, #tpu.memory_space<vmem>> -> memref<1x128xf32, #tpu.memory_space<vmem>>
    %dma_wait3A_1715 = tpu.memref_squeeze %dma_wait3A_1714 : memref<1x128xf32, #tpu.memory_space<vmem>> -> memref<128xf32, #tpu.memory_space<vmem>>
    %dma_wait3A_1716 = arith.constant 0 : i32
    %dma_wait3A_1717 = tpu.memref_slice %arg41[%dma_wait3A_1711, %dma_wait3A_1716] : memref<4x128xi32, #tpu.memory_space<vmem>> -> memref<1x128xi32, #tpu.memory_space<vmem>>
    %dma_wait3A_1718 = tpu.memref_squeeze %dma_wait3A_1717 : memref<1x128xi32, #tpu.memory_space<vmem>> -> memref<128xi32, #tpu.memory_space<vmem>>
    %dma_wait3A_1719 = arith.constant 0 : i32
    %dma_wait3A_1720 = tpu.memref_slice %arg5[%dma_wait3A_1719] : memref<1000000xf32, #tpu.memory_space<hbm>> -> memref<1000000xf32, #tpu.memory_space<hbm>>
    tpu.wait_indirect_dma semaphore(%arg49 : memref<!tpu.dma_semaphore, #tpu.memory_space<semaphore_mem>>) src(%dma_wait3A_1720 : memref<1000000xf32, #tpu.memory_space<hbm>>) dst(%dma_wait3A_1715 : memref<128xf32, #tpu.memory_space<vmem>>)
    %dma_wait3A_1721 = arith.constant 1 : i32
    %dma_wait3A_1722 = arith.constant 16 : i32
    %dma_wait3A_1723 = arith.constant 0 : i32
    %dma_wait3A_1724 = tpu.memref_slice %arg42[%dma_wait3A_1722, %dma_wait3A_1723] : memref<64x128xf32, #tpu.memory_space<vmem>> -> memref<1x128xf32, #tpu.memory_space<vmem>>
    %dma_wait3A_1725 = tpu.memref_squeeze %dma_wait3A_1724 : memref<1x128xf32, #tpu.memory_space<vmem>> -> memref<128xf32, #tpu.memory_space<vmem>>
    %dma_wait3A_1726 = arith.constant 0 : i32
    %dma_wait3A_1727 = tpu.memref_slice %arg40[%dma_wait3A_1721, %dma_wait3A_1726] : memref<4x128xi32, #tpu.memory_space<vmem>> -> memref<1x128xi32, #tpu.memory_space<vmem>>
    %dma_wait3A_1728 = tpu.memref_squeeze %dma_wait3A_1727 : memref<1x128xi32, #tpu.memory_space<vmem>> -> memref<128xi32, #tpu.memory_space<vmem>>
    %dma_wait3A_1729 = arith.constant 0 : i32
    %dma_wait3A_1730 = tpu.memref_slice %arg6[%dma_wait3A_1729] : memref<1000000xf32, #tpu.memory_space<hbm>> -> memref<1000000xf32, #tpu.memory_space<hbm>>
    tpu.wait_indirect_dma semaphore(%arg48 : memref<!tpu.dma_semaphore, #tpu.memory_space<semaphore_mem>>) src(%dma_wait3A_1730 : memref<1000000xf32, #tpu.memory_space<hbm>>) dst(%dma_wait3A_1725 : memref<128xf32, #tpu.memory_space<vmem>>)
    %dma_wait3A_1731 = arith.constant 1 : i32
    %dma_wait3A_1732 = arith.constant 16 : i32
    %dma_wait3A_1733 = arith.constant 0 : i32
    %dma_wait3A_1734 = tpu.memref_slice %arg43[%dma_wait3A_1732, %dma_wait3A_1733] : memref<64x128xf32, #tpu.memory_space<vmem>> -> memref<1x128xf32, #tpu.memory_space<vmem>>
    %dma_wait3A_1735 = tpu.memref_squeeze %dma_wait3A_1734 : memref<1x128xf32, #tpu.memory_space<vmem>> -> memref<128xf32, #tpu.memory_space<vmem>>
    %dma_wait3A_1736 = arith.constant 0 : i32
    %dma_wait3A_1737 = tpu.memref_slice %arg41[%dma_wait3A_1731, %dma_wait3A_1736] : memref<4x128xi32, #tpu.memory_space<vmem>> -> memref<1x128xi32, #tpu.memory_space<vmem>>
    %dma_wait3A_1738 = tpu.memref_squeeze %dma_wait3A_1737 : memref<1x128xi32, #tpu.memory_space<vmem>> -> memref<128xi32, #tpu.memory_space<vmem>>
    %dma_wait3A_1739 = arith.constant 0 : i32
    %dma_wait3A_1740 = tpu.memref_slice %arg22[%dma_wait3A_1739] : memref<1000000xf32, #tpu.memory_space<hbm>> -> memref<1000000xf32, #tpu.memory_space<hbm>>
    tpu.wait_indirect_dma semaphore(%arg48 : memref<!tpu.dma_semaphore, #tpu.memory_space<semaphore_mem>>) src(%dma_wait3A_1740 : memref<1000000xf32, #tpu.memory_space<hbm>>) dst(%dma_wait3A_1735 : memref<128xf32, #tpu.memory_space<vmem>>)
    %dma_wait3A_1741 = arith.constant 1 : i32
    %dma_wait3A_1742 = arith.constant 17 : i32
    %dma_wait3A_1743 = arith.constant 0 : i32
    %dma_wait3A_1744 = tpu.memref_slice %arg42[%dma_wait3A_1742, %dma_wait3A_1743] : memref<64x128xf32, #tpu.memory_space<vmem>> -> memref<1x128xf32, #tpu.memory_space<vmem>>
    %dma_wait3A_1745 = tpu.memref_squeeze %dma_wait3A_1744 : memref<1x128xf32, #tpu.memory_space<vmem>> -> memref<128xf32, #tpu.memory_space<vmem>>
    %dma_wait3A_1746 = arith.constant 0 : i32
    %dma_wait3A_1747 = tpu.memref_slice %arg40[%dma_wait3A_1741, %dma_wait3A_1746] : memref<4x128xi32, #tpu.memory_space<vmem>> -> memref<1x128xi32, #tpu.memory_space<vmem>>
    %dma_wait3A_1748 = tpu.memref_squeeze %dma_wait3A_1747 : memref<1x128xi32, #tpu.memory_space<vmem>> -> memref<128xi32, #tpu.memory_space<vmem>>
    %dma_wait3A_1749 = arith.constant 0 : i32
    %dma_wait3A_1750 = tpu.memref_slice %arg7[%dma_wait3A_1749] : memref<1000000xf32, #tpu.memory_space<hbm>> -> memref<1000000xf32, #tpu.memory_space<hbm>>
    tpu.wait_indirect_dma semaphore(%arg48 : memref<!tpu.dma_semaphore, #tpu.memory_space<semaphore_mem>>) src(%dma_wait3A_1750 : memref<1000000xf32, #tpu.memory_space<hbm>>) dst(%dma_wait3A_1745 : memref<128xf32, #tpu.memory_space<vmem>>)
    %dma_wait3A_1751 = arith.constant 1 : i32
    %dma_wait3A_1752 = arith.constant 17 : i32
    %dma_wait3A_1753 = arith.constant 0 : i32
    %dma_wait3A_1754 = tpu.memref_slice %arg43[%dma_wait3A_1752, %dma_wait3A_1753] : memref<64x128xf32, #tpu.memory_space<vmem>> -> memref<1x128xf32, #tpu.memory_space<vmem>>
    %dma_wait3A_1755 = tpu.memref_squeeze %dma_wait3A_1754 : memref<1x128xf32, #tpu.memory_space<vmem>> -> memref<128xf32, #tpu.memory_space<vmem>>
    %dma_wait3A_1756 = arith.constant 0 : i32
    %dma_wait3A_1757 = tpu.memref_slice %arg41[%dma_wait3A_1751, %dma_wait3A_1756] : memref<4x128xi32, #tpu.memory_space<vmem>> -> memref<1x128xi32, #tpu.memory_space<vmem>>
    %dma_wait3A_1758 = tpu.memref_squeeze %dma_wait3A_1757 : memref<1x128xi32, #tpu.memory_space<vmem>> -> memref<128xi32, #tpu.memory_space<vmem>>
    %dma_wait3A_1759 = arith.constant 0 : i32
    %dma_wait3A_1760 = tpu.memref_slice %arg23[%dma_wait3A_1759] : memref<1000000xf32, #tpu.memory_space<hbm>> -> memref<1000000xf32, #tpu.memory_space<hbm>>
    tpu.wait_indirect_dma semaphore(%arg48 : memref<!tpu.dma_semaphore, #tpu.memory_space<semaphore_mem>>) src(%dma_wait3A_1760 : memref<1000000xf32, #tpu.memory_space<hbm>>) dst(%dma_wait3A_1755 : memref<128xf32, #tpu.memory_space<vmem>>)
    %dma_wait3A_1761 = arith.constant 1 : i32
    %dma_wait3A_1762 = arith.constant 18 : i32
    %dma_wait3A_1763 = arith.constant 0 : i32
    %dma_wait3A_1764 = tpu.memref_slice %arg42[%dma_wait3A_1762, %dma_wait3A_1763] : memref<64x128xf32, #tpu.memory_space<vmem>> -> memref<1x128xf32, #tpu.memory_space<vmem>>
    %dma_wait3A_1765 = tpu.memref_squeeze %dma_wait3A_1764 : memref<1x128xf32, #tpu.memory_space<vmem>> -> memref<128xf32, #tpu.memory_space<vmem>>
    %dma_wait3A_1766 = arith.constant 0 : i32
    %dma_wait3A_1767 = tpu.memref_slice %arg40[%dma_wait3A_1761, %dma_wait3A_1766] : memref<4x128xi32, #tpu.memory_space<vmem>> -> memref<1x128xi32, #tpu.memory_space<vmem>>
    %dma_wait3A_1768 = tpu.memref_squeeze %dma_wait3A_1767 : memref<1x128xi32, #tpu.memory_space<vmem>> -> memref<128xi32, #tpu.memory_space<vmem>>
    %dma_wait3A_1769 = arith.constant 0 : i32
    %dma_wait3A_1770 = tpu.memref_slice %arg8[%dma_wait3A_1769] : memref<1000000xf32, #tpu.memory_space<hbm>> -> memref<1000000xf32, #tpu.memory_space<hbm>>
    tpu.wait_indirect_dma semaphore(%arg48 : memref<!tpu.dma_semaphore, #tpu.memory_space<semaphore_mem>>) src(%dma_wait3A_1770 : memref<1000000xf32, #tpu.memory_space<hbm>>) dst(%dma_wait3A_1765 : memref<128xf32, #tpu.memory_space<vmem>>)
    %dma_wait3A_1771 = arith.constant 1 : i32
    %dma_wait3A_1772 = arith.constant 18 : i32
    %dma_wait3A_1773 = arith.constant 0 : i32
    %dma_wait3A_1774 = tpu.memref_slice %arg43[%dma_wait3A_1772, %dma_wait3A_1773] : memref<64x128xf32, #tpu.memory_space<vmem>> -> memref<1x128xf32, #tpu.memory_space<vmem>>
    %dma_wait3A_1775 = tpu.memref_squeeze %dma_wait3A_1774 : memref<1x128xf32, #tpu.memory_space<vmem>> -> memref<128xf32, #tpu.memory_space<vmem>>
    %dma_wait3A_1776 = arith.constant 0 : i32
    %dma_wait3A_1777 = tpu.memref_slice %arg41[%dma_wait3A_1771, %dma_wait3A_1776] : memref<4x128xi32, #tpu.memory_space<vmem>> -> memref<1x128xi32, #tpu.memory_space<vmem>>
    %dma_wait3A_1778 = tpu.memref_squeeze %dma_wait3A_1777 : memref<1x128xi32, #tpu.memory_space<vmem>> -> memref<128xi32, #tpu.memory_space<vmem>>
    %dma_wait3A_1779 = arith.constant 0 : i32
    %dma_wait3A_1780 = tpu.memref_slice %arg24[%dma_wait3A_1779] : memref<1000000xf32, #tpu.memory_space<hbm>> -> memref<1000000xf32, #tpu.memory_space<hbm>>
    tpu.wait_indirect_dma semaphore(%arg48 : memref<!tpu.dma_semaphore, #tpu.memory_space<semaphore_mem>>) src(%dma_wait3A_1780 : memref<1000000xf32, #tpu.memory_space<hbm>>) dst(%dma_wait3A_1775 : memref<128xf32, #tpu.memory_space<vmem>>)
    %dma_wait3A_1781 = arith.constant 1 : i32
    %dma_wait3A_1782 = arith.constant 19 : i32
    %dma_wait3A_1783 = arith.constant 0 : i32
    %dma_wait3A_1784 = tpu.memref_slice %arg42[%dma_wait3A_1782, %dma_wait3A_1783] : memref<64x128xf32, #tpu.memory_space<vmem>> -> memref<1x128xf32, #tpu.memory_space<vmem>>
    %dma_wait3A_1785 = tpu.memref_squeeze %dma_wait3A_1784 : memref<1x128xf32, #tpu.memory_space<vmem>> -> memref<128xf32, #tpu.memory_space<vmem>>
    %dma_wait3A_1786 = arith.constant 0 : i32
    %dma_wait3A_1787 = tpu.memref_slice %arg40[%dma_wait3A_1781, %dma_wait3A_1786] : memref<4x128xi32, #tpu.memory_space<vmem>> -> memref<1x128xi32, #tpu.memory_space<vmem>>
    %dma_wait3A_1788 = tpu.memref_squeeze %dma_wait3A_1787 : memref<1x128xi32, #tpu.memory_space<vmem>> -> memref<128xi32, #tpu.memory_space<vmem>>
    %dma_wait3A_1789 = arith.constant 0 : i32
    %dma_wait3A_1790 = tpu.memref_slice %arg9[%dma_wait3A_1789] : memref<1000000xf32, #tpu.memory_space<hbm>> -> memref<1000000xf32, #tpu.memory_space<hbm>>
    tpu.wait_indirect_dma semaphore(%arg48 : memref<!tpu.dma_semaphore, #tpu.memory_space<semaphore_mem>>) src(%dma_wait3A_1790 : memref<1000000xf32, #tpu.memory_space<hbm>>) dst(%dma_wait3A_1785 : memref<128xf32, #tpu.memory_space<vmem>>)
    %dma_wait3A_1791 = arith.constant 1 : i32
    %dma_wait3A_1792 = arith.constant 19 : i32
    %dma_wait3A_1793 = arith.constant 0 : i32
    %dma_wait3A_1794 = tpu.memref_slice %arg43[%dma_wait3A_1792, %dma_wait3A_1793] : memref<64x128xf32, #tpu.memory_space<vmem>> -> memref<1x128xf32, #tpu.memory_space<vmem>>
    %dma_wait3A_1795 = tpu.memref_squeeze %dma_wait3A_1794 : memref<1x128xf32, #tpu.memory_space<vmem>> -> memref<128xf32, #tpu.memory_space<vmem>>
    %dma_wait3A_1796 = arith.constant 0 : i32
    %dma_wait3A_1797 = tpu.memref_slice %arg41[%dma_wait3A_1791, %dma_wait3A_1796] : memref<4x128xi32, #tpu.memory_space<vmem>> -> memref<1x128xi32, #tpu.memory_space<vmem>>
    %dma_wait3A_1798 = tpu.memref_squeeze %dma_wait3A_1797 : memref<1x128xi32, #tpu.memory_space<vmem>> -> memref<128xi32, #tpu.memory_space<vmem>>
    %dma_wait3A_1799 = arith.constant 0 : i32
    %dma_wait3A_1800 = tpu.memref_slice %arg25[%dma_wait3A_1799] : memref<1000000xf32, #tpu.memory_space<hbm>> -> memref<1000000xf32, #tpu.memory_space<hbm>>
    tpu.wait_indirect_dma semaphore(%arg48 : memref<!tpu.dma_semaphore, #tpu.memory_space<semaphore_mem>>) src(%dma_wait3A_1800 : memref<1000000xf32, #tpu.memory_space<hbm>>) dst(%dma_wait3A_1795 : memref<128xf32, #tpu.memory_space<vmem>>)
    %dma_wait3A_1801 = arith.constant 1 : i32
    %dma_wait3A_1802 = arith.constant 20 : i32
    %dma_wait3A_1803 = arith.constant 0 : i32
    %dma_wait3A_1804 = tpu.memref_slice %arg42[%dma_wait3A_1802, %dma_wait3A_1803] : memref<64x128xf32, #tpu.memory_space<vmem>> -> memref<1x128xf32, #tpu.memory_space<vmem>>
    %dma_wait3A_1805 = tpu.memref_squeeze %dma_wait3A_1804 : memref<1x128xf32, #tpu.memory_space<vmem>> -> memref<128xf32, #tpu.memory_space<vmem>>
    %dma_wait3A_1806 = arith.constant 0 : i32
    %dma_wait3A_1807 = tpu.memref_slice %arg40[%dma_wait3A_1801, %dma_wait3A_1806] : memref<4x128xi32, #tpu.memory_space<vmem>> -> memref<1x128xi32, #tpu.memory_space<vmem>>
    %dma_wait3A_1808 = tpu.memref_squeeze %dma_wait3A_1807 : memref<1x128xi32, #tpu.memory_space<vmem>> -> memref<128xi32, #tpu.memory_space<vmem>>
    %dma_wait3A_1809 = arith.constant 0 : i32
    %dma_wait3A_1810 = tpu.memref_slice %arg10[%dma_wait3A_1809] : memref<1000000xf32, #tpu.memory_space<hbm>> -> memref<1000000xf32, #tpu.memory_space<hbm>>
    tpu.wait_indirect_dma semaphore(%arg48 : memref<!tpu.dma_semaphore, #tpu.memory_space<semaphore_mem>>) src(%dma_wait3A_1810 : memref<1000000xf32, #tpu.memory_space<hbm>>) dst(%dma_wait3A_1805 : memref<128xf32, #tpu.memory_space<vmem>>)
    %dma_wait3A_1811 = arith.constant 1 : i32
    %dma_wait3A_1812 = arith.constant 20 : i32
    %dma_wait3A_1813 = arith.constant 0 : i32
    %dma_wait3A_1814 = tpu.memref_slice %arg43[%dma_wait3A_1812, %dma_wait3A_1813] : memref<64x128xf32, #tpu.memory_space<vmem>> -> memref<1x128xf32, #tpu.memory_space<vmem>>
    %dma_wait3A_1815 = tpu.memref_squeeze %dma_wait3A_1814 : memref<1x128xf32, #tpu.memory_space<vmem>> -> memref<128xf32, #tpu.memory_space<vmem>>
    %dma_wait3A_1816 = arith.constant 0 : i32
    %dma_wait3A_1817 = tpu.memref_slice %arg41[%dma_wait3A_1811, %dma_wait3A_1816] : memref<4x128xi32, #tpu.memory_space<vmem>> -> memref<1x128xi32, #tpu.memory_space<vmem>>
    %dma_wait3A_1818 = tpu.memref_squeeze %dma_wait3A_1817 : memref<1x128xi32, #tpu.memory_space<vmem>> -> memref<128xi32, #tpu.memory_space<vmem>>
    %dma_wait3A_1819 = arith.constant 0 : i32
    %dma_wait3A_1820 = tpu.memref_slice %arg26[%dma_wait3A_1819] : memref<1000000xf32, #tpu.memory_space<hbm>> -> memref<1000000xf32, #tpu.memory_space<hbm>>
    tpu.wait_indirect_dma semaphore(%arg48 : memref<!tpu.dma_semaphore, #tpu.memory_space<semaphore_mem>>) src(%dma_wait3A_1820 : memref<1000000xf32, #tpu.memory_space<hbm>>) dst(%dma_wait3A_1815 : memref<128xf32, #tpu.memory_space<vmem>>)
    %dma_wait3A_1821 = arith.constant 1 : i32
    %dma_wait3A_1822 = arith.constant 21 : i32
    %dma_wait3A_1823 = arith.constant 0 : i32
    %dma_wait3A_1824 = tpu.memref_slice %arg42[%dma_wait3A_1822, %dma_wait3A_1823] : memref<64x128xf32, #tpu.memory_space<vmem>> -> memref<1x128xf32, #tpu.memory_space<vmem>>
    %dma_wait3A_1825 = tpu.memref_squeeze %dma_wait3A_1824 : memref<1x128xf32, #tpu.memory_space<vmem>> -> memref<128xf32, #tpu.memory_space<vmem>>
    %dma_wait3A_1826 = arith.constant 0 : i32
    %dma_wait3A_1827 = tpu.memref_slice %arg40[%dma_wait3A_1821, %dma_wait3A_1826] : memref<4x128xi32, #tpu.memory_space<vmem>> -> memref<1x128xi32, #tpu.memory_space<vmem>>
    %dma_wait3A_1828 = tpu.memref_squeeze %dma_wait3A_1827 : memref<1x128xi32, #tpu.memory_space<vmem>> -> memref<128xi32, #tpu.memory_space<vmem>>
    %dma_wait3A_1829 = arith.constant 0 : i32
    %dma_wait3A_1830 = tpu.memref_slice %arg11[%dma_wait3A_1829] : memref<1000000xf32, #tpu.memory_space<hbm>> -> memref<1000000xf32, #tpu.memory_space<hbm>>
    tpu.wait_indirect_dma semaphore(%arg48 : memref<!tpu.dma_semaphore, #tpu.memory_space<semaphore_mem>>) src(%dma_wait3A_1830 : memref<1000000xf32, #tpu.memory_space<hbm>>) dst(%dma_wait3A_1825 : memref<128xf32, #tpu.memory_space<vmem>>)
    %dma_wait3A_1831 = arith.constant 1 : i32
    %dma_wait3A_1832 = arith.constant 21 : i32
    %dma_wait3A_1833 = arith.constant 0 : i32
    %dma_wait3A_1834 = tpu.memref_slice %arg43[%dma_wait3A_1832, %dma_wait3A_1833] : memref<64x128xf32, #tpu.memory_space<vmem>> -> memref<1x128xf32, #tpu.memory_space<vmem>>
    %dma_wait3A_1835 = tpu.memref_squeeze %dma_wait3A_1834 : memref<1x128xf32, #tpu.memory_space<vmem>> -> memref<128xf32, #tpu.memory_space<vmem>>
    %dma_wait3A_1836 = arith.constant 0 : i32
    %dma_wait3A_1837 = tpu.memref_slice %arg41[%dma_wait3A_1831, %dma_wait3A_1836] : memref<4x128xi32, #tpu.memory_space<vmem>> -> memref<1x128xi32, #tpu.memory_space<vmem>>
    %dma_wait3A_1838 = tpu.memref_squeeze %dma_wait3A_1837 : memref<1x128xi32, #tpu.memory_space<vmem>> -> memref<128xi32, #tpu.memory_space<vmem>>
    %dma_wait3A_1839 = arith.constant 0 : i32
    %dma_wait3A_1840 = tpu.memref_slice %arg27[%dma_wait3A_1839] : memref<1000000xf32, #tpu.memory_space<hbm>> -> memref<1000000xf32, #tpu.memory_space<hbm>>
    tpu.wait_indirect_dma semaphore(%arg48 : memref<!tpu.dma_semaphore, #tpu.memory_space<semaphore_mem>>) src(%dma_wait3A_1840 : memref<1000000xf32, #tpu.memory_space<hbm>>) dst(%dma_wait3A_1835 : memref<128xf32, #tpu.memory_space<vmem>>)
    %dma_wait3A_1841 = arith.constant 1 : i32
    %dma_wait3A_1842 = arith.constant 22 : i32
    %dma_wait3A_1843 = arith.constant 0 : i32
    %dma_wait3A_1844 = tpu.memref_slice %arg42[%dma_wait3A_1842, %dma_wait3A_1843] : memref<64x128xf32, #tpu.memory_space<vmem>> -> memref<1x128xf32, #tpu.memory_space<vmem>>
    %dma_wait3A_1845 = tpu.memref_squeeze %dma_wait3A_1844 : memref<1x128xf32, #tpu.memory_space<vmem>> -> memref<128xf32, #tpu.memory_space<vmem>>
    %dma_wait3A_1846 = arith.constant 0 : i32
    %dma_wait3A_1847 = tpu.memref_slice %arg40[%dma_wait3A_1841, %dma_wait3A_1846] : memref<4x128xi32, #tpu.memory_space<vmem>> -> memref<1x128xi32, #tpu.memory_space<vmem>>
    %dma_wait3A_1848 = tpu.memref_squeeze %dma_wait3A_1847 : memref<1x128xi32, #tpu.memory_space<vmem>> -> memref<128xi32, #tpu.memory_space<vmem>>
    %dma_wait3A_1849 = arith.constant 0 : i32
    %dma_wait3A_1850 = tpu.memref_slice %arg12[%dma_wait3A_1849] : memref<1000000xf32, #tpu.memory_space<hbm>> -> memref<1000000xf32, #tpu.memory_space<hbm>>
    tpu.wait_indirect_dma semaphore(%arg48 : memref<!tpu.dma_semaphore, #tpu.memory_space<semaphore_mem>>) src(%dma_wait3A_1850 : memref<1000000xf32, #tpu.memory_space<hbm>>) dst(%dma_wait3A_1845 : memref<128xf32, #tpu.memory_space<vmem>>)
    %dma_wait3A_1851 = arith.constant 1 : i32
    %dma_wait3A_1852 = arith.constant 22 : i32
    %dma_wait3A_1853 = arith.constant 0 : i32
    %dma_wait3A_1854 = tpu.memref_slice %arg43[%dma_wait3A_1852, %dma_wait3A_1853] : memref<64x128xf32, #tpu.memory_space<vmem>> -> memref<1x128xf32, #tpu.memory_space<vmem>>
    %dma_wait3A_1855 = tpu.memref_squeeze %dma_wait3A_1854 : memref<1x128xf32, #tpu.memory_space<vmem>> -> memref<128xf32, #tpu.memory_space<vmem>>
    %dma_wait3A_1856 = arith.constant 0 : i32
    %dma_wait3A_1857 = tpu.memref_slice %arg41[%dma_wait3A_1851, %dma_wait3A_1856] : memref<4x128xi32, #tpu.memory_space<vmem>> -> memref<1x128xi32, #tpu.memory_space<vmem>>
    %dma_wait3A_1858 = tpu.memref_squeeze %dma_wait3A_1857 : memref<1x128xi32, #tpu.memory_space<vmem>> -> memref<128xi32, #tpu.memory_space<vmem>>
    %dma_wait3A_1859 = arith.constant 0 : i32
    %dma_wait3A_1860 = tpu.memref_slice %arg28[%dma_wait3A_1859] : memref<1000000xf32, #tpu.memory_space<hbm>> -> memref<1000000xf32, #tpu.memory_space<hbm>>
    tpu.wait_indirect_dma semaphore(%arg48 : memref<!tpu.dma_semaphore, #tpu.memory_space<semaphore_mem>>) src(%dma_wait3A_1860 : memref<1000000xf32, #tpu.memory_space<hbm>>) dst(%dma_wait3A_1855 : memref<128xf32, #tpu.memory_space<vmem>>)
    %dma_wait3A_1861 = arith.constant 1 : i32
    %dma_wait3A_1862 = arith.constant 23 : i32
    %dma_wait3A_1863 = arith.constant 0 : i32
    %dma_wait3A_1864 = tpu.memref_slice %arg42[%dma_wait3A_1862, %dma_wait3A_1863] : memref<64x128xf32, #tpu.memory_space<vmem>> -> memref<1x128xf32, #tpu.memory_space<vmem>>
    %dma_wait3A_1865 = tpu.memref_squeeze %dma_wait3A_1864 : memref<1x128xf32, #tpu.memory_space<vmem>> -> memref<128xf32, #tpu.memory_space<vmem>>
    %dma_wait3A_1866 = arith.constant 0 : i32
    %dma_wait3A_1867 = tpu.memref_slice %arg40[%dma_wait3A_1861, %dma_wait3A_1866] : memref<4x128xi32, #tpu.memory_space<vmem>> -> memref<1x128xi32, #tpu.memory_space<vmem>>
    %dma_wait3A_1868 = tpu.memref_squeeze %dma_wait3A_1867 : memref<1x128xi32, #tpu.memory_space<vmem>> -> memref<128xi32, #tpu.memory_space<vmem>>
    %dma_wait3A_1869 = arith.constant 0 : i32
    %dma_wait3A_1870 = tpu.memref_slice %arg13[%dma_wait3A_1869] : memref<1000000xf32, #tpu.memory_space<hbm>> -> memref<1000000xf32, #tpu.memory_space<hbm>>
    tpu.wait_indirect_dma semaphore(%arg48 : memref<!tpu.dma_semaphore, #tpu.memory_space<semaphore_mem>>) src(%dma_wait3A_1870 : memref<1000000xf32, #tpu.memory_space<hbm>>) dst(%dma_wait3A_1865 : memref<128xf32, #tpu.memory_space<vmem>>)
    %dma_wait3A_1871 = arith.constant 1 : i32
    %dma_wait3A_1872 = arith.constant 23 : i32
    %dma_wait3A_1873 = arith.constant 0 : i32
    %dma_wait3A_1874 = tpu.memref_slice %arg43[%dma_wait3A_1872, %dma_wait3A_1873] : memref<64x128xf32, #tpu.memory_space<vmem>> -> memref<1x128xf32, #tpu.memory_space<vmem>>
    %dma_wait3A_1875 = tpu.memref_squeeze %dma_wait3A_1874 : memref<1x128xf32, #tpu.memory_space<vmem>> -> memref<128xf32, #tpu.memory_space<vmem>>
    %dma_wait3A_1876 = arith.constant 0 : i32
    %dma_wait3A_1877 = tpu.memref_slice %arg41[%dma_wait3A_1871, %dma_wait3A_1876] : memref<4x128xi32, #tpu.memory_space<vmem>> -> memref<1x128xi32, #tpu.memory_space<vmem>>
    %dma_wait3A_1878 = tpu.memref_squeeze %dma_wait3A_1877 : memref<1x128xi32, #tpu.memory_space<vmem>> -> memref<128xi32, #tpu.memory_space<vmem>>
    %dma_wait3A_1879 = arith.constant 0 : i32
    %dma_wait3A_1880 = tpu.memref_slice %arg29[%dma_wait3A_1879] : memref<1000000xf32, #tpu.memory_space<hbm>> -> memref<1000000xf32, #tpu.memory_space<hbm>>
    tpu.wait_indirect_dma semaphore(%arg48 : memref<!tpu.dma_semaphore, #tpu.memory_space<semaphore_mem>>) src(%dma_wait3A_1880 : memref<1000000xf32, #tpu.memory_space<hbm>>) dst(%dma_wait3A_1875 : memref<128xf32, #tpu.memory_space<vmem>>)
    %dma_wait3A_1881 = arith.constant 1 : i32
    %dma_wait3A_1882 = arith.constant 24 : i32
    %dma_wait3A_1883 = arith.constant 0 : i32
    %dma_wait3A_1884 = tpu.memref_slice %arg42[%dma_wait3A_1882, %dma_wait3A_1883] : memref<64x128xf32, #tpu.memory_space<vmem>> -> memref<1x128xf32, #tpu.memory_space<vmem>>
    %dma_wait3A_1885 = tpu.memref_squeeze %dma_wait3A_1884 : memref<1x128xf32, #tpu.memory_space<vmem>> -> memref<128xf32, #tpu.memory_space<vmem>>
    %dma_wait3A_1886 = arith.constant 0 : i32
    %dma_wait3A_1887 = tpu.memref_slice %arg40[%dma_wait3A_1881, %dma_wait3A_1886] : memref<4x128xi32, #tpu.memory_space<vmem>> -> memref<1x128xi32, #tpu.memory_space<vmem>>
    %dma_wait3A_1888 = tpu.memref_squeeze %dma_wait3A_1887 : memref<1x128xi32, #tpu.memory_space<vmem>> -> memref<128xi32, #tpu.memory_space<vmem>>
    %dma_wait3A_1889 = arith.constant 0 : i32
    %dma_wait3A_1890 = tpu.memref_slice %arg14[%dma_wait3A_1889] : memref<1000000xf32, #tpu.memory_space<hbm>> -> memref<1000000xf32, #tpu.memory_space<hbm>>
    tpu.wait_indirect_dma semaphore(%arg48 : memref<!tpu.dma_semaphore, #tpu.memory_space<semaphore_mem>>) src(%dma_wait3A_1890 : memref<1000000xf32, #tpu.memory_space<hbm>>) dst(%dma_wait3A_1885 : memref<128xf32, #tpu.memory_space<vmem>>)
    %dma_wait3A_1891 = arith.constant 1 : i32
    %dma_wait3A_1892 = arith.constant 24 : i32
    %dma_wait3A_1893 = arith.constant 0 : i32
    %dma_wait3A_1894 = tpu.memref_slice %arg43[%dma_wait3A_1892, %dma_wait3A_1893] : memref<64x128xf32, #tpu.memory_space<vmem>> -> memref<1x128xf32, #tpu.memory_space<vmem>>
    %dma_wait3A_1895 = tpu.memref_squeeze %dma_wait3A_1894 : memref<1x128xf32, #tpu.memory_space<vmem>> -> memref<128xf32, #tpu.memory_space<vmem>>
    %dma_wait3A_1896 = arith.constant 0 : i32
    %dma_wait3A_1897 = tpu.memref_slice %arg41[%dma_wait3A_1891, %dma_wait3A_1896] : memref<4x128xi32, #tpu.memory_space<vmem>> -> memref<1x128xi32, #tpu.memory_space<vmem>>
    %dma_wait3A_1898 = tpu.memref_squeeze %dma_wait3A_1897 : memref<1x128xi32, #tpu.memory_space<vmem>> -> memref<128xi32, #tpu.memory_space<vmem>>
    %dma_wait3A_1899 = arith.constant 0 : i32
    %dma_wait3A_1900 = tpu.memref_slice %arg30[%dma_wait3A_1899] : memref<1000000xf32, #tpu.memory_space<hbm>> -> memref<1000000xf32, #tpu.memory_space<hbm>>
    tpu.wait_indirect_dma semaphore(%arg48 : memref<!tpu.dma_semaphore, #tpu.memory_space<semaphore_mem>>) src(%dma_wait3A_1900 : memref<1000000xf32, #tpu.memory_space<hbm>>) dst(%dma_wait3A_1895 : memref<128xf32, #tpu.memory_space<vmem>>)
    %dma_wait3A_1901 = arith.constant 1 : i32
    %dma_wait3A_1902 = arith.constant 25 : i32
    %dma_wait3A_1903 = arith.constant 0 : i32
    %dma_wait3A_1904 = tpu.memref_slice %arg42[%dma_wait3A_1902, %dma_wait3A_1903] : memref<64x128xf32, #tpu.memory_space<vmem>> -> memref<1x128xf32, #tpu.memory_space<vmem>>
    %dma_wait3A_1905 = tpu.memref_squeeze %dma_wait3A_1904 : memref<1x128xf32, #tpu.memory_space<vmem>> -> memref<128xf32, #tpu.memory_space<vmem>>
    %dma_wait3A_1906 = arith.constant 0 : i32
    %dma_wait3A_1907 = tpu.memref_slice %arg40[%dma_wait3A_1901, %dma_wait3A_1906] : memref<4x128xi32, #tpu.memory_space<vmem>> -> memref<1x128xi32, #tpu.memory_space<vmem>>
    %dma_wait3A_1908 = tpu.memref_squeeze %dma_wait3A_1907 : memref<1x128xi32, #tpu.memory_space<vmem>> -> memref<128xi32, #tpu.memory_space<vmem>>
    %dma_wait3A_1909 = arith.constant 0 : i32
    %dma_wait3A_1910 = tpu.memref_slice %arg15[%dma_wait3A_1909] : memref<1000000xf32, #tpu.memory_space<hbm>> -> memref<1000000xf32, #tpu.memory_space<hbm>>
    tpu.wait_indirect_dma semaphore(%arg48 : memref<!tpu.dma_semaphore, #tpu.memory_space<semaphore_mem>>) src(%dma_wait3A_1910 : memref<1000000xf32, #tpu.memory_space<hbm>>) dst(%dma_wait3A_1905 : memref<128xf32, #tpu.memory_space<vmem>>)
    %dma_wait3A_1911 = arith.constant 1 : i32
    %dma_wait3A_1912 = arith.constant 25 : i32
    %dma_wait3A_1913 = arith.constant 0 : i32
    %dma_wait3A_1914 = tpu.memref_slice %arg43[%dma_wait3A_1912, %dma_wait3A_1913] : memref<64x128xf32, #tpu.memory_space<vmem>> -> memref<1x128xf32, #tpu.memory_space<vmem>>
    %dma_wait3A_1915 = tpu.memref_squeeze %dma_wait3A_1914 : memref<1x128xf32, #tpu.memory_space<vmem>> -> memref<128xf32, #tpu.memory_space<vmem>>
    %dma_wait3A_1916 = arith.constant 0 : i32
    %dma_wait3A_1917 = tpu.memref_slice %arg41[%dma_wait3A_1911, %dma_wait3A_1916] : memref<4x128xi32, #tpu.memory_space<vmem>> -> memref<1x128xi32, #tpu.memory_space<vmem>>
    %dma_wait3A_1918 = tpu.memref_squeeze %dma_wait3A_1917 : memref<1x128xi32, #tpu.memory_space<vmem>> -> memref<128xi32, #tpu.memory_space<vmem>>
    %dma_wait3A_1919 = arith.constant 0 : i32
    %dma_wait3A_1920 = tpu.memref_slice %arg31[%dma_wait3A_1919] : memref<1000000xf32, #tpu.memory_space<hbm>> -> memref<1000000xf32, #tpu.memory_space<hbm>>
    tpu.wait_indirect_dma semaphore(%arg48 : memref<!tpu.dma_semaphore, #tpu.memory_space<semaphore_mem>>) src(%dma_wait3A_1920 : memref<1000000xf32, #tpu.memory_space<hbm>>) dst(%dma_wait3A_1915 : memref<128xf32, #tpu.memory_space<vmem>>)
    %dma_wait3A_1921 = arith.constant 1 : i32
    %dma_wait3A_1922 = arith.constant 26 : i32
    %dma_wait3A_1923 = arith.constant 0 : i32
    %dma_wait3A_1924 = tpu.memref_slice %arg42[%dma_wait3A_1922, %dma_wait3A_1923] : memref<64x128xf32, #tpu.memory_space<vmem>> -> memref<1x128xf32, #tpu.memory_space<vmem>>
    %dma_wait3A_1925 = tpu.memref_squeeze %dma_wait3A_1924 : memref<1x128xf32, #tpu.memory_space<vmem>> -> memref<128xf32, #tpu.memory_space<vmem>>
    %dma_wait3A_1926 = arith.constant 0 : i32
    %dma_wait3A_1927 = tpu.memref_slice %arg40[%dma_wait3A_1921, %dma_wait3A_1926] : memref<4x128xi32, #tpu.memory_space<vmem>> -> memref<1x128xi32, #tpu.memory_space<vmem>>
    %dma_wait3A_1928 = tpu.memref_squeeze %dma_wait3A_1927 : memref<1x128xi32, #tpu.memory_space<vmem>> -> memref<128xi32, #tpu.memory_space<vmem>>
    %dma_wait3A_1929 = arith.constant 0 : i32
    %dma_wait3A_1930 = tpu.memref_slice %arg16[%dma_wait3A_1929] : memref<1000000xf32, #tpu.memory_space<hbm>> -> memref<1000000xf32, #tpu.memory_space<hbm>>
    tpu.wait_indirect_dma semaphore(%arg48 : memref<!tpu.dma_semaphore, #tpu.memory_space<semaphore_mem>>) src(%dma_wait3A_1930 : memref<1000000xf32, #tpu.memory_space<hbm>>) dst(%dma_wait3A_1925 : memref<128xf32, #tpu.memory_space<vmem>>)
    %dma_wait3A_1931 = arith.constant 1 : i32
    %dma_wait3A_1932 = arith.constant 26 : i32
    %dma_wait3A_1933 = arith.constant 0 : i32
    %dma_wait3A_1934 = tpu.memref_slice %arg43[%dma_wait3A_1932, %dma_wait3A_1933] : memref<64x128xf32, #tpu.memory_space<vmem>> -> memref<1x128xf32, #tpu.memory_space<vmem>>
    %dma_wait3A_1935 = tpu.memref_squeeze %dma_wait3A_1934 : memref<1x128xf32, #tpu.memory_space<vmem>> -> memref<128xf32, #tpu.memory_space<vmem>>
    %dma_wait3A_1936 = arith.constant 0 : i32
    %dma_wait3A_1937 = tpu.memref_slice %arg41[%dma_wait3A_1931, %dma_wait3A_1936] : memref<4x128xi32, #tpu.memory_space<vmem>> -> memref<1x128xi32, #tpu.memory_space<vmem>>
    %dma_wait3A_1938 = tpu.memref_squeeze %dma_wait3A_1937 : memref<1x128xi32, #tpu.memory_space<vmem>> -> memref<128xi32, #tpu.memory_space<vmem>>
    %dma_wait3A_1939 = arith.constant 0 : i32
    %dma_wait3A_1940 = tpu.memref_slice %arg32[%dma_wait3A_1939] : memref<1000000xf32, #tpu.memory_space<hbm>> -> memref<1000000xf32, #tpu.memory_space<hbm>>
    tpu.wait_indirect_dma semaphore(%arg48 : memref<!tpu.dma_semaphore, #tpu.memory_space<semaphore_mem>>) src(%dma_wait3A_1940 : memref<1000000xf32, #tpu.memory_space<hbm>>) dst(%dma_wait3A_1935 : memref<128xf32, #tpu.memory_space<vmem>>)
    %dma_wait3A_1941 = arith.constant 1 : i32
    %dma_wait3A_1942 = arith.constant 27 : i32
    %dma_wait3A_1943 = arith.constant 0 : i32
    %dma_wait3A_1944 = tpu.memref_slice %arg42[%dma_wait3A_1942, %dma_wait3A_1943] : memref<64x128xf32, #tpu.memory_space<vmem>> -> memref<1x128xf32, #tpu.memory_space<vmem>>
    %dma_wait3A_1945 = tpu.memref_squeeze %dma_wait3A_1944 : memref<1x128xf32, #tpu.memory_space<vmem>> -> memref<128xf32, #tpu.memory_space<vmem>>
    %dma_wait3A_1946 = arith.constant 0 : i32
    %dma_wait3A_1947 = tpu.memref_slice %arg40[%dma_wait3A_1941, %dma_wait3A_1946] : memref<4x128xi32, #tpu.memory_space<vmem>> -> memref<1x128xi32, #tpu.memory_space<vmem>>
    %dma_wait3A_1948 = tpu.memref_squeeze %dma_wait3A_1947 : memref<1x128xi32, #tpu.memory_space<vmem>> -> memref<128xi32, #tpu.memory_space<vmem>>
    %dma_wait3A_1949 = arith.constant 0 : i32
    %dma_wait3A_1950 = tpu.memref_slice %arg17[%dma_wait3A_1949] : memref<1000000xf32, #tpu.memory_space<hbm>> -> memref<1000000xf32, #tpu.memory_space<hbm>>
    tpu.wait_indirect_dma semaphore(%arg48 : memref<!tpu.dma_semaphore, #tpu.memory_space<semaphore_mem>>) src(%dma_wait3A_1950 : memref<1000000xf32, #tpu.memory_space<hbm>>) dst(%dma_wait3A_1945 : memref<128xf32, #tpu.memory_space<vmem>>)
    %dma_wait3A_1951 = arith.constant 1 : i32
    %dma_wait3A_1952 = arith.constant 27 : i32
    %dma_wait3A_1953 = arith.constant 0 : i32
    %dma_wait3A_1954 = tpu.memref_slice %arg43[%dma_wait3A_1952, %dma_wait3A_1953] : memref<64x128xf32, #tpu.memory_space<vmem>> -> memref<1x128xf32, #tpu.memory_space<vmem>>
    %dma_wait3A_1955 = tpu.memref_squeeze %dma_wait3A_1954 : memref<1x128xf32, #tpu.memory_space<vmem>> -> memref<128xf32, #tpu.memory_space<vmem>>
    %dma_wait3A_1956 = arith.constant 0 : i32
    %dma_wait3A_1957 = tpu.memref_slice %arg41[%dma_wait3A_1951, %dma_wait3A_1956] : memref<4x128xi32, #tpu.memory_space<vmem>> -> memref<1x128xi32, #tpu.memory_space<vmem>>
    %dma_wait3A_1958 = tpu.memref_squeeze %dma_wait3A_1957 : memref<1x128xi32, #tpu.memory_space<vmem>> -> memref<128xi32, #tpu.memory_space<vmem>>
    %dma_wait3A_1959 = arith.constant 0 : i32
    %dma_wait3A_1960 = tpu.memref_slice %arg33[%dma_wait3A_1959] : memref<1000000xf32, #tpu.memory_space<hbm>> -> memref<1000000xf32, #tpu.memory_space<hbm>>
    tpu.wait_indirect_dma semaphore(%arg48 : memref<!tpu.dma_semaphore, #tpu.memory_space<semaphore_mem>>) src(%dma_wait3A_1960 : memref<1000000xf32, #tpu.memory_space<hbm>>) dst(%dma_wait3A_1955 : memref<128xf32, #tpu.memory_space<vmem>>)
    %dma_wait3A_1961 = arith.constant 1 : i32
    %dma_wait3A_1962 = arith.constant 28 : i32
    %dma_wait3A_1963 = arith.constant 0 : i32
    %dma_wait3A_1964 = tpu.memref_slice %arg42[%dma_wait3A_1962, %dma_wait3A_1963] : memref<64x128xf32, #tpu.memory_space<vmem>> -> memref<1x128xf32, #tpu.memory_space<vmem>>
    %dma_wait3A_1965 = tpu.memref_squeeze %dma_wait3A_1964 : memref<1x128xf32, #tpu.memory_space<vmem>> -> memref<128xf32, #tpu.memory_space<vmem>>
    %dma_wait3A_1966 = arith.constant 0 : i32
    %dma_wait3A_1967 = tpu.memref_slice %arg40[%dma_wait3A_1961, %dma_wait3A_1966] : memref<4x128xi32, #tpu.memory_space<vmem>> -> memref<1x128xi32, #tpu.memory_space<vmem>>
    %dma_wait3A_1968 = tpu.memref_squeeze %dma_wait3A_1967 : memref<1x128xi32, #tpu.memory_space<vmem>> -> memref<128xi32, #tpu.memory_space<vmem>>
    %dma_wait3A_1969 = arith.constant 0 : i32
    %dma_wait3A_1970 = tpu.memref_slice %arg18[%dma_wait3A_1969] : memref<1000000xf32, #tpu.memory_space<hbm>> -> memref<1000000xf32, #tpu.memory_space<hbm>>
    tpu.wait_indirect_dma semaphore(%arg48 : memref<!tpu.dma_semaphore, #tpu.memory_space<semaphore_mem>>) src(%dma_wait3A_1970 : memref<1000000xf32, #tpu.memory_space<hbm>>) dst(%dma_wait3A_1965 : memref<128xf32, #tpu.memory_space<vmem>>)
    %dma_wait3A_1971 = arith.constant 1 : i32
    %dma_wait3A_1972 = arith.constant 28 : i32
    %dma_wait3A_1973 = arith.constant 0 : i32
    %dma_wait3A_1974 = tpu.memref_slice %arg43[%dma_wait3A_1972, %dma_wait3A_1973] : memref<64x128xf32, #tpu.memory_space<vmem>> -> memref<1x128xf32, #tpu.memory_space<vmem>>
    %dma_wait3A_1975 = tpu.memref_squeeze %dma_wait3A_1974 : memref<1x128xf32, #tpu.memory_space<vmem>> -> memref<128xf32, #tpu.memory_space<vmem>>
    %dma_wait3A_1976 = arith.constant 0 : i32
    %dma_wait3A_1977 = tpu.memref_slice %arg41[%dma_wait3A_1971, %dma_wait3A_1976] : memref<4x128xi32, #tpu.memory_space<vmem>> -> memref<1x128xi32, #tpu.memory_space<vmem>>
    %dma_wait3A_1978 = tpu.memref_squeeze %dma_wait3A_1977 : memref<1x128xi32, #tpu.memory_space<vmem>> -> memref<128xi32, #tpu.memory_space<vmem>>
    %dma_wait3A_1979 = arith.constant 0 : i32
    %dma_wait3A_1980 = tpu.memref_slice %arg34[%dma_wait3A_1979] : memref<1000000xf32, #tpu.memory_space<hbm>> -> memref<1000000xf32, #tpu.memory_space<hbm>>
    tpu.wait_indirect_dma semaphore(%arg48 : memref<!tpu.dma_semaphore, #tpu.memory_space<semaphore_mem>>) src(%dma_wait3A_1980 : memref<1000000xf32, #tpu.memory_space<hbm>>) dst(%dma_wait3A_1975 : memref<128xf32, #tpu.memory_space<vmem>>)
    %dma_wait3A_1981 = arith.constant 1 : i32
    %dma_wait3A_1982 = arith.constant 29 : i32
    %dma_wait3A_1983 = arith.constant 0 : i32
    %dma_wait3A_1984 = tpu.memref_slice %arg42[%dma_wait3A_1982, %dma_wait3A_1983] : memref<64x128xf32, #tpu.memory_space<vmem>> -> memref<1x128xf32, #tpu.memory_space<vmem>>
    %dma_wait3A_1985 = tpu.memref_squeeze %dma_wait3A_1984 : memref<1x128xf32, #tpu.memory_space<vmem>> -> memref<128xf32, #tpu.memory_space<vmem>>
    %dma_wait3A_1986 = arith.constant 0 : i32
    %dma_wait3A_1987 = tpu.memref_slice %arg40[%dma_wait3A_1981, %dma_wait3A_1986] : memref<4x128xi32, #tpu.memory_space<vmem>> -> memref<1x128xi32, #tpu.memory_space<vmem>>
    %dma_wait3A_1988 = tpu.memref_squeeze %dma_wait3A_1987 : memref<1x128xi32, #tpu.memory_space<vmem>> -> memref<128xi32, #tpu.memory_space<vmem>>
    %dma_wait3A_1989 = arith.constant 0 : i32
    %dma_wait3A_1990 = tpu.memref_slice %arg19[%dma_wait3A_1989] : memref<1000000xf32, #tpu.memory_space<hbm>> -> memref<1000000xf32, #tpu.memory_space<hbm>>
    tpu.wait_indirect_dma semaphore(%arg48 : memref<!tpu.dma_semaphore, #tpu.memory_space<semaphore_mem>>) src(%dma_wait3A_1990 : memref<1000000xf32, #tpu.memory_space<hbm>>) dst(%dma_wait3A_1985 : memref<128xf32, #tpu.memory_space<vmem>>)
    %dma_wait3A_1991 = arith.constant 1 : i32
    %dma_wait3A_1992 = arith.constant 29 : i32
    %dma_wait3A_1993 = arith.constant 0 : i32
    %dma_wait3A_1994 = tpu.memref_slice %arg43[%dma_wait3A_1992, %dma_wait3A_1993] : memref<64x128xf32, #tpu.memory_space<vmem>> -> memref<1x128xf32, #tpu.memory_space<vmem>>
    %dma_wait3A_1995 = tpu.memref_squeeze %dma_wait3A_1994 : memref<1x128xf32, #tpu.memory_space<vmem>> -> memref<128xf32, #tpu.memory_space<vmem>>
    %dma_wait3A_1996 = arith.constant 0 : i32
    %dma_wait3A_1997 = tpu.memref_slice %arg41[%dma_wait3A_1991, %dma_wait3A_1996] : memref<4x128xi32, #tpu.memory_space<vmem>> -> memref<1x128xi32, #tpu.memory_space<vmem>>
    %dma_wait3A_1998 = tpu.memref_squeeze %dma_wait3A_1997 : memref<1x128xi32, #tpu.memory_space<vmem>> -> memref<128xi32, #tpu.memory_space<vmem>>
    %dma_wait3A_1999 = arith.constant 0 : i32
    %dma_wait3A_2000 = tpu.memref_slice %arg35[%dma_wait3A_1999] : memref<1000000xf32, #tpu.memory_space<hbm>> -> memref<1000000xf32, #tpu.memory_space<hbm>>
    tpu.wait_indirect_dma semaphore(%arg48 : memref<!tpu.dma_semaphore, #tpu.memory_space<semaphore_mem>>) src(%dma_wait3A_2000 : memref<1000000xf32, #tpu.memory_space<hbm>>) dst(%dma_wait3A_1995 : memref<128xf32, #tpu.memory_space<vmem>>)
    %dma_wait3A_2001 = arith.constant 1 : i32
    %dma_wait3A_2002 = arith.constant 30 : i32
    %dma_wait3A_2003 = arith.constant 0 : i32
    %dma_wait3A_2004 = tpu.memref_slice %arg42[%dma_wait3A_2002, %dma_wait3A_2003] : memref<64x128xf32, #tpu.memory_space<vmem>> -> memref<1x128xf32, #tpu.memory_space<vmem>>
    %dma_wait3A_2005 = tpu.memref_squeeze %dma_wait3A_2004 : memref<1x128xf32, #tpu.memory_space<vmem>> -> memref<128xf32, #tpu.memory_space<vmem>>
    %dma_wait3A_2006 = arith.constant 0 : i32
    %dma_wait3A_2007 = tpu.memref_slice %arg40[%dma_wait3A_2001, %dma_wait3A_2006] : memref<4x128xi32, #tpu.memory_space<vmem>> -> memref<1x128xi32, #tpu.memory_space<vmem>>
    %dma_wait3A_2008 = tpu.memref_squeeze %dma_wait3A_2007 : memref<1x128xi32, #tpu.memory_space<vmem>> -> memref<128xi32, #tpu.memory_space<vmem>>
    %dma_wait3A_2009 = arith.constant 0 : i32
    %dma_wait3A_2010 = tpu.memref_slice %arg20[%dma_wait3A_2009] : memref<1000000xf32, #tpu.memory_space<hbm>> -> memref<1000000xf32, #tpu.memory_space<hbm>>
    tpu.wait_indirect_dma semaphore(%arg48 : memref<!tpu.dma_semaphore, #tpu.memory_space<semaphore_mem>>) src(%dma_wait3A_2010 : memref<1000000xf32, #tpu.memory_space<hbm>>) dst(%dma_wait3A_2005 : memref<128xf32, #tpu.memory_space<vmem>>)
    %dma_wait3A_2011 = arith.constant 1 : i32
    %dma_wait3A_2012 = arith.constant 30 : i32
    %dma_wait3A_2013 = arith.constant 0 : i32
    %dma_wait3A_2014 = tpu.memref_slice %arg43[%dma_wait3A_2012, %dma_wait3A_2013] : memref<64x128xf32, #tpu.memory_space<vmem>> -> memref<1x128xf32, #tpu.memory_space<vmem>>
    %dma_wait3A_2015 = tpu.memref_squeeze %dma_wait3A_2014 : memref<1x128xf32, #tpu.memory_space<vmem>> -> memref<128xf32, #tpu.memory_space<vmem>>
    %dma_wait3A_2016 = arith.constant 0 : i32
    %dma_wait3A_2017 = tpu.memref_slice %arg41[%dma_wait3A_2011, %dma_wait3A_2016] : memref<4x128xi32, #tpu.memory_space<vmem>> -> memref<1x128xi32, #tpu.memory_space<vmem>>
    %dma_wait3A_2018 = tpu.memref_squeeze %dma_wait3A_2017 : memref<1x128xi32, #tpu.memory_space<vmem>> -> memref<128xi32, #tpu.memory_space<vmem>>
    %dma_wait3A_2019 = arith.constant 0 : i32
    %dma_wait3A_2020 = tpu.memref_slice %arg36[%dma_wait3A_2019] : memref<1000000xf32, #tpu.memory_space<hbm>> -> memref<1000000xf32, #tpu.memory_space<hbm>>
    tpu.wait_indirect_dma semaphore(%arg48 : memref<!tpu.dma_semaphore, #tpu.memory_space<semaphore_mem>>) src(%dma_wait3A_2020 : memref<1000000xf32, #tpu.memory_space<hbm>>) dst(%dma_wait3A_2015 : memref<128xf32, #tpu.memory_space<vmem>>)
    %dma_wait3A_2021 = arith.constant 1 : i32
    %dma_wait3A_2022 = arith.constant 31 : i32
    %dma_wait3A_2023 = arith.constant 0 : i32
    %dma_wait3A_2024 = tpu.memref_slice %arg42[%dma_wait3A_2022, %dma_wait3A_2023] : memref<64x128xf32, #tpu.memory_space<vmem>> -> memref<1x128xf32, #tpu.memory_space<vmem>>
    %dma_wait3A_2025 = tpu.memref_squeeze %dma_wait3A_2024 : memref<1x128xf32, #tpu.memory_space<vmem>> -> memref<128xf32, #tpu.memory_space<vmem>>
    %dma_wait3A_2026 = arith.constant 0 : i32
    %dma_wait3A_2027 = tpu.memref_slice %arg40[%dma_wait3A_2021, %dma_wait3A_2026] : memref<4x128xi32, #tpu.memory_space<vmem>> -> memref<1x128xi32, #tpu.memory_space<vmem>>
    %dma_wait3A_2028 = tpu.memref_squeeze %dma_wait3A_2027 : memref<1x128xi32, #tpu.memory_space<vmem>> -> memref<128xi32, #tpu.memory_space<vmem>>
    %dma_wait3A_2029 = arith.constant 0 : i32
    %dma_wait3A_2030 = tpu.memref_slice %arg21[%dma_wait3A_2029] : memref<1000000xf32, #tpu.memory_space<hbm>> -> memref<1000000xf32, #tpu.memory_space<hbm>>
    tpu.wait_indirect_dma semaphore(%arg48 : memref<!tpu.dma_semaphore, #tpu.memory_space<semaphore_mem>>) src(%dma_wait3A_2030 : memref<1000000xf32, #tpu.memory_space<hbm>>) dst(%dma_wait3A_2025 : memref<128xf32, #tpu.memory_space<vmem>>)
    %dma_wait3A_2031 = arith.constant 1 : i32
    %dma_wait3A_2032 = arith.constant 31 : i32
    %dma_wait3A_2033 = arith.constant 0 : i32
    %dma_wait3A_2034 = tpu.memref_slice %arg43[%dma_wait3A_2032, %dma_wait3A_2033] : memref<64x128xf32, #tpu.memory_space<vmem>> -> memref<1x128xf32, #tpu.memory_space<vmem>>
    %dma_wait3A_2035 = tpu.memref_squeeze %dma_wait3A_2034 : memref<1x128xf32, #tpu.memory_space<vmem>> -> memref<128xf32, #tpu.memory_space<vmem>>
    %dma_wait3A_2036 = arith.constant 0 : i32
    %dma_wait3A_2037 = tpu.memref_slice %arg41[%dma_wait3A_2031, %dma_wait3A_2036] : memref<4x128xi32, #tpu.memory_space<vmem>> -> memref<1x128xi32, #tpu.memory_space<vmem>>
    %dma_wait3A_2038 = tpu.memref_squeeze %dma_wait3A_2037 : memref<1x128xi32, #tpu.memory_space<vmem>> -> memref<128xi32, #tpu.memory_space<vmem>>
    %dma_wait3A_2039 = arith.constant 0 : i32
    %dma_wait3A_2040 = tpu.memref_slice %arg37[%dma_wait3A_2039] : memref<1000000xf32, #tpu.memory_space<hbm>> -> memref<1000000xf32, #tpu.memory_space<hbm>>
    tpu.wait_indirect_dma semaphore(%arg48 : memref<!tpu.dma_semaphore, #tpu.memory_space<semaphore_mem>>) src(%dma_wait3A_2040 : memref<1000000xf32, #tpu.memory_space<hbm>>) dst(%dma_wait3A_2035 : memref<128xf32, #tpu.memory_space<vmem>>)
    %dma_wait3A_2041 = arith.constant 2 : i32
    %dma_wait3A_2042 = arith.constant 2 : i32
    %dma_wait3A_2043 = arith.constant 0 : i32
    %dma_wait3A_2044 = tpu.memref_slice %arg44[%dma_wait3A_2042, %dma_wait3A_2043] : memref<4x128xf32, #tpu.memory_space<vmem>> -> memref<1x128xf32, #tpu.memory_space<vmem>>
    %dma_wait3A_2045 = tpu.memref_squeeze %dma_wait3A_2044 : memref<1x128xf32, #tpu.memory_space<vmem>> -> memref<128xf32, #tpu.memory_space<vmem>>
    %dma_wait3A_2046 = arith.constant 0 : i32
    %dma_wait3A_2047 = tpu.memref_slice %arg40[%dma_wait3A_2041, %dma_wait3A_2046] : memref<4x128xi32, #tpu.memory_space<vmem>> -> memref<1x128xi32, #tpu.memory_space<vmem>>
    %dma_wait3A_2048 = tpu.memref_squeeze %dma_wait3A_2047 : memref<1x128xi32, #tpu.memory_space<vmem>> -> memref<128xi32, #tpu.memory_space<vmem>>
    %dma_wait3A_2049 = arith.constant 0 : i32
    %dma_wait3A_2050 = tpu.memref_slice %arg4[%dma_wait3A_2049] : memref<1000000xf32, #tpu.memory_space<hbm>> -> memref<1000000xf32, #tpu.memory_space<hbm>>
    tpu.wait_indirect_dma semaphore(%arg49 : memref<!tpu.dma_semaphore, #tpu.memory_space<semaphore_mem>>) src(%dma_wait3A_2050 : memref<1000000xf32, #tpu.memory_space<hbm>>) dst(%dma_wait3A_2045 : memref<128xf32, #tpu.memory_space<vmem>>)
    %dma_wait3A_2051 = arith.constant 2 : i32
    %dma_wait3A_2052 = arith.constant 2 : i32
    %dma_wait3A_2053 = arith.constant 0 : i32
    %dma_wait3A_2054 = tpu.memref_slice %arg45[%dma_wait3A_2052, %dma_wait3A_2053] : memref<4x128xf32, #tpu.memory_space<vmem>> -> memref<1x128xf32, #tpu.memory_space<vmem>>
    %dma_wait3A_2055 = tpu.memref_squeeze %dma_wait3A_2054 : memref<1x128xf32, #tpu.memory_space<vmem>> -> memref<128xf32, #tpu.memory_space<vmem>>
    %dma_wait3A_2056 = arith.constant 0 : i32
    %dma_wait3A_2057 = tpu.memref_slice %arg41[%dma_wait3A_2051, %dma_wait3A_2056] : memref<4x128xi32, #tpu.memory_space<vmem>> -> memref<1x128xi32, #tpu.memory_space<vmem>>
    %dma_wait3A_2058 = tpu.memref_squeeze %dma_wait3A_2057 : memref<1x128xi32, #tpu.memory_space<vmem>> -> memref<128xi32, #tpu.memory_space<vmem>>
    %dma_wait3A_2059 = arith.constant 0 : i32
    %dma_wait3A_2060 = tpu.memref_slice %arg5[%dma_wait3A_2059] : memref<1000000xf32, #tpu.memory_space<hbm>> -> memref<1000000xf32, #tpu.memory_space<hbm>>
    tpu.wait_indirect_dma semaphore(%arg49 : memref<!tpu.dma_semaphore, #tpu.memory_space<semaphore_mem>>) src(%dma_wait3A_2060 : memref<1000000xf32, #tpu.memory_space<hbm>>) dst(%dma_wait3A_2055 : memref<128xf32, #tpu.memory_space<vmem>>)
    %dma_wait3A_2061 = arith.constant 2 : i32
    %dma_wait3A_2062 = arith.constant 32 : i32
    %dma_wait3A_2063 = arith.constant 0 : i32
    %dma_wait3A_2064 = tpu.memref_slice %arg42[%dma_wait3A_2062, %dma_wait3A_2063] : memref<64x128xf32, #tpu.memory_space<vmem>> -> memref<1x128xf32, #tpu.memory_space<vmem>>
    %dma_wait3A_2065 = tpu.memref_squeeze %dma_wait3A_2064 : memref<1x128xf32, #tpu.memory_space<vmem>> -> memref<128xf32, #tpu.memory_space<vmem>>
    %dma_wait3A_2066 = arith.constant 0 : i32
    %dma_wait3A_2067 = tpu.memref_slice %arg40[%dma_wait3A_2061, %dma_wait3A_2066] : memref<4x128xi32, #tpu.memory_space<vmem>> -> memref<1x128xi32, #tpu.memory_space<vmem>>
    %dma_wait3A_2068 = tpu.memref_squeeze %dma_wait3A_2067 : memref<1x128xi32, #tpu.memory_space<vmem>> -> memref<128xi32, #tpu.memory_space<vmem>>
    %dma_wait3A_2069 = arith.constant 0 : i32
    %dma_wait3A_2070 = tpu.memref_slice %arg6[%dma_wait3A_2069] : memref<1000000xf32, #tpu.memory_space<hbm>> -> memref<1000000xf32, #tpu.memory_space<hbm>>
    tpu.wait_indirect_dma semaphore(%arg48 : memref<!tpu.dma_semaphore, #tpu.memory_space<semaphore_mem>>) src(%dma_wait3A_2070 : memref<1000000xf32, #tpu.memory_space<hbm>>) dst(%dma_wait3A_2065 : memref<128xf32, #tpu.memory_space<vmem>>)
    %dma_wait3A_2071 = arith.constant 2 : i32
    %dma_wait3A_2072 = arith.constant 32 : i32
    %dma_wait3A_2073 = arith.constant 0 : i32
    %dma_wait3A_2074 = tpu.memref_slice %arg43[%dma_wait3A_2072, %dma_wait3A_2073] : memref<64x128xf32, #tpu.memory_space<vmem>> -> memref<1x128xf32, #tpu.memory_space<vmem>>
    %dma_wait3A_2075 = tpu.memref_squeeze %dma_wait3A_2074 : memref<1x128xf32, #tpu.memory_space<vmem>> -> memref<128xf32, #tpu.memory_space<vmem>>
    %dma_wait3A_2076 = arith.constant 0 : i32
    %dma_wait3A_2077 = tpu.memref_slice %arg41[%dma_wait3A_2071, %dma_wait3A_2076] : memref<4x128xi32, #tpu.memory_space<vmem>> -> memref<1x128xi32, #tpu.memory_space<vmem>>
    %dma_wait3A_2078 = tpu.memref_squeeze %dma_wait3A_2077 : memref<1x128xi32, #tpu.memory_space<vmem>> -> memref<128xi32, #tpu.memory_space<vmem>>
    %dma_wait3A_2079 = arith.constant 0 : i32
    %dma_wait3A_2080 = tpu.memref_slice %arg22[%dma_wait3A_2079] : memref<1000000xf32, #tpu.memory_space<hbm>> -> memref<1000000xf32, #tpu.memory_space<hbm>>
    tpu.wait_indirect_dma semaphore(%arg48 : memref<!tpu.dma_semaphore, #tpu.memory_space<semaphore_mem>>) src(%dma_wait3A_2080 : memref<1000000xf32, #tpu.memory_space<hbm>>) dst(%dma_wait3A_2075 : memref<128xf32, #tpu.memory_space<vmem>>)
    %dma_wait3A_2081 = arith.constant 2 : i32
    %dma_wait3A_2082 = arith.constant 33 : i32
    %dma_wait3A_2083 = arith.constant 0 : i32
    %dma_wait3A_2084 = tpu.memref_slice %arg42[%dma_wait3A_2082, %dma_wait3A_2083] : memref<64x128xf32, #tpu.memory_space<vmem>> -> memref<1x128xf32, #tpu.memory_space<vmem>>
    %dma_wait3A_2085 = tpu.memref_squeeze %dma_wait3A_2084 : memref<1x128xf32, #tpu.memory_space<vmem>> -> memref<128xf32, #tpu.memory_space<vmem>>
    %dma_wait3A_2086 = arith.constant 0 : i32
    %dma_wait3A_2087 = tpu.memref_slice %arg40[%dma_wait3A_2081, %dma_wait3A_2086] : memref<4x128xi32, #tpu.memory_space<vmem>> -> memref<1x128xi32, #tpu.memory_space<vmem>>
    %dma_wait3A_2088 = tpu.memref_squeeze %dma_wait3A_2087 : memref<1x128xi32, #tpu.memory_space<vmem>> -> memref<128xi32, #tpu.memory_space<vmem>>
    %dma_wait3A_2089 = arith.constant 0 : i32
    %dma_wait3A_2090 = tpu.memref_slice %arg7[%dma_wait3A_2089] : memref<1000000xf32, #tpu.memory_space<hbm>> -> memref<1000000xf32, #tpu.memory_space<hbm>>
    tpu.wait_indirect_dma semaphore(%arg48 : memref<!tpu.dma_semaphore, #tpu.memory_space<semaphore_mem>>) src(%dma_wait3A_2090 : memref<1000000xf32, #tpu.memory_space<hbm>>) dst(%dma_wait3A_2085 : memref<128xf32, #tpu.memory_space<vmem>>)
    %dma_wait3A_2091 = arith.constant 2 : i32
    %dma_wait3A_2092 = arith.constant 33 : i32
    %dma_wait3A_2093 = arith.constant 0 : i32
    %dma_wait3A_2094 = tpu.memref_slice %arg43[%dma_wait3A_2092, %dma_wait3A_2093] : memref<64x128xf32, #tpu.memory_space<vmem>> -> memref<1x128xf32, #tpu.memory_space<vmem>>
    %dma_wait3A_2095 = tpu.memref_squeeze %dma_wait3A_2094 : memref<1x128xf32, #tpu.memory_space<vmem>> -> memref<128xf32, #tpu.memory_space<vmem>>
    %dma_wait3A_2096 = arith.constant 0 : i32
    %dma_wait3A_2097 = tpu.memref_slice %arg41[%dma_wait3A_2091, %dma_wait3A_2096] : memref<4x128xi32, #tpu.memory_space<vmem>> -> memref<1x128xi32, #tpu.memory_space<vmem>>
    %dma_wait3A_2098 = tpu.memref_squeeze %dma_wait3A_2097 : memref<1x128xi32, #tpu.memory_space<vmem>> -> memref<128xi32, #tpu.memory_space<vmem>>
    %dma_wait3A_2099 = arith.constant 0 : i32
    %dma_wait3A_2100 = tpu.memref_slice %arg23[%dma_wait3A_2099] : memref<1000000xf32, #tpu.memory_space<hbm>> -> memref<1000000xf32, #tpu.memory_space<hbm>>
    tpu.wait_indirect_dma semaphore(%arg48 : memref<!tpu.dma_semaphore, #tpu.memory_space<semaphore_mem>>) src(%dma_wait3A_2100 : memref<1000000xf32, #tpu.memory_space<hbm>>) dst(%dma_wait3A_2095 : memref<128xf32, #tpu.memory_space<vmem>>)
    %dma_wait3A_2101 = arith.constant 2 : i32
    %dma_wait3A_2102 = arith.constant 34 : i32
    %dma_wait3A_2103 = arith.constant 0 : i32
    %dma_wait3A_2104 = tpu.memref_slice %arg42[%dma_wait3A_2102, %dma_wait3A_2103] : memref<64x128xf32, #tpu.memory_space<vmem>> -> memref<1x128xf32, #tpu.memory_space<vmem>>
    %dma_wait3A_2105 = tpu.memref_squeeze %dma_wait3A_2104 : memref<1x128xf32, #tpu.memory_space<vmem>> -> memref<128xf32, #tpu.memory_space<vmem>>
    %dma_wait3A_2106 = arith.constant 0 : i32
    %dma_wait3A_2107 = tpu.memref_slice %arg40[%dma_wait3A_2101, %dma_wait3A_2106] : memref<4x128xi32, #tpu.memory_space<vmem>> -> memref<1x128xi32, #tpu.memory_space<vmem>>
    %dma_wait3A_2108 = tpu.memref_squeeze %dma_wait3A_2107 : memref<1x128xi32, #tpu.memory_space<vmem>> -> memref<128xi32, #tpu.memory_space<vmem>>
    %dma_wait3A_2109 = arith.constant 0 : i32
    %dma_wait3A_2110 = tpu.memref_slice %arg8[%dma_wait3A_2109] : memref<1000000xf32, #tpu.memory_space<hbm>> -> memref<1000000xf32, #tpu.memory_space<hbm>>
    tpu.wait_indirect_dma semaphore(%arg48 : memref<!tpu.dma_semaphore, #tpu.memory_space<semaphore_mem>>) src(%dma_wait3A_2110 : memref<1000000xf32, #tpu.memory_space<hbm>>) dst(%dma_wait3A_2105 : memref<128xf32, #tpu.memory_space<vmem>>)
    %dma_wait3A_2111 = arith.constant 2 : i32
    %dma_wait3A_2112 = arith.constant 34 : i32
    %dma_wait3A_2113 = arith.constant 0 : i32
    %dma_wait3A_2114 = tpu.memref_slice %arg43[%dma_wait3A_2112, %dma_wait3A_2113] : memref<64x128xf32, #tpu.memory_space<vmem>> -> memref<1x128xf32, #tpu.memory_space<vmem>>
    %dma_wait3A_2115 = tpu.memref_squeeze %dma_wait3A_2114 : memref<1x128xf32, #tpu.memory_space<vmem>> -> memref<128xf32, #tpu.memory_space<vmem>>
    %dma_wait3A_2116 = arith.constant 0 : i32
    %dma_wait3A_2117 = tpu.memref_slice %arg41[%dma_wait3A_2111, %dma_wait3A_2116] : memref<4x128xi32, #tpu.memory_space<vmem>> -> memref<1x128xi32, #tpu.memory_space<vmem>>
    %dma_wait3A_2118 = tpu.memref_squeeze %dma_wait3A_2117 : memref<1x128xi32, #tpu.memory_space<vmem>> -> memref<128xi32, #tpu.memory_space<vmem>>
    %dma_wait3A_2119 = arith.constant 0 : i32
    %dma_wait3A_2120 = tpu.memref_slice %arg24[%dma_wait3A_2119] : memref<1000000xf32, #tpu.memory_space<hbm>> -> memref<1000000xf32, #tpu.memory_space<hbm>>
    tpu.wait_indirect_dma semaphore(%arg48 : memref<!tpu.dma_semaphore, #tpu.memory_space<semaphore_mem>>) src(%dma_wait3A_2120 : memref<1000000xf32, #tpu.memory_space<hbm>>) dst(%dma_wait3A_2115 : memref<128xf32, #tpu.memory_space<vmem>>)
    %dma_wait3A_2121 = arith.constant 2 : i32
    %dma_wait3A_2122 = arith.constant 35 : i32
    %dma_wait3A_2123 = arith.constant 0 : i32
    %dma_wait3A_2124 = tpu.memref_slice %arg42[%dma_wait3A_2122, %dma_wait3A_2123] : memref<64x128xf32, #tpu.memory_space<vmem>> -> memref<1x128xf32, #tpu.memory_space<vmem>>
    %dma_wait3A_2125 = tpu.memref_squeeze %dma_wait3A_2124 : memref<1x128xf32, #tpu.memory_space<vmem>> -> memref<128xf32, #tpu.memory_space<vmem>>
    %dma_wait3A_2126 = arith.constant 0 : i32
    %dma_wait3A_2127 = tpu.memref_slice %arg40[%dma_wait3A_2121, %dma_wait3A_2126] : memref<4x128xi32, #tpu.memory_space<vmem>> -> memref<1x128xi32, #tpu.memory_space<vmem>>
    %dma_wait3A_2128 = tpu.memref_squeeze %dma_wait3A_2127 : memref<1x128xi32, #tpu.memory_space<vmem>> -> memref<128xi32, #tpu.memory_space<vmem>>
    %dma_wait3A_2129 = arith.constant 0 : i32
    %dma_wait3A_2130 = tpu.memref_slice %arg9[%dma_wait3A_2129] : memref<1000000xf32, #tpu.memory_space<hbm>> -> memref<1000000xf32, #tpu.memory_space<hbm>>
    tpu.wait_indirect_dma semaphore(%arg48 : memref<!tpu.dma_semaphore, #tpu.memory_space<semaphore_mem>>) src(%dma_wait3A_2130 : memref<1000000xf32, #tpu.memory_space<hbm>>) dst(%dma_wait3A_2125 : memref<128xf32, #tpu.memory_space<vmem>>)
    %dma_wait3A_2131 = arith.constant 2 : i32
    %dma_wait3A_2132 = arith.constant 35 : i32
    %dma_wait3A_2133 = arith.constant 0 : i32
    %dma_wait3A_2134 = tpu.memref_slice %arg43[%dma_wait3A_2132, %dma_wait3A_2133] : memref<64x128xf32, #tpu.memory_space<vmem>> -> memref<1x128xf32, #tpu.memory_space<vmem>>
    %dma_wait3A_2135 = tpu.memref_squeeze %dma_wait3A_2134 : memref<1x128xf32, #tpu.memory_space<vmem>> -> memref<128xf32, #tpu.memory_space<vmem>>
    %dma_wait3A_2136 = arith.constant 0 : i32
    %dma_wait3A_2137 = tpu.memref_slice %arg41[%dma_wait3A_2131, %dma_wait3A_2136] : memref<4x128xi32, #tpu.memory_space<vmem>> -> memref<1x128xi32, #tpu.memory_space<vmem>>
    %dma_wait3A_2138 = tpu.memref_squeeze %dma_wait3A_2137 : memref<1x128xi32, #tpu.memory_space<vmem>> -> memref<128xi32, #tpu.memory_space<vmem>>
    %dma_wait3A_2139 = arith.constant 0 : i32
    %dma_wait3A_2140 = tpu.memref_slice %arg25[%dma_wait3A_2139] : memref<1000000xf32, #tpu.memory_space<hbm>> -> memref<1000000xf32, #tpu.memory_space<hbm>>
    tpu.wait_indirect_dma semaphore(%arg48 : memref<!tpu.dma_semaphore, #tpu.memory_space<semaphore_mem>>) src(%dma_wait3A_2140 : memref<1000000xf32, #tpu.memory_space<hbm>>) dst(%dma_wait3A_2135 : memref<128xf32, #tpu.memory_space<vmem>>)
    %dma_wait3A_2141 = arith.constant 2 : i32
    %dma_wait3A_2142 = arith.constant 36 : i32
    %dma_wait3A_2143 = arith.constant 0 : i32
    %dma_wait3A_2144 = tpu.memref_slice %arg42[%dma_wait3A_2142, %dma_wait3A_2143] : memref<64x128xf32, #tpu.memory_space<vmem>> -> memref<1x128xf32, #tpu.memory_space<vmem>>
    %dma_wait3A_2145 = tpu.memref_squeeze %dma_wait3A_2144 : memref<1x128xf32, #tpu.memory_space<vmem>> -> memref<128xf32, #tpu.memory_space<vmem>>
    %dma_wait3A_2146 = arith.constant 0 : i32
    %dma_wait3A_2147 = tpu.memref_slice %arg40[%dma_wait3A_2141, %dma_wait3A_2146] : memref<4x128xi32, #tpu.memory_space<vmem>> -> memref<1x128xi32, #tpu.memory_space<vmem>>
    %dma_wait3A_2148 = tpu.memref_squeeze %dma_wait3A_2147 : memref<1x128xi32, #tpu.memory_space<vmem>> -> memref<128xi32, #tpu.memory_space<vmem>>
    %dma_wait3A_2149 = arith.constant 0 : i32
    %dma_wait3A_2150 = tpu.memref_slice %arg10[%dma_wait3A_2149] : memref<1000000xf32, #tpu.memory_space<hbm>> -> memref<1000000xf32, #tpu.memory_space<hbm>>
    tpu.wait_indirect_dma semaphore(%arg48 : memref<!tpu.dma_semaphore, #tpu.memory_space<semaphore_mem>>) src(%dma_wait3A_2150 : memref<1000000xf32, #tpu.memory_space<hbm>>) dst(%dma_wait3A_2145 : memref<128xf32, #tpu.memory_space<vmem>>)
    %dma_wait3A_2151 = arith.constant 2 : i32
    %dma_wait3A_2152 = arith.constant 36 : i32
    %dma_wait3A_2153 = arith.constant 0 : i32
    %dma_wait3A_2154 = tpu.memref_slice %arg43[%dma_wait3A_2152, %dma_wait3A_2153] : memref<64x128xf32, #tpu.memory_space<vmem>> -> memref<1x128xf32, #tpu.memory_space<vmem>>
    %dma_wait3A_2155 = tpu.memref_squeeze %dma_wait3A_2154 : memref<1x128xf32, #tpu.memory_space<vmem>> -> memref<128xf32, #tpu.memory_space<vmem>>
    %dma_wait3A_2156 = arith.constant 0 : i32
    %dma_wait3A_2157 = tpu.memref_slice %arg41[%dma_wait3A_2151, %dma_wait3A_2156] : memref<4x128xi32, #tpu.memory_space<vmem>> -> memref<1x128xi32, #tpu.memory_space<vmem>>
    %dma_wait3A_2158 = tpu.memref_squeeze %dma_wait3A_2157 : memref<1x128xi32, #tpu.memory_space<vmem>> -> memref<128xi32, #tpu.memory_space<vmem>>
    %dma_wait3A_2159 = arith.constant 0 : i32
    %dma_wait3A_2160 = tpu.memref_slice %arg26[%dma_wait3A_2159] : memref<1000000xf32, #tpu.memory_space<hbm>> -> memref<1000000xf32, #tpu.memory_space<hbm>>
    tpu.wait_indirect_dma semaphore(%arg48 : memref<!tpu.dma_semaphore, #tpu.memory_space<semaphore_mem>>) src(%dma_wait3A_2160 : memref<1000000xf32, #tpu.memory_space<hbm>>) dst(%dma_wait3A_2155 : memref<128xf32, #tpu.memory_space<vmem>>)
    %dma_wait3A_2161 = arith.constant 2 : i32
    %dma_wait3A_2162 = arith.constant 37 : i32
    %dma_wait3A_2163 = arith.constant 0 : i32
    %dma_wait3A_2164 = tpu.memref_slice %arg42[%dma_wait3A_2162, %dma_wait3A_2163] : memref<64x128xf32, #tpu.memory_space<vmem>> -> memref<1x128xf32, #tpu.memory_space<vmem>>
    %dma_wait3A_2165 = tpu.memref_squeeze %dma_wait3A_2164 : memref<1x128xf32, #tpu.memory_space<vmem>> -> memref<128xf32, #tpu.memory_space<vmem>>
    %dma_wait3A_2166 = arith.constant 0 : i32
    %dma_wait3A_2167 = tpu.memref_slice %arg40[%dma_wait3A_2161, %dma_wait3A_2166] : memref<4x128xi32, #tpu.memory_space<vmem>> -> memref<1x128xi32, #tpu.memory_space<vmem>>
    %dma_wait3A_2168 = tpu.memref_squeeze %dma_wait3A_2167 : memref<1x128xi32, #tpu.memory_space<vmem>> -> memref<128xi32, #tpu.memory_space<vmem>>
    %dma_wait3A_2169 = arith.constant 0 : i32
    %dma_wait3A_2170 = tpu.memref_slice %arg11[%dma_wait3A_2169] : memref<1000000xf32, #tpu.memory_space<hbm>> -> memref<1000000xf32, #tpu.memory_space<hbm>>
    tpu.wait_indirect_dma semaphore(%arg48 : memref<!tpu.dma_semaphore, #tpu.memory_space<semaphore_mem>>) src(%dma_wait3A_2170 : memref<1000000xf32, #tpu.memory_space<hbm>>) dst(%dma_wait3A_2165 : memref<128xf32, #tpu.memory_space<vmem>>)
    %dma_wait3A_2171 = arith.constant 2 : i32
    %dma_wait3A_2172 = arith.constant 37 : i32
    %dma_wait3A_2173 = arith.constant 0 : i32
    %dma_wait3A_2174 = tpu.memref_slice %arg43[%dma_wait3A_2172, %dma_wait3A_2173] : memref<64x128xf32, #tpu.memory_space<vmem>> -> memref<1x128xf32, #tpu.memory_space<vmem>>
    %dma_wait3A_2175 = tpu.memref_squeeze %dma_wait3A_2174 : memref<1x128xf32, #tpu.memory_space<vmem>> -> memref<128xf32, #tpu.memory_space<vmem>>
    %dma_wait3A_2176 = arith.constant 0 : i32
    %dma_wait3A_2177 = tpu.memref_slice %arg41[%dma_wait3A_2171, %dma_wait3A_2176] : memref<4x128xi32, #tpu.memory_space<vmem>> -> memref<1x128xi32, #tpu.memory_space<vmem>>
    %dma_wait3A_2178 = tpu.memref_squeeze %dma_wait3A_2177 : memref<1x128xi32, #tpu.memory_space<vmem>> -> memref<128xi32, #tpu.memory_space<vmem>>
    %dma_wait3A_2179 = arith.constant 0 : i32
    %dma_wait3A_2180 = tpu.memref_slice %arg27[%dma_wait3A_2179] : memref<1000000xf32, #tpu.memory_space<hbm>> -> memref<1000000xf32, #tpu.memory_space<hbm>>
    tpu.wait_indirect_dma semaphore(%arg48 : memref<!tpu.dma_semaphore, #tpu.memory_space<semaphore_mem>>) src(%dma_wait3A_2180 : memref<1000000xf32, #tpu.memory_space<hbm>>) dst(%dma_wait3A_2175 : memref<128xf32, #tpu.memory_space<vmem>>)
    %dma_wait3A_2181 = arith.constant 2 : i32
    %dma_wait3A_2182 = arith.constant 38 : i32
    %dma_wait3A_2183 = arith.constant 0 : i32
    %dma_wait3A_2184 = tpu.memref_slice %arg42[%dma_wait3A_2182, %dma_wait3A_2183] : memref<64x128xf32, #tpu.memory_space<vmem>> -> memref<1x128xf32, #tpu.memory_space<vmem>>
    %dma_wait3A_2185 = tpu.memref_squeeze %dma_wait3A_2184 : memref<1x128xf32, #tpu.memory_space<vmem>> -> memref<128xf32, #tpu.memory_space<vmem>>
    %dma_wait3A_2186 = arith.constant 0 : i32
    %dma_wait3A_2187 = tpu.memref_slice %arg40[%dma_wait3A_2181, %dma_wait3A_2186] : memref<4x128xi32, #tpu.memory_space<vmem>> -> memref<1x128xi32, #tpu.memory_space<vmem>>
    %dma_wait3A_2188 = tpu.memref_squeeze %dma_wait3A_2187 : memref<1x128xi32, #tpu.memory_space<vmem>> -> memref<128xi32, #tpu.memory_space<vmem>>
    %dma_wait3A_2189 = arith.constant 0 : i32
    %dma_wait3A_2190 = tpu.memref_slice %arg12[%dma_wait3A_2189] : memref<1000000xf32, #tpu.memory_space<hbm>> -> memref<1000000xf32, #tpu.memory_space<hbm>>
    tpu.wait_indirect_dma semaphore(%arg48 : memref<!tpu.dma_semaphore, #tpu.memory_space<semaphore_mem>>) src(%dma_wait3A_2190 : memref<1000000xf32, #tpu.memory_space<hbm>>) dst(%dma_wait3A_2185 : memref<128xf32, #tpu.memory_space<vmem>>)
    %dma_wait3A_2191 = arith.constant 2 : i32
    %dma_wait3A_2192 = arith.constant 38 : i32
    %dma_wait3A_2193 = arith.constant 0 : i32
    %dma_wait3A_2194 = tpu.memref_slice %arg43[%dma_wait3A_2192, %dma_wait3A_2193] : memref<64x128xf32, #tpu.memory_space<vmem>> -> memref<1x128xf32, #tpu.memory_space<vmem>>
    %dma_wait3A_2195 = tpu.memref_squeeze %dma_wait3A_2194 : memref<1x128xf32, #tpu.memory_space<vmem>> -> memref<128xf32, #tpu.memory_space<vmem>>
    %dma_wait3A_2196 = arith.constant 0 : i32
    %dma_wait3A_2197 = tpu.memref_slice %arg41[%dma_wait3A_2191, %dma_wait3A_2196] : memref<4x128xi32, #tpu.memory_space<vmem>> -> memref<1x128xi32, #tpu.memory_space<vmem>>
    %dma_wait3A_2198 = tpu.memref_squeeze %dma_wait3A_2197 : memref<1x128xi32, #tpu.memory_space<vmem>> -> memref<128xi32, #tpu.memory_space<vmem>>
    %dma_wait3A_2199 = arith.constant 0 : i32
    %dma_wait3A_2200 = tpu.memref_slice %arg28[%dma_wait3A_2199] : memref<1000000xf32, #tpu.memory_space<hbm>> -> memref<1000000xf32, #tpu.memory_space<hbm>>
    tpu.wait_indirect_dma semaphore(%arg48 : memref<!tpu.dma_semaphore, #tpu.memory_space<semaphore_mem>>) src(%dma_wait3A_2200 : memref<1000000xf32, #tpu.memory_space<hbm>>) dst(%dma_wait3A_2195 : memref<128xf32, #tpu.memory_space<vmem>>)
    %dma_wait3A_2201 = arith.constant 2 : i32
    %dma_wait3A_2202 = arith.constant 39 : i32
    %dma_wait3A_2203 = arith.constant 0 : i32
    %dma_wait3A_2204 = tpu.memref_slice %arg42[%dma_wait3A_2202, %dma_wait3A_2203] : memref<64x128xf32, #tpu.memory_space<vmem>> -> memref<1x128xf32, #tpu.memory_space<vmem>>
    %dma_wait3A_2205 = tpu.memref_squeeze %dma_wait3A_2204 : memref<1x128xf32, #tpu.memory_space<vmem>> -> memref<128xf32, #tpu.memory_space<vmem>>
    %dma_wait3A_2206 = arith.constant 0 : i32
    %dma_wait3A_2207 = tpu.memref_slice %arg40[%dma_wait3A_2201, %dma_wait3A_2206] : memref<4x128xi32, #tpu.memory_space<vmem>> -> memref<1x128xi32, #tpu.memory_space<vmem>>
    %dma_wait3A_2208 = tpu.memref_squeeze %dma_wait3A_2207 : memref<1x128xi32, #tpu.memory_space<vmem>> -> memref<128xi32, #tpu.memory_space<vmem>>
    %dma_wait3A_2209 = arith.constant 0 : i32
    %dma_wait3A_2210 = tpu.memref_slice %arg13[%dma_wait3A_2209] : memref<1000000xf32, #tpu.memory_space<hbm>> -> memref<1000000xf32, #tpu.memory_space<hbm>>
    tpu.wait_indirect_dma semaphore(%arg48 : memref<!tpu.dma_semaphore, #tpu.memory_space<semaphore_mem>>) src(%dma_wait3A_2210 : memref<1000000xf32, #tpu.memory_space<hbm>>) dst(%dma_wait3A_2205 : memref<128xf32, #tpu.memory_space<vmem>>)
    %dma_wait3A_2211 = arith.constant 2 : i32
    %dma_wait3A_2212 = arith.constant 39 : i32
    %dma_wait3A_2213 = arith.constant 0 : i32
    %dma_wait3A_2214 = tpu.memref_slice %arg43[%dma_wait3A_2212, %dma_wait3A_2213] : memref<64x128xf32, #tpu.memory_space<vmem>> -> memref<1x128xf32, #tpu.memory_space<vmem>>
    %dma_wait3A_2215 = tpu.memref_squeeze %dma_wait3A_2214 : memref<1x128xf32, #tpu.memory_space<vmem>> -> memref<128xf32, #tpu.memory_space<vmem>>
    %dma_wait3A_2216 = arith.constant 0 : i32
    %dma_wait3A_2217 = tpu.memref_slice %arg41[%dma_wait3A_2211, %dma_wait3A_2216] : memref<4x128xi32, #tpu.memory_space<vmem>> -> memref<1x128xi32, #tpu.memory_space<vmem>>
    %dma_wait3A_2218 = tpu.memref_squeeze %dma_wait3A_2217 : memref<1x128xi32, #tpu.memory_space<vmem>> -> memref<128xi32, #tpu.memory_space<vmem>>
    %dma_wait3A_2219 = arith.constant 0 : i32
    %dma_wait3A_2220 = tpu.memref_slice %arg29[%dma_wait3A_2219] : memref<1000000xf32, #tpu.memory_space<hbm>> -> memref<1000000xf32, #tpu.memory_space<hbm>>
    tpu.wait_indirect_dma semaphore(%arg48 : memref<!tpu.dma_semaphore, #tpu.memory_space<semaphore_mem>>) src(%dma_wait3A_2220 : memref<1000000xf32, #tpu.memory_space<hbm>>) dst(%dma_wait3A_2215 : memref<128xf32, #tpu.memory_space<vmem>>)
    %dma_wait3A_2221 = arith.constant 2 : i32
    %dma_wait3A_2222 = arith.constant 40 : i32
    %dma_wait3A_2223 = arith.constant 0 : i32
    %dma_wait3A_2224 = tpu.memref_slice %arg42[%dma_wait3A_2222, %dma_wait3A_2223] : memref<64x128xf32, #tpu.memory_space<vmem>> -> memref<1x128xf32, #tpu.memory_space<vmem>>
    %dma_wait3A_2225 = tpu.memref_squeeze %dma_wait3A_2224 : memref<1x128xf32, #tpu.memory_space<vmem>> -> memref<128xf32, #tpu.memory_space<vmem>>
    %dma_wait3A_2226 = arith.constant 0 : i32
    %dma_wait3A_2227 = tpu.memref_slice %arg40[%dma_wait3A_2221, %dma_wait3A_2226] : memref<4x128xi32, #tpu.memory_space<vmem>> -> memref<1x128xi32, #tpu.memory_space<vmem>>
    %dma_wait3A_2228 = tpu.memref_squeeze %dma_wait3A_2227 : memref<1x128xi32, #tpu.memory_space<vmem>> -> memref<128xi32, #tpu.memory_space<vmem>>
    %dma_wait3A_2229 = arith.constant 0 : i32
    %dma_wait3A_2230 = tpu.memref_slice %arg14[%dma_wait3A_2229] : memref<1000000xf32, #tpu.memory_space<hbm>> -> memref<1000000xf32, #tpu.memory_space<hbm>>
    tpu.wait_indirect_dma semaphore(%arg48 : memref<!tpu.dma_semaphore, #tpu.memory_space<semaphore_mem>>) src(%dma_wait3A_2230 : memref<1000000xf32, #tpu.memory_space<hbm>>) dst(%dma_wait3A_2225 : memref<128xf32, #tpu.memory_space<vmem>>)
    %dma_wait3A_2231 = arith.constant 2 : i32
    %dma_wait3A_2232 = arith.constant 40 : i32
    %dma_wait3A_2233 = arith.constant 0 : i32
    %dma_wait3A_2234 = tpu.memref_slice %arg43[%dma_wait3A_2232, %dma_wait3A_2233] : memref<64x128xf32, #tpu.memory_space<vmem>> -> memref<1x128xf32, #tpu.memory_space<vmem>>
    %dma_wait3A_2235 = tpu.memref_squeeze %dma_wait3A_2234 : memref<1x128xf32, #tpu.memory_space<vmem>> -> memref<128xf32, #tpu.memory_space<vmem>>
    %dma_wait3A_2236 = arith.constant 0 : i32
    %dma_wait3A_2237 = tpu.memref_slice %arg41[%dma_wait3A_2231, %dma_wait3A_2236] : memref<4x128xi32, #tpu.memory_space<vmem>> -> memref<1x128xi32, #tpu.memory_space<vmem>>
    %dma_wait3A_2238 = tpu.memref_squeeze %dma_wait3A_2237 : memref<1x128xi32, #tpu.memory_space<vmem>> -> memref<128xi32, #tpu.memory_space<vmem>>
    %dma_wait3A_2239 = arith.constant 0 : i32
    %dma_wait3A_2240 = tpu.memref_slice %arg30[%dma_wait3A_2239] : memref<1000000xf32, #tpu.memory_space<hbm>> -> memref<1000000xf32, #tpu.memory_space<hbm>>
    tpu.wait_indirect_dma semaphore(%arg48 : memref<!tpu.dma_semaphore, #tpu.memory_space<semaphore_mem>>) src(%dma_wait3A_2240 : memref<1000000xf32, #tpu.memory_space<hbm>>) dst(%dma_wait3A_2235 : memref<128xf32, #tpu.memory_space<vmem>>)
    %dma_wait3A_2241 = arith.constant 2 : i32
    %dma_wait3A_2242 = arith.constant 41 : i32
    %dma_wait3A_2243 = arith.constant 0 : i32
    %dma_wait3A_2244 = tpu.memref_slice %arg42[%dma_wait3A_2242, %dma_wait3A_2243] : memref<64x128xf32, #tpu.memory_space<vmem>> -> memref<1x128xf32, #tpu.memory_space<vmem>>
    %dma_wait3A_2245 = tpu.memref_squeeze %dma_wait3A_2244 : memref<1x128xf32, #tpu.memory_space<vmem>> -> memref<128xf32, #tpu.memory_space<vmem>>
    %dma_wait3A_2246 = arith.constant 0 : i32
    %dma_wait3A_2247 = tpu.memref_slice %arg40[%dma_wait3A_2241, %dma_wait3A_2246] : memref<4x128xi32, #tpu.memory_space<vmem>> -> memref<1x128xi32, #tpu.memory_space<vmem>>
    %dma_wait3A_2248 = tpu.memref_squeeze %dma_wait3A_2247 : memref<1x128xi32, #tpu.memory_space<vmem>> -> memref<128xi32, #tpu.memory_space<vmem>>
    %dma_wait3A_2249 = arith.constant 0 : i32
    %dma_wait3A_2250 = tpu.memref_slice %arg15[%dma_wait3A_2249] : memref<1000000xf32, #tpu.memory_space<hbm>> -> memref<1000000xf32, #tpu.memory_space<hbm>>
    tpu.wait_indirect_dma semaphore(%arg48 : memref<!tpu.dma_semaphore, #tpu.memory_space<semaphore_mem>>) src(%dma_wait3A_2250 : memref<1000000xf32, #tpu.memory_space<hbm>>) dst(%dma_wait3A_2245 : memref<128xf32, #tpu.memory_space<vmem>>)
    %dma_wait3A_2251 = arith.constant 2 : i32
    %dma_wait3A_2252 = arith.constant 41 : i32
    %dma_wait3A_2253 = arith.constant 0 : i32
    %dma_wait3A_2254 = tpu.memref_slice %arg43[%dma_wait3A_2252, %dma_wait3A_2253] : memref<64x128xf32, #tpu.memory_space<vmem>> -> memref<1x128xf32, #tpu.memory_space<vmem>>
    %dma_wait3A_2255 = tpu.memref_squeeze %dma_wait3A_2254 : memref<1x128xf32, #tpu.memory_space<vmem>> -> memref<128xf32, #tpu.memory_space<vmem>>
    %dma_wait3A_2256 = arith.constant 0 : i32
    %dma_wait3A_2257 = tpu.memref_slice %arg41[%dma_wait3A_2251, %dma_wait3A_2256] : memref<4x128xi32, #tpu.memory_space<vmem>> -> memref<1x128xi32, #tpu.memory_space<vmem>>
    %dma_wait3A_2258 = tpu.memref_squeeze %dma_wait3A_2257 : memref<1x128xi32, #tpu.memory_space<vmem>> -> memref<128xi32, #tpu.memory_space<vmem>>
    %dma_wait3A_2259 = arith.constant 0 : i32
    %dma_wait3A_2260 = tpu.memref_slice %arg31[%dma_wait3A_2259] : memref<1000000xf32, #tpu.memory_space<hbm>> -> memref<1000000xf32, #tpu.memory_space<hbm>>
    tpu.wait_indirect_dma semaphore(%arg48 : memref<!tpu.dma_semaphore, #tpu.memory_space<semaphore_mem>>) src(%dma_wait3A_2260 : memref<1000000xf32, #tpu.memory_space<hbm>>) dst(%dma_wait3A_2255 : memref<128xf32, #tpu.memory_space<vmem>>)
    %dma_wait3A_2261 = arith.constant 2 : i32
    %dma_wait3A_2262 = arith.constant 42 : i32
    %dma_wait3A_2263 = arith.constant 0 : i32
    %dma_wait3A_2264 = tpu.memref_slice %arg42[%dma_wait3A_2262, %dma_wait3A_2263] : memref<64x128xf32, #tpu.memory_space<vmem>> -> memref<1x128xf32, #tpu.memory_space<vmem>>
    %dma_wait3A_2265 = tpu.memref_squeeze %dma_wait3A_2264 : memref<1x128xf32, #tpu.memory_space<vmem>> -> memref<128xf32, #tpu.memory_space<vmem>>
    %dma_wait3A_2266 = arith.constant 0 : i32
    %dma_wait3A_2267 = tpu.memref_slice %arg40[%dma_wait3A_2261, %dma_wait3A_2266] : memref<4x128xi32, #tpu.memory_space<vmem>> -> memref<1x128xi32, #tpu.memory_space<vmem>>
    %dma_wait3A_2268 = tpu.memref_squeeze %dma_wait3A_2267 : memref<1x128xi32, #tpu.memory_space<vmem>> -> memref<128xi32, #tpu.memory_space<vmem>>
    %dma_wait3A_2269 = arith.constant 0 : i32
    %dma_wait3A_2270 = tpu.memref_slice %arg16[%dma_wait3A_2269] : memref<1000000xf32, #tpu.memory_space<hbm>> -> memref<1000000xf32, #tpu.memory_space<hbm>>
    tpu.wait_indirect_dma semaphore(%arg48 : memref<!tpu.dma_semaphore, #tpu.memory_space<semaphore_mem>>) src(%dma_wait3A_2270 : memref<1000000xf32, #tpu.memory_space<hbm>>) dst(%dma_wait3A_2265 : memref<128xf32, #tpu.memory_space<vmem>>)
    %dma_wait3A_2271 = arith.constant 2 : i32
    %dma_wait3A_2272 = arith.constant 42 : i32
    %dma_wait3A_2273 = arith.constant 0 : i32
    %dma_wait3A_2274 = tpu.memref_slice %arg43[%dma_wait3A_2272, %dma_wait3A_2273] : memref<64x128xf32, #tpu.memory_space<vmem>> -> memref<1x128xf32, #tpu.memory_space<vmem>>
    %dma_wait3A_2275 = tpu.memref_squeeze %dma_wait3A_2274 : memref<1x128xf32, #tpu.memory_space<vmem>> -> memref<128xf32, #tpu.memory_space<vmem>>
    %dma_wait3A_2276 = arith.constant 0 : i32
    %dma_wait3A_2277 = tpu.memref_slice %arg41[%dma_wait3A_2271, %dma_wait3A_2276] : memref<4x128xi32, #tpu.memory_space<vmem>> -> memref<1x128xi32, #tpu.memory_space<vmem>>
    %dma_wait3A_2278 = tpu.memref_squeeze %dma_wait3A_2277 : memref<1x128xi32, #tpu.memory_space<vmem>> -> memref<128xi32, #tpu.memory_space<vmem>>
    %dma_wait3A_2279 = arith.constant 0 : i32
    %dma_wait3A_2280 = tpu.memref_slice %arg32[%dma_wait3A_2279] : memref<1000000xf32, #tpu.memory_space<hbm>> -> memref<1000000xf32, #tpu.memory_space<hbm>>
    tpu.wait_indirect_dma semaphore(%arg48 : memref<!tpu.dma_semaphore, #tpu.memory_space<semaphore_mem>>) src(%dma_wait3A_2280 : memref<1000000xf32, #tpu.memory_space<hbm>>) dst(%dma_wait3A_2275 : memref<128xf32, #tpu.memory_space<vmem>>)
    %dma_wait3A_2281 = arith.constant 2 : i32
    %dma_wait3A_2282 = arith.constant 43 : i32
    %dma_wait3A_2283 = arith.constant 0 : i32
    %dma_wait3A_2284 = tpu.memref_slice %arg42[%dma_wait3A_2282, %dma_wait3A_2283] : memref<64x128xf32, #tpu.memory_space<vmem>> -> memref<1x128xf32, #tpu.memory_space<vmem>>
    %dma_wait3A_2285 = tpu.memref_squeeze %dma_wait3A_2284 : memref<1x128xf32, #tpu.memory_space<vmem>> -> memref<128xf32, #tpu.memory_space<vmem>>
    %dma_wait3A_2286 = arith.constant 0 : i32
    %dma_wait3A_2287 = tpu.memref_slice %arg40[%dma_wait3A_2281, %dma_wait3A_2286] : memref<4x128xi32, #tpu.memory_space<vmem>> -> memref<1x128xi32, #tpu.memory_space<vmem>>
    %dma_wait3A_2288 = tpu.memref_squeeze %dma_wait3A_2287 : memref<1x128xi32, #tpu.memory_space<vmem>> -> memref<128xi32, #tpu.memory_space<vmem>>
    %dma_wait3A_2289 = arith.constant 0 : i32
    %dma_wait3A_2290 = tpu.memref_slice %arg17[%dma_wait3A_2289] : memref<1000000xf32, #tpu.memory_space<hbm>> -> memref<1000000xf32, #tpu.memory_space<hbm>>
    tpu.wait_indirect_dma semaphore(%arg48 : memref<!tpu.dma_semaphore, #tpu.memory_space<semaphore_mem>>) src(%dma_wait3A_2290 : memref<1000000xf32, #tpu.memory_space<hbm>>) dst(%dma_wait3A_2285 : memref<128xf32, #tpu.memory_space<vmem>>)
    %dma_wait3A_2291 = arith.constant 2 : i32
    %dma_wait3A_2292 = arith.constant 43 : i32
    %dma_wait3A_2293 = arith.constant 0 : i32
    %dma_wait3A_2294 = tpu.memref_slice %arg43[%dma_wait3A_2292, %dma_wait3A_2293] : memref<64x128xf32, #tpu.memory_space<vmem>> -> memref<1x128xf32, #tpu.memory_space<vmem>>
    %dma_wait3A_2295 = tpu.memref_squeeze %dma_wait3A_2294 : memref<1x128xf32, #tpu.memory_space<vmem>> -> memref<128xf32, #tpu.memory_space<vmem>>
    %dma_wait3A_2296 = arith.constant 0 : i32
    %dma_wait3A_2297 = tpu.memref_slice %arg41[%dma_wait3A_2291, %dma_wait3A_2296] : memref<4x128xi32, #tpu.memory_space<vmem>> -> memref<1x128xi32, #tpu.memory_space<vmem>>
    %dma_wait3A_2298 = tpu.memref_squeeze %dma_wait3A_2297 : memref<1x128xi32, #tpu.memory_space<vmem>> -> memref<128xi32, #tpu.memory_space<vmem>>
    %dma_wait3A_2299 = arith.constant 0 : i32
    %dma_wait3A_2300 = tpu.memref_slice %arg33[%dma_wait3A_2299] : memref<1000000xf32, #tpu.memory_space<hbm>> -> memref<1000000xf32, #tpu.memory_space<hbm>>
    tpu.wait_indirect_dma semaphore(%arg48 : memref<!tpu.dma_semaphore, #tpu.memory_space<semaphore_mem>>) src(%dma_wait3A_2300 : memref<1000000xf32, #tpu.memory_space<hbm>>) dst(%dma_wait3A_2295 : memref<128xf32, #tpu.memory_space<vmem>>)
    %dma_wait3A_2301 = arith.constant 2 : i32
    %dma_wait3A_2302 = arith.constant 44 : i32
    %dma_wait3A_2303 = arith.constant 0 : i32
    %dma_wait3A_2304 = tpu.memref_slice %arg42[%dma_wait3A_2302, %dma_wait3A_2303] : memref<64x128xf32, #tpu.memory_space<vmem>> -> memref<1x128xf32, #tpu.memory_space<vmem>>
    %dma_wait3A_2305 = tpu.memref_squeeze %dma_wait3A_2304 : memref<1x128xf32, #tpu.memory_space<vmem>> -> memref<128xf32, #tpu.memory_space<vmem>>
    %dma_wait3A_2306 = arith.constant 0 : i32
    %dma_wait3A_2307 = tpu.memref_slice %arg40[%dma_wait3A_2301, %dma_wait3A_2306] : memref<4x128xi32, #tpu.memory_space<vmem>> -> memref<1x128xi32, #tpu.memory_space<vmem>>
    %dma_wait3A_2308 = tpu.memref_squeeze %dma_wait3A_2307 : memref<1x128xi32, #tpu.memory_space<vmem>> -> memref<128xi32, #tpu.memory_space<vmem>>
    %dma_wait3A_2309 = arith.constant 0 : i32
    %dma_wait3A_2310 = tpu.memref_slice %arg18[%dma_wait3A_2309] : memref<1000000xf32, #tpu.memory_space<hbm>> -> memref<1000000xf32, #tpu.memory_space<hbm>>
    tpu.wait_indirect_dma semaphore(%arg48 : memref<!tpu.dma_semaphore, #tpu.memory_space<semaphore_mem>>) src(%dma_wait3A_2310 : memref<1000000xf32, #tpu.memory_space<hbm>>) dst(%dma_wait3A_2305 : memref<128xf32, #tpu.memory_space<vmem>>)
    %dma_wait3A_2311 = arith.constant 2 : i32
    %dma_wait3A_2312 = arith.constant 44 : i32
    %dma_wait3A_2313 = arith.constant 0 : i32
    %dma_wait3A_2314 = tpu.memref_slice %arg43[%dma_wait3A_2312, %dma_wait3A_2313] : memref<64x128xf32, #tpu.memory_space<vmem>> -> memref<1x128xf32, #tpu.memory_space<vmem>>
    %dma_wait3A_2315 = tpu.memref_squeeze %dma_wait3A_2314 : memref<1x128xf32, #tpu.memory_space<vmem>> -> memref<128xf32, #tpu.memory_space<vmem>>
    %dma_wait3A_2316 = arith.constant 0 : i32
    %dma_wait3A_2317 = tpu.memref_slice %arg41[%dma_wait3A_2311, %dma_wait3A_2316] : memref<4x128xi32, #tpu.memory_space<vmem>> -> memref<1x128xi32, #tpu.memory_space<vmem>>
    %dma_wait3A_2318 = tpu.memref_squeeze %dma_wait3A_2317 : memref<1x128xi32, #tpu.memory_space<vmem>> -> memref<128xi32, #tpu.memory_space<vmem>>
    %dma_wait3A_2319 = arith.constant 0 : i32
    %dma_wait3A_2320 = tpu.memref_slice %arg34[%dma_wait3A_2319] : memref<1000000xf32, #tpu.memory_space<hbm>> -> memref<1000000xf32, #tpu.memory_space<hbm>>
    tpu.wait_indirect_dma semaphore(%arg48 : memref<!tpu.dma_semaphore, #tpu.memory_space<semaphore_mem>>) src(%dma_wait3A_2320 : memref<1000000xf32, #tpu.memory_space<hbm>>) dst(%dma_wait3A_2315 : memref<128xf32, #tpu.memory_space<vmem>>)
    %dma_wait3A_2321 = arith.constant 2 : i32
    %dma_wait3A_2322 = arith.constant 45 : i32
    %dma_wait3A_2323 = arith.constant 0 : i32
    %dma_wait3A_2324 = tpu.memref_slice %arg42[%dma_wait3A_2322, %dma_wait3A_2323] : memref<64x128xf32, #tpu.memory_space<vmem>> -> memref<1x128xf32, #tpu.memory_space<vmem>>
    %dma_wait3A_2325 = tpu.memref_squeeze %dma_wait3A_2324 : memref<1x128xf32, #tpu.memory_space<vmem>> -> memref<128xf32, #tpu.memory_space<vmem>>
    %dma_wait3A_2326 = arith.constant 0 : i32
    %dma_wait3A_2327 = tpu.memref_slice %arg40[%dma_wait3A_2321, %dma_wait3A_2326] : memref<4x128xi32, #tpu.memory_space<vmem>> -> memref<1x128xi32, #tpu.memory_space<vmem>>
    %dma_wait3A_2328 = tpu.memref_squeeze %dma_wait3A_2327 : memref<1x128xi32, #tpu.memory_space<vmem>> -> memref<128xi32, #tpu.memory_space<vmem>>
    %dma_wait3A_2329 = arith.constant 0 : i32
    %dma_wait3A_2330 = tpu.memref_slice %arg19[%dma_wait3A_2329] : memref<1000000xf32, #tpu.memory_space<hbm>> -> memref<1000000xf32, #tpu.memory_space<hbm>>
    tpu.wait_indirect_dma semaphore(%arg48 : memref<!tpu.dma_semaphore, #tpu.memory_space<semaphore_mem>>) src(%dma_wait3A_2330 : memref<1000000xf32, #tpu.memory_space<hbm>>) dst(%dma_wait3A_2325 : memref<128xf32, #tpu.memory_space<vmem>>)
    %dma_wait3A_2331 = arith.constant 2 : i32
    %dma_wait3A_2332 = arith.constant 45 : i32
    %dma_wait3A_2333 = arith.constant 0 : i32
    %dma_wait3A_2334 = tpu.memref_slice %arg43[%dma_wait3A_2332, %dma_wait3A_2333] : memref<64x128xf32, #tpu.memory_space<vmem>> -> memref<1x128xf32, #tpu.memory_space<vmem>>
    %dma_wait3A_2335 = tpu.memref_squeeze %dma_wait3A_2334 : memref<1x128xf32, #tpu.memory_space<vmem>> -> memref<128xf32, #tpu.memory_space<vmem>>
    %dma_wait3A_2336 = arith.constant 0 : i32
    %dma_wait3A_2337 = tpu.memref_slice %arg41[%dma_wait3A_2331, %dma_wait3A_2336] : memref<4x128xi32, #tpu.memory_space<vmem>> -> memref<1x128xi32, #tpu.memory_space<vmem>>
    %dma_wait3A_2338 = tpu.memref_squeeze %dma_wait3A_2337 : memref<1x128xi32, #tpu.memory_space<vmem>> -> memref<128xi32, #tpu.memory_space<vmem>>
    %dma_wait3A_2339 = arith.constant 0 : i32
    %dma_wait3A_2340 = tpu.memref_slice %arg35[%dma_wait3A_2339] : memref<1000000xf32, #tpu.memory_space<hbm>> -> memref<1000000xf32, #tpu.memory_space<hbm>>
    tpu.wait_indirect_dma semaphore(%arg48 : memref<!tpu.dma_semaphore, #tpu.memory_space<semaphore_mem>>) src(%dma_wait3A_2340 : memref<1000000xf32, #tpu.memory_space<hbm>>) dst(%dma_wait3A_2335 : memref<128xf32, #tpu.memory_space<vmem>>)
    %dma_wait3A_2341 = arith.constant 2 : i32
    %dma_wait3A_2342 = arith.constant 46 : i32
    %dma_wait3A_2343 = arith.constant 0 : i32
    %dma_wait3A_2344 = tpu.memref_slice %arg42[%dma_wait3A_2342, %dma_wait3A_2343] : memref<64x128xf32, #tpu.memory_space<vmem>> -> memref<1x128xf32, #tpu.memory_space<vmem>>
    %dma_wait3A_2345 = tpu.memref_squeeze %dma_wait3A_2344 : memref<1x128xf32, #tpu.memory_space<vmem>> -> memref<128xf32, #tpu.memory_space<vmem>>
    %dma_wait3A_2346 = arith.constant 0 : i32
    %dma_wait3A_2347 = tpu.memref_slice %arg40[%dma_wait3A_2341, %dma_wait3A_2346] : memref<4x128xi32, #tpu.memory_space<vmem>> -> memref<1x128xi32, #tpu.memory_space<vmem>>
    %dma_wait3A_2348 = tpu.memref_squeeze %dma_wait3A_2347 : memref<1x128xi32, #tpu.memory_space<vmem>> -> memref<128xi32, #tpu.memory_space<vmem>>
    %dma_wait3A_2349 = arith.constant 0 : i32
    %dma_wait3A_2350 = tpu.memref_slice %arg20[%dma_wait3A_2349] : memref<1000000xf32, #tpu.memory_space<hbm>> -> memref<1000000xf32, #tpu.memory_space<hbm>>
    tpu.wait_indirect_dma semaphore(%arg48 : memref<!tpu.dma_semaphore, #tpu.memory_space<semaphore_mem>>) src(%dma_wait3A_2350 : memref<1000000xf32, #tpu.memory_space<hbm>>) dst(%dma_wait3A_2345 : memref<128xf32, #tpu.memory_space<vmem>>)
    %dma_wait3A_2351 = arith.constant 2 : i32
    %dma_wait3A_2352 = arith.constant 46 : i32
    %dma_wait3A_2353 = arith.constant 0 : i32
    %dma_wait3A_2354 = tpu.memref_slice %arg43[%dma_wait3A_2352, %dma_wait3A_2353] : memref<64x128xf32, #tpu.memory_space<vmem>> -> memref<1x128xf32, #tpu.memory_space<vmem>>
    %dma_wait3A_2355 = tpu.memref_squeeze %dma_wait3A_2354 : memref<1x128xf32, #tpu.memory_space<vmem>> -> memref<128xf32, #tpu.memory_space<vmem>>
    %dma_wait3A_2356 = arith.constant 0 : i32
    %dma_wait3A_2357 = tpu.memref_slice %arg41[%dma_wait3A_2351, %dma_wait3A_2356] : memref<4x128xi32, #tpu.memory_space<vmem>> -> memref<1x128xi32, #tpu.memory_space<vmem>>
    %dma_wait3A_2358 = tpu.memref_squeeze %dma_wait3A_2357 : memref<1x128xi32, #tpu.memory_space<vmem>> -> memref<128xi32, #tpu.memory_space<vmem>>
    %dma_wait3A_2359 = arith.constant 0 : i32
    %dma_wait3A_2360 = tpu.memref_slice %arg36[%dma_wait3A_2359] : memref<1000000xf32, #tpu.memory_space<hbm>> -> memref<1000000xf32, #tpu.memory_space<hbm>>
    tpu.wait_indirect_dma semaphore(%arg48 : memref<!tpu.dma_semaphore, #tpu.memory_space<semaphore_mem>>) src(%dma_wait3A_2360 : memref<1000000xf32, #tpu.memory_space<hbm>>) dst(%dma_wait3A_2355 : memref<128xf32, #tpu.memory_space<vmem>>)
    %dma_wait3A_2361 = arith.constant 2 : i32
    %dma_wait3A_2362 = arith.constant 47 : i32
    %dma_wait3A_2363 = arith.constant 0 : i32
    %dma_wait3A_2364 = tpu.memref_slice %arg42[%dma_wait3A_2362, %dma_wait3A_2363] : memref<64x128xf32, #tpu.memory_space<vmem>> -> memref<1x128xf32, #tpu.memory_space<vmem>>
    %dma_wait3A_2365 = tpu.memref_squeeze %dma_wait3A_2364 : memref<1x128xf32, #tpu.memory_space<vmem>> -> memref<128xf32, #tpu.memory_space<vmem>>
    %dma_wait3A_2366 = arith.constant 0 : i32
    %dma_wait3A_2367 = tpu.memref_slice %arg40[%dma_wait3A_2361, %dma_wait3A_2366] : memref<4x128xi32, #tpu.memory_space<vmem>> -> memref<1x128xi32, #tpu.memory_space<vmem>>
    %dma_wait3A_2368 = tpu.memref_squeeze %dma_wait3A_2367 : memref<1x128xi32, #tpu.memory_space<vmem>> -> memref<128xi32, #tpu.memory_space<vmem>>
    %dma_wait3A_2369 = arith.constant 0 : i32
    %dma_wait3A_2370 = tpu.memref_slice %arg21[%dma_wait3A_2369] : memref<1000000xf32, #tpu.memory_space<hbm>> -> memref<1000000xf32, #tpu.memory_space<hbm>>
    tpu.wait_indirect_dma semaphore(%arg48 : memref<!tpu.dma_semaphore, #tpu.memory_space<semaphore_mem>>) src(%dma_wait3A_2370 : memref<1000000xf32, #tpu.memory_space<hbm>>) dst(%dma_wait3A_2365 : memref<128xf32, #tpu.memory_space<vmem>>)
    %dma_wait3A_2371 = arith.constant 2 : i32
    %dma_wait3A_2372 = arith.constant 47 : i32
    %dma_wait3A_2373 = arith.constant 0 : i32
    %dma_wait3A_2374 = tpu.memref_slice %arg43[%dma_wait3A_2372, %dma_wait3A_2373] : memref<64x128xf32, #tpu.memory_space<vmem>> -> memref<1x128xf32, #tpu.memory_space<vmem>>
    %dma_wait3A_2375 = tpu.memref_squeeze %dma_wait3A_2374 : memref<1x128xf32, #tpu.memory_space<vmem>> -> memref<128xf32, #tpu.memory_space<vmem>>
    %dma_wait3A_2376 = arith.constant 0 : i32
    %dma_wait3A_2377 = tpu.memref_slice %arg41[%dma_wait3A_2371, %dma_wait3A_2376] : memref<4x128xi32, #tpu.memory_space<vmem>> -> memref<1x128xi32, #tpu.memory_space<vmem>>
    %dma_wait3A_2378 = tpu.memref_squeeze %dma_wait3A_2377 : memref<1x128xi32, #tpu.memory_space<vmem>> -> memref<128xi32, #tpu.memory_space<vmem>>
    %dma_wait3A_2379 = arith.constant 0 : i32
    %dma_wait3A_2380 = tpu.memref_slice %arg37[%dma_wait3A_2379] : memref<1000000xf32, #tpu.memory_space<hbm>> -> memref<1000000xf32, #tpu.memory_space<hbm>>
    tpu.wait_indirect_dma semaphore(%arg48 : memref<!tpu.dma_semaphore, #tpu.memory_space<semaphore_mem>>) src(%dma_wait3A_2380 : memref<1000000xf32, #tpu.memory_space<hbm>>) dst(%dma_wait3A_2375 : memref<128xf32, #tpu.memory_space<vmem>>)
    %dma_wait3A_2381 = arith.constant 3 : i32
    %dma_wait3A_2382 = arith.constant 3 : i32
    %dma_wait3A_2383 = arith.constant 0 : i32
    %dma_wait3A_2384 = tpu.memref_slice %arg44[%dma_wait3A_2382, %dma_wait3A_2383] : memref<4x128xf32, #tpu.memory_space<vmem>> -> memref<1x128xf32, #tpu.memory_space<vmem>>
    %dma_wait3A_2385 = tpu.memref_squeeze %dma_wait3A_2384 : memref<1x128xf32, #tpu.memory_space<vmem>> -> memref<128xf32, #tpu.memory_space<vmem>>
    %dma_wait3A_2386 = arith.constant 0 : i32
    %dma_wait3A_2387 = tpu.memref_slice %arg40[%dma_wait3A_2381, %dma_wait3A_2386] : memref<4x128xi32, #tpu.memory_space<vmem>> -> memref<1x128xi32, #tpu.memory_space<vmem>>
    %dma_wait3A_2388 = tpu.memref_squeeze %dma_wait3A_2387 : memref<1x128xi32, #tpu.memory_space<vmem>> -> memref<128xi32, #tpu.memory_space<vmem>>
    %dma_wait3A_2389 = arith.constant 0 : i32
    %dma_wait3A_2390 = tpu.memref_slice %arg4[%dma_wait3A_2389] : memref<1000000xf32, #tpu.memory_space<hbm>> -> memref<1000000xf32, #tpu.memory_space<hbm>>
    tpu.wait_indirect_dma semaphore(%arg49 : memref<!tpu.dma_semaphore, #tpu.memory_space<semaphore_mem>>) src(%dma_wait3A_2390 : memref<1000000xf32, #tpu.memory_space<hbm>>) dst(%dma_wait3A_2385 : memref<128xf32, #tpu.memory_space<vmem>>)
    %dma_wait3A_2391 = arith.constant 3 : i32
    %dma_wait3A_2392 = arith.constant 3 : i32
    %dma_wait3A_2393 = arith.constant 0 : i32
    %dma_wait3A_2394 = tpu.memref_slice %arg45[%dma_wait3A_2392, %dma_wait3A_2393] : memref<4x128xf32, #tpu.memory_space<vmem>> -> memref<1x128xf32, #tpu.memory_space<vmem>>
    %dma_wait3A_2395 = tpu.memref_squeeze %dma_wait3A_2394 : memref<1x128xf32, #tpu.memory_space<vmem>> -> memref<128xf32, #tpu.memory_space<vmem>>
    %dma_wait3A_2396 = arith.constant 0 : i32
    %dma_wait3A_2397 = tpu.memref_slice %arg41[%dma_wait3A_2391, %dma_wait3A_2396] : memref<4x128xi32, #tpu.memory_space<vmem>> -> memref<1x128xi32, #tpu.memory_space<vmem>>
    %dma_wait3A_2398 = tpu.memref_squeeze %dma_wait3A_2397 : memref<1x128xi32, #tpu.memory_space<vmem>> -> memref<128xi32, #tpu.memory_space<vmem>>
    %dma_wait3A_2399 = arith.constant 0 : i32
    %dma_wait3A_2400 = tpu.memref_slice %arg5[%dma_wait3A_2399] : memref<1000000xf32, #tpu.memory_space<hbm>> -> memref<1000000xf32, #tpu.memory_space<hbm>>
    tpu.wait_indirect_dma semaphore(%arg49 : memref<!tpu.dma_semaphore, #tpu.memory_space<semaphore_mem>>) src(%dma_wait3A_2400 : memref<1000000xf32, #tpu.memory_space<hbm>>) dst(%dma_wait3A_2395 : memref<128xf32, #tpu.memory_space<vmem>>)
    %dma_wait3A_2401 = arith.constant 3 : i32
    %dma_wait3A_2402 = arith.constant 48 : i32
    %dma_wait3A_2403 = arith.constant 0 : i32
    %dma_wait3A_2404 = tpu.memref_slice %arg42[%dma_wait3A_2402, %dma_wait3A_2403] : memref<64x128xf32, #tpu.memory_space<vmem>> -> memref<1x128xf32, #tpu.memory_space<vmem>>
    %dma_wait3A_2405 = tpu.memref_squeeze %dma_wait3A_2404 : memref<1x128xf32, #tpu.memory_space<vmem>> -> memref<128xf32, #tpu.memory_space<vmem>>
    %dma_wait3A_2406 = arith.constant 0 : i32
    %dma_wait3A_2407 = tpu.memref_slice %arg40[%dma_wait3A_2401, %dma_wait3A_2406] : memref<4x128xi32, #tpu.memory_space<vmem>> -> memref<1x128xi32, #tpu.memory_space<vmem>>
    %dma_wait3A_2408 = tpu.memref_squeeze %dma_wait3A_2407 : memref<1x128xi32, #tpu.memory_space<vmem>> -> memref<128xi32, #tpu.memory_space<vmem>>
    %dma_wait3A_2409 = arith.constant 0 : i32
    %dma_wait3A_2410 = tpu.memref_slice %arg6[%dma_wait3A_2409] : memref<1000000xf32, #tpu.memory_space<hbm>> -> memref<1000000xf32, #tpu.memory_space<hbm>>
    tpu.wait_indirect_dma semaphore(%arg48 : memref<!tpu.dma_semaphore, #tpu.memory_space<semaphore_mem>>) src(%dma_wait3A_2410 : memref<1000000xf32, #tpu.memory_space<hbm>>) dst(%dma_wait3A_2405 : memref<128xf32, #tpu.memory_space<vmem>>)
    %dma_wait3A_2411 = arith.constant 3 : i32
    %dma_wait3A_2412 = arith.constant 48 : i32
    %dma_wait3A_2413 = arith.constant 0 : i32
    %dma_wait3A_2414 = tpu.memref_slice %arg43[%dma_wait3A_2412, %dma_wait3A_2413] : memref<64x128xf32, #tpu.memory_space<vmem>> -> memref<1x128xf32, #tpu.memory_space<vmem>>
    %dma_wait3A_2415 = tpu.memref_squeeze %dma_wait3A_2414 : memref<1x128xf32, #tpu.memory_space<vmem>> -> memref<128xf32, #tpu.memory_space<vmem>>
    %dma_wait3A_2416 = arith.constant 0 : i32
    %dma_wait3A_2417 = tpu.memref_slice %arg41[%dma_wait3A_2411, %dma_wait3A_2416] : memref<4x128xi32, #tpu.memory_space<vmem>> -> memref<1x128xi32, #tpu.memory_space<vmem>>
    %dma_wait3A_2418 = tpu.memref_squeeze %dma_wait3A_2417 : memref<1x128xi32, #tpu.memory_space<vmem>> -> memref<128xi32, #tpu.memory_space<vmem>>
    %dma_wait3A_2419 = arith.constant 0 : i32
    %dma_wait3A_2420 = tpu.memref_slice %arg22[%dma_wait3A_2419] : memref<1000000xf32, #tpu.memory_space<hbm>> -> memref<1000000xf32, #tpu.memory_space<hbm>>
    tpu.wait_indirect_dma semaphore(%arg48 : memref<!tpu.dma_semaphore, #tpu.memory_space<semaphore_mem>>) src(%dma_wait3A_2420 : memref<1000000xf32, #tpu.memory_space<hbm>>) dst(%dma_wait3A_2415 : memref<128xf32, #tpu.memory_space<vmem>>)
    %dma_wait3A_2421 = arith.constant 3 : i32
    %dma_wait3A_2422 = arith.constant 49 : i32
    %dma_wait3A_2423 = arith.constant 0 : i32
    %dma_wait3A_2424 = tpu.memref_slice %arg42[%dma_wait3A_2422, %dma_wait3A_2423] : memref<64x128xf32, #tpu.memory_space<vmem>> -> memref<1x128xf32, #tpu.memory_space<vmem>>
    %dma_wait3A_2425 = tpu.memref_squeeze %dma_wait3A_2424 : memref<1x128xf32, #tpu.memory_space<vmem>> -> memref<128xf32, #tpu.memory_space<vmem>>
    %dma_wait3A_2426 = arith.constant 0 : i32
    %dma_wait3A_2427 = tpu.memref_slice %arg40[%dma_wait3A_2421, %dma_wait3A_2426] : memref<4x128xi32, #tpu.memory_space<vmem>> -> memref<1x128xi32, #tpu.memory_space<vmem>>
    %dma_wait3A_2428 = tpu.memref_squeeze %dma_wait3A_2427 : memref<1x128xi32, #tpu.memory_space<vmem>> -> memref<128xi32, #tpu.memory_space<vmem>>
    %dma_wait3A_2429 = arith.constant 0 : i32
    %dma_wait3A_2430 = tpu.memref_slice %arg7[%dma_wait3A_2429] : memref<1000000xf32, #tpu.memory_space<hbm>> -> memref<1000000xf32, #tpu.memory_space<hbm>>
    tpu.wait_indirect_dma semaphore(%arg48 : memref<!tpu.dma_semaphore, #tpu.memory_space<semaphore_mem>>) src(%dma_wait3A_2430 : memref<1000000xf32, #tpu.memory_space<hbm>>) dst(%dma_wait3A_2425 : memref<128xf32, #tpu.memory_space<vmem>>)
    %dma_wait3A_2431 = arith.constant 3 : i32
    %dma_wait3A_2432 = arith.constant 49 : i32
    %dma_wait3A_2433 = arith.constant 0 : i32
    %dma_wait3A_2434 = tpu.memref_slice %arg43[%dma_wait3A_2432, %dma_wait3A_2433] : memref<64x128xf32, #tpu.memory_space<vmem>> -> memref<1x128xf32, #tpu.memory_space<vmem>>
    %dma_wait3A_2435 = tpu.memref_squeeze %dma_wait3A_2434 : memref<1x128xf32, #tpu.memory_space<vmem>> -> memref<128xf32, #tpu.memory_space<vmem>>
    %dma_wait3A_2436 = arith.constant 0 : i32
    %dma_wait3A_2437 = tpu.memref_slice %arg41[%dma_wait3A_2431, %dma_wait3A_2436] : memref<4x128xi32, #tpu.memory_space<vmem>> -> memref<1x128xi32, #tpu.memory_space<vmem>>
    %dma_wait3A_2438 = tpu.memref_squeeze %dma_wait3A_2437 : memref<1x128xi32, #tpu.memory_space<vmem>> -> memref<128xi32, #tpu.memory_space<vmem>>
    %dma_wait3A_2439 = arith.constant 0 : i32
    %dma_wait3A_2440 = tpu.memref_slice %arg23[%dma_wait3A_2439] : memref<1000000xf32, #tpu.memory_space<hbm>> -> memref<1000000xf32, #tpu.memory_space<hbm>>
    tpu.wait_indirect_dma semaphore(%arg48 : memref<!tpu.dma_semaphore, #tpu.memory_space<semaphore_mem>>) src(%dma_wait3A_2440 : memref<1000000xf32, #tpu.memory_space<hbm>>) dst(%dma_wait3A_2435 : memref<128xf32, #tpu.memory_space<vmem>>)
    %dma_wait3A_2441 = arith.constant 3 : i32
    %dma_wait3A_2442 = arith.constant 50 : i32
    %dma_wait3A_2443 = arith.constant 0 : i32
    %dma_wait3A_2444 = tpu.memref_slice %arg42[%dma_wait3A_2442, %dma_wait3A_2443] : memref<64x128xf32, #tpu.memory_space<vmem>> -> memref<1x128xf32, #tpu.memory_space<vmem>>
    %dma_wait3A_2445 = tpu.memref_squeeze %dma_wait3A_2444 : memref<1x128xf32, #tpu.memory_space<vmem>> -> memref<128xf32, #tpu.memory_space<vmem>>
    %dma_wait3A_2446 = arith.constant 0 : i32
    %dma_wait3A_2447 = tpu.memref_slice %arg40[%dma_wait3A_2441, %dma_wait3A_2446] : memref<4x128xi32, #tpu.memory_space<vmem>> -> memref<1x128xi32, #tpu.memory_space<vmem>>
    %dma_wait3A_2448 = tpu.memref_squeeze %dma_wait3A_2447 : memref<1x128xi32, #tpu.memory_space<vmem>> -> memref<128xi32, #tpu.memory_space<vmem>>
    %dma_wait3A_2449 = arith.constant 0 : i32
    %dma_wait3A_2450 = tpu.memref_slice %arg8[%dma_wait3A_2449] : memref<1000000xf32, #tpu.memory_space<hbm>> -> memref<1000000xf32, #tpu.memory_space<hbm>>
    tpu.wait_indirect_dma semaphore(%arg48 : memref<!tpu.dma_semaphore, #tpu.memory_space<semaphore_mem>>) src(%dma_wait3A_2450 : memref<1000000xf32, #tpu.memory_space<hbm>>) dst(%dma_wait3A_2445 : memref<128xf32, #tpu.memory_space<vmem>>)
    %dma_wait3A_2451 = arith.constant 3 : i32
    %dma_wait3A_2452 = arith.constant 50 : i32
    %dma_wait3A_2453 = arith.constant 0 : i32
    %dma_wait3A_2454 = tpu.memref_slice %arg43[%dma_wait3A_2452, %dma_wait3A_2453] : memref<64x128xf32, #tpu.memory_space<vmem>> -> memref<1x128xf32, #tpu.memory_space<vmem>>
    %dma_wait3A_2455 = tpu.memref_squeeze %dma_wait3A_2454 : memref<1x128xf32, #tpu.memory_space<vmem>> -> memref<128xf32, #tpu.memory_space<vmem>>
    %dma_wait3A_2456 = arith.constant 0 : i32
    %dma_wait3A_2457 = tpu.memref_slice %arg41[%dma_wait3A_2451, %dma_wait3A_2456] : memref<4x128xi32, #tpu.memory_space<vmem>> -> memref<1x128xi32, #tpu.memory_space<vmem>>
    %dma_wait3A_2458 = tpu.memref_squeeze %dma_wait3A_2457 : memref<1x128xi32, #tpu.memory_space<vmem>> -> memref<128xi32, #tpu.memory_space<vmem>>
    %dma_wait3A_2459 = arith.constant 0 : i32
    %dma_wait3A_2460 = tpu.memref_slice %arg24[%dma_wait3A_2459] : memref<1000000xf32, #tpu.memory_space<hbm>> -> memref<1000000xf32, #tpu.memory_space<hbm>>
    tpu.wait_indirect_dma semaphore(%arg48 : memref<!tpu.dma_semaphore, #tpu.memory_space<semaphore_mem>>) src(%dma_wait3A_2460 : memref<1000000xf32, #tpu.memory_space<hbm>>) dst(%dma_wait3A_2455 : memref<128xf32, #tpu.memory_space<vmem>>)
    %dma_wait3A_2461 = arith.constant 3 : i32
    %dma_wait3A_2462 = arith.constant 51 : i32
    %dma_wait3A_2463 = arith.constant 0 : i32
    %dma_wait3A_2464 = tpu.memref_slice %arg42[%dma_wait3A_2462, %dma_wait3A_2463] : memref<64x128xf32, #tpu.memory_space<vmem>> -> memref<1x128xf32, #tpu.memory_space<vmem>>
    %dma_wait3A_2465 = tpu.memref_squeeze %dma_wait3A_2464 : memref<1x128xf32, #tpu.memory_space<vmem>> -> memref<128xf32, #tpu.memory_space<vmem>>
    %dma_wait3A_2466 = arith.constant 0 : i32
    %dma_wait3A_2467 = tpu.memref_slice %arg40[%dma_wait3A_2461, %dma_wait3A_2466] : memref<4x128xi32, #tpu.memory_space<vmem>> -> memref<1x128xi32, #tpu.memory_space<vmem>>
    %dma_wait3A_2468 = tpu.memref_squeeze %dma_wait3A_2467 : memref<1x128xi32, #tpu.memory_space<vmem>> -> memref<128xi32, #tpu.memory_space<vmem>>
    %dma_wait3A_2469 = arith.constant 0 : i32
    %dma_wait3A_2470 = tpu.memref_slice %arg9[%dma_wait3A_2469] : memref<1000000xf32, #tpu.memory_space<hbm>> -> memref<1000000xf32, #tpu.memory_space<hbm>>
    tpu.wait_indirect_dma semaphore(%arg48 : memref<!tpu.dma_semaphore, #tpu.memory_space<semaphore_mem>>) src(%dma_wait3A_2470 : memref<1000000xf32, #tpu.memory_space<hbm>>) dst(%dma_wait3A_2465 : memref<128xf32, #tpu.memory_space<vmem>>)
    %dma_wait3A_2471 = arith.constant 3 : i32
    %dma_wait3A_2472 = arith.constant 51 : i32
    %dma_wait3A_2473 = arith.constant 0 : i32
    %dma_wait3A_2474 = tpu.memref_slice %arg43[%dma_wait3A_2472, %dma_wait3A_2473] : memref<64x128xf32, #tpu.memory_space<vmem>> -> memref<1x128xf32, #tpu.memory_space<vmem>>
    %dma_wait3A_2475 = tpu.memref_squeeze %dma_wait3A_2474 : memref<1x128xf32, #tpu.memory_space<vmem>> -> memref<128xf32, #tpu.memory_space<vmem>>
    %dma_wait3A_2476 = arith.constant 0 : i32
    %dma_wait3A_2477 = tpu.memref_slice %arg41[%dma_wait3A_2471, %dma_wait3A_2476] : memref<4x128xi32, #tpu.memory_space<vmem>> -> memref<1x128xi32, #tpu.memory_space<vmem>>
    %dma_wait3A_2478 = tpu.memref_squeeze %dma_wait3A_2477 : memref<1x128xi32, #tpu.memory_space<vmem>> -> memref<128xi32, #tpu.memory_space<vmem>>
    %dma_wait3A_2479 = arith.constant 0 : i32
    %dma_wait3A_2480 = tpu.memref_slice %arg25[%dma_wait3A_2479] : memref<1000000xf32, #tpu.memory_space<hbm>> -> memref<1000000xf32, #tpu.memory_space<hbm>>
    tpu.wait_indirect_dma semaphore(%arg48 : memref<!tpu.dma_semaphore, #tpu.memory_space<semaphore_mem>>) src(%dma_wait3A_2480 : memref<1000000xf32, #tpu.memory_space<hbm>>) dst(%dma_wait3A_2475 : memref<128xf32, #tpu.memory_space<vmem>>)
    %dma_wait3A_2481 = arith.constant 3 : i32
    %dma_wait3A_2482 = arith.constant 52 : i32
    %dma_wait3A_2483 = arith.constant 0 : i32
    %dma_wait3A_2484 = tpu.memref_slice %arg42[%dma_wait3A_2482, %dma_wait3A_2483] : memref<64x128xf32, #tpu.memory_space<vmem>> -> memref<1x128xf32, #tpu.memory_space<vmem>>
    %dma_wait3A_2485 = tpu.memref_squeeze %dma_wait3A_2484 : memref<1x128xf32, #tpu.memory_space<vmem>> -> memref<128xf32, #tpu.memory_space<vmem>>
    %dma_wait3A_2486 = arith.constant 0 : i32
    %dma_wait3A_2487 = tpu.memref_slice %arg40[%dma_wait3A_2481, %dma_wait3A_2486] : memref<4x128xi32, #tpu.memory_space<vmem>> -> memref<1x128xi32, #tpu.memory_space<vmem>>
    %dma_wait3A_2488 = tpu.memref_squeeze %dma_wait3A_2487 : memref<1x128xi32, #tpu.memory_space<vmem>> -> memref<128xi32, #tpu.memory_space<vmem>>
    %dma_wait3A_2489 = arith.constant 0 : i32
    %dma_wait3A_2490 = tpu.memref_slice %arg10[%dma_wait3A_2489] : memref<1000000xf32, #tpu.memory_space<hbm>> -> memref<1000000xf32, #tpu.memory_space<hbm>>
    tpu.wait_indirect_dma semaphore(%arg48 : memref<!tpu.dma_semaphore, #tpu.memory_space<semaphore_mem>>) src(%dma_wait3A_2490 : memref<1000000xf32, #tpu.memory_space<hbm>>) dst(%dma_wait3A_2485 : memref<128xf32, #tpu.memory_space<vmem>>)
    %dma_wait3A_2491 = arith.constant 3 : i32
    %dma_wait3A_2492 = arith.constant 52 : i32
    %dma_wait3A_2493 = arith.constant 0 : i32
    %dma_wait3A_2494 = tpu.memref_slice %arg43[%dma_wait3A_2492, %dma_wait3A_2493] : memref<64x128xf32, #tpu.memory_space<vmem>> -> memref<1x128xf32, #tpu.memory_space<vmem>>
    %dma_wait3A_2495 = tpu.memref_squeeze %dma_wait3A_2494 : memref<1x128xf32, #tpu.memory_space<vmem>> -> memref<128xf32, #tpu.memory_space<vmem>>
    %dma_wait3A_2496 = arith.constant 0 : i32
    %dma_wait3A_2497 = tpu.memref_slice %arg41[%dma_wait3A_2491, %dma_wait3A_2496] : memref<4x128xi32, #tpu.memory_space<vmem>> -> memref<1x128xi32, #tpu.memory_space<vmem>>
    %dma_wait3A_2498 = tpu.memref_squeeze %dma_wait3A_2497 : memref<1x128xi32, #tpu.memory_space<vmem>> -> memref<128xi32, #tpu.memory_space<vmem>>
    %dma_wait3A_2499 = arith.constant 0 : i32
    %dma_wait3A_2500 = tpu.memref_slice %arg26[%dma_wait3A_2499] : memref<1000000xf32, #tpu.memory_space<hbm>> -> memref<1000000xf32, #tpu.memory_space<hbm>>
    tpu.wait_indirect_dma semaphore(%arg48 : memref<!tpu.dma_semaphore, #tpu.memory_space<semaphore_mem>>) src(%dma_wait3A_2500 : memref<1000000xf32, #tpu.memory_space<hbm>>) dst(%dma_wait3A_2495 : memref<128xf32, #tpu.memory_space<vmem>>)
    %dma_wait3A_2501 = arith.constant 3 : i32
    %dma_wait3A_2502 = arith.constant 53 : i32
    %dma_wait3A_2503 = arith.constant 0 : i32
    %dma_wait3A_2504 = tpu.memref_slice %arg42[%dma_wait3A_2502, %dma_wait3A_2503] : memref<64x128xf32, #tpu.memory_space<vmem>> -> memref<1x128xf32, #tpu.memory_space<vmem>>
    %dma_wait3A_2505 = tpu.memref_squeeze %dma_wait3A_2504 : memref<1x128xf32, #tpu.memory_space<vmem>> -> memref<128xf32, #tpu.memory_space<vmem>>
    %dma_wait3A_2506 = arith.constant 0 : i32
    %dma_wait3A_2507 = tpu.memref_slice %arg40[%dma_wait3A_2501, %dma_wait3A_2506] : memref<4x128xi32, #tpu.memory_space<vmem>> -> memref<1x128xi32, #tpu.memory_space<vmem>>
    %dma_wait3A_2508 = tpu.memref_squeeze %dma_wait3A_2507 : memref<1x128xi32, #tpu.memory_space<vmem>> -> memref<128xi32, #tpu.memory_space<vmem>>
    %dma_wait3A_2509 = arith.constant 0 : i32
    %dma_wait3A_2510 = tpu.memref_slice %arg11[%dma_wait3A_2509] : memref<1000000xf32, #tpu.memory_space<hbm>> -> memref<1000000xf32, #tpu.memory_space<hbm>>
    tpu.wait_indirect_dma semaphore(%arg48 : memref<!tpu.dma_semaphore, #tpu.memory_space<semaphore_mem>>) src(%dma_wait3A_2510 : memref<1000000xf32, #tpu.memory_space<hbm>>) dst(%dma_wait3A_2505 : memref<128xf32, #tpu.memory_space<vmem>>)
    %dma_wait3A_2511 = arith.constant 3 : i32
    %dma_wait3A_2512 = arith.constant 53 : i32
    %dma_wait3A_2513 = arith.constant 0 : i32
    %dma_wait3A_2514 = tpu.memref_slice %arg43[%dma_wait3A_2512, %dma_wait3A_2513] : memref<64x128xf32, #tpu.memory_space<vmem>> -> memref<1x128xf32, #tpu.memory_space<vmem>>
    %dma_wait3A_2515 = tpu.memref_squeeze %dma_wait3A_2514 : memref<1x128xf32, #tpu.memory_space<vmem>> -> memref<128xf32, #tpu.memory_space<vmem>>
    %dma_wait3A_2516 = arith.constant 0 : i32
    %dma_wait3A_2517 = tpu.memref_slice %arg41[%dma_wait3A_2511, %dma_wait3A_2516] : memref<4x128xi32, #tpu.memory_space<vmem>> -> memref<1x128xi32, #tpu.memory_space<vmem>>
    %dma_wait3A_2518 = tpu.memref_squeeze %dma_wait3A_2517 : memref<1x128xi32, #tpu.memory_space<vmem>> -> memref<128xi32, #tpu.memory_space<vmem>>
    %dma_wait3A_2519 = arith.constant 0 : i32
    %dma_wait3A_2520 = tpu.memref_slice %arg27[%dma_wait3A_2519] : memref<1000000xf32, #tpu.memory_space<hbm>> -> memref<1000000xf32, #tpu.memory_space<hbm>>
    tpu.wait_indirect_dma semaphore(%arg48 : memref<!tpu.dma_semaphore, #tpu.memory_space<semaphore_mem>>) src(%dma_wait3A_2520 : memref<1000000xf32, #tpu.memory_space<hbm>>) dst(%dma_wait3A_2515 : memref<128xf32, #tpu.memory_space<vmem>>)
    %dma_wait3A_2521 = arith.constant 3 : i32
    %dma_wait3A_2522 = arith.constant 54 : i32
    %dma_wait3A_2523 = arith.constant 0 : i32
    %dma_wait3A_2524 = tpu.memref_slice %arg42[%dma_wait3A_2522, %dma_wait3A_2523] : memref<64x128xf32, #tpu.memory_space<vmem>> -> memref<1x128xf32, #tpu.memory_space<vmem>>
    %dma_wait3A_2525 = tpu.memref_squeeze %dma_wait3A_2524 : memref<1x128xf32, #tpu.memory_space<vmem>> -> memref<128xf32, #tpu.memory_space<vmem>>
    %dma_wait3A_2526 = arith.constant 0 : i32
    %dma_wait3A_2527 = tpu.memref_slice %arg40[%dma_wait3A_2521, %dma_wait3A_2526] : memref<4x128xi32, #tpu.memory_space<vmem>> -> memref<1x128xi32, #tpu.memory_space<vmem>>
    %dma_wait3A_2528 = tpu.memref_squeeze %dma_wait3A_2527 : memref<1x128xi32, #tpu.memory_space<vmem>> -> memref<128xi32, #tpu.memory_space<vmem>>
    %dma_wait3A_2529 = arith.constant 0 : i32
    %dma_wait3A_2530 = tpu.memref_slice %arg12[%dma_wait3A_2529] : memref<1000000xf32, #tpu.memory_space<hbm>> -> memref<1000000xf32, #tpu.memory_space<hbm>>
    tpu.wait_indirect_dma semaphore(%arg48 : memref<!tpu.dma_semaphore, #tpu.memory_space<semaphore_mem>>) src(%dma_wait3A_2530 : memref<1000000xf32, #tpu.memory_space<hbm>>) dst(%dma_wait3A_2525 : memref<128xf32, #tpu.memory_space<vmem>>)
    %dma_wait3A_2531 = arith.constant 3 : i32
    %dma_wait3A_2532 = arith.constant 54 : i32
    %dma_wait3A_2533 = arith.constant 0 : i32
    %dma_wait3A_2534 = tpu.memref_slice %arg43[%dma_wait3A_2532, %dma_wait3A_2533] : memref<64x128xf32, #tpu.memory_space<vmem>> -> memref<1x128xf32, #tpu.memory_space<vmem>>
    %dma_wait3A_2535 = tpu.memref_squeeze %dma_wait3A_2534 : memref<1x128xf32, #tpu.memory_space<vmem>> -> memref<128xf32, #tpu.memory_space<vmem>>
    %dma_wait3A_2536 = arith.constant 0 : i32
    %dma_wait3A_2537 = tpu.memref_slice %arg41[%dma_wait3A_2531, %dma_wait3A_2536] : memref<4x128xi32, #tpu.memory_space<vmem>> -> memref<1x128xi32, #tpu.memory_space<vmem>>
    %dma_wait3A_2538 = tpu.memref_squeeze %dma_wait3A_2537 : memref<1x128xi32, #tpu.memory_space<vmem>> -> memref<128xi32, #tpu.memory_space<vmem>>
    %dma_wait3A_2539 = arith.constant 0 : i32
    %dma_wait3A_2540 = tpu.memref_slice %arg28[%dma_wait3A_2539] : memref<1000000xf32, #tpu.memory_space<hbm>> -> memref<1000000xf32, #tpu.memory_space<hbm>>
    tpu.wait_indirect_dma semaphore(%arg48 : memref<!tpu.dma_semaphore, #tpu.memory_space<semaphore_mem>>) src(%dma_wait3A_2540 : memref<1000000xf32, #tpu.memory_space<hbm>>) dst(%dma_wait3A_2535 : memref<128xf32, #tpu.memory_space<vmem>>)
    %dma_wait3A_2541 = arith.constant 3 : i32
    %dma_wait3A_2542 = arith.constant 55 : i32
    %dma_wait3A_2543 = arith.constant 0 : i32
    %dma_wait3A_2544 = tpu.memref_slice %arg42[%dma_wait3A_2542, %dma_wait3A_2543] : memref<64x128xf32, #tpu.memory_space<vmem>> -> memref<1x128xf32, #tpu.memory_space<vmem>>
    %dma_wait3A_2545 = tpu.memref_squeeze %dma_wait3A_2544 : memref<1x128xf32, #tpu.memory_space<vmem>> -> memref<128xf32, #tpu.memory_space<vmem>>
    %dma_wait3A_2546 = arith.constant 0 : i32
    %dma_wait3A_2547 = tpu.memref_slice %arg40[%dma_wait3A_2541, %dma_wait3A_2546] : memref<4x128xi32, #tpu.memory_space<vmem>> -> memref<1x128xi32, #tpu.memory_space<vmem>>
    %dma_wait3A_2548 = tpu.memref_squeeze %dma_wait3A_2547 : memref<1x128xi32, #tpu.memory_space<vmem>> -> memref<128xi32, #tpu.memory_space<vmem>>
    %dma_wait3A_2549 = arith.constant 0 : i32
    %dma_wait3A_2550 = tpu.memref_slice %arg13[%dma_wait3A_2549] : memref<1000000xf32, #tpu.memory_space<hbm>> -> memref<1000000xf32, #tpu.memory_space<hbm>>
    tpu.wait_indirect_dma semaphore(%arg48 : memref<!tpu.dma_semaphore, #tpu.memory_space<semaphore_mem>>) src(%dma_wait3A_2550 : memref<1000000xf32, #tpu.memory_space<hbm>>) dst(%dma_wait3A_2545 : memref<128xf32, #tpu.memory_space<vmem>>)
    %dma_wait3A_2551 = arith.constant 3 : i32
    %dma_wait3A_2552 = arith.constant 55 : i32
    %dma_wait3A_2553 = arith.constant 0 : i32
    %dma_wait3A_2554 = tpu.memref_slice %arg43[%dma_wait3A_2552, %dma_wait3A_2553] : memref<64x128xf32, #tpu.memory_space<vmem>> -> memref<1x128xf32, #tpu.memory_space<vmem>>
    %dma_wait3A_2555 = tpu.memref_squeeze %dma_wait3A_2554 : memref<1x128xf32, #tpu.memory_space<vmem>> -> memref<128xf32, #tpu.memory_space<vmem>>
    %dma_wait3A_2556 = arith.constant 0 : i32
    %dma_wait3A_2557 = tpu.memref_slice %arg41[%dma_wait3A_2551, %dma_wait3A_2556] : memref<4x128xi32, #tpu.memory_space<vmem>> -> memref<1x128xi32, #tpu.memory_space<vmem>>
    %dma_wait3A_2558 = tpu.memref_squeeze %dma_wait3A_2557 : memref<1x128xi32, #tpu.memory_space<vmem>> -> memref<128xi32, #tpu.memory_space<vmem>>
    %dma_wait3A_2559 = arith.constant 0 : i32
    %dma_wait3A_2560 = tpu.memref_slice %arg29[%dma_wait3A_2559] : memref<1000000xf32, #tpu.memory_space<hbm>> -> memref<1000000xf32, #tpu.memory_space<hbm>>
    tpu.wait_indirect_dma semaphore(%arg48 : memref<!tpu.dma_semaphore, #tpu.memory_space<semaphore_mem>>) src(%dma_wait3A_2560 : memref<1000000xf32, #tpu.memory_space<hbm>>) dst(%dma_wait3A_2555 : memref<128xf32, #tpu.memory_space<vmem>>)
    %dma_wait3A_2561 = arith.constant 3 : i32
    %dma_wait3A_2562 = arith.constant 56 : i32
    %dma_wait3A_2563 = arith.constant 0 : i32
    %dma_wait3A_2564 = tpu.memref_slice %arg42[%dma_wait3A_2562, %dma_wait3A_2563] : memref<64x128xf32, #tpu.memory_space<vmem>> -> memref<1x128xf32, #tpu.memory_space<vmem>>
    %dma_wait3A_2565 = tpu.memref_squeeze %dma_wait3A_2564 : memref<1x128xf32, #tpu.memory_space<vmem>> -> memref<128xf32, #tpu.memory_space<vmem>>
    %dma_wait3A_2566 = arith.constant 0 : i32
    %dma_wait3A_2567 = tpu.memref_slice %arg40[%dma_wait3A_2561, %dma_wait3A_2566] : memref<4x128xi32, #tpu.memory_space<vmem>> -> memref<1x128xi32, #tpu.memory_space<vmem>>
    %dma_wait3A_2568 = tpu.memref_squeeze %dma_wait3A_2567 : memref<1x128xi32, #tpu.memory_space<vmem>> -> memref<128xi32, #tpu.memory_space<vmem>>
    %dma_wait3A_2569 = arith.constant 0 : i32
    %dma_wait3A_2570 = tpu.memref_slice %arg14[%dma_wait3A_2569] : memref<1000000xf32, #tpu.memory_space<hbm>> -> memref<1000000xf32, #tpu.memory_space<hbm>>
    tpu.wait_indirect_dma semaphore(%arg48 : memref<!tpu.dma_semaphore, #tpu.memory_space<semaphore_mem>>) src(%dma_wait3A_2570 : memref<1000000xf32, #tpu.memory_space<hbm>>) dst(%dma_wait3A_2565 : memref<128xf32, #tpu.memory_space<vmem>>)
    %dma_wait3A_2571 = arith.constant 3 : i32
    %dma_wait3A_2572 = arith.constant 56 : i32
    %dma_wait3A_2573 = arith.constant 0 : i32
    %dma_wait3A_2574 = tpu.memref_slice %arg43[%dma_wait3A_2572, %dma_wait3A_2573] : memref<64x128xf32, #tpu.memory_space<vmem>> -> memref<1x128xf32, #tpu.memory_space<vmem>>
    %dma_wait3A_2575 = tpu.memref_squeeze %dma_wait3A_2574 : memref<1x128xf32, #tpu.memory_space<vmem>> -> memref<128xf32, #tpu.memory_space<vmem>>
    %dma_wait3A_2576 = arith.constant 0 : i32
    %dma_wait3A_2577 = tpu.memref_slice %arg41[%dma_wait3A_2571, %dma_wait3A_2576] : memref<4x128xi32, #tpu.memory_space<vmem>> -> memref<1x128xi32, #tpu.memory_space<vmem>>
    %dma_wait3A_2578 = tpu.memref_squeeze %dma_wait3A_2577 : memref<1x128xi32, #tpu.memory_space<vmem>> -> memref<128xi32, #tpu.memory_space<vmem>>
    %dma_wait3A_2579 = arith.constant 0 : i32
    %dma_wait3A_2580 = tpu.memref_slice %arg30[%dma_wait3A_2579] : memref<1000000xf32, #tpu.memory_space<hbm>> -> memref<1000000xf32, #tpu.memory_space<hbm>>
    tpu.wait_indirect_dma semaphore(%arg48 : memref<!tpu.dma_semaphore, #tpu.memory_space<semaphore_mem>>) src(%dma_wait3A_2580 : memref<1000000xf32, #tpu.memory_space<hbm>>) dst(%dma_wait3A_2575 : memref<128xf32, #tpu.memory_space<vmem>>)
    %dma_wait3A_2581 = arith.constant 3 : i32
    %dma_wait3A_2582 = arith.constant 57 : i32
    %dma_wait3A_2583 = arith.constant 0 : i32
    %dma_wait3A_2584 = tpu.memref_slice %arg42[%dma_wait3A_2582, %dma_wait3A_2583] : memref<64x128xf32, #tpu.memory_space<vmem>> -> memref<1x128xf32, #tpu.memory_space<vmem>>
    %dma_wait3A_2585 = tpu.memref_squeeze %dma_wait3A_2584 : memref<1x128xf32, #tpu.memory_space<vmem>> -> memref<128xf32, #tpu.memory_space<vmem>>
    %dma_wait3A_2586 = arith.constant 0 : i32
    %dma_wait3A_2587 = tpu.memref_slice %arg40[%dma_wait3A_2581, %dma_wait3A_2586] : memref<4x128xi32, #tpu.memory_space<vmem>> -> memref<1x128xi32, #tpu.memory_space<vmem>>
    %dma_wait3A_2588 = tpu.memref_squeeze %dma_wait3A_2587 : memref<1x128xi32, #tpu.memory_space<vmem>> -> memref<128xi32, #tpu.memory_space<vmem>>
    %dma_wait3A_2589 = arith.constant 0 : i32
    %dma_wait3A_2590 = tpu.memref_slice %arg15[%dma_wait3A_2589] : memref<1000000xf32, #tpu.memory_space<hbm>> -> memref<1000000xf32, #tpu.memory_space<hbm>>
    tpu.wait_indirect_dma semaphore(%arg48 : memref<!tpu.dma_semaphore, #tpu.memory_space<semaphore_mem>>) src(%dma_wait3A_2590 : memref<1000000xf32, #tpu.memory_space<hbm>>) dst(%dma_wait3A_2585 : memref<128xf32, #tpu.memory_space<vmem>>)
    %dma_wait3A_2591 = arith.constant 3 : i32
    %dma_wait3A_2592 = arith.constant 57 : i32
    %dma_wait3A_2593 = arith.constant 0 : i32
    %dma_wait3A_2594 = tpu.memref_slice %arg43[%dma_wait3A_2592, %dma_wait3A_2593] : memref<64x128xf32, #tpu.memory_space<vmem>> -> memref<1x128xf32, #tpu.memory_space<vmem>>
    %dma_wait3A_2595 = tpu.memref_squeeze %dma_wait3A_2594 : memref<1x128xf32, #tpu.memory_space<vmem>> -> memref<128xf32, #tpu.memory_space<vmem>>
    %dma_wait3A_2596 = arith.constant 0 : i32
    %dma_wait3A_2597 = tpu.memref_slice %arg41[%dma_wait3A_2591, %dma_wait3A_2596] : memref<4x128xi32, #tpu.memory_space<vmem>> -> memref<1x128xi32, #tpu.memory_space<vmem>>
    %dma_wait3A_2598 = tpu.memref_squeeze %dma_wait3A_2597 : memref<1x128xi32, #tpu.memory_space<vmem>> -> memref<128xi32, #tpu.memory_space<vmem>>
    %dma_wait3A_2599 = arith.constant 0 : i32
    %dma_wait3A_2600 = tpu.memref_slice %arg31[%dma_wait3A_2599] : memref<1000000xf32, #tpu.memory_space<hbm>> -> memref<1000000xf32, #tpu.memory_space<hbm>>
    tpu.wait_indirect_dma semaphore(%arg48 : memref<!tpu.dma_semaphore, #tpu.memory_space<semaphore_mem>>) src(%dma_wait3A_2600 : memref<1000000xf32, #tpu.memory_space<hbm>>) dst(%dma_wait3A_2595 : memref<128xf32, #tpu.memory_space<vmem>>)
    %dma_wait3A_2601 = arith.constant 3 : i32
    %dma_wait3A_2602 = arith.constant 58 : i32
    %dma_wait3A_2603 = arith.constant 0 : i32
    %dma_wait3A_2604 = tpu.memref_slice %arg42[%dma_wait3A_2602, %dma_wait3A_2603] : memref<64x128xf32, #tpu.memory_space<vmem>> -> memref<1x128xf32, #tpu.memory_space<vmem>>
    %dma_wait3A_2605 = tpu.memref_squeeze %dma_wait3A_2604 : memref<1x128xf32, #tpu.memory_space<vmem>> -> memref<128xf32, #tpu.memory_space<vmem>>
    %dma_wait3A_2606 = arith.constant 0 : i32
    %dma_wait3A_2607 = tpu.memref_slice %arg40[%dma_wait3A_2601, %dma_wait3A_2606] : memref<4x128xi32, #tpu.memory_space<vmem>> -> memref<1x128xi32, #tpu.memory_space<vmem>>
    %dma_wait3A_2608 = tpu.memref_squeeze %dma_wait3A_2607 : memref<1x128xi32, #tpu.memory_space<vmem>> -> memref<128xi32, #tpu.memory_space<vmem>>
    %dma_wait3A_2609 = arith.constant 0 : i32
    %dma_wait3A_2610 = tpu.memref_slice %arg16[%dma_wait3A_2609] : memref<1000000xf32, #tpu.memory_space<hbm>> -> memref<1000000xf32, #tpu.memory_space<hbm>>
    tpu.wait_indirect_dma semaphore(%arg48 : memref<!tpu.dma_semaphore, #tpu.memory_space<semaphore_mem>>) src(%dma_wait3A_2610 : memref<1000000xf32, #tpu.memory_space<hbm>>) dst(%dma_wait3A_2605 : memref<128xf32, #tpu.memory_space<vmem>>)
    %dma_wait3A_2611 = arith.constant 3 : i32
    %dma_wait3A_2612 = arith.constant 58 : i32
    %dma_wait3A_2613 = arith.constant 0 : i32
    %dma_wait3A_2614 = tpu.memref_slice %arg43[%dma_wait3A_2612, %dma_wait3A_2613] : memref<64x128xf32, #tpu.memory_space<vmem>> -> memref<1x128xf32, #tpu.memory_space<vmem>>
    %dma_wait3A_2615 = tpu.memref_squeeze %dma_wait3A_2614 : memref<1x128xf32, #tpu.memory_space<vmem>> -> memref<128xf32, #tpu.memory_space<vmem>>
    %dma_wait3A_2616 = arith.constant 0 : i32
    %dma_wait3A_2617 = tpu.memref_slice %arg41[%dma_wait3A_2611, %dma_wait3A_2616] : memref<4x128xi32, #tpu.memory_space<vmem>> -> memref<1x128xi32, #tpu.memory_space<vmem>>
    %dma_wait3A_2618 = tpu.memref_squeeze %dma_wait3A_2617 : memref<1x128xi32, #tpu.memory_space<vmem>> -> memref<128xi32, #tpu.memory_space<vmem>>
    %dma_wait3A_2619 = arith.constant 0 : i32
    %dma_wait3A_2620 = tpu.memref_slice %arg32[%dma_wait3A_2619] : memref<1000000xf32, #tpu.memory_space<hbm>> -> memref<1000000xf32, #tpu.memory_space<hbm>>
    tpu.wait_indirect_dma semaphore(%arg48 : memref<!tpu.dma_semaphore, #tpu.memory_space<semaphore_mem>>) src(%dma_wait3A_2620 : memref<1000000xf32, #tpu.memory_space<hbm>>) dst(%dma_wait3A_2615 : memref<128xf32, #tpu.memory_space<vmem>>)
    %dma_wait3A_2621 = arith.constant 3 : i32
    %dma_wait3A_2622 = arith.constant 59 : i32
    %dma_wait3A_2623 = arith.constant 0 : i32
    %dma_wait3A_2624 = tpu.memref_slice %arg42[%dma_wait3A_2622, %dma_wait3A_2623] : memref<64x128xf32, #tpu.memory_space<vmem>> -> memref<1x128xf32, #tpu.memory_space<vmem>>
    %dma_wait3A_2625 = tpu.memref_squeeze %dma_wait3A_2624 : memref<1x128xf32, #tpu.memory_space<vmem>> -> memref<128xf32, #tpu.memory_space<vmem>>
    %dma_wait3A_2626 = arith.constant 0 : i32
    %dma_wait3A_2627 = tpu.memref_slice %arg40[%dma_wait3A_2621, %dma_wait3A_2626] : memref<4x128xi32, #tpu.memory_space<vmem>> -> memref<1x128xi32, #tpu.memory_space<vmem>>
    %dma_wait3A_2628 = tpu.memref_squeeze %dma_wait3A_2627 : memref<1x128xi32, #tpu.memory_space<vmem>> -> memref<128xi32, #tpu.memory_space<vmem>>
    %dma_wait3A_2629 = arith.constant 0 : i32
    %dma_wait3A_2630 = tpu.memref_slice %arg17[%dma_wait3A_2629] : memref<1000000xf32, #tpu.memory_space<hbm>> -> memref<1000000xf32, #tpu.memory_space<hbm>>
    tpu.wait_indirect_dma semaphore(%arg48 : memref<!tpu.dma_semaphore, #tpu.memory_space<semaphore_mem>>) src(%dma_wait3A_2630 : memref<1000000xf32, #tpu.memory_space<hbm>>) dst(%dma_wait3A_2625 : memref<128xf32, #tpu.memory_space<vmem>>)
    %dma_wait3A_2631 = arith.constant 3 : i32
    %dma_wait3A_2632 = arith.constant 59 : i32
    %dma_wait3A_2633 = arith.constant 0 : i32
    %dma_wait3A_2634 = tpu.memref_slice %arg43[%dma_wait3A_2632, %dma_wait3A_2633] : memref<64x128xf32, #tpu.memory_space<vmem>> -> memref<1x128xf32, #tpu.memory_space<vmem>>
    %dma_wait3A_2635 = tpu.memref_squeeze %dma_wait3A_2634 : memref<1x128xf32, #tpu.memory_space<vmem>> -> memref<128xf32, #tpu.memory_space<vmem>>
    %dma_wait3A_2636 = arith.constant 0 : i32
    %dma_wait3A_2637 = tpu.memref_slice %arg41[%dma_wait3A_2631, %dma_wait3A_2636] : memref<4x128xi32, #tpu.memory_space<vmem>> -> memref<1x128xi32, #tpu.memory_space<vmem>>
    %dma_wait3A_2638 = tpu.memref_squeeze %dma_wait3A_2637 : memref<1x128xi32, #tpu.memory_space<vmem>> -> memref<128xi32, #tpu.memory_space<vmem>>
    %dma_wait3A_2639 = arith.constant 0 : i32
    %dma_wait3A_2640 = tpu.memref_slice %arg33[%dma_wait3A_2639] : memref<1000000xf32, #tpu.memory_space<hbm>> -> memref<1000000xf32, #tpu.memory_space<hbm>>
    tpu.wait_indirect_dma semaphore(%arg48 : memref<!tpu.dma_semaphore, #tpu.memory_space<semaphore_mem>>) src(%dma_wait3A_2640 : memref<1000000xf32, #tpu.memory_space<hbm>>) dst(%dma_wait3A_2635 : memref<128xf32, #tpu.memory_space<vmem>>)
    %dma_wait3A_2641 = arith.constant 3 : i32
    %dma_wait3A_2642 = arith.constant 60 : i32
    %dma_wait3A_2643 = arith.constant 0 : i32
    %dma_wait3A_2644 = tpu.memref_slice %arg42[%dma_wait3A_2642, %dma_wait3A_2643] : memref<64x128xf32, #tpu.memory_space<vmem>> -> memref<1x128xf32, #tpu.memory_space<vmem>>
    %dma_wait3A_2645 = tpu.memref_squeeze %dma_wait3A_2644 : memref<1x128xf32, #tpu.memory_space<vmem>> -> memref<128xf32, #tpu.memory_space<vmem>>
    %dma_wait3A_2646 = arith.constant 0 : i32
    %dma_wait3A_2647 = tpu.memref_slice %arg40[%dma_wait3A_2641, %dma_wait3A_2646] : memref<4x128xi32, #tpu.memory_space<vmem>> -> memref<1x128xi32, #tpu.memory_space<vmem>>
    %dma_wait3A_2648 = tpu.memref_squeeze %dma_wait3A_2647 : memref<1x128xi32, #tpu.memory_space<vmem>> -> memref<128xi32, #tpu.memory_space<vmem>>
    %dma_wait3A_2649 = arith.constant 0 : i32
    %dma_wait3A_2650 = tpu.memref_slice %arg18[%dma_wait3A_2649] : memref<1000000xf32, #tpu.memory_space<hbm>> -> memref<1000000xf32, #tpu.memory_space<hbm>>
    tpu.wait_indirect_dma semaphore(%arg48 : memref<!tpu.dma_semaphore, #tpu.memory_space<semaphore_mem>>) src(%dma_wait3A_2650 : memref<1000000xf32, #tpu.memory_space<hbm>>) dst(%dma_wait3A_2645 : memref<128xf32, #tpu.memory_space<vmem>>)
    %dma_wait3A_2651 = arith.constant 3 : i32
    %dma_wait3A_2652 = arith.constant 60 : i32
    %dma_wait3A_2653 = arith.constant 0 : i32
    %dma_wait3A_2654 = tpu.memref_slice %arg43[%dma_wait3A_2652, %dma_wait3A_2653] : memref<64x128xf32, #tpu.memory_space<vmem>> -> memref<1x128xf32, #tpu.memory_space<vmem>>
    %dma_wait3A_2655 = tpu.memref_squeeze %dma_wait3A_2654 : memref<1x128xf32, #tpu.memory_space<vmem>> -> memref<128xf32, #tpu.memory_space<vmem>>
    %dma_wait3A_2656 = arith.constant 0 : i32
    %dma_wait3A_2657 = tpu.memref_slice %arg41[%dma_wait3A_2651, %dma_wait3A_2656] : memref<4x128xi32, #tpu.memory_space<vmem>> -> memref<1x128xi32, #tpu.memory_space<vmem>>
    %dma_wait3A_2658 = tpu.memref_squeeze %dma_wait3A_2657 : memref<1x128xi32, #tpu.memory_space<vmem>> -> memref<128xi32, #tpu.memory_space<vmem>>
    %dma_wait3A_2659 = arith.constant 0 : i32
    %dma_wait3A_2660 = tpu.memref_slice %arg34[%dma_wait3A_2659] : memref<1000000xf32, #tpu.memory_space<hbm>> -> memref<1000000xf32, #tpu.memory_space<hbm>>
    tpu.wait_indirect_dma semaphore(%arg48 : memref<!tpu.dma_semaphore, #tpu.memory_space<semaphore_mem>>) src(%dma_wait3A_2660 : memref<1000000xf32, #tpu.memory_space<hbm>>) dst(%dma_wait3A_2655 : memref<128xf32, #tpu.memory_space<vmem>>)
    %dma_wait3A_2661 = arith.constant 3 : i32
    %dma_wait3A_2662 = arith.constant 61 : i32
    %dma_wait3A_2663 = arith.constant 0 : i32
    %dma_wait3A_2664 = tpu.memref_slice %arg42[%dma_wait3A_2662, %dma_wait3A_2663] : memref<64x128xf32, #tpu.memory_space<vmem>> -> memref<1x128xf32, #tpu.memory_space<vmem>>
    %dma_wait3A_2665 = tpu.memref_squeeze %dma_wait3A_2664 : memref<1x128xf32, #tpu.memory_space<vmem>> -> memref<128xf32, #tpu.memory_space<vmem>>
    %dma_wait3A_2666 = arith.constant 0 : i32
    %dma_wait3A_2667 = tpu.memref_slice %arg40[%dma_wait3A_2661, %dma_wait3A_2666] : memref<4x128xi32, #tpu.memory_space<vmem>> -> memref<1x128xi32, #tpu.memory_space<vmem>>
    %dma_wait3A_2668 = tpu.memref_squeeze %dma_wait3A_2667 : memref<1x128xi32, #tpu.memory_space<vmem>> -> memref<128xi32, #tpu.memory_space<vmem>>
    %dma_wait3A_2669 = arith.constant 0 : i32
    %dma_wait3A_2670 = tpu.memref_slice %arg19[%dma_wait3A_2669] : memref<1000000xf32, #tpu.memory_space<hbm>> -> memref<1000000xf32, #tpu.memory_space<hbm>>
    tpu.wait_indirect_dma semaphore(%arg48 : memref<!tpu.dma_semaphore, #tpu.memory_space<semaphore_mem>>) src(%dma_wait3A_2670 : memref<1000000xf32, #tpu.memory_space<hbm>>) dst(%dma_wait3A_2665 : memref<128xf32, #tpu.memory_space<vmem>>)
    %dma_wait3A_2671 = arith.constant 3 : i32
    %dma_wait3A_2672 = arith.constant 61 : i32
    %dma_wait3A_2673 = arith.constant 0 : i32
    %dma_wait3A_2674 = tpu.memref_slice %arg43[%dma_wait3A_2672, %dma_wait3A_2673] : memref<64x128xf32, #tpu.memory_space<vmem>> -> memref<1x128xf32, #tpu.memory_space<vmem>>
    %dma_wait3A_2675 = tpu.memref_squeeze %dma_wait3A_2674 : memref<1x128xf32, #tpu.memory_space<vmem>> -> memref<128xf32, #tpu.memory_space<vmem>>
    %dma_wait3A_2676 = arith.constant 0 : i32
    %dma_wait3A_2677 = tpu.memref_slice %arg41[%dma_wait3A_2671, %dma_wait3A_2676] : memref<4x128xi32, #tpu.memory_space<vmem>> -> memref<1x128xi32, #tpu.memory_space<vmem>>
    %dma_wait3A_2678 = tpu.memref_squeeze %dma_wait3A_2677 : memref<1x128xi32, #tpu.memory_space<vmem>> -> memref<128xi32, #tpu.memory_space<vmem>>
    %dma_wait3A_2679 = arith.constant 0 : i32
    %dma_wait3A_2680 = tpu.memref_slice %arg35[%dma_wait3A_2679] : memref<1000000xf32, #tpu.memory_space<hbm>> -> memref<1000000xf32, #tpu.memory_space<hbm>>
    tpu.wait_indirect_dma semaphore(%arg48 : memref<!tpu.dma_semaphore, #tpu.memory_space<semaphore_mem>>) src(%dma_wait3A_2680 : memref<1000000xf32, #tpu.memory_space<hbm>>) dst(%dma_wait3A_2675 : memref<128xf32, #tpu.memory_space<vmem>>)
    %dma_wait3A_2681 = arith.constant 3 : i32
    %dma_wait3A_2682 = arith.constant 62 : i32
    %dma_wait3A_2683 = arith.constant 0 : i32
    %dma_wait3A_2684 = tpu.memref_slice %arg42[%dma_wait3A_2682, %dma_wait3A_2683] : memref<64x128xf32, #tpu.memory_space<vmem>> -> memref<1x128xf32, #tpu.memory_space<vmem>>
    %dma_wait3A_2685 = tpu.memref_squeeze %dma_wait3A_2684 : memref<1x128xf32, #tpu.memory_space<vmem>> -> memref<128xf32, #tpu.memory_space<vmem>>
    %dma_wait3A_2686 = arith.constant 0 : i32
    %dma_wait3A_2687 = tpu.memref_slice %arg40[%dma_wait3A_2681, %dma_wait3A_2686] : memref<4x128xi32, #tpu.memory_space<vmem>> -> memref<1x128xi32, #tpu.memory_space<vmem>>
    %dma_wait3A_2688 = tpu.memref_squeeze %dma_wait3A_2687 : memref<1x128xi32, #tpu.memory_space<vmem>> -> memref<128xi32, #tpu.memory_space<vmem>>
    %dma_wait3A_2689 = arith.constant 0 : i32
    %dma_wait3A_2690 = tpu.memref_slice %arg20[%dma_wait3A_2689] : memref<1000000xf32, #tpu.memory_space<hbm>> -> memref<1000000xf32, #tpu.memory_space<hbm>>
    tpu.wait_indirect_dma semaphore(%arg48 : memref<!tpu.dma_semaphore, #tpu.memory_space<semaphore_mem>>) src(%dma_wait3A_2690 : memref<1000000xf32, #tpu.memory_space<hbm>>) dst(%dma_wait3A_2685 : memref<128xf32, #tpu.memory_space<vmem>>)
    %dma_wait3A_2691 = arith.constant 3 : i32
    %dma_wait3A_2692 = arith.constant 62 : i32
    %dma_wait3A_2693 = arith.constant 0 : i32
    %dma_wait3A_2694 = tpu.memref_slice %arg43[%dma_wait3A_2692, %dma_wait3A_2693] : memref<64x128xf32, #tpu.memory_space<vmem>> -> memref<1x128xf32, #tpu.memory_space<vmem>>
    %dma_wait3A_2695 = tpu.memref_squeeze %dma_wait3A_2694 : memref<1x128xf32, #tpu.memory_space<vmem>> -> memref<128xf32, #tpu.memory_space<vmem>>
    %dma_wait3A_2696 = arith.constant 0 : i32
    %dma_wait3A_2697 = tpu.memref_slice %arg41[%dma_wait3A_2691, %dma_wait3A_2696] : memref<4x128xi32, #tpu.memory_space<vmem>> -> memref<1x128xi32, #tpu.memory_space<vmem>>
    %dma_wait3A_2698 = tpu.memref_squeeze %dma_wait3A_2697 : memref<1x128xi32, #tpu.memory_space<vmem>> -> memref<128xi32, #tpu.memory_space<vmem>>
    %dma_wait3A_2699 = arith.constant 0 : i32
    %dma_wait3A_2700 = tpu.memref_slice %arg36[%dma_wait3A_2699] : memref<1000000xf32, #tpu.memory_space<hbm>> -> memref<1000000xf32, #tpu.memory_space<hbm>>
    tpu.wait_indirect_dma semaphore(%arg48 : memref<!tpu.dma_semaphore, #tpu.memory_space<semaphore_mem>>) src(%dma_wait3A_2700 : memref<1000000xf32, #tpu.memory_space<hbm>>) dst(%dma_wait3A_2695 : memref<128xf32, #tpu.memory_space<vmem>>)
    %dma_wait3A_2701 = arith.constant 3 : i32
    %dma_wait3A_2702 = arith.constant 63 : i32
    %dma_wait3A_2703 = arith.constant 0 : i32
    %dma_wait3A_2704 = tpu.memref_slice %arg42[%dma_wait3A_2702, %dma_wait3A_2703] : memref<64x128xf32, #tpu.memory_space<vmem>> -> memref<1x128xf32, #tpu.memory_space<vmem>>
    %dma_wait3A_2705 = tpu.memref_squeeze %dma_wait3A_2704 : memref<1x128xf32, #tpu.memory_space<vmem>> -> memref<128xf32, #tpu.memory_space<vmem>>
    %dma_wait3A_2706 = arith.constant 0 : i32
    %dma_wait3A_2707 = tpu.memref_slice %arg40[%dma_wait3A_2701, %dma_wait3A_2706] : memref<4x128xi32, #tpu.memory_space<vmem>> -> memref<1x128xi32, #tpu.memory_space<vmem>>
    %dma_wait3A_2708 = tpu.memref_squeeze %dma_wait3A_2707 : memref<1x128xi32, #tpu.memory_space<vmem>> -> memref<128xi32, #tpu.memory_space<vmem>>
    %dma_wait3A_2709 = arith.constant 0 : i32
    %dma_wait3A_2710 = tpu.memref_slice %arg21[%dma_wait3A_2709] : memref<1000000xf32, #tpu.memory_space<hbm>> -> memref<1000000xf32, #tpu.memory_space<hbm>>
    tpu.wait_indirect_dma semaphore(%arg48 : memref<!tpu.dma_semaphore, #tpu.memory_space<semaphore_mem>>) src(%dma_wait3A_2710 : memref<1000000xf32, #tpu.memory_space<hbm>>) dst(%dma_wait3A_2705 : memref<128xf32, #tpu.memory_space<vmem>>)
    %dma_wait3A_2711 = arith.constant 3 : i32
    %dma_wait3A_2712 = arith.constant 63 : i32
    %dma_wait3A_2713 = arith.constant 0 : i32
    %dma_wait3A_2714 = tpu.memref_slice %arg43[%dma_wait3A_2712, %dma_wait3A_2713] : memref<64x128xf32, #tpu.memory_space<vmem>> -> memref<1x128xf32, #tpu.memory_space<vmem>>
    %dma_wait3A_2715 = tpu.memref_squeeze %dma_wait3A_2714 : memref<1x128xf32, #tpu.memory_space<vmem>> -> memref<128xf32, #tpu.memory_space<vmem>>
    %dma_wait3A_2716 = arith.constant 0 : i32
    %dma_wait3A_2717 = tpu.memref_slice %arg41[%dma_wait3A_2711, %dma_wait3A_2716] : memref<4x128xi32, #tpu.memory_space<vmem>> -> memref<1x128xi32, #tpu.memory_space<vmem>>
    %dma_wait3A_2718 = tpu.memref_squeeze %dma_wait3A_2717 : memref<1x128xi32, #tpu.memory_space<vmem>> -> memref<128xi32, #tpu.memory_space<vmem>>
    %dma_wait3A_2719 = arith.constant 0 : i32
    %dma_wait3A_2720 = tpu.memref_slice %arg37[%dma_wait3A_2719] : memref<1000000xf32, #tpu.memory_space<hbm>> -> memref<1000000xf32, #tpu.memory_space<hbm>>
    tpu.wait_indirect_dma semaphore(%arg48 : memref<!tpu.dma_semaphore, #tpu.memory_space<semaphore_mem>>) src(%dma_wait3A_2720 : memref<1000000xf32, #tpu.memory_space<hbm>>) dst(%dma_wait3A_2715 : memref<128xf32, #tpu.memory_space<vmem>>)
    %broadcast_in_dim3A = arith.constant 0.000000e+00 : f32
    %broadcast_in_dim3A_2721 = vector.broadcast %broadcast_in_dim3A : f32 to vector<16xf32>
    %scan3A = arith.constant 0 : i32
    %scan3A_2722 = arith.constant 512 : i32
    %scan3A_2723 = arith.addi %scan3A, %scan3A_2722 : i32
    %scan3A_2724 = arith.constant 1 : i32
    %scan3A_2725 = scf.for %scan3A_2758 = %scan3A to %scan3A_2723 step %scan3A_2724 iter_args(%scan3A_2759 = %broadcast_in_dim3A_2721) -> (vector<16xf32>)  : i32 {
      %shift_right_logical3A = arith.constant 3 : i32
      %shift_right_logical3A_2760 = arith.shrui %scan3A_2758, %shift_right_logical3A : i32
      %and3A = arith.constant 7 : i32
      %and3A_2761 = arith.andi %scan3A_2758, %and3A : i32
      %mul3A_2762 = arith.constant 16 : i32
      %mul3A_2763 = arith.muli %and3A_2761, %mul3A_2762 : i32
      %get3A = arith.index_cast %shift_right_logical3A_2760 : i32 to index
      %get3A_2764 = arith.index_cast %mul3A_2763 : i32 to index
      %get3A_2765 = tpu.vector_load %arg42[%get3A, %get3A_2764] {strides = array<i32>} : memref<64x128xf32, #tpu.memory_space<vmem>>, vector<1x16xf32>,
      %get3A_2766 = vector.shape_cast %get3A_2765 : vector<1x16xf32> to vector<16xf32>
      %get3A_2767 = arith.index_cast %shift_right_logical3A_2760 : i32 to index
      %get3A_2768 = arith.index_cast %mul3A_2763 : i32 to index
      %get3A_2769 = tpu.vector_load %arg43[%get3A_2767, %get3A_2768] {strides = array<i32>} : memref<64x128xf32, #tpu.memory_space<vmem>>, vector<1x16xf32>,
      %get3A_2770 = vector.shape_cast %get3A_2769 : vector<1x16xf32> to vector<16xf32>
      %mul3A_2771 = arith.mulf %get3A_2766, %get3A_2770 : vector<16xf32>
      %add3A_2772 = arith.addf %scan3A_2759, %mul3A_2771 : vector<16xf32>
      scf.yield %add3A_2772 : vector<16xf32>
    }
    %scan3A_2726 = arith.constant 512 : i32
    %swap3A = arith.constant 0 : index
    %swap3A_2727 = tpu.vector_load %arg47[%swap3A] {strides = array<i32>} : memref<16xf32, #tpu.memory_space<vmem>>, vector<16xf32>,
    %swap3A_2728 = vector.shape_cast %swap3A_2727 : vector<16xf32> to vector<16xf32>
    %swap3A_2729 = vector.shape_cast %scan3A_2725 : vector<16xf32> to vector<16xf32>
    tpu.vector_store %arg47[%swap3A], %swap3A_2729 {strides = array<i32>} : memref<16xf32, #tpu.memory_space<vmem>>, vector<16xf32>,
    "tpu.region"() ({
      %run_scoped3A = tpu.sem_alloc : memref<!tpu.dma_semaphore, #tpu.memory_space<semaphore_mem>>
      %dma_start3A_2758 = arith.constant 0 : i32
      %dma_start3A_2759 = tpu.memref_slice %arg38[%add3A, %dma_start3A_2758] : memref<32x16xf32, #tpu.memory_space<hbm>> -> memref<1x16xf32, #tpu.memory_space<hbm>>
      %dma_start3A_2760 = tpu.memref_squeeze %dma_start3A_2759 : memref<1x16xf32, #tpu.memory_space<hbm>> -> memref<16xf32, #tpu.memory_space<hbm>>
      %dma_start3A_2761 = arith.constant 0 : i32
      %dma_start3A_2762 = tpu.memref_slice %arg38[%add3A, %dma_start3A_2761] : memref<32x16xf32, #tpu.memory_space<hbm>> -> memref<1x16xf32, #tpu.memory_space<hbm>>
      %dma_start3A_2763 = tpu.memref_squeeze %dma_start3A_2762 : memref<1x16xf32, #tpu.memory_space<hbm>> -> memref<16xf32, #tpu.memory_space<hbm>>
      tpu.enqueue_dma source(%arg47 : memref<16xf32, #tpu.memory_space<vmem>>) target(%dma_start3A_2763 : memref<16xf32, #tpu.memory_space<hbm>>) target_semaphore(%run_scoped3A : memref<!tpu.dma_semaphore, #tpu.memory_space<semaphore_mem>>)
      %dma_wait3A_2764 = arith.constant 0 : i32
      %dma_wait3A_2765 = tpu.memref_slice %arg38[%add3A, %dma_wait3A_2764] : memref<32x16xf32, #tpu.memory_space<hbm>> -> memref<1x16xf32, #tpu.memory_space<hbm>>
      %dma_wait3A_2766 = tpu.memref_squeeze %dma_wait3A_2765 : memref<1x16xf32, #tpu.memory_space<hbm>> -> memref<16xf32, #tpu.memory_space<hbm>>
      %dma_wait3A_2767 = arith.constant 0 : i32
      %dma_wait3A_2768 = tpu.memref_slice %arg38[%add3A, %dma_wait3A_2767] : memref<32x16xf32, #tpu.memory_space<hbm>> -> memref<1x16xf32, #tpu.memory_space<hbm>>
      %dma_wait3A_2769 = tpu.memref_squeeze %dma_wait3A_2768 : memref<1x16xf32, #tpu.memory_space<hbm>> -> memref<16xf32, #tpu.memory_space<hbm>>
      tpu.wait_dma2 semaphore(%run_scoped3A : memref<!tpu.dma_semaphore, #tpu.memory_space<semaphore_mem>>) src(%arg47 : memref<16xf32, #tpu.memory_space<vmem>>) dst(%dma_wait3A_2769 : memref<16xf32, #tpu.memory_space<hbm>>)
      tpu.yield
    }) : () -> ()
    %scan3A_2730 = arith.constant 0 : i32
    %scan3A_2731 = arith.constant 0 : i32
    %scan3A_2732 = arith.constant 8 : i32
    %scan3A_2733 = arith.addi %scan3A_2731, %scan3A_2732 : i32
    %scan3A_2734 = arith.constant 1 : i32
    %scan3A_2735 = scf.for %scan3A_2758 = %scan3A_2731 to %scan3A_2733 step %scan3A_2734 iter_args(%scan3A_2759 = %scan3A_2730) -> (i32)  : i32 {
      %mul3A_2760 = arith.constant 16 : i32
      %mul3A_2761 = arith.muli %scan3A_2758, %mul3A_2760 : i32
      %get3A = arith.constant 0 : i32
      %get3A_2762 = arith.index_cast %get3A : i32 to index
      %get3A_2763 = arith.index_cast %mul3A_2761 : i32 to index
      %get3A_2764 = tpu.vector_load %arg44[%get3A_2762, %get3A_2763] {strides = array<i32>} : memref<4x128xf32, #tpu.memory_space<vmem>>, vector<1x16xf32>,
      %get3A_2765 = vector.shape_cast %get3A_2764 : vector<1x16xf32> to vector<16xf32>
      %get3A_2766 = arith.constant 0 : i32
      %get3A_2767 = arith.index_cast %get3A_2766 : i32 to index
      %get3A_2768 = arith.index_cast %mul3A_2761 : i32 to index
      %get3A_2769 = tpu.vector_load %arg45[%get3A_2767, %get3A_2768] {strides = array<i32>} : memref<4x128xf32, #tpu.memory_space<vmem>>, vector<1x16xf32>,
      %get3A_2770 = vector.shape_cast %get3A_2769 : vector<1x16xf32> to vector<16xf32>
      %add3A_2771 = arith.addf %get3A_2765, %get3A_2770 : vector<16xf32>
      %swap3A_2772 = arith.constant 0 : i32
      %swap3A_2773 = arith.index_cast %swap3A_2772 : i32 to index
      %swap3A_2774 = arith.index_cast %mul3A_2761 : i32 to index
      %swap3A_2775 = tpu.vector_load %arg46[%swap3A_2773, %swap3A_2774] {strides = array<i32>} : memref<4x128xf32, #tpu.memory_space<vmem>>, vector<1x16xf32>,
      %swap3A_2776 = vector.shape_cast %swap3A_2775 : vector<1x16xf32> to vector<16xf32>
      %swap3A_2777 = vector.shape_cast %add3A_2771 : vector<16xf32> to vector<1x16xf32>
      tpu.vector_store %arg46[%swap3A_2773, %swap3A_2774], %swap3A_2777 {strides = array<i32>} : memref<4x128xf32, #tpu.memory_space<vmem>>, vector<1x16xf32>,
      %scan3A_2778 = arith.constant 0 : i32
      scf.yield %scan3A_2778 : i32
    }
    %scan3A_2736 = arith.constant 8 : i32
    %scan3A_2737 = arith.constant 0 : i32
    %scan3A_2738 = arith.constant 0 : i32
    %scan3A_2739 = arith.constant 8 : i32
    %scan3A_2740 = arith.addi %scan3A_2738, %scan3A_2739 : i32
    %scan3A_2741 = arith.constant 1 : i32
    %scan3A_2742 = scf.for %scan3A_2758 = %scan3A_2738 to %scan3A_2740 step %scan3A_2741 iter_args(%scan3A_2759 = %scan3A_2737) -> (i32)  : i32 {
      %mul3A_2760 = arith.constant 16 : i32
      %mul3A_2761 = arith.muli %scan3A_2758, %mul3A_2760 : i32
      %get3A = arith.constant 1 : i32
      %get3A_2762 = arith.index_cast %get3A : i32 to index
      %get3A_2763 = arith.index_cast %mul3A_2761 : i32 to index
      %get3A_2764 = tpu.vector_load %arg44[%get3A_2762, %get3A_2763] {strides = array<i32>} : memref<4x128xf32, #tpu.memory_space<vmem>>, vector<1x16xf32>,
      %get3A_2765 = vector.shape_cast %get3A_2764 : vector<1x16xf32> to vector<16xf32>
      %get3A_2766 = arith.constant 1 : i32
      %get3A_2767 = arith.index_cast %get3A_2766 : i32 to index
      %get3A_2768 = arith.index_cast %mul3A_2761 : i32 to index
      %get3A_2769 = tpu.vector_load %arg45[%get3A_2767, %get3A_2768] {strides = array<i32>} : memref<4x128xf32, #tpu.memory_space<vmem>>, vector<1x16xf32>,
      %get3A_2770 = vector.shape_cast %get3A_2769 : vector<1x16xf32> to vector<16xf32>
      %add3A_2771 = arith.addf %get3A_2765, %get3A_2770 : vector<16xf32>
      %swap3A_2772 = arith.constant 1 : i32
      %swap3A_2773 = arith.index_cast %swap3A_2772 : i32 to index
      %swap3A_2774 = arith.index_cast %mul3A_2761 : i32 to index
      %swap3A_2775 = tpu.vector_load %arg46[%swap3A_2773, %swap3A_2774] {strides = array<i32>} : memref<4x128xf32, #tpu.memory_space<vmem>>, vector<1x16xf32>,
      %swap3A_2776 = vector.shape_cast %swap3A_2775 : vector<1x16xf32> to vector<16xf32>
      %swap3A_2777 = vector.shape_cast %add3A_2771 : vector<16xf32> to vector<1x16xf32>
      tpu.vector_store %arg46[%swap3A_2773, %swap3A_2774], %swap3A_2777 {strides = array<i32>} : memref<4x128xf32, #tpu.memory_space<vmem>>, vector<1x16xf32>,
      %scan3A_2778 = arith.constant 0 : i32
      scf.yield %scan3A_2778 : i32
    }
    %scan3A_2743 = arith.constant 8 : i32
    %scan3A_2744 = arith.constant 0 : i32
    %scan3A_2745 = arith.constant 0 : i32
    %scan3A_2746 = arith.constant 8 : i32
    %scan3A_2747 = arith.addi %scan3A_2745, %scan3A_2746 : i32
    %scan3A_2748 = arith.constant 1 : i32
    %scan3A_2749 = scf.for %scan3A_2758 = %scan3A_2745 to %scan3A_2747 step %scan3A_2748 iter_args(%scan3A_2759 = %scan3A_2744) -> (i32)  : i32 {
      %mul3A_2760 = arith.constant 16 : i32
      %mul3A_2761 = arith.muli %scan3A_2758, %mul3A_2760 : i32
      %get3A = arith.constant 2 : i32
      %get3A_2762 = arith.index_cast %get3A : i32 to index
      %get3A_2763 = arith.index_cast %mul3A_2761 : i32 to index
      %get3A_2764 = tpu.vector_load %arg44[%get3A_2762, %get3A_2763] {strides = array<i32>} : memref<4x128xf32, #tpu.memory_space<vmem>>, vector<1x16xf32>,
      %get3A_2765 = vector.shape_cast %get3A_2764 : vector<1x16xf32> to vector<16xf32>
      %get3A_2766 = arith.constant 2 : i32
      %get3A_2767 = arith.index_cast %get3A_2766 : i32 to index
      %get3A_2768 = arith.index_cast %mul3A_2761 : i32 to index
      %get3A_2769 = tpu.vector_load %arg45[%get3A_2767, %get3A_2768] {strides = array<i32>} : memref<4x128xf32, #tpu.memory_space<vmem>>, vector<1x16xf32>,
      %get3A_2770 = vector.shape_cast %get3A_2769 : vector<1x16xf32> to vector<16xf32>
      %add3A_2771 = arith.addf %get3A_2765, %get3A_2770 : vector<16xf32>
      %swap3A_2772 = arith.constant 2 : i32
      %swap3A_2773 = arith.index_cast %swap3A_2772 : i32 to index
      %swap3A_2774 = arith.index_cast %mul3A_2761 : i32 to index
      %swap3A_2775 = tpu.vector_load %arg46[%swap3A_2773, %swap3A_2774] {strides = array<i32>} : memref<4x128xf32, #tpu.memory_space<vmem>>, vector<1x16xf32>,
      %swap3A_2776 = vector.shape_cast %swap3A_2775 : vector<1x16xf32> to vector<16xf32>
      %swap3A_2777 = vector.shape_cast %add3A_2771 : vector<16xf32> to vector<1x16xf32>
      tpu.vector_store %arg46[%swap3A_2773, %swap3A_2774], %swap3A_2777 {strides = array<i32>} : memref<4x128xf32, #tpu.memory_space<vmem>>, vector<1x16xf32>,
      %scan3A_2778 = arith.constant 0 : i32
      scf.yield %scan3A_2778 : i32
    }
    %scan3A_2750 = arith.constant 8 : i32
    %scan3A_2751 = arith.constant 0 : i32
    %scan3A_2752 = arith.constant 0 : i32
    %scan3A_2753 = arith.constant 8 : i32
    %scan3A_2754 = arith.addi %scan3A_2752, %scan3A_2753 : i32
    %scan3A_2755 = arith.constant 1 : i32
    %scan3A_2756 = scf.for %scan3A_2758 = %scan3A_2752 to %scan3A_2754 step %scan3A_2755 iter_args(%scan3A_2759 = %scan3A_2751) -> (i32)  : i32 {
      %mul3A_2760 = arith.constant 16 : i32
      %mul3A_2761 = arith.muli %scan3A_2758, %mul3A_2760 : i32
      %get3A = arith.constant 3 : i32
      %get3A_2762 = arith.index_cast %get3A : i32 to index
      %get3A_2763 = arith.index_cast %mul3A_2761 : i32 to index
      %get3A_2764 = tpu.vector_load %arg44[%get3A_2762, %get3A_2763] {strides = array<i32>} : memref<4x128xf32, #tpu.memory_space<vmem>>, vector<1x16xf32>,
      %get3A_2765 = vector.shape_cast %get3A_2764 : vector<1x16xf32> to vector<16xf32>
      %get3A_2766 = arith.constant 3 : i32
      %get3A_2767 = arith.index_cast %get3A_2766 : i32 to index
      %get3A_2768 = arith.index_cast %mul3A_2761 : i32 to index
      %get3A_2769 = tpu.vector_load %arg45[%get3A_2767, %get3A_2768] {strides = array<i32>} : memref<4x128xf32, #tpu.memory_space<vmem>>, vector<1x16xf32>,
      %get3A_2770 = vector.shape_cast %get3A_2769 : vector<1x16xf32> to vector<16xf32>
      %add3A_2771 = arith.addf %get3A_2765, %get3A_2770 : vector<16xf32>
      %swap3A_2772 = arith.constant 3 : i32
      %swap3A_2773 = arith.index_cast %swap3A_2772 : i32 to index
      %swap3A_2774 = arith.index_cast %mul3A_2761 : i32 to index
      %swap3A_2775 = tpu.vector_load %arg46[%swap3A_2773, %swap3A_2774] {strides = array<i32>} : memref<4x128xf32, #tpu.memory_space<vmem>>, vector<1x16xf32>,
      %swap3A_2776 = vector.shape_cast %swap3A_2775 : vector<1x16xf32> to vector<16xf32>
      %swap3A_2777 = vector.shape_cast %add3A_2771 : vector<16xf32> to vector<1x16xf32>
      tpu.vector_store %arg46[%swap3A_2773, %swap3A_2774], %swap3A_2777 {strides = array<i32>} : memref<4x128xf32, #tpu.memory_space<vmem>>, vector<1x16xf32>,
      %scan3A_2778 = arith.constant 0 : i32
      scf.yield %scan3A_2778 : i32
    }
    %scan3A_2757 = arith.constant 8 : i32
    "tpu.region"() ({
      %run_scoped3A = tpu.sem_alloc : memref<!tpu.dma_semaphore, #tpu.memory_space<semaphore_mem>>
      %dma_start3A_2758 = arith.constant 0 : i32
      %dma_start3A_2759 = tpu.memref_slice %arg39[%mul3A_2, %dma_start3A_2758] : memref<128x128xf32, #tpu.memory_space<hbm>> -> memref<4x128xf32, #tpu.memory_space<hbm>>
      %dma_start3A_2760 = arith.constant 0 : i32
      %dma_start3A_2761 = tpu.memref_slice %arg39[%mul3A_2, %dma_start3A_2760] : memref<128x128xf32, #tpu.memory_space<hbm>> -> memref<4x128xf32, #tpu.memory_space<hbm>>
      tpu.enqueue_dma source(%arg46 : memref<4x128xf32, #tpu.memory_space<vmem>>) target(%dma_start3A_2761 : memref<4x128xf32, #tpu.memory_space<hbm>>) target_semaphore(%run_scoped3A : memref<!tpu.dma_semaphore, #tpu.memory_space<semaphore_mem>>)
      %dma_wait3A_2762 = arith.constant 0 : i32
      %dma_wait3A_2763 = tpu.memref_slice %arg39[%mul3A_2, %dma_wait3A_2762] : memref<128x128xf32, #tpu.memory_space<hbm>> -> memref<4x128xf32, #tpu.memory_space<hbm>>
      %dma_wait3A_2764 = arith.constant 0 : i32
      %dma_wait3A_2765 = tpu.memref_slice %arg39[%mul3A_2, %dma_wait3A_2764] : memref<128x128xf32, #tpu.memory_space<hbm>> -> memref<4x128xf32, #tpu.memory_space<hbm>>
      tpu.wait_dma2 semaphore(%run_scoped3A : memref<!tpu.dma_semaphore, #tpu.memory_space<semaphore_mem>>) src(%arg46 : memref<4x128xf32, #tpu.memory_space<vmem>>) dst(%dma_wait3A_2765 : memref<4x128xf32, #tpu.memory_space<hbm>>)
      tpu.yield
    }) : () -> ()
    return
  }
}

module attributes {stable_mosaic.version = 14 : i64} {
  func.func @_tc_finalize(%arg0: memref<32x16xf32, #tpu.memory_space<vmem>>, %arg1: memref<128x128xf32, #tpu.memory_space<vmem>>, %arg2: memref<128x128xf32, #tpu.memory_space<vmem>>) attributes {dimension_semantics = [], scalar_prefetch = 0 : i64, scratch_operands = 0 : i64, tpu.core_type = #tpu.core_type<tc>} {
    %get3A = arith.constant 0 : index
    %get3A_0 = arith.constant 0 : index
    %get3A_1 = vector.load %arg0[%get3A, %get3A_0] : memref<32x16xf32, #tpu.memory_space<vmem>>, vector<32x16xf32>
    %reduce_sum3A = vector.shape_cast %get3A_1 : vector<32x16xf32> to vector<1x32x16xf32>
    %reduce_sum3A_2 = arith.constant dense<0.000000e+00> : vector<1xf32>
    %reduce_sum3A_3 = vector.multi_reduction <add>, %reduce_sum3A, %reduce_sum3A_2 [1, 2] : vector<1x32x16xf32> to vector<1xf32>
    %reduce_sum3A_4 = vector.shape_cast %reduce_sum3A_3 : vector<1xf32> to vector<1x1x1xf32>
    %reduce_sum3A_5 = vector.extract %reduce_sum3A_4[0, 0, 0] : f32 from vector<1x1x1xf32>
    %get3A_6 = arith.constant 0 : index
    %get3A_7 = arith.constant 0 : index
    %get3A_8 = vector.load %arg1[%get3A_6, %get3A_7] : memref<128x128xf32, #tpu.memory_space<vmem>>, vector<128x128xf32>
    %add3A = vector.broadcast %reduce_sum3A_5 : f32 to vector<128x128xf32>
    %add3A_9 = arith.addf %add3A, %get3A_8 : vector<128x128xf32>
    %logistic3A = arith.negf %add3A_9 : vector<128x128xf32>
    %logistic3A_10 = math.exp %logistic3A : vector<128x128xf32>
    %logistic3A_11 = arith.constant 1.000000e+00 : f32
    %logistic3A_12 = vector.broadcast %logistic3A_11 : f32 to vector<128x128xf32>
    %logistic3A_13 = arith.addf %logistic3A_12, %logistic3A_10 : vector<128x128xf32>
    %logistic3A_14 = arith.divf %logistic3A_12, %logistic3A_13 : vector<128x128xf32>
    %swap3A = arith.constant 0 : index
    %swap3A_15 = arith.constant 0 : index
    %swap3A_16 = vector.load %arg2[%swap3A, %swap3A_15] : memref<128x128xf32, #tpu.memory_space<vmem>>, vector<128x128xf32>
    tpu.vector_store %arg2[%swap3A, %swap3A_15], %logistic3A_14 {strides = array<i32>} : memref<128x128xf32, #tpu.memory_space<vmem>>, vector<128x128xf32>,
    return
  }
}

</mosaic_0001>

<sc_bundles>
// kernel: kernel.4.cloned.1.call-start
scs
__scs_entry_jumppad:
0x0: {  	(pc) =	sbr.rel $0x88, $3  }
0x1: {  	(tag) =	ssettag $0x0;
	lr =	simm.s32 $0x1  }
0x2: {  	[smem:$0x3F9C] =	sst lr;
	_ =	strace $0xD0000000  }
0x3: {  	_ = 	snop  }
0x4: {  	_ = 	snop  }
0x5: {  	_ = 	snop  }
0x6: {  	_ = 	snop  }
0x7: {  	_ = 	snop  }
__scs_overlays_trampoline_lowered:
0x8: {  	[smem:$0x3FAB] =	sst s0  }
0x9: {  	[smem:$0x3FAC] =	sst s1  }
0xa: {  	[smem:$0x3FAD] =	sst s2  }
0xb: {  	[smem:$0x3FAE] =	sst s3  }
0xc: {  	[smem:$0x3FAF] =	sst s4  }
0xd: {  	[smem:$0x3FB0] =	sst s5  }
0xe: {  	[smem:$0x3FB1] =	sst s6  }
0xf: {  	[smem:$0x3FB2] =	sst s7  }
0x10: {  	[smem:$0x3FB3] =	sst s8  }
0x11: {  	[smem:$0x3FB4] =	sst s9;
	s0 =	simm.s32 @!p0 $0x0  }
0x12: {  	s1 =	sld [smem:$0x3F9A];
	s0 =	simm.s32 @p0 $0x1  }
0x13: {  	[smem:$0x3FB5] =	sst s0;
	s0 =	simm.s32 @!p1 $0x0  }
0x14: {  	s2 =	sld [smem:$0x3F99];
	s0 =	simm.s32 @p1 $0x1  }
0x15: {  	[smem:$0x3FB6] =	sst s0;
	s0 =	simm.s32 @!p2 $0x0  }
0x16: {  	s3 =	sld [smem:$0x3FDB];
	s0 =	simm.s32 @p2 $0x1  }
0x17: {  	s4 =	simm.s32 $0x1BF5;
	[smem:$0x3FB8] =	sst s0  }
0x18: {  	s0 =	sld [smem:$0x3F9B];
	_ =	swait.ge [sflag:s4], $0x0  }
0x19: {  	s7 =	sld [smem:$0x3F9C]  }
0x1a: {  	s8 =	sadd.s32 $0xFFFFE003, lr  }
0x1b: {  	s9 =	sadd.s32 $0xFFFFFEF7, lr;
	s5 =	simm.s32 $0xFFFFFFFF;
	p2 =	slt.u32 s8, $0xFFFFF086  }
0x1c: {  	p1 =	slt.u32 s9, $0xF7A;
	s5 =	simm.s32 @!p2 $0x0  }
0x1d: {  	s5 =	simm.s32 @p1 $0x1;
	p0 =	seq.s32 s7, s2  }
0x1e: {  	s7 =	smul.u32 @!p0 $0xF7A, s2;
	p2 =	seq.s32 @!p0 s5, $0x0  }
0x1f: {  	s9 =	smul.u32 $0xF7A, s1;
	s8 =	simm.s32 @!p0 $0x1BF5;
	p2 =	por !p2, p0  }
0x20: {  	[sflag:s8] =	ssyncset.s32 @!p0 $0xFFFFF086;
	s6 =	sadd.s32 @!p0 s3, s7;
	s7 =	simm.s32 @!p0 $0x108  }
0x21: {  	s3 =	sadd.s32 s3, s9;
	s6 =	sadd.s32 @!p0 $0x88, s6;
	s7 =	simm.s32 @p2 $0x1082  }
0x22: {  	[simem:s7], [sflag:s8] =	dma.local @!p0 [hbm:s6], $0xF7A  }
0x23: {  	s9 =	sor.u32 $0xD0000000, s2;
	s6 =	simm.s32 $0x108;
	_ =	swait.ge @!p0 [sflag:s8], $0x0  }
0x24: {  	s3 =	sadd.s32 $0x88, s3;
	s6 =	simm.s32 @!p1 $0x1082;
	[sflag:s4] =	ssyncset.s32 $0xFFFFF086  }
0x25: {  	[simem:s6], [sflag:s4] =	dma.local [hbm:s3], $0xF7A  }
0x26: {  	[smem:$0x3F9C] =	sst s1;
	(tag) =	ssettag s2;
	_ =	strace s9  }
0x27: {  	s1 =	sld [smem:$0x3FAC]  }
0x28: {  	s2 =	sld [smem:$0x3FAD]  }
0x29: {  	s4 =	sld [smem:$0x3FAF]  }
0x2a: {  	p0 =	seq.s32 s5, $0x0;
	s5 =	sld [smem:$0x3FB0]  }
0x2b: {  	s6 =	sld [smem:$0x3FB1]  }
0x2c: {  	s7 =	sld [smem:$0x3FB2]  }
0x2d: {  	s3 =	simm.s32 $0x108;
	s8 =	sld [smem:$0x3FB3]  }
0x2e: {  	s3 =	simm.s32 @!p0 $0x1082;
	s9 =	sld [smem:$0x3FB4]  }
0x2f: {  	lr =	sadd.s32 s0, s3;
	s0 =	sld [smem:$0x3FAB]  }
0x30: {  	s3 =	sld [smem:$0x3FAE]  }
0x31: {  	[smem:$0x3FB7] =	sst s10  }
0x32: {  	s10 =	sld [smem:$0x3FB5];
	_ =	sdelay $0x3  }
0x33: {  	p0 =	seq.s32 s10, $0x1;
	s10 =	sld [smem:$0x3FB7];
	_ =	sdelay $0x3  }
0x34: {  	[smem:$0x3FB7] =	sst s10  }
0x35: {  	s10 =	sld [smem:$0x3FB6];
	_ =	sdelay $0x3  }
0x36: {  	p1 =	seq.s32 s10, $0x1;
	s10 =	sld [smem:$0x3FB7];
	_ =	sdelay $0x3  }
0x37: {  	[smem:$0x3FB7] =	sst s10  }
0x38: {  	s10 =	sld [smem:$0x3FB8]  }
0x39: {  	_ = 	snop;
	(pc) =	sbr.ind lr, $3  }
0x3a: {  	_ = 	snop  }
0x3b: {  	_ = 	snop  }
0x3c: {  	p2 =	seq.s32 s10, $0x1;
	s10 =	sld [smem:$0x3FB7]  }
0x3d: {  	_ =	shalt  }
0x3e: {  	_ =	shalt  }
0x3f: {  	_ =	shalt  }
0x40: {  	_ =	shalt  }
0x41: {  	_ =	shalt  }
0x42: {  	_ =	shalt  }
0x43: {  	_ =	shalt  }
0x44: {  	_ =	shalt  }
0x45: {  	_ =	shalt  }
0x46: {  	_ =	shalt  }
0x47: {  	_ =	shalt  }
0x48: {  	_ =	shalt  }
0x49: {  	_ =	shalt  }
0x4a: {  	_ =	shalt  }
0x4b: {  	_ =	shalt  }
0x4c: {  	_ =	shalt  }
0x4d: {  	_ =	shalt  }
0x4e: {  	_ =	shalt  }
0x4f: {  	_ =	shalt  }
0x50: {  	_ =	shalt  }
0x51: {  	_ =	shalt  }
0x52: {  	_ =	shalt  }
0x53: {  	_ =	shalt  }
0x54: {  	_ =	shalt  }
0x55: {  	_ =	shalt  }
0x56: {  	_ =	shalt  }
0x57: {  	_ =	shalt  }
0x58: {  	_ =	shalt  }
0x59: {  	_ =	shalt  }
0x5a: {  	_ =	shalt  }
0x5b: {  	_ =	shalt  }
0x5c: {  	_ =	shalt  }
0x5d: {  	_ =	shalt  }
0x5e: {  	_ =	shalt  }
0x5f: {  	_ =	shalt  }
0x60: {  	_ =	shalt  }
0x61: {  	_ =	shalt  }
0x62: {  	_ =	shalt  }
0x63: {  	_ =	shalt  }
0x64: {  	_ =	shalt  }
0x65: {  	_ =	shalt  }
0x66: {  	_ =	shalt  }
0x67: {  	_ =	shalt  }
0x68: {  	_ =	shalt  }
0x69: {  	_ =	shalt  }
0x6a: {  	_ =	shalt  }
0x6b: {  	_ =	shalt  }
0x6c: {  	_ =	shalt  }
0x6d: {  	_ =	shalt  }
0x6e: {  	_ =	shalt  }
0x6f: {  	_ =	shalt  }
0x70: {  	_ =	shalt  }
0x71: {  	_ =	shalt  }
0x72: {  	_ =	shalt  }
0x73: {  	_ =	shalt  }
0x74: {  	_ =	shalt  }
0x75: {  	_ =	shalt  }
0x76: {  	_ =	shalt  }
0x77: {  	_ =	shalt  }
0x78: {  	_ =	shalt  }
0x79: {  	_ =	shalt  }
0x7a: {  	_ =	shalt  }
0x7b: {  	_ =	shalt  }
0x7c: {  	_ =	shalt  }
0x7d: {  	_ =	shalt  }
0x7e: {  	_ =	shalt  }
0x7f: {  	_ =	shalt  }
0x80: {  	_ =	shalt  }
0x81: {  	_ =	shalt  }
0x82: {  	_ =	shalt  }
0x83: {  	_ =	shalt  }
0x84: {  	_ =	shalt  }
0x85: {  	_ =	shalt  }
0x86: {  	_ =	shalt  }
0x87: {  	_ =	shalt  }
.Lfunc_end0:
.L_simem_size_0:
called_computation_lowered:
.L_overlay_start_0:
0x88: {  	s2 =	sld [smem:$0x3FD9]  }
0x89: {  	s3 =	sld [smem:$0x3FFE];
	_ =	sdelay $0x1  }
0x8a: {  	s1 =	srdreg.scid  }
0x8b: {  	s0 =	sand.u32 $0x1, s1  }
0x8c: {  	s17 =	sshll.u32 s0, $0xA;
	s2 =	sadd.s32 s3, s2  }
0x8d: {  	s2 =	sadd.s32 s2, s17  }
0x8e: {  	[smem:$0x3FC3] =	sst s2  }
0x8f: {  	_ = 	snop  }
0x90: {  	s2 =	sld [smem:$0x3FD0];
	(tm) =	ssettm $0x1  }
0x91: {  	s18 =	sld [smem:$0x3FFB];
	_ =	sdelay $0x3  }
0x92: {  	_ =	strace s18  }
0x93: {  	s3 =	sld [smem:$0x3FFC];
	_ =	sdelay $0x3  }
0x94: {  	_ =	strace s3  }
0x95: {  	s3 =	sld [smem:$0x3FFD];
	_ =	sdelay $0x3  }
0x96: {  	_ =	strace s3  }
0x97: {  	_ =	strace $0x8FFFFFFF  }
0x98: {  	s19 =	sld [smem:$0x3FDB];
	_ =	sdelay $0x1  }
0x99: {  	s4 =	simm.s32 $_scs_section_size  }
0x9a: {  	s5 =	simm.s32 $_size__tile_overlayer_lowered;
	s6 =	simm.s32 $_tile_overlayer_lowered  }
0x9b: {  	s22 =	simm.s32 $0x1BFF;
	s21 =	sshll.u32 s6, $0x1;
	s3 =	sadd.s32 s4, s19  }
0x9c: {  	s7 =	simm.s32 $0x0;
	s20 =	sshll.u32 s5, $0x1;
	s5 =	sadd.s32 s21, s3  }
0x9d: {  	[timem:s7], [sflag:s22] =	dma.local [hbm:s5], s20  }
0x9e: {  	_ =	swait.ge [sflag:s22], s20  }
0x9f: {  	s4 =	ssub.s32 $0x0, s20;
	[sflag:s22] =	ssyncset.done $0x0  }
0xa0: {  	[sflag:s22] =	ssyncadd.s32 s4;
	_ =	sdelay $0x1  }
0xa1: {  	s23 =	simm.s32 $0x1B8B  }
0xa2: {  	_ =	swait.ge [sflag:s23], $0x1  }
0xa3: {  	[sflag:s23] =	ssyncset.done $0x0  }
0xa4: {  	s25 =	simm.s32 $0x1B8E;
	s24 =	sld [smem:$0x3FFE];
	[sflag:s23] =	ssyncadd.s32 $0xFFFFFFFF  }
0xa5: {  	s26 =	simm.s32 $execute0_lowered;
	[smem:$0x3FD2] =	sst s25  }
0xa6: {  	s5 =	sshll.u32 s26, $0x1;
	_ =	strace $0x80000046;
	[dreg:$0x1] =	wrdreg $0xFFFFFFFF  }
0xa7: {  	s28 =	simm.s32 $_size_execute0_lowered;
	s3 =	sadd.s32 s3, s5;
	[dreg:$0x0] =	wrdreg $0x0  }
0xa8: {  	s5 =	sshll.u32 s28, $0x1;
	[dreg:$0x2] =	wrdreg s3  }
0xa9: {  	[dreg:$0x3] =	wrdreg s5  }
0xaa: {  	[dreg:$0x4] =	wrdreg $0xC0  }
0xab: {  	_ =	task [dreg:s7], $0x5FFFF  }
0xac: {  	[dreg:$0x1] =	wrdreg $0xFFFFFFFF  }
0xad: {  	[dreg:$0x0] =	wrdreg $0x60  }
0xae: {  	[dreg:$0x2] =	wrdreg s24  }
0xaf: {  	[dreg:$0x3] =	wrdreg s2  }
0xb0: {  	[dreg:$0x4] =	wrdreg $0x9  }
0xb1: {  	_ =	task.clear_ibuf [dreg:s7], $0x5FFFF;
	_ =	strace $0x90000046  }
0xb2: {  	s29 =	simm.s32 $0x9;
	_ =	strace $0x80000048  }
0xb3: {  	_ =	swait.ge [sflag:s29], $0x1  }
0xb4: {  	[sflag:s29] =	ssyncadd.s32 $0xFFFFFFFF  }
0xb5: {  	_ =	strace $0x90000048  }
0xb6: {  	_ =	sfence  }
0xb7: {  	s30 =	sld [smem:$0x0];
	_ =	sdelay $0x2  }
0xb8: {  	s31 =	sshll.u32 s1, $0xD;
	s1 =	sshrl.u32 s1, $0x2  }
0xb9: {  	s3 =	sand.u32 $0x4000, s31;
	s1 =	sadd.s32 s1, s30  }
0xba: {  	s0 =	sor.u32 s3, s0;
	s1 =	sshll.u32 s1, $0x11  }
0xbb: {  	s0 =	sor.u32 s1, s0  }
0xbc: {  	s0 =	sadd.s32 $0x8F2B, s0  }
0xbd: {  	[sflag:s0] =	ssyncadd.remote.s32 $0x1  }
0xbe: {  	_ =	sfence.sel $0xFFFF  }
0xbf: {  	[dreg:$0x0] =	wrdreg $0xFFFFFFFF;
	(pc) =	sbr.abs _section_cstart, $3  }
0xc0: {  	[dreg:$0x1] =	wrdreg $0xFFFFFFFF  }
0xc1: {  	_ =	task.clear_ibuf [dreg:s7], $0x2FFFF;
	_ =	strace $0x9FFFFFFF  }
0xc2: {  	(tm) =	ssettm $0x7FFFFFFF  }
0xc3: {  	_ =	shalt  }
tec
execute0_lowered:
.L_overlay_start_1:
0x0: {  	(tag) =	ssettag $0x1  }
0x1: {  	s6 =	rddreg [dreg:$0x0]  }
0x2: {  	s1 =	rddreg [dreg:$0x1];
	s2 =	simm.s32 $0x0  }
0x3: {  	[smem:$0x7FF] =	sst s2;
	s0 =	sadd.s32 $0x3D4800, s6  }
0x4: {  	s16 =	sadd.s32 $0x3F3200, s6;
	_ =	strace $0x80000047;
	[dreg:$0x3] =	wrdreg s0  }
0x5: {  	s17 =	sadd.s32 $0x5BE00, s6;
	[dreg:$0x4] =	wrdreg s16  }
0x6: {  	s18 =	sadd.s32 $0x3D400, s6;
	[dreg:$0x5] =	wrdreg s17  }
0x7: {  	s19 =	sadd.s32 $0x1EA00, s6;
	[dreg:$0x6] =	wrdreg s18  }
0x8: {  	s20 =	sadd.s32 $0x113A00, s6;
	[dreg:$0x7] =	wrdreg s19  }
0x9: {  	s21 =	sadd.s32 $0xF5000, s6;
	[dreg:$0x8] =	wrdreg s20  }
0xa: {  	s22 =	sadd.s32 $0xD6600, s6;
	[dreg:$0x9] =	wrdreg s21  }
0xb: {  	s23 =	sadd.s32 $0xB7C00, s6;
	[dreg:$0xa] =	wrdreg s22  }
0xc: {  	s24 =	sadd.s32 $0x99200, s6;
	[dreg:$0xb] =	wrdreg s23  }
0xd: {  	s4 =	sadd.s32 $0x1CB600, s6;
	[dreg:$0xc] =	wrdreg s24  }
0xe: {  	s26 =	sadd.s32 $0x1ACC00, s6;
	[dreg:$0xd] =	wrdreg s4  }
0xf: {  	s28 =	sadd.s32 $0x18E200, s6;
	[dreg:$0xe] =	wrdreg s26  }
0x10: {  	s29 =	sadd.s32 $0x16F800, s6;
	[dreg:$0xf] =	wrdreg s28  }
0x11: {  	s5 =	sadd.s32 $0x150E00, s6;
	[dreg:$0x10] =	wrdreg s29  }
0x12: {  	s7 =	sadd.s32 $0x7A800, s6;
	[dreg:$0x11] =	wrdreg s5  }
0x13: {  	s10 =	sadd.s32 $0x132400, s6;
	[dreg:$0x12] =	wrdreg s7  }
0x14: {  	s11 =	sadd.s32 $0x245E00, s6;
	[dreg:$0x16] =	wrdreg s10  }
0x15: {  	s12 =	sadd.s32 $0x227400, s6;
	[dreg:$0x17] =	wrdreg s11  }
0x16: {  	s14 =	sadd.s32 $0x208A00, s6;
	[dreg:$0x18] =	wrdreg s12  }
0x17: {  	s15 =	sadd.s32 $0x2FDA00, s6;
	[dreg:$0x19] =	wrdreg s14  }
0x18: {  	[dreg:$0x1a] =	wrdreg s15;
	s16 =	sadd.s32 $0x1EA000, s6  }
0x19: {  	s17 =	sadd.s32 $0x2DF000, s6;
	[dreg:$0x1b] =	wrdreg s16  }
0x1a: {  	s18 =	sadd.s32 $0x2C0600, s6;
	[dreg:$0x1c] =	wrdreg s17  }
0x1b: {  	s25 =	srdreg.scid;
	s19 =	sadd.s32 $0x2A1C00, s6;
	[dreg:$0x1d] =	wrdreg s18  }
0x1c: {  	s3 =	stileid.u32;
	s20 =	sadd.s32 $0x283200, s6;
	[dreg:$0x1e] =	wrdreg s19  }
0x1d: {  	s22 =	sadd.s32 $0x264800, s6;
	s23 =	sadd.s32 $0x3B5600, s6;
	[dreg:$0x1f] =	wrdreg s20  }
0x1e: {  	s0 =	sand.u32 $0x1, s25;
	s25 =	sadd.s32 $0x396C00, s6;
	[smem:$0x7F5] =	sst s22  }
0x1f: {  	s3 =	sshll.u32 s3, $0x1;
	s26 =	sadd.s32 $0x378200, s6;
	[smem:$0x7F6] =	sst s23  }
0x20: {  	s29 =	sadd.s32 $0x359800, s6;
	s3 =	sor.u32 s0, s3;
	[smem:$0x7F8] =	sst s25  }
0x21: {  	[smem:$0x7F9] =	sst s26;
	s30 =	sshll.u32 s3, $0x1;
	s3 =	sshll.u32 s3, $0x6  }
0x22: {  	[smem:$0x7FB] =	sst s29;
	s4 =	sadd.s32 s30, s6;
	s24 =	sadd.s32 s1, s3  }
0x23: {  	s31 =	sadd.s32 s3, s6;
	s30 =	sadd.s32 $0x33AE00, s6;
	[smem:$0x7F7] =	sst s24  }
0x24: {  	s13 =	ssub.s32 $0x2, s0;
	s8 =	sadd.s32 $0x3D4000, s31;
	[smem:$0x7FC] =	sst s30  }
0x25: {  	s16 =	simm.s32 $0x1;
	s4 =	sadd.s32 $0x411C00, s4;
	[dreg:$0x13] =	wrdreg s8  }
0x26: {  	s21 =	sshrl.u32 s13, $0x1;
	s9 =	sadd.s32 $0x411E00, s31;
	[dreg:$0x14] =	wrdreg s4  }
0x27: {  	s31 =	sadd.s32 $0x31C400, s6;
	[dreg:$0x15] =	wrdreg s9;
	s4 =	ssub.s32 s13, s21  }
0x28: {  	s3 =	simm.s32 $0x3;
	[smem:$0x7FD] =	sst s31;
	s28 =	smax.u32 s4, $0x1  }
0x29: {  	s1 =	simm.s32 $0x0;
	s8 =	simm.s32 $0x80;
	[smem:$0x7FA] =	sst s28  }
.LBB2_1:
0x2a: {  	[smem:$0x7F4] =	sst s1  }
0x2b: {  	s0 =	rddreg [dreg:$0x13]  }
0x2c: {  	[tilespmem:s2], [sflag:$0x3] =	stream.linear.gather [hbm4b:s0+s2], $0x200, $0x38;
	[tilespmem:$0x4A10] =	vst v63  }
0x2d: {  	_ =	swait.ge [sflag:s3], $0x200  }
0x2e: {  	s22 =	sld [smem:$0x7F7]  }
0x2f: {  	[sflag:s3] =	ssyncset.done $0x0  }
0x30: {  	s1 =	simm.s32 $0x200;
	[sflag:s3] =	ssyncadd.s32 $0xFFFFFE00  }
0x31: {  	[tilespmem:s1], [sflag:$0x3] =	stream.linear.gather [hbm4b:s22+s2], $0x200, $0x38;
	[tilespmem:$0x4A10] =	vst v63  }
0x32: {  	_ =	swait.ge [sflag:s3], $0x200  }
0x33: {  	[sflag:s3] =	ssyncset.done $0x0  }
0x34: {  	s23 =	simm.s32 $0x4400;
	s19 =	rddreg [dreg:$0x3];
	[sflag:s3] =	ssyncadd.s32 $0xFFFFFE00  }
0x35: {  	[tilespmem:s23], [sflag:$0x2] =	stream.indirect.gather [hbm4b:s19+s8], $0x1, s2, s8, $0xb8;
	[tilespmem:$0x4A10] =	vst v63  }
0x36: {  	s24 =	simm.s32 $0x4600;
	s23 =	rddreg [dreg:$0x4]  }
0x37: {  	[tilespmem:s24], [sflag:$0x2] =	stream.indirect.gather [hbm4b:s23+s8], $0x1, s1, s8, $0xb8;
	[tilespmem:$0x4A10] =	vst v63  }
0x38: {  	s25 =	simm.s32 $0x400;
	s24 =	rddreg [dreg:$0x5]  }
0x39: {  	[tilespmem:s25], [sflag:$0x1] =	stream.indirect.gather [hbm4b:s24+s8], $0x1, s2, s8, $0xb8;
	[tilespmem:$0x4A10] =	vst v63  }
0x3a: {  	s28 =	simm.s32 $0x2400;
	s26 =	rddreg [dreg:$0x17]  }
0x3b: {  	[tilespmem:s28], [sflag:$0x1] =	stream.indirect.gather [hbm4b:s26+s8], $0x1, s1, s8, $0xb8;
	[tilespmem:$0x4A10] =	vst v63  }
0x3c: {  	s29 =	simm.s32 $0x480;
	s25 =	rddreg [dreg:$0x6]  }
0x3d: {  	[tilespmem:s29], [sflag:$0x1] =	stream.indirect.gather [hbm4b:s25+s8], $0x1, s2, s8, $0xb8;
	[tilespmem:$0x4A10] =	vst v63  }
0x3e: {  	s31 =	simm.s32 $0x2480;
	s30 =	rddreg [dreg:$0x18]  }
0x3f: {  	[tilespmem:s31], [sflag:$0x1] =	stream.indirect.gather [hbm4b:s30+s8], $0x1, s1, s8, $0xb8;
	[tilespmem:$0x4A10] =	vst v63  }
0x40: {  	s4 =	simm.s32 $0x500;
	s5 =	smov.u32 s26;
	s26 =	rddreg [dreg:$0x7]  }
0x41: {  	[tilespmem:s4], [sflag:$0x1] =	stream.indirect.gather [hbm4b:s26+s8], $0x1, s2, s8, $0xb8;
	[tilespmem:$0x4A10] =	vst v63  }
0x42: {  	s9 =	simm.s32 $0x2500;
	s7 =	rddreg [dreg:$0x19]  }
0x43: {  	[tilespmem:s9], [sflag:$0x1] =	stream.indirect.gather [hbm4b:s7+s8], $0x1, s1, s8, $0xb8;
	[tilespmem:$0x4A10] =	vst v63  }
0x44: {  	s10 =	simm.s32 $0x580;
	s18 =	rddreg [dreg:$0x0]  }
0x45: {  	[tilespmem:s10], [sflag:$0x1] =	stream.indirect.gather [hbm4b:s18+s8], $0x1, s2, s8, $0xb8;
	[tilespmem:$0x4A10] =	vst v63  }
0x46: {  	s12 =	simm.s32 $0x2580;
	s11 =	rddreg [dreg:$0x1b]  }
0x47: {  	[tilespmem:s12], [sflag:$0x1] =	stream.indirect.gather [hbm4b:s11+s8], $0x1, s1, s8, $0xb8;
	[tilespmem:$0x4A10] =	vst v63  }
0x48: {  	s13 =	simm.s32 $0x600;
	s28 =	rddreg [dreg:$0x8]  }
0x49: {  	[tilespmem:s13], [sflag:$0x1] =	stream.indirect.gather [hbm4b:s28+s8], $0x1, s2, s8, $0xb8;
	[tilespmem:$0x4A10] =	vst v63  }
0x4a: {  	s15 =	simm.s32 $0x2600;
	s14 =	rddreg [dreg:$0x1a]  }
0x4b: {  	[tilespmem:s15], [sflag:$0x1] =	stream.indirect.gather [hbm4b:s14+s8], $0x1, s1, s8, $0xb8;
	[tilespmem:$0x4A10] =	vst v63  }
0x4c: {  	s29 =	rddreg [dreg:$0x9];
	s18 =	simm.s32 $0x680  }
0x4d: {  	[tilespmem:s18], [sflag:$0x1] =	stream.indirect.gather [hbm4b:s29+s8], $0x1, s2, s8, $0xb8;
	[tilespmem:$0x4A10] =	vst v63  }
0x4e: {  	s21 =	simm.s32 $0x2680;
	s20 =	rddreg [dreg:$0x1c]  }
0x4f: {  	[tilespmem:s21], [sflag:$0x1] =	stream.indirect.gather [hbm4b:s20+s8], $0x1, s1, s8, $0xb8;
	[tilespmem:$0x4A10] =	vst v63  }
0x50: {  	s22 =	simm.s32 $0x700;
	s6 =	smov.u32 s30;
	s30 =	rddreg [dreg:$0xa]  }
0x51: {  	[tilespmem:s22], [sflag:$0x1] =	stream.indirect.gather [hbm4b:s30+s8], $0x1, s2, s8, $0xb8;
	[tilespmem:$0x4A10] =	vst v63  }
0x52: {  	s17 =	smov.u32 s7;
	s31 =	rddreg [dreg:$0x1d];
	s4 =	simm.s32 $0x2700  }
0x53: {  	[tilespmem:s4], [sflag:$0x1] =	stream.indirect.gather [hbm4b:s31+s8], $0x1, s1, s8, $0xb8;
	[tilespmem:$0x4A10] =	vst v63  }
0x54: {  	s10 =	simm.s32 $0x780;
	s12 =	smov.u32 s31;
	s31 =	rddreg [dreg:$0xb]  }
0x55: {  	[tilespmem:s10], [sflag:$0x1] =	stream.indirect.gather [hbm4b:s31+s8], $0x1, s2, s8, $0xb8;
	[tilespmem:$0x4A10] =	vst v63  }
0x56: {  	s9 =	smov.u32 s14;
	s13 =	rddreg [dreg:$0x1e];
	s14 =	simm.s32 $0x2780  }
0x57: {  	[tilespmem:s14], [sflag:$0x1] =	stream.indirect.gather [hbm4b:s13+s8], $0x1, s1, s8, $0xb8;
	[tilespmem:$0x4A10] =	vst v63  }
0x58: {  	s7 =	smov.u32 s11;
	s15 =	rddreg [dreg:$0xc];
	s18 =	simm.s32 $0x800  }
0x59: {  	[tilespmem:s18], [sflag:$0x1] =	stream.indirect.gather [hbm4b:s15+s8], $0x1, s2, s8, $0xb8;
	[tilespmem:$0x4A10] =	vst v63  }
0x5a: {  	s11 =	smov.u32 s20;
	s20 =	rddreg [dreg:$0x1f];
	s21 =	simm.s32 $0x2800  }
0x5b: {  	[tilespmem:s21], [sflag:$0x1] =	stream.indirect.gather [hbm4b:s20+s8], $0x1, s1, s8, $0xb8;
	[tilespmem:$0x4A10] =	vst v63  }
0x5c: {  	s22 =	rddreg [dreg:$0x12];
	s4 =	simm.s32 $0x880  }
0x5d: {  	[tilespmem:s4], [sflag:$0x1] =	stream.indirect.gather [hbm4b:s22+s8], $0x1, s2, s8, $0xb8;
	[tilespmem:$0x4A10] =	vst v63  }
0x5e: {  	s2 =	sld [smem:$0x7F5];
	_ =	sdelay $0x1  }
0x5f: {  	s3 =	simm.s32 $0x2880  }
0x60: {  	[tilespmem:s3], [sflag:$0x1] =	stream.indirect.gather [hbm4b:s2+s8], $0x1, s1, s8, $0xb8;
	[tilespmem:$0x4A10] =	vst v63  }
0x61: {  	s10 =	rddreg [dreg:$0xd];
	s14 =	simm.s32 $0x900;
	s15 =	simm.s32 $0x0  }
0x62: {  	[tilespmem:s14], [sflag:$0x1] =	stream.indirect.gather [hbm4b:s10+s8], $0x1, s15, s8, $0xb8;
	[tilespmem:$0x4A10] =	vst v63  }
0x63: {  	s14 =	sld [smem:$0x7F6]  }
0x64: {  	s13 =	smov.u32 s20  }
0x65: {  	s18 =	smov.u32 s22;
	s20 =	simm.s32 $0x2900;
	s22 =	sld [smem:$0x7F8]  }
0x66: {  	[tilespmem:s20], [sflag:$0x1] =	stream.indirect.gather [hbm4b:s14+s8], $0x1, s1, s8, $0xb8;
	[tilespmem:$0x4A10] =	vst v63  }
0x67: {  	s21 =	simm.s32 $0x980;
	s20 =	rddreg [dreg:$0xe]  }
0x68: {  	[tilespmem:s21], [sflag:$0x1] =	stream.indirect.gather [hbm4b:s20+s8], $0x1, s15, s8, $0xb8;
	[tilespmem:$0x4A10] =	vst v63  }
0x69: {  	s4 =	sld [smem:$0x7F9];
	s2 =	simm.s32 $0x2980  }
0x6a: {  	[tilespmem:s2], [sflag:$0x1] =	stream.indirect.gather [hbm4b:s22+s8], $0x1, s1, s8, $0xb8;
	[tilespmem:$0x4A10] =	vst v63  }
0x6b: {  	s3 =	simm.s32 $0xA00;
	s21 =	rddreg [dreg:$0xf]  }
0x6c: {  	[tilespmem:s3], [sflag:$0x1] =	stream.indirect.gather [hbm4b:s21+s8], $0x1, s15, s8, $0xb8;
	[tilespmem:$0x4A10] =	vst v63  }
0x6d: {  	s22 =	simm.s32 $0x2A00;
	s2 =	sld [smem:$0x7FB]  }
0x6e: {  	[tilespmem:s22], [sflag:$0x1] =	stream.indirect.gather [hbm4b:s4+s8], $0x1, s1, s8, $0xb8;
	[tilespmem:$0x4A10] =	vst v63  }
0x6f: {  	s0 =	simm.s32 $0xA80;
	s22 =	rddreg [dreg:$0x10]  }
0x70: {  	[tilespmem:s0], [sflag:$0x1] =	stream.indirect.gather [hbm4b:s22+s8], $0x1, s15, s8, $0xb8;
	[tilespmem:$0x4A10] =	vst v63  }
0x71: {  	s3 =	simm.s32 $0x2A80;
	s4 =	sld [smem:$0x7FC]  }
0x72: {  	[tilespmem:s3], [sflag:$0x1] =	stream.indirect.gather [hbm4b:s2+s8], $0x1, s1, s8, $0xb8;
	[tilespmem:$0x4A10] =	vst v63  }
0x73: {  	s2 =	rddreg [dreg:$0x11];
	s3 =	simm.s32 $0xB00  }
0x74: {  	[tilespmem:s3], [sflag:$0x1] =	stream.indirect.gather [hbm4b:s2+s8], $0x1, s15, s8, $0xb8;
	[tilespmem:$0x4A10] =	vst v63  }
0x75: {  	s0 =	sld [smem:$0x7FD];
	s2 =	simm.s32 $0x2B00  }
0x76: {  	[tilespmem:s2], [sflag:$0x1] =	stream.indirect.gather [hbm4b:s4+s8], $0x1, s1, s8, $0xb8;
	[tilespmem:$0x4A10] =	vst v63  }
0x77: {  	s3 =	rddreg [dreg:$0x16];
	s4 =	simm.s32 $0xB80  }
0x78: {  	[tilespmem:s4], [sflag:$0x1] =	stream.indirect.gather [hbm4b:s3+s8], $0x1, s15, s8, $0xb8;
	[tilespmem:$0x4A10] =	vst v63  }
0x79: {  	s3 =	simm.s32 $0x2B80  }
0x7a: {  	[tilespmem:s3], [sflag:$0x1] =	stream.indirect.gather [hbm4b:s0+s8], $0x1, s1, s8, $0xb8;
	[tilespmem:$0x4A10] =	vst v63  }
0x7b: {  	s4 =	simm.s32 $0x4480  }
0x7c: {  	[tilespmem:s4], [sflag:$0x2] =	stream.indirect.gather [hbm4b:s19+s8], $0x1, s8, s8, $0xb8;
	[tilespmem:$0x4A10] =	vst v63  }
0x7d: {  	s15 =	simm.s32 $0x4680;
	s0 =	simm.s32 $0x280  }
0x7e: {  	[tilespmem:s15], [sflag:$0x2] =	stream.indirect.gather [hbm4b:s23+s8], $0x1, s0, s8, $0xb8;
	[tilespmem:$0x4A10] =	vst v63  }
0x7f: {  	s2 =	simm.s32 $0xC00  }
0x80: {  	[tilespmem:s2], [sflag:$0x1] =	stream.indirect.gather [hbm4b:s24+s8], $0x1, s8, s8, $0xb8;
	[tilespmem:$0x4A10] =	vst v63  }
0x81: {  	s3 =	simm.s32 $0x2C00  }
0x82: {  	[tilespmem:s3], [sflag:$0x1] =	stream.indirect.gather [hbm4b:s5+s8], $0x1, s0, s8, $0xb8;
	[tilespmem:$0x4A10] =	vst v63  }
0x83: {  	s4 =	simm.s32 $0xC80  }
0x84: {  	[tilespmem:s4], [sflag:$0x1] =	stream.indirect.gather [hbm4b:s25+s8], $0x1, s8, s8, $0xb8;
	[tilespmem:$0x4A10] =	vst v63  }
0x85: {  	s5 =	simm.s32 $0x2C80  }
0x86: {  	[tilespmem:s5], [sflag:$0x1] =	stream.indirect.gather [hbm4b:s6+s8], $0x1, s0, s8, $0xb8;
	[tilespmem:$0x4A10] =	vst v63  }
0x87: {  	s6 =	simm.s32 $0xD00  }
0x88: {  	[tilespmem:s6], [sflag:$0x1] =	stream.indirect.gather [hbm4b:s26+s8], $0x1, s8, s8, $0xb8;
	[tilespmem:$0x4A10] =	vst v63  }
0x89: {  	s15 =	simm.s32 $0x2D00  }
0x8a: {  	[tilespmem:s15], [sflag:$0x1] =	stream.indirect.gather [hbm4b:s17+s8], $0x1, s0, s8, $0xb8;
	[tilespmem:$0x4A10] =	vst v63  }
0x8b: {  	s2 =	simm.s32 $0xD80;
	s3 =	rddreg [dreg:$0x0]  }
0x8c: {  	[tilespmem:s2], [sflag:$0x1] =	stream.indirect.gather [hbm4b:s3+s8], $0x1, s8, s8, $0xb8;
	[tilespmem:$0x4A10] =	vst v63  }
0x8d: {  	s4 =	simm.s32 $0x2D80  }
0x8e: {  	[tilespmem:s4], [sflag:$0x1] =	stream.indirect.gather [hbm4b:s7+s8], $0x1, s0, s8, $0xb8;
	[tilespmem:$0x4A10] =	vst v63  }
0x8f: {  	s5 =	simm.s32 $0xE00  }
0x90: {  	[tilespmem:s5], [sflag:$0x1] =	stream.indirect.gather [hbm4b:s28+s8], $0x1, s8, s8, $0xb8;
	[tilespmem:$0x4A10] =	vst v63  }
0x91: {  	s6 =	simm.s32 $0x2E00  }
0x92: {  	[tilespmem:s6], [sflag:$0x1] =	stream.indirect.gather [hbm4b:s9+s8], $0x1, s0, s8, $0xb8;
	[tilespmem:$0x4A10] =	vst v63  }
0x93: {  	s7 =	simm.s32 $0xE80  }
0x94: {  	[tilespmem:s7], [sflag:$0x1] =	stream.indirect.gather [hbm4b:s29+s8], $0x1, s8, s8, $0xb8;
	[tilespmem:$0x4A10] =	vst v63  }
0x95: {  	s9 =	simm.s32 $0x2E80  }
0x96: {  	[tilespmem:s9], [sflag:$0x1] =	stream.indirect.gather [hbm4b:s11+s8], $0x1, s0, s8, $0xb8;
	[tilespmem:$0x4A10] =	vst v63  }
0x97: {  	s15 =	smov.u32 s11;
	s11 =	simm.s32 $0xF00  }
0x98: {  	[tilespmem:s11], [sflag:$0x1] =	stream.indirect.gather [hbm4b:s30+s8], $0x1, s8, s8, $0xb8;
	[tilespmem:$0x4A10] =	vst v63  }
0x99: {  	s17 =	simm.s32 $0x2F00  }
0x9a: {  	[tilespmem:s17], [sflag:$0x1] =	stream.indirect.gather [hbm4b:s12+s8], $0x1, s0, s8, $0xb8;
	[tilespmem:$0x4A10] =	vst v63  }
0x9b: {  	s2 =	simm.s32 $0xF80  }
0x9c: {  	[tilespmem:s2], [sflag:$0x1] =	stream.indirect.gather [hbm4b:s31+s8], $0x1, s8, s8, $0xb8;
	[tilespmem:$0x4A10] =	vst v63  }
0x9d: {  	s3 =	simm.s32 $0x2F80;
	s17 =	smov.u32 s12;
	s12 =	rddreg [dreg:$0x1e]  }
0x9e: {  	[tilespmem:s3], [sflag:$0x1] =	stream.indirect.gather [hbm4b:s12+s8], $0x1, s0, s8, $0xb8;
	[tilespmem:$0x4A10] =	vst v63  }
0x9f: {  	s4 =	simm.s32 $0x1000;
	s3 =	rddreg [dreg:$0xc]  }
0xa0: {  	[tilespmem:s4], [sflag:$0x1] =	stream.indirect.gather [hbm4b:s3+s8], $0x1, s8, s8, $0xb8;
	[tilespmem:$0x4A10] =	vst v63  }
0xa1: {  	s5 =	simm.s32 $0x3000  }
0xa2: {  	[tilespmem:s5], [sflag:$0x1] =	stream.indirect.gather [hbm4b:s13+s8], $0x1, s0, s8, $0xb8;
	[tilespmem:$0x4A10] =	vst v63  }
0xa3: {  	s6 =	simm.s32 $0x1080  }
0xa4: {  	[tilespmem:s6], [sflag:$0x1] =	stream.indirect.gather [hbm4b:s18+s8], $0x1, s8, s8, $0xb8;
	[tilespmem:$0x4A10] =	vst v63  }
0xa5: {  	s6 =	sld [smem:$0x7F5];
	_ =	sdelay $0x1  }
0xa6: {  	s7 =	simm.s32 $0x3080  }
0xa7: {  	[tilespmem:s7], [sflag:$0x1] =	stream.indirect.gather [hbm4b:s6+s8], $0x1, s0, s8, $0xb8;
	[tilespmem:$0x4A10] =	vst v63  }
0xa8: {  	s10 =	smov.u32 s10;
	s9 =	simm.s32 $0x1100  }
0xa9: {  	[tilespmem:s9], [sflag:$0x1] =	stream.indirect.gather [hbm4b:s10+s8], $0x1, s8, s8, $0xb8;
	[tilespmem:$0x4A10] =	vst v63  }
0xaa: {  	s10 =	simm.s32 $0x3100  }
0xab: {  	[tilespmem:s10], [sflag:$0x1] =	stream.indirect.gather [hbm4b:s14+s8], $0x1, s0, s8, $0xb8;
	[tilespmem:$0x4A10] =	vst v63  }
0xac: {  	s11 =	simm.s32 $0x1180;
	s7 =	sld [smem:$0x7F8]  }
0xad: {  	[tilespmem:s11], [sflag:$0x1] =	stream.indirect.gather [hbm4b:s20+s8], $0x1, s8, s8, $0xb8;
	[tilespmem:$0x4A10] =	vst v63  }
0xae: {  	s13 =	simm.s32 $0x3180  }
0xaf: {  	[tilespmem:s13], [sflag:$0x1] =	stream.indirect.gather [hbm4b:s7+s8], $0x1, s0, s8, $0xb8;
	[tilespmem:$0x4A10] =	vst v63  }
0xb0: {  	s9 =	sld [smem:$0x7F9];
	s14 =	simm.s32 $0x1200  }
0xb1: {  	[tilespmem:s14], [sflag:$0x1] =	stream.indirect.gather [hbm4b:s21+s8], $0x1, s8, s8, $0xb8;
	[tilespmem:$0x4A10] =	vst v63  }
0xb2: {  	s4 =	smov.u32 s18;
	s18 =	simm.s32 $0x3200  }
0xb3: {  	[tilespmem:s18], [sflag:$0x1] =	stream.indirect.gather [hbm4b:s9+s8], $0x1, s0, s8, $0xb8;
	[tilespmem:$0x4A10] =	vst v63  }
0xb4: {  	s2 =	simm.s32 $0x1280;
	s10 =	sld [smem:$0x7FB]  }
0xb5: {  	[tilespmem:s2], [sflag:$0x1] =	stream.indirect.gather [hbm4b:s22+s8], $0x1, s8, s8, $0xb8;
	[tilespmem:$0x4A10] =	vst v63  }
0xb6: {  	s5 =	simm.s32 $0x3280  }
0xb7: {  	[tilespmem:s5], [sflag:$0x1] =	stream.indirect.gather [hbm4b:s10+s8], $0x1, s0, s8, $0xb8;
	[tilespmem:$0x4A10] =	vst v63  }
0xb8: {  	s11 =	simm.s32 $0x1300;
	s5 =	rddreg [dreg:$0x11]  }
0xb9: {  	[tilespmem:s11], [sflag:$0x1] =	stream.indirect.gather [hbm4b:s5+s8], $0x1, s8, s8, $0xb8;
	[tilespmem:$0x4A10] =	vst v63  }
0xba: {  	s11 =	sld [smem:$0x7FC];
	_ =	sdelay $0x1  }
0xbb: {  	s13 =	simm.s32 $0x3300  }
0xbc: {  	[tilespmem:s13], [sflag:$0x1] =	stream.indirect.gather [hbm4b:s11+s8], $0x1, s0, s8, $0xb8;
	[tilespmem:$0x4A10] =	vst v63  }
0xbd: {  	s14 =	simm.s32 $0x1380;
	s13 =	rddreg [dreg:$0x16]  }
0xbe: {  	[tilespmem:s14], [sflag:$0x1] =	stream.indirect.gather [hbm4b:s13+s8], $0x1, s8, s8, $0xb8;
	[tilespmem:$0x4A10] =	vst v63  }
0xbf: {  	s14 =	sld [smem:$0x7FD];
	_ =	sdelay $0x1  }
0xc0: {  	s18 =	simm.s32 $0x3380  }
0xc1: {  	[tilespmem:s18], [sflag:$0x1] =	stream.indirect.gather [hbm4b:s14+s8], $0x1, s0, s8, $0xb8;
	[tilespmem:$0x4A10] =	vst v63  }
0xc2: {  	s2 =	simm.s32 $0x4500;
	s0 =	simm.s32 $0x100  }
0xc3: {  	[tilespmem:s2], [sflag:$0x2] =	stream.indirect.gather [hbm4b:s19+s8], $0x1, s0, s8, $0xb8;
	[tilespmem:$0x4A10] =	vst v63  }
0xc4: {  	s1 =	simm.s32 $0x300;
	s18 =	simm.s32 $0x4700  }
0xc5: {  	[tilespmem:s18], [sflag:$0x2] =	stream.indirect.gather [hbm4b:s23+s8], $0x1, s1, s8, $0xb8;
	[tilespmem:$0x4A10] =	vst v63  }
0xc6: {  	s18 =	simm.s32 $0x1400  }
0xc7: {  	[tilespmem:s18], [sflag:$0x1] =	stream.indirect.gather [hbm4b:s24+s8], $0x1, s0, s8, $0xb8;
	[tilespmem:$0x4A10] =	vst v63  }
0xc8: {  	s2 =	simm.s32 $0x3400;
	s18 =	rddreg [dreg:$0x17]  }
0xc9: {  	[tilespmem:s2], [sflag:$0x1] =	stream.indirect.gather [hbm4b:s18+s8], $0x1, s1, s8, $0xb8;
	[tilespmem:$0x4A10] =	vst v63  }
0xca: {  	s18 =	simm.s32 $0x1480  }
0xcb: {  	[tilespmem:s18], [sflag:$0x1] =	stream.indirect.gather [hbm4b:s25+s8], $0x1, s0, s8, $0xb8;
	[tilespmem:$0x4A10] =	vst v63  }
0xcc: {  	s2 =	simm.s32 $0x3480;
	s18 =	rddreg [dreg:$0x18]  }
0xcd: {  	[tilespmem:s2], [sflag:$0x1] =	stream.indirect.gather [hbm4b:s18+s8], $0x1, s1, s8, $0xb8;
	[tilespmem:$0x4A10] =	vst v63  }
0xce: {  	s18 =	simm.s32 $0x1500  }
0xcf: {  	[tilespmem:s18], [sflag:$0x1] =	stream.indirect.gather [hbm4b:s26+s8], $0x1, s0, s8, $0xb8;
	[tilespmem:$0x4A10] =	vst v63  }
0xd0: {  	s2 =	simm.s32 $0x3500;
	s18 =	rddreg [dreg:$0x19]  }
0xd1: {  	[tilespmem:s2], [sflag:$0x1] =	stream.indirect.gather [hbm4b:s18+s8], $0x1, s1, s8, $0xb8;
	[tilespmem:$0x4A10] =	vst v63  }
0xd2: {  	s2 =	simm.s32 $0x1580;
	s18 =	rddreg [dreg:$0x0]  }
0xd3: {  	[tilespmem:s2], [sflag:$0x1] =	stream.indirect.gather [hbm4b:s18+s8], $0x1, s0, s8, $0xb8;
	[tilespmem:$0x4A10] =	vst v63  }
0xd4: {  	s2 =	simm.s32 $0x3580;
	s18 =	rddreg [dreg:$0x1b]  }
0xd5: {  	[tilespmem:s2], [sflag:$0x1] =	stream.indirect.gather [hbm4b:s18+s8], $0x1, s1, s8, $0xb8;
	[tilespmem:$0x4A10] =	vst v63  }
0xd6: {  	s18 =	simm.s32 $0x1600  }
0xd7: {  	[tilespmem:s18], [sflag:$0x1] =	stream.indirect.gather [hbm4b:s28+s8], $0x1, s0, s8, $0xb8;
	[tilespmem:$0x4A10] =	vst v63  }
0xd8: {  	s2 =	simm.s32 $0x3600;
	s18 =	rddreg [dreg:$0x1a]  }
0xd9: {  	[tilespmem:s2], [sflag:$0x1] =	stream.indirect.gather [hbm4b:s18+s8], $0x1, s1, s8, $0xb8;
	[tilespmem:$0x4A10] =	vst v63  }
0xda: {  	s18 =	simm.s32 $0x1680  }
0xdb: {  	[tilespmem:s18], [sflag:$0x1] =	stream.indirect.gather [hbm4b:s29+s8], $0x1, s0, s8, $0xb8;
	[tilespmem:$0x4A10] =	vst v63  }
0xdc: {  	s18 =	simm.s32 $0x3680  }
0xdd: {  	[tilespmem:s18], [sflag:$0x1] =	stream.indirect.gather [hbm4b:s15+s8], $0x1, s1, s8, $0xb8;
	[tilespmem:$0x4A10] =	vst v63  }
0xde: {  	s18 =	simm.s32 $0x1700  }
0xdf: {  	[tilespmem:s18], [sflag:$0x1] =	stream.indirect.gather [hbm4b:s30+s8], $0x1, s0, s8, $0xb8;
	[tilespmem:$0x4A10] =	vst v63  }
0xe0: {  	s18 =	simm.s32 $0x3700  }
0xe1: {  	[tilespmem:s18], [sflag:$0x1] =	stream.indirect.gather [hbm4b:s17+s8], $0x1, s1, s8, $0xb8;
	[tilespmem:$0x4A10] =	vst v63  }
0xe2: {  	s18 =	simm.s32 $0x1780  }
0xe3: {  	[tilespmem:s18], [sflag:$0x1] =	stream.indirect.gather [hbm4b:s31+s8], $0x1, s0, s8, $0xb8;
	[tilespmem:$0x4A10] =	vst v63  }
0xe4: {  	s18 =	simm.s32 $0x3780  }
0xe5: {  	[tilespmem:s18], [sflag:$0x1] =	stream.indirect.gather [hbm4b:s12+s8], $0x1, s1, s8, $0xb8;
	[tilespmem:$0x4A10] =	vst v63  }
0xe6: {  	s18 =	simm.s32 $0x1800  }
0xe7: {  	[tilespmem:s18], [sflag:$0x1] =	stream.indirect.gather [hbm4b:s3+s8], $0x1, s0, s8, $0xb8;
	[tilespmem:$0x4A10] =	vst v63  }
0xe8: {  	s18 =	simm.s32 $0x3800;
	s3 =	rddreg [dreg:$0x1f]  }
0xe9: {  	[tilespmem:s18], [sflag:$0x1] =	stream.indirect.gather [hbm4b:s3+s8], $0x1, s1, s8, $0xb8;
	[tilespmem:$0x4A10] =	vst v63  }
0xea: {  	s18 =	simm.s32 $0x1880  }
0xeb: {  	[tilespmem:s18], [sflag:$0x1] =	stream.indirect.gather [hbm4b:s4+s8], $0x1, s0, s8, $0xb8;
	[tilespmem:$0x4A10] =	vst v63  }
0xec: {  	s4 =	simm.s32 $0x3880  }
0xed: {  	[tilespmem:s4], [sflag:$0x1] =	stream.indirect.gather [hbm4b:s6+s8], $0x1, s1, s8, $0xb8;
	[tilespmem:$0x4A10] =	vst v63  }
0xee: {  	s18 =	simm.s32 $0x1900;
	s4 =	rddreg [dreg:$0xd]  }
0xef: {  	[tilespmem:s18], [sflag:$0x1] =	stream.indirect.gather [hbm4b:s4+s8], $0x1, s0, s8, $0xb8;
	[tilespmem:$0x4A10] =	vst v63  }
0xf0: {  	s18 =	sld [smem:$0x7F6];
	_ =	sdelay $0x1  }
0xf1: {  	s2 =	simm.s32 $0x3900  }
0xf2: {  	[tilespmem:s2], [sflag:$0x1] =	stream.indirect.gather [hbm4b:s18+s8], $0x1, s1, s8, $0xb8;
	[tilespmem:$0x4A10] =	vst v63  }
0xf3: {  	s2 =	simm.s32 $0x1980  }
0xf4: {  	[tilespmem:s2], [sflag:$0x1] =	stream.indirect.gather [hbm4b:s20+s8], $0x1, s0, s8, $0xb8;
	[tilespmem:$0x4A10] =	vst v63  }
0xf5: {  	s2 =	simm.s32 $0x3980  }
0xf6: {  	[tilespmem:s2], [sflag:$0x1] =	stream.indirect.gather [hbm4b:s7+s8], $0x1, s1, s8, $0xb8;
	[tilespmem:$0x4A10] =	vst v63  }
0xf7: {  	s2 =	simm.s32 $0x1A00  }
0xf8: {  	[tilespmem:s2], [sflag:$0x1] =	stream.indirect.gather [hbm4b:s21+s8], $0x1, s0, s8, $0xb8;
	[tilespmem:$0x4A10] =	vst v63  }
0xf9: {  	s2 =	simm.s32 $0x3A00  }
0xfa: {  	[tilespmem:s2], [sflag:$0x1] =	stream.indirect.gather [hbm4b:s9+s8], $0x1, s1, s8, $0xb8;
	[tilespmem:$0x4A10] =	vst v63  }
0xfb: {  	s2 =	simm.s32 $0x1A80  }
0xfc: {  	[tilespmem:s2], [sflag:$0x1] =	stream.indirect.gather [hbm4b:s22+s8], $0x1, s0, s8, $0xb8;
	[tilespmem:$0x4A10] =	vst v63  }
0xfd: {  	s2 =	simm.s32 $0x3A80  }
0xfe: {  	[tilespmem:s2], [sflag:$0x1] =	stream.indirect.gather [hbm4b:s10+s8], $0x1, s1, s8, $0xb8;
	[tilespmem:$0x4A10] =	vst v63  }
0xff: {  	s2 =	simm.s32 $0x1B00  }
0x100: {  	[tilespmem:s2], [sflag:$0x1] =	stream.indirect.gather [hbm4b:s5+s8], $0x1, s0, s8, $0xb8;
	[tilespmem:$0x4A10] =	vst v63  }
0x101: {  	s2 =	simm.s32 $0x3B00  }
0x102: {  	[tilespmem:s2], [sflag:$0x1] =	stream.indirect.gather [hbm4b:s11+s8], $0x1, s1, s8, $0xb8;
	[tilespmem:$0x4A10] =	vst v63  }
0x103: {  	s2 =	simm.s32 $0x1B80  }
0x104: {  	[tilespmem:s2], [sflag:$0x1] =	stream.indirect.gather [hbm4b:s13+s8], $0x1, s0, s8, $0xb8;
	[tilespmem:$0x4A10] =	vst v63  }
0x105: {  	s2 =	simm.s32 $0x3B80  }
0x106: {  	[tilespmem:s2], [sflag:$0x1] =	stream.indirect.gather [hbm4b:s14+s8], $0x1, s1, s8, $0xb8;
	[tilespmem:$0x4A10] =	vst v63  }
0x107: {  	s0 =	simm.s32 $0x180;
	s2 =	simm.s32 $0x4580  }
0x108: {  	[tilespmem:s2], [sflag:$0x2] =	stream.indirect.gather [hbm4b:s19+s8], $0x1, s0, s8, $0xb8;
	[tilespmem:$0x4A10] =	vst v63  }
0x109: {  	s1 =	simm.s32 $0x380;
	s19 =	simm.s32 $0x4780  }
0x10a: {  	[tilespmem:s19], [sflag:$0x2] =	stream.indirect.gather [hbm4b:s23+s8], $0x1, s1, s8, $0xb8;
	[tilespmem:$0x4A10] =	vst v63  }
0x10b: {  	s19 =	simm.s32 $0x1C00  }
0x10c: {  	[tilespmem:s19], [sflag:$0x1] =	stream.indirect.gather [hbm4b:s24+s8], $0x1, s0, s8, $0xb8;
	[tilespmem:$0x4A10] =	vst v63  }
0x10d: {  	s23 =	simm.s32 $0x3C00;
	s24 =	rddreg [dreg:$0x17]  }
0x10e: {  	[tilespmem:s23], [sflag:$0x1] =	stream.indirect.gather [hbm4b:s24+s8], $0x1, s1, s8, $0xb8;
	[tilespmem:$0x4A10] =	vst v63  }
0x10f: {  	s23 =	simm.s32 $0x1C80  }
0x110: {  	[tilespmem:s23], [sflag:$0x1] =	stream.indirect.gather [hbm4b:s25+s8], $0x1, s0, s8, $0xb8;
	[tilespmem:$0x4A10] =	vst v63  }
0x111: {  	s24 =	simm.s32 $0x3C80;
	s25 =	rddreg [dreg:$0x18]  }
0x112: {  	[tilespmem:s24], [sflag:$0x1] =	stream.indirect.gather [hbm4b:s25+s8], $0x1, s1, s8, $0xb8;
	[tilespmem:$0x4A10] =	vst v63  }
0x113: {  	s19 =	simm.s32 $0x1D00  }
0x114: {  	[tilespmem:s19], [sflag:$0x1] =	stream.indirect.gather [hbm4b:s26+s8], $0x1, s0, s8, $0xb8;
	[tilespmem:$0x4A10] =	vst v63  }
0x115: {  	s23 =	simm.s32 $0x3D00;
	s24 =	rddreg [dreg:$0x19]  }
0x116: {  	[tilespmem:s23], [sflag:$0x1] =	stream.indirect.gather [hbm4b:s24+s8], $0x1, s1, s8, $0xb8;
	[tilespmem:$0x4A10] =	vst v63  }
0x117: {  	s25 =	simm.s32 $0x1D80;
	s26 =	rddreg [dreg:$0x0]  }
0x118: {  	[tilespmem:s25], [sflag:$0x1] =	stream.indirect.gather [hbm4b:s26+s8], $0x1, s0, s8, $0xb8;
	[tilespmem:$0x4A10] =	vst v63  }
0x119: {  	s19 =	simm.s32 $0x3D80;
	s23 =	rddreg [dreg:$0x1b]  }
0x11a: {  	[tilespmem:s19], [sflag:$0x1] =	stream.indirect.gather [hbm4b:s23+s8], $0x1, s1, s8, $0xb8;
	[tilespmem:$0x4A10] =	vst v63  }
0x11b: {  	s24 =	simm.s32 $0x1E00  }
0x11c: {  	[tilespmem:s24], [sflag:$0x1] =	stream.indirect.gather [hbm4b:s28+s8], $0x1, s0, s8, $0xb8;
	[tilespmem:$0x4A10] =	vst v63  }
0x11d: {  	s25 =	simm.s32 $0x3E00;
	s26 =	rddreg [dreg:$0x1a]  }
0x11e: {  	[tilespmem:s25], [sflag:$0x1] =	stream.indirect.gather [hbm4b:s26+s8], $0x1, s1, s8, $0xb8;
	[tilespmem:$0x4A10] =	vst v63  }
0x11f: {  	s28 =	simm.s32 $0x1E80  }
0x120: {  	[tilespmem:s28], [sflag:$0x1] =	stream.indirect.gather [hbm4b:s29+s8], $0x1, s0, s8, $0xb8;
	[tilespmem:$0x4A10] =	vst v63  }
0x121: {  	s29 =	simm.s32 $0x3E80  }
0x122: {  	[tilespmem:s29], [sflag:$0x1] =	stream.indirect.gather [hbm4b:s15+s8], $0x1, s1, s8, $0xb8;
	[tilespmem:$0x4A10] =	vst v63  }
0x123: {  	s19 =	simm.s32 $0x1F00  }
0x124: {  	[tilespmem:s19], [sflag:$0x1] =	stream.indirect.gather [hbm4b:s30+s8], $0x1, s0, s8, $0xb8;
	[tilespmem:$0x4A10] =	vst v63  }
0x125: {  	s23 =	simm.s32 $0x3F00  }
0x126: {  	[tilespmem:s23], [sflag:$0x1] =	stream.indirect.gather [hbm4b:s17+s8], $0x1, s1, s8, $0xb8;
	[tilespmem:$0x4A10] =	vst v63  }
0x127: {  	s24 =	simm.s32 $0x1F80  }
0x128: {  	[tilespmem:s24], [sflag:$0x1] =	stream.indirect.gather [hbm4b:s31+s8], $0x1, s0, s8, $0xb8;
	[tilespmem:$0x4A10] =	vst v63  }
0x129: {  	s25 =	simm.s32 $0x3F80  }
0x12a: {  	[tilespmem:s25], [sflag:$0x1] =	stream.indirect.gather [hbm4b:s12+s8], $0x1, s1, s8, $0xb8;
	[tilespmem:$0x4A10] =	vst v63  }
0x12b: {  	s26 =	simm.s32 $0x2000;
	s28 =	rddreg [dreg:$0xc]  }
0x12c: {  	[tilespmem:s26], [sflag:$0x1] =	stream.indirect.gather [hbm4b:s28+s8], $0x1, s0, s8, $0xb8;
	[tilespmem:$0x4A10] =	vst v63  }
0x12d: {  	s29 =	simm.s32 $0x4000  }
0x12e: {  	[tilespmem:s29], [sflag:$0x1] =	stream.indirect.gather [hbm4b:s3+s8], $0x1, s1, s8, $0xb8;
	[tilespmem:$0x4A10] =	vst v63  }
0x12f: {  	s30 =	simm.s32 $0x2080;
	s31 =	rddreg [dreg:$0x12]  }
0x130: {  	[tilespmem:s30], [sflag:$0x1] =	stream.indirect.gather [hbm4b:s31+s8], $0x1, s0, s8, $0xb8;
	[tilespmem:$0x4A10] =	vst v63  }
0x131: {  	s12 =	simm.s32 $0x4080  }
0x132: {  	[tilespmem:s12], [sflag:$0x1] =	stream.indirect.gather [hbm4b:s6+s8], $0x1, s1, s8, $0xb8;
	[tilespmem:$0x4A10] =	vst v63  }
0x133: {  	s15 =	simm.s32 $0x2100  }
0x134: {  	[tilespmem:s15], [sflag:$0x1] =	stream.indirect.gather [hbm4b:s4+s8], $0x1, s0, s8, $0xb8;
	[tilespmem:$0x4A10] =	vst v63  }
0x135: {  	s17 =	simm.s32 $0x4100  }
0x136: {  	[tilespmem:s17], [sflag:$0x1] =	stream.indirect.gather [hbm4b:s18+s8], $0x1, s1, s8, $0xb8;
	[tilespmem:$0x4A10] =	vst v63  }
0x137: {  	s18 =	simm.s32 $0x2180  }
0x138: {  	[tilespmem:s18], [sflag:$0x1] =	stream.indirect.gather [hbm4b:s20+s8], $0x1, s0, s8, $0xb8;
	[tilespmem:$0x4A10] =	vst v63  }
0x139: {  	s19 =	simm.s32 $0x4180  }
0x13a: {  	[tilespmem:s19], [sflag:$0x1] =	stream.indirect.gather [hbm4b:s7+s8], $0x1, s1, s8, $0xb8;
	[tilespmem:$0x4A10] =	vst v63  }
0x13b: {  	s20 =	simm.s32 $0x2200  }
0x13c: {  	[tilespmem:s20], [sflag:$0x1] =	stream.indirect.gather [hbm4b:s21+s8], $0x1, s0, s8, $0xb8;
	[tilespmem:$0x4A10] =	vst v63  }
0x13d: {  	s21 =	simm.s32 $0x4200  }
0x13e: {  	[tilespmem:s21], [sflag:$0x1] =	stream.indirect.gather [hbm4b:s9+s8], $0x1, s1, s8, $0xb8;
	[tilespmem:$0x4A10] =	vst v63  }
0x13f: {  	s23 =	simm.s32 $0x2280  }
0x140: {  	[tilespmem:s23], [sflag:$0x1] =	stream.indirect.gather [hbm4b:s22+s8], $0x1, s0, s8, $0xb8;
	[tilespmem:$0x4A10] =	vst v63  }
0x141: {  	s24 =	simm.s32 $0x4280  }
0x142: {  	[tilespmem:s24], [sflag:$0x1] =	stream.indirect.gather [hbm4b:s10+s8], $0x1, s1, s8, $0xb8;
	[tilespmem:$0x4A10] =	vst v63  }
0x143: {  	s25 =	simm.s32 $0x2300  }
0x144: {  	[tilespmem:s25], [sflag:$0x1] =	stream.indirect.gather [hbm4b:s5+s8], $0x1, s0, s8, $0xb8;
	[tilespmem:$0x4A10] =	vst v63  }
0x145: {  	s26 =	simm.s32 $0x4300  }
0x146: {  	[tilespmem:s26], [sflag:$0x1] =	stream.indirect.gather [hbm4b:s11+s8], $0x1, s1, s8, $0xb8;
	[tilespmem:$0x4A10] =	vst v63  }
0x147: {  	s28 =	simm.s32 $0x2380  }
0x148: {  	[tilespmem:s28], [sflag:$0x1] =	stream.indirect.gather [hbm4b:s13+s8], $0x1, s0, s8, $0xb8;
	[tilespmem:$0x4A10] =	vst v63  }
0x149: {  	s29 =	simm.s32 $0x4380;
	s30 =	simm.s32 $0x2  }
0x14a: {  	[tilespmem:s29], [sflag:$0x1] =	stream.indirect.gather [hbm4b:s14+s8], $0x1, s1, s8, $0xb8;
	[tilespmem:$0x4A10] =	vst v63  }
0x14b: {  	_ =	swait.ge [sflag:s30], $0x80  }
0x14c: {  	[sflag:s30] =	ssyncset.done $0x0  }
0x14d: {  	[sflag:s30] =	ssyncadd.s32 $0xFFFFFF80  }
0x14e: {  	_ =	swait.ge [sflag:s30], $0x80  }
0x14f: {  	[sflag:s30] =	ssyncset.done $0x0  }
0x150: {  	[sflag:s30] =	ssyncadd.s32 $0xFFFFFF80  }
0x151: {  	_ =	swait.ge [sflag:s16], $0x80  }
0x152: {  	[sflag:s16] =	ssyncset.done $0x0  }
0x153: {  	[sflag:s16] =	ssyncadd.s32 $0xFFFFFF80  }
0x154: {  	_ =	swait.ge [sflag:s16], $0x80  }
0x155: {  	[sflag:s16] =	ssyncset.done $0x0  }
0x156: {  	[sflag:s16] =	ssyncadd.s32 $0xFFFFFF80  }
0x157: {  	_ =	swait.ge [sflag:s16], $0x80  }
0x158: {  	[sflag:s16] =	ssyncset.done $0x0  }
0x159: {  	[sflag:s16] =	ssyncadd.s32 $0xFFFFFF80  }
0x15a: {  	_ =	swait.ge [sflag:s16], $0x80  }
0x15b: {  	[sflag:s16] =	ssyncset.done $0x0  }
0x15c: {  	[sflag:s16] =	ssyncadd.s32 $0xFFFFFF80  }
0x15d: {  	_ =	swait.ge [sflag:s16], $0x80  }
0x15e: {  	[sflag:s16] =	ssyncset.done $0x0  }
0x15f: {  	[sflag:s16] =	ssyncadd.s32 $0xFFFFFF80  }
0x160: {  	_ =	swait.ge [sflag:s16], $0x80  }
0x161: {  	[sflag:s16] =	ssyncset.done $0x0  }
0x162: {  	[sflag:s16] =	ssyncadd.s32 $0xFFFFFF80  }
0x163: {  	_ =	swait.ge [sflag:s16], $0x80  }
0x164: {  	[sflag:s16] =	ssyncset.done $0x0  }
0x165: {  	[sflag:s16] =	ssyncadd.s32 $0xFFFFFF80  }
0x166: {  	_ =	swait.ge [sflag:s16], $0x80  }
0x167: {  	[sflag:s16] =	ssyncset.done $0x0  }
0x168: {  	[sflag:s16] =	ssyncadd.s32 $0xFFFFFF80  }
0x169: {  	_ =	swait.ge [sflag:s16], $0x80  }
0x16a: {  	[sflag:s16] =	ssyncset.done $0x0  }
0x16b: {  	[sflag:s16] =	ssyncadd.s32 $0xFFFFFF80  }
0x16c: {  	_ =	swait.ge [sflag:s16], $0x80  }
0x16d: {  	[sflag:s16] =	ssyncset.done $0x0  }
0x16e: {  	[sflag:s16] =	ssyncadd.s32 $0xFFFFFF80  }
0x16f: {  	_ =	swait.ge [sflag:s16], $0x80  }
0x170: {  	[sflag:s16] =	ssyncset.done $0x0  }
0x171: {  	[sflag:s16] =	ssyncadd.s32 $0xFFFFFF80  }
0x172: {  	_ =	swait.ge [sflag:s16], $0x80  }
0x173: {  	[sflag:s16] =	ssyncset.done $0x0  }
0x174: {  	[sflag:s16] =	ssyncadd.s32 $0xFFFFFF80  }
0x175: {  	_ =	swait.ge [sflag:s16], $0x80  }
0x176: {  	[sflag:s16] =	ssyncset.done $0x0  }
0x177: {  	[sflag:s16] =	ssyncadd.s32 $0xFFFFFF80  }
0x178: {  	_ =	swait.ge [sflag:s16], $0x80  }
0x179: {  	[sflag:s16] =	ssyncset.done $0x0  }
0x17a: {  	[sflag:s16] =	ssyncadd.s32 $0xFFFFFF80  }
0x17b: {  	_ =	swait.ge [sflag:s16], $0x80  }
0x17c: {  	[sflag:s16] =	ssyncset.done $0x0  }
0x17d: {  	[sflag:s16] =	ssyncadd.s32 $0xFFFFFF80  }
0x17e: {  	_ =	swait.ge [sflag:s16], $0x80  }
0x17f: {  	[sflag:s16] =	ssyncset.done $0x0  }
0x180: {  	[sflag:s16] =	ssyncadd.s32 $0xFFFFFF80  }
0x181: {  	_ =	swait.ge [sflag:s16], $0x80  }
0x182: {  	[sflag:s16] =	ssyncset.done $0x0  }
0x183: {  	[sflag:s16] =	ssyncadd.s32 $0xFFFFFF80  }
0x184: {  	_ =	swait.ge [sflag:s16], $0x80  }
0x185: {  	[sflag:s16] =	ssyncset.done $0x0  }
0x186: {  	[sflag:s16] =	ssyncadd.s32 $0xFFFFFF80  }
0x187: {  	_ =	swait.ge [sflag:s16], $0x80  }
0x188: {  	[sflag:s16] =	ssyncset.done $0x0  }
0x189: {  	[sflag:s16] =	ssyncadd.s32 $0xFFFFFF80  }
0x18a: {  	_ =	swait.ge [sflag:s16], $0x80  }
0x18b: {  	[sflag:s16] =	ssyncset.done $0x0  }
0x18c: {  	[sflag:s16] =	ssyncadd.s32 $0xFFFFFF80  }
0x18d: {  	_ =	swait.ge [sflag:s16], $0x80  }
0x18e: {  	[sflag:s16] =	ssyncset.done $0x0  }
0x18f: {  	[sflag:s16] =	ssyncadd.s32 $0xFFFFFF80  }
0x190: {  	_ =	swait.ge [sflag:s16], $0x80  }
0x191: {  	[sflag:s16] =	ssyncset.done $0x0  }
0x192: {  	[sflag:s16] =	ssyncadd.s32 $0xFFFFFF80  }
0x193: {  	_ =	swait.ge [sflag:s16], $0x80  }
0x194: {  	[sflag:s16] =	ssyncset.done $0x0  }
0x195: {  	[sflag:s16] =	ssyncadd.s32 $0xFFFFFF80  }
0x196: {  	_ =	swait.ge [sflag:s16], $0x80  }
0x197: {  	[sflag:s16] =	ssyncset.done $0x0  }
0x198: {  	[sflag:s16] =	ssyncadd.s32 $0xFFFFFF80  }
0x199: {  	_ =	swait.ge [sflag:s16], $0x80  }
0x19a: {  	[sflag:s16] =	ssyncset.done $0x0  }
0x19b: {  	[sflag:s16] =	ssyncadd.s32 $0xFFFFFF80  }
0x19c: {  	_ =	swait.ge [sflag:s16], $0x80  }
0x19d: {  	[sflag:s16] =	ssyncset.done $0x0  }
0x19e: {  	[sflag:s16] =	ssyncadd.s32 $0xFFFFFF80  }
0x19f: {  	_ =	swait.ge [sflag:s16], $0x80  }
0x1a0: {  	[sflag:s16] =	ssyncset.done $0x0  }
0x1a1: {  	[sflag:s16] =	ssyncadd.s32 $0xFFFFFF80  }
0x1a2: {  	_ =	swait.ge [sflag:s16], $0x80  }
0x1a3: {  	[sflag:s16] =	ssyncset.done $0x0  }
0x1a4: {  	[sflag:s16] =	ssyncadd.s32 $0xFFFFFF80  }
0x1a5: {  	_ =	swait.ge [sflag:s16], $0x80  }
0x1a6: {  	[sflag:s16] =	ssyncset.done $0x0  }
0x1a7: {  	[sflag:s16] =	ssyncadd.s32 $0xFFFFFF80  }
0x1a8: {  	_ =	swait.ge [sflag:s16], $0x80  }
0x1a9: {  	[sflag:s16] =	ssyncset.done $0x0  }
0x1aa: {  	[sflag:s16] =	ssyncadd.s32 $0xFFFFFF80  }
0x1ab: {  	_ =	swait.ge [sflag:s16], $0x80  }
0x1ac: {  	[sflag:s16] =	ssyncset.done $0x0  }
0x1ad: {  	[sflag:s16] =	ssyncadd.s32 $0xFFFFFF80  }
0x1ae: {  	_ =	swait.ge [sflag:s16], $0x80  }
0x1af: {  	[sflag:s16] =	ssyncset.done $0x0  }
0x1b0: {  	[sflag:s16] =	ssyncadd.s32 $0xFFFFFF80  }
0x1b1: {  	_ =	swait.ge [sflag:s30], $0x80  }
0x1b2: {  	[sflag:s30] =	ssyncset.done $0x0  }
0x1b3: {  	[sflag:s30] =	ssyncadd.s32 $0xFFFFFF80  }
0x1b4: {  	_ =	swait.ge [sflag:s30], $0x80  }
0x1b5: {  	[sflag:s30] =	ssyncset.done $0x0  }
0x1b6: {  	[sflag:s30] =	ssyncadd.s32 $0xFFFFFF80  }
0x1b7: {  	_ =	swait.ge [sflag:s16], $0x80  }
0x1b8: {  	[sflag:s16] =	ssyncset.done $0x0  }
0x1b9: {  	[sflag:s16] =	ssyncadd.s32 $0xFFFFFF80  }
0x1ba: {  	_ =	swait.ge [sflag:s16], $0x80  }
0x1bb: {  	[sflag:s16] =	ssyncset.done $0x0  }
0x1bc: {  	[sflag:s16] =	ssyncadd.s32 $0xFFFFFF80  }
0x1bd: {  	_ =	swait.ge [sflag:s16], $0x80  }
0x1be: {  	[sflag:s16] =	ssyncset.done $0x0  }
0x1bf: {  	[sflag:s16] =	ssyncadd.s32 $0xFFFFFF80  }
0x1c0: {  	_ =	swait.ge [sflag:s16], $0x80  }
0x1c1: {  	[sflag:s16] =	ssyncset.done $0x0  }
0x1c2: {  	[sflag:s16] =	ssyncadd.s32 $0xFFFFFF80  }
0x1c3: {  	_ =	swait.ge [sflag:s16], $0x80  }
0x1c4: {  	[sflag:s16] =	ssyncset.done $0x0  }
0x1c5: {  	[sflag:s16] =	ssyncadd.s32 $0xFFFFFF80  }
0x1c6: {  	_ =	swait.ge [sflag:s16], $0x80  }
0x1c7: {  	[sflag:s16] =	ssyncset.done $0x0  }
0x1c8: {  	[sflag:s16] =	ssyncadd.s32 $0xFFFFFF80  }
0x1c9: {  	_ =	swait.ge [sflag:s16], $0x80  }
0x1ca: {  	[sflag:s16] =	ssyncset.done $0x0  }
0x1cb: {  	[sflag:s16] =	ssyncadd.s32 $0xFFFFFF80  }
0x1cc: {  	_ =	swait.ge [sflag:s16], $0x80  }
0x1cd: {  	[sflag:s16] =	ssyncset.done $0x0  }
0x1ce: {  	[sflag:s16] =	ssyncadd.s32 $0xFFFFFF80  }
0x1cf: {  	_ =	swait.ge [sflag:s16], $0x80  }
0x1d0: {  	[sflag:s16] =	ssyncset.done $0x0  }
0x1d1: {  	[sflag:s16] =	ssyncadd.s32 $0xFFFFFF80  }
0x1d2: {  	_ =	swait.ge [sflag:s16], $0x80  }
0x1d3: {  	[sflag:s16] =	ssyncset.done $0x0  }
0x1d4: {  	[sflag:s16] =	ssyncadd.s32 $0xFFFFFF80  }
0x1d5: {  	_ =	swait.ge [sflag:s16], $0x80  }
0x1d6: {  	[sflag:s16] =	ssyncset.done $0x0  }
0x1d7: {  	[sflag:s16] =	ssyncadd.s32 $0xFFFFFF80  }
0x1d8: {  	_ =	swait.ge [sflag:s16], $0x80  }
0x1d9: {  	[sflag:s16] =	ssyncset.done $0x0  }
0x1da: {  	[sflag:s16] =	ssyncadd.s32 $0xFFFFFF80  }
0x1db: {  	_ =	swait.ge [sflag:s16], $0x80  }
0x1dc: {  	[sflag:s16] =	ssyncset.done $0x0  }
0x1dd: {  	[sflag:s16] =	ssyncadd.s32 $0xFFFFFF80  }
0x1de: {  	_ =	swait.ge [sflag:s16], $0x80  }
0x1df: {  	[sflag:s16] =	ssyncset.done $0x0  }
0x1e0: {  	[sflag:s16] =	ssyncadd.s32 $0xFFFFFF80  }
0x1e1: {  	_ =	swait.ge [sflag:s16], $0x80  }
0x1e2: {  	[sflag:s16] =	ssyncset.done $0x0  }
0x1e3: {  	[sflag:s16] =	ssyncadd.s32 $0xFFFFFF80  }
0x1e4: {  	_ =	swait.ge [sflag:s16], $0x80  }
0x1e5: {  	[sflag:s16] =	ssyncset.done $0x0  }
0x1e6: {  	[sflag:s16] =	ssyncadd.s32 $0xFFFFFF80  }
0x1e7: {  	_ =	swait.ge [sflag:s16], $0x80  }
0x1e8: {  	[sflag:s16] =	ssyncset.done $0x0  }
0x1e9: {  	[sflag:s16] =	ssyncadd.s32 $0xFFFFFF80  }
0x1ea: {  	_ =	swait.ge [sflag:s16], $0x80  }
0x1eb: {  	[sflag:s16] =	ssyncset.done $0x0  }
0x1ec: {  	[sflag:s16] =	ssyncadd.s32 $0xFFFFFF80  }
0x1ed: {  	_ =	swait.ge [sflag:s16], $0x80  }
0x1ee: {  	[sflag:s16] =	ssyncset.done $0x0  }
0x1ef: {  	[sflag:s16] =	ssyncadd.s32 $0xFFFFFF80  }
0x1f0: {  	_ =	swait.ge [sflag:s16], $0x80  }
0x1f1: {  	[sflag:s16] =	ssyncset.done $0x0  }
0x1f2: {  	[sflag:s16] =	ssyncadd.s32 $0xFFFFFF80  }
0x1f3: {  	_ =	swait.ge [sflag:s16], $0x80  }
0x1f4: {  	[sflag:s16] =	ssyncset.done $0x0  }
0x1f5: {  	[sflag:s16] =	ssyncadd.s32 $0xFFFFFF80  }
0x1f6: {  	_ =	swait.ge [sflag:s16], $0x80  }
0x1f7: {  	[sflag:s16] =	ssyncset.done $0x0  }
0x1f8: {  	[sflag:s16] =	ssyncadd.s32 $0xFFFFFF80  }
0x1f9: {  	_ =	swait.ge [sflag:s16], $0x80  }
0x1fa: {  	[sflag:s16] =	ssyncset.done $0x0  }
0x1fb: {  	[sflag:s16] =	ssyncadd.s32 $0xFFFFFF80  }
0x1fc: {  	_ =	swait.ge [sflag:s16], $0x80  }
0x1fd: {  	[sflag:s16] =	ssyncset.done $0x0  }
0x1fe: {  	[sflag:s16] =	ssyncadd.s32 $0xFFFFFF80  }
0x1ff: {  	_ =	swait.ge [sflag:s16], $0x80  }
0x200: {  	[sflag:s16] =	ssyncset.done $0x0  }
0x201: {  	[sflag:s16] =	ssyncadd.s32 $0xFFFFFF80  }
0x202: {  	_ =	swait.ge [sflag:s16], $0x80  }
0x203: {  	[sflag:s16] =	ssyncset.done $0x0  }
0x204: {  	[sflag:s16] =	ssyncadd.s32 $0xFFFFFF80  }
0x205: {  	_ =	swait.ge [sflag:s16], $0x80  }
0x206: {  	[sflag:s16] =	ssyncset.done $0x0  }
0x207: {  	[sflag:s16] =	ssyncadd.s32 $0xFFFFFF80  }
0x208: {  	_ =	swait.ge [sflag:s16], $0x80  }
0x209: {  	[sflag:s16] =	ssyncset.done $0x0  }
0x20a: {  	[sflag:s16] =	ssyncadd.s32 $0xFFFFFF80  }
0x20b: {  	_ =	swait.ge [sflag:s16], $0x80  }
0x20c: {  	[sflag:s16] =	ssyncset.done $0x0  }
0x20d: {  	[sflag:s16] =	ssyncadd.s32 $0xFFFFFF80  }
0x20e: {  	_ =	swait.ge [sflag:s16], $0x80  }
0x20f: {  	[sflag:s16] =	ssyncset.done $0x0  }
0x210: {  	[sflag:s16] =	ssyncadd.s32 $0xFFFFFF80  }
0x211: {  	_ =	swait.ge [sflag:s16], $0x80  }
0x212: {  	[sflag:s16] =	ssyncset.done $0x0  }
0x213: {  	[sflag:s16] =	ssyncadd.s32 $0xFFFFFF80  }
0x214: {  	_ =	swait.ge [sflag:s16], $0x80  }
0x215: {  	[sflag:s16] =	ssyncset.done $0x0  }
0x216: {  	[sflag:s16] =	ssyncadd.s32 $0xFFFFFF80  }
0x217: {  	_ =	swait.ge [sflag:s30], $0x80  }
0x218: {  	[sflag:s30] =	ssyncset.done $0x0  }
0x219: {  	[sflag:s30] =	ssyncadd.s32 $0xFFFFFF80  }
0x21a: {  	_ =	swait.ge [sflag:s30], $0x80  }
0x21b: {  	[sflag:s30] =	ssyncset.done $0x0  }
0x21c: {  	[sflag:s30] =	ssyncadd.s32 $0xFFFFFF80  }
0x21d: {  	_ =	swait.ge [sflag:s16], $0x80  }
0x21e: {  	[sflag:s16] =	ssyncset.done $0x0  }
0x21f: {  	[sflag:s16] =	ssyncadd.s32 $0xFFFFFF80  }
0x220: {  	_ =	swait.ge [sflag:s16], $0x80  }
0x221: {  	[sflag:s16] =	ssyncset.done $0x0  }
0x222: {  	[sflag:s16] =	ssyncadd.s32 $0xFFFFFF80  }
0x223: {  	_ =	swait.ge [sflag:s16], $0x80  }
0x224: {  	[sflag:s16] =	ssyncset.done $0x0  }
0x225: {  	[sflag:s16] =	ssyncadd.s32 $0xFFFFFF80  }
0x226: {  	_ =	swait.ge [sflag:s16], $0x80  }
0x227: {  	[sflag:s16] =	ssyncset.done $0x0  }
0x228: {  	[sflag:s16] =	ssyncadd.s32 $0xFFFFFF80  }
0x229: {  	_ =	swait.ge [sflag:s16], $0x80  }
0x22a: {  	[sflag:s16] =	ssyncset.done $0x0  }
0x22b: {  	[sflag:s16] =	ssyncadd.s32 $0xFFFFFF80  }
0x22c: {  	_ =	swait.ge [sflag:s16], $0x80  }
0x22d: {  	[sflag:s16] =	ssyncset.done $0x0  }
0x22e: {  	[sflag:s16] =	ssyncadd.s32 $0xFFFFFF80  }
0x22f: {  	_ =	swait.ge [sflag:s16], $0x80  }
0x230: {  	[sflag:s16] =	ssyncset.done $0x0  }
0x231: {  	[sflag:s16] =	ssyncadd.s32 $0xFFFFFF80  }
0x232: {  	_ =	swait.ge [sflag:s16], $0x80  }
0x233: {  	[sflag:s16] =	ssyncset.done $0x0  }
0x234: {  	[sflag:s16] =	ssyncadd.s32 $0xFFFFFF80  }
0x235: {  	_ =	swait.ge [sflag:s16], $0x80  }
0x236: {  	[sflag:s16] =	ssyncset.done $0x0  }
0x237: {  	[sflag:s16] =	ssyncadd.s32 $0xFFFFFF80  }
0x238: {  	_ =	swait.ge [sflag:s16], $0x80  }
0x239: {  	[sflag:s16] =	ssyncset.done $0x0  }
0x23a: {  	[sflag:s16] =	ssyncadd.s32 $0xFFFFFF80  }
0x23b: {  	_ =	swait.ge [sflag:s16], $0x80  }
0x23c: {  	[sflag:s16] =	ssyncset.done $0x0  }
0x23d: {  	[sflag:s16] =	ssyncadd.s32 $0xFFFFFF80  }
0x23e: {  	_ =	swait.ge [sflag:s16], $0x80  }
0x23f: {  	[sflag:s16] =	ssyncset.done $0x0  }
0x240: {  	[sflag:s16] =	ssyncadd.s32 $0xFFFFFF80  }
0x241: {  	_ =	swait.ge [sflag:s16], $0x80  }
0x242: {  	[sflag:s16] =	ssyncset.done $0x0  }
0x243: {  	[sflag:s16] =	ssyncadd.s32 $0xFFFFFF80  }
0x244: {  	_ =	swait.ge [sflag:s16], $0x80  }
0x245: {  	[sflag:s16] =	ssyncset.done $0x0  }
0x246: {  	[sflag:s16] =	ssyncadd.s32 $0xFFFFFF80  }
0x247: {  	_ =	swait.ge [sflag:s16], $0x80  }
0x248: {  	[sflag:s16] =	ssyncset.done $0x0  }
0x249: {  	[sflag:s16] =	ssyncadd.s32 $0xFFFFFF80  }
0x24a: {  	_ =	swait.ge [sflag:s16], $0x80  }
0x24b: {  	[sflag:s16] =	ssyncset.done $0x0  }
0x24c: {  	[sflag:s16] =	ssyncadd.s32 $0xFFFFFF80  }
0x24d: {  	_ =	swait.ge [sflag:s16], $0x80  }
0x24e: {  	[sflag:s16] =	ssyncset.done $0x0  }
0x24f: {  	[sflag:s16] =	ssyncadd.s32 $0xFFFFFF80  }
0x250: {  	_ =	swait.ge [sflag:s16], $0x80  }
0x251: {  	[sflag:s16] =	ssyncset.done $0x0  }
0x252: {  	[sflag:s16] =	ssyncadd.s32 $0xFFFFFF80  }
0x253: {  	_ =	swait.ge [sflag:s16], $0x80  }
0x254: {  	[sflag:s16] =	ssyncset.done $0x0  }
0x255: {  	[sflag:s16] =	ssyncadd.s32 $0xFFFFFF80  }
0x256: {  	_ =	swait.ge [sflag:s16], $0x80  }
0x257: {  	[sflag:s16] =	ssyncset.done $0x0  }
0x258: {  	[sflag:s16] =	ssyncadd.s32 $0xFFFFFF80  }
0x259: {  	_ =	swait.ge [sflag:s16], $0x80  }
0x25a: {  	[sflag:s16] =	ssyncset.done $0x0  }
0x25b: {  	[sflag:s16] =	ssyncadd.s32 $0xFFFFFF80  }
0x25c: {  	_ =	swait.ge [sflag:s16], $0x80  }
0x25d: {  	[sflag:s16] =	ssyncset.done $0x0  }
0x25e: {  	[sflag:s16] =	ssyncadd.s32 $0xFFFFFF80  }
0x25f: {  	_ =	swait.ge [sflag:s16], $0x80  }
0x260: {  	[sflag:s16] =	ssyncset.done $0x0  }
0x261: {  	[sflag:s16] =	ssyncadd.s32 $0xFFFFFF80  }
0x262: {  	_ =	swait.ge [sflag:s16], $0x80  }
0x263: {  	[sflag:s16] =	ssyncset.done $0x0  }
0x264: {  	[sflag:s16] =	ssyncadd.s32 $0xFFFFFF80  }
0x265: {  	_ =	swait.ge [sflag:s16], $0x80  }
0x266: {  	[sflag:s16] =	ssyncset.done $0x0  }
0x267: {  	[sflag:s16] =	ssyncadd.s32 $0xFFFFFF80  }
0x268: {  	_ =	swait.ge [sflag:s16], $0x80  }
0x269: {  	[sflag:s16] =	ssyncset.done $0x0  }
0x26a: {  	[sflag:s16] =	ssyncadd.s32 $0xFFFFFF80  }
0x26b: {  	_ =	swait.ge [sflag:s16], $0x80  }
0x26c: {  	[sflag:s16] =	ssyncset.done $0x0  }
0x26d: {  	[sflag:s16] =	ssyncadd.s32 $0xFFFFFF80  }
0x26e: {  	_ =	swait.ge [sflag:s16], $0x80  }
0x26f: {  	[sflag:s16] =	ssyncset.done $0x0  }
0x270: {  	[sflag:s16] =	ssyncadd.s32 $0xFFFFFF80  }
0x271: {  	_ =	swait.ge [sflag:s16], $0x80  }
0x272: {  	[sflag:s16] =	ssyncset.done $0x0  }
0x273: {  	[sflag:s16] =	ssyncadd.s32 $0xFFFFFF80  }
0x274: {  	_ =	swait.ge [sflag:s16], $0x80  }
0x275: {  	[sflag:s16] =	ssyncset.done $0x0  }
0x276: {  	[sflag:s16] =	ssyncadd.s32 $0xFFFFFF80  }
0x277: {  	_ =	swait.ge [sflag:s16], $0x80  }
0x278: {  	[sflag:s16] =	ssyncset.done $0x0  }
0x279: {  	[sflag:s16] =	ssyncadd.s32 $0xFFFFFF80  }
0x27a: {  	_ =	swait.ge [sflag:s16], $0x80  }
0x27b: {  	[sflag:s16] =	ssyncset.done $0x0  }
0x27c: {  	[sflag:s16] =	ssyncadd.s32 $0xFFFFFF80  }
0x27d: {  	_ =	swait.ge [sflag:s30], $0x80  }
0x27e: {  	[sflag:s30] =	ssyncset.done $0x0  }
0x27f: {  	[sflag:s30] =	ssyncadd.s32 $0xFFFFFF80  }
0x280: {  	_ =	swait.ge [sflag:s30], $0x80  }
0x281: {  	[sflag:s30] =	ssyncset.done $0x0  }
0x282: {  	[sflag:s30] =	ssyncadd.s32 $0xFFFFFF80  }
0x283: {  	_ =	swait.ge [sflag:s16], $0x80  }
0x284: {  	[sflag:s16] =	ssyncset.done $0x0  }
0x285: {  	[sflag:s16] =	ssyncadd.s32 $0xFFFFFF80  }
0x286: {  	_ =	swait.ge [sflag:s16], $0x80  }
0x287: {  	[sflag:s16] =	ssyncset.done $0x0  }
0x288: {  	[sflag:s16] =	ssyncadd.s32 $0xFFFFFF80  }
0x289: {  	_ =	swait.ge [sflag:s16], $0x80  }
0x28a: {  	[sflag:s16] =	ssyncset.done $0x0  }
0x28b: {  	[sflag:s16] =	ssyncadd.s32 $0xFFFFFF80  }
0x28c: {  	_ =	swait.ge [sflag:s16], $0x80  }
0x28d: {  	[sflag:s16] =	ssyncset.done $0x0  }
0x28e: {  	[sflag:s16] =	ssyncadd.s32 $0xFFFFFF80  }
0x28f: {  	_ =	swait.ge [sflag:s16], $0x80  }
0x290: {  	[sflag:s16] =	ssyncset.done $0x0  }
0x291: {  	[sflag:s16] =	ssyncadd.s32 $0xFFFFFF80  }
0x292: {  	_ =	swait.ge [sflag:s16], $0x80  }
0x293: {  	[sflag:s16] =	ssyncset.done $0x0  }
0x294: {  	[sflag:s16] =	ssyncadd.s32 $0xFFFFFF80  }
0x295: {  	_ =	swait.ge [sflag:s16], $0x80  }
0x296: {  	[sflag:s16] =	ssyncset.done $0x0  }
0x297: {  	[sflag:s16] =	ssyncadd.s32 $0xFFFFFF80  }
0x298: {  	_ =	swait.ge [sflag:s16], $0x80  }
0x299: {  	[sflag:s16] =	ssyncset.done $0x0  }
0x29a: {  	[sflag:s16] =	ssyncadd.s32 $0xFFFFFF80  }
0x29b: {  	_ =	swait.ge [sflag:s16], $0x80  }
0x29c: {  	[sflag:s16] =	ssyncset.done $0x0  }
0x29d: {  	[sflag:s16] =	ssyncadd.s32 $0xFFFFFF80  }
0x29e: {  	_ =	swait.ge [sflag:s16], $0x80  }
0x29f: {  	[sflag:s16] =	ssyncset.done $0x0  }
0x2a0: {  	[sflag:s16] =	ssyncadd.s32 $0xFFFFFF80  }
0x2a1: {  	_ =	swait.ge [sflag:s16], $0x80  }
0x2a2: {  	[sflag:s16] =	ssyncset.done $0x0  }
0x2a3: {  	[sflag:s16] =	ssyncadd.s32 $0xFFFFFF80  }
0x2a4: {  	_ =	swait.ge [sflag:s16], $0x80  }
0x2a5: {  	[sflag:s16] =	ssyncset.done $0x0  }
0x2a6: {  	[sflag:s16] =	ssyncadd.s32 $0xFFFFFF80  }
0x2a7: {  	_ =	swait.ge [sflag:s16], $0x80  }
0x2a8: {  	[sflag:s16] =	ssyncset.done $0x0  }
0x2a9: {  	[sflag:s16] =	ssyncadd.s32 $0xFFFFFF80  }
0x2aa: {  	_ =	swait.ge [sflag:s16], $0x80  }
0x2ab: {  	[sflag:s16] =	ssyncset.done $0x0  }
0x2ac: {  	[sflag:s16] =	ssyncadd.s32 $0xFFFFFF80  }
0x2ad: {  	_ =	swait.ge [sflag:s16], $0x80  }
0x2ae: {  	[sflag:s16] =	ssyncset.done $0x0  }
0x2af: {  	[sflag:s16] =	ssyncadd.s32 $0xFFFFFF80  }
0x2b0: {  	_ =	swait.ge [sflag:s16], $0x80  }
0x2b1: {  	[sflag:s16] =	ssyncset.done $0x0  }
0x2b2: {  	[sflag:s16] =	ssyncadd.s32 $0xFFFFFF80  }
0x2b3: {  	_ =	swait.ge [sflag:s16], $0x80  }
0x2b4: {  	[sflag:s16] =	ssyncset.done $0x0  }
0x2b5: {  	[sflag:s16] =	ssyncadd.s32 $0xFFFFFF80  }
0x2b6: {  	_ =	swait.ge [sflag:s16], $0x80  }
0x2b7: {  	[sflag:s16] =	ssyncset.done $0x0  }
0x2b8: {  	[sflag:s16] =	ssyncadd.s32 $0xFFFFFF80  }
0x2b9: {  	_ =	swait.ge [sflag:s16], $0x80  }
0x2ba: {  	[sflag:s16] =	ssyncset.done $0x0  }
0x2bb: {  	[sflag:s16] =	ssyncadd.s32 $0xFFFFFF80  }
0x2bc: {  	_ =	swait.ge [sflag:s16], $0x80  }
0x2bd: {  	[sflag:s16] =	ssyncset.done $0x0  }
0x2be: {  	[sflag:s16] =	ssyncadd.s32 $0xFFFFFF80  }
0x2bf: {  	_ =	swait.ge [sflag:s16], $0x80  }
0x2c0: {  	[sflag:s16] =	ssyncset.done $0x0  }
0x2c1: {  	[sflag:s16] =	ssyncadd.s32 $0xFFFFFF80  }
0x2c2: {  	_ =	swait.ge [sflag:s16], $0x80  }
0x2c3: {  	[sflag:s16] =	ssyncset.done $0x0  }
0x2c4: {  	[sflag:s16] =	ssyncadd.s32 $0xFFFFFF80  }
0x2c5: {  	_ =	swait.ge [sflag:s16], $0x80  }
0x2c6: {  	[sflag:s16] =	ssyncset.done $0x0  }
0x2c7: {  	[sflag:s16] =	ssyncadd.s32 $0xFFFFFF80  }
0x2c8: {  	_ =	swait.ge [sflag:s16], $0x80  }
0x2c9: {  	[sflag:s16] =	ssyncset.done $0x0  }
0x2ca: {  	[sflag:s16] =	ssyncadd.s32 $0xFFFFFF80  }
0x2cb: {  	_ =	swait.ge [sflag:s16], $0x80  }
0x2cc: {  	[sflag:s16] =	ssyncset.done $0x0  }
0x2cd: {  	[sflag:s16] =	ssyncadd.s32 $0xFFFFFF80  }
0x2ce: {  	_ =	swait.ge [sflag:s16], $0x80  }
0x2cf: {  	[sflag:s16] =	ssyncset.done $0x0  }
0x2d0: {  	[sflag:s16] =	ssyncadd.s32 $0xFFFFFF80  }
0x2d1: {  	_ =	swait.ge [sflag:s16], $0x80  }
0x2d2: {  	[sflag:s16] =	ssyncset.done $0x0  }
0x2d3: {  	[sflag:s16] =	ssyncadd.s32 $0xFFFFFF80  }
0x2d4: {  	_ =	swait.ge [sflag:s16], $0x80  }
0x2d5: {  	[sflag:s16] =	ssyncset.done $0x0  }
0x2d6: {  	[sflag:s16] =	ssyncadd.s32 $0xFFFFFF80  }
0x2d7: {  	_ =	swait.ge [sflag:s16], $0x80  }
0x2d8: {  	[sflag:s16] =	ssyncset.done $0x0  }
0x2d9: {  	[sflag:s16] =	ssyncadd.s32 $0xFFFFFF80  }
0x2da: {  	_ =	swait.ge [sflag:s16], $0x80  }
0x2db: {  	[sflag:s16] =	ssyncset.done $0x0  }
0x2dc: {  	[sflag:s16] =	ssyncadd.s32 $0xFFFFFF80  }
0x2dd: {  	_ =	swait.ge [sflag:s16], $0x80  }
0x2de: {  	[sflag:s16] =	ssyncset.done $0x0  }
0x2df: {  	[sflag:s16] =	ssyncadd.s32 $0xFFFFFF80  }
0x2e0: {  	_ =	swait.ge [sflag:s16], $0x80  }
0x2e1: {  	[sflag:s16] =	ssyncset.done $0x0  }
0x2e2: {  	s31 =	simm.s32 $0x0;
	[sflag:s16] =	ssyncadd.s32 $0xFFFFFF80  }
0x2e3: {  	v1 =	vld [tilespmem:s31+$0x400]  }
0x2e4: {  	v0 =	vimm.f32 $0.0e+00;
	s18 =	simm.s32 $0x40;
	v2 =	vld [tilespmem:s31+$0x2400]  }
.LBB2_2:
0x2e5: {  	_ = 	snop  }
0x2e6: {  	p0 =	sne.s32 s18, $0x7FC0  }
.Ltmp0:
0x2e7: {  	_ = 	snop;
	(pc) =	sbr.rel @p0 .LBB2_2-.Ltmp0, $4  }
0x2e8: {  	_ = 	snop  }
0x2e9: {  	s19 =	sshra.s32 s18, $0x2;
	v3 =	vmul.f32 v2, v1  }
0x2ea: {  	v1 =	vld [tilespmem:s19+$0x400]  }
0x2eb: {  	s18 =	sadd.s32 $0x40, s18;
	v2 =	vld [tilespmem:s19+$0x2400];
	v0 =	vadd.f32 v3, v0  }
0x2ec: {  	_ =	sdelay $0x3  }
0x2ed: {  	v1 =	vmul.f32 v2, v1;
	_ =	sdelay $0x1  }
0x2ee: {  	v0 =	vadd.f32 v1, v0  }
0x2ef: {  	s0 =	rddreg [dreg:$0x14]  }
0x2f0: {  	s2 =	simm.s32 $0x0;
	s1 =	simm.s32 $0x4A00;
	s3 =	simm.s32 $0x3;
	[tilespmem:$0x4A00] =	vst v0  }
0x2f1: {  	[hbm4b:s0+s2] =	stream.linear.scatter [tilespmem:s1], [sflag:$0x3], $0x10, $0x38;
	[tilespmem:$0x4A10] =	vst v63  }
0x2f2: {  	_ =	swait.ge [sflag:s3], $0x10  }
0x2f3: {  	[sflag:s3] =	ssyncset.done $0x0  }
0x2f4: {  	[sflag:s3] =	ssyncadd.s32 $0xFFFFFFF0  }
0x2f5: {  	v43 =	vld [tilespmem:$0x4400]  }
0x2f6: {  	v44 =	vld [tilespmem:$0x4600]  }
0x2f7: {  	v45 =	vld [tilespmem:$0x4410]  }
0x2f8: {  	v3 =	vld [tilespmem:$0x4610]  }
0x2f9: {  	v4 =	vld [tilespmem:$0x4420]  }
0x2fa: {  	v5 =	vld [tilespmem:$0x4620]  }
0x2fb: {  	v6 =	vld [tilespmem:$0x4430]  }
0x2fc: {  	v7 =	vld [tilespmem:$0x4630]  }
0x2fd: {  	v8 =	vld [tilespmem:$0x4440]  }
0x2fe: {  	v9 =	vld [tilespmem:$0x4640]  }
0x2ff: {  	v10 =	vld [tilespmem:$0x4450]  }
0x300: {  	v11 =	vld [tilespmem:$0x4650]  }
0x301: {  	v12 =	vld [tilespmem:$0x4460]  }
0x302: {  	v13 =	vld [tilespmem:$0x4660]  }
0x303: {  	v14 =	vld [tilespmem:$0x4470]  }
0x304: {  	v15 =	vld [tilespmem:$0x4670]  }
0x305: {  	v16 =	vld [tilespmem:$0x4480]  }
0x306: {  	v17 =	vld [tilespmem:$0x4680]  }
0x307: {  	v18 =	vld [tilespmem:$0x4490]  }
0x308: {  	v19 =	vld [tilespmem:$0x4690]  }
0x309: {  	v20 =	vld [tilespmem:$0x44A0]  }
0x30a: {  	v21 =	vld [tilespmem:$0x46A0]  }
0x30b: {  	v22 =	vld [tilespmem:$0x44B0]  }
0x30c: {  	v23 =	vld [tilespmem:$0x46B0]  }
0x30d: {  	v24 =	vld [tilespmem:$0x44C0]  }
0x30e: {  	v25 =	vld [tilespmem:$0x46C0]  }
0x30f: {  	v26 =	vld [tilespmem:$0x44D0]  }
0x310: {  	v27 =	vld [tilespmem:$0x46D0]  }
0x311: {  	v28 =	vld [tilespmem:$0x44E0]  }
0x312: {  	v29 =	vld [tilespmem:$0x46E0]  }
0x313: {  	v30 =	vld [tilespmem:$0x44F0]  }
0x314: {  	v31 =	vld [tilespmem:$0x46F0]  }
0x315: {  	v32 =	vld [tilespmem:$0x4500]  }
0x316: {  	v33 =	vld [tilespmem:$0x4700]  }
0x317: {  	v34 =	vld [tilespmem:$0x4510]  }
0x318: {  	v35 =	vld [tilespmem:$0x4710]  }
0x319: {  	v36 =	vld [tilespmem:$0x4520]  }
0x31a: {  	v46 =	vld [tilespmem:$0x4720];
	v0 =	vadd.f32 v44, v43  }
0x31b: {  	v47 =	vld [tilespmem:$0x4530];
	v2 =	vadd.f32 v3, v45  }
0x31c: {  	v49 =	vld [tilespmem:$0x4730];
	v48 =	vadd.f32 v5, v4;
	[tilespmem:$0x4800] =	vst v0  }
0x31d: {  	v51 =	vld [tilespmem:$0x4540];
	v50 =	vadd.f32 v7, v6;
	[tilespmem:$0x4810] =	vst v2  }
0x31e: {  	v53 =	vld [tilespmem:$0x4740];
	v52 =	vadd.f32 v9, v8;
	[tilespmem:$0x4820] =	vst v48  }
0x31f: {  	v55 =	vld [tilespmem:$0x4550];
	v54 =	vadd.f32 v11, v10;
	[tilespmem:$0x4830] =	vst v50  }
0x320: {  	v57 =	vld [tilespmem:$0x4750];
	v56 =	vadd.f32 v13, v12;
	[tilespmem:$0x4840] =	vst v52  }
0x321: {  	v59 =	vld [tilespmem:$0x4560];
	v58 =	vadd.f32 v15, v14;
	[tilespmem:$0x4850] =	vst v54  }
0x322: {  	v61 =	vld [tilespmem:$0x4760];
	v60 =	vadd.f32 v17, v16;
	[tilespmem:$0x4860] =	vst v56  }
0x323: {  	v63 =	vld [tilespmem:$0x4570];
	v62 =	vadd.f32 v19, v18;
	[tilespmem:$0x4870] =	vst v58  }
0x324: {  	v37 =	vld [tilespmem:$0x45A0];
	v20 =	vadd.f32 v21, v20;
	[tilespmem:$0x4880] =	vst v60  }
0x325: {  	v39 =	vld [tilespmem:$0x47A0];
	v22 =	vadd.f32 v23, v22;
	[tilespmem:$0x4890] =	vst v62  }
0x326: {  	v41 =	vld [tilespmem:$0x45B0];
	v24 =	vadd.f32 v25, v24;
	[tilespmem:$0x48A0] =	vst v20  }
0x327: {  	v21 =	vld [tilespmem:$0x4770];
	v26 =	vadd.f32 v27, v26;
	[tilespmem:$0x48B0] =	vst v22  }
0x328: {  	v23 =	vld [tilespmem:$0x4580];
	v28 =	vadd.f32 v29, v28;
	[tilespmem:$0x48C0] =	vst v24  }
0x329: {  	v25 =	vld [tilespmem:$0x4780];
	v31 =	vadd.f32 v31, v30;
	[tilespmem:$0x48D0] =	vst v26  }
0x32a: {  	v27 =	vld [tilespmem:$0x4590];
	v38 =	vadd.f32 v33, v32;
	[tilespmem:$0x48E0] =	vst v28  }
0x32b: {  	v29 =	vld [tilespmem:$0x4790];
	v40 =	vadd.f32 v35, v34;
	[tilespmem:$0x48F0] =	vst v31  }
0x32c: {  	v42 =	vadd.f32 v46, v36;
	v43 =	vld [tilespmem:$0x47B0];
	[tilespmem:$0x4900] =	vst v38  }
0x32d: {  	v44 =	vadd.f32 v49, v47;
	v45 =	vld [tilespmem:$0x45C0];
	[tilespmem:$0x4910] =	vst v40  }
0x32e: {  	v46 =	vadd.f32 v53, v51;
	v47 =	vld [tilespmem:$0x47C0];
	[tilespmem:$0x4920] =	vst v42  }
0x32f: {  	v49 =	vld [tilespmem:$0x45D0];
	[tilespmem:$0x4930] =	vst v44;
	v48 =	vadd.f32 v57, v55  }
0x330: {  	v51 =	vld [tilespmem:$0x47D0];
	[tilespmem:$0x4940] =	vst v46;
	v50 =	vadd.f32 v61, v59  }
0x331: {  	v53 =	vld [tilespmem:$0x45E0];
	v58 =	vadd.f32 v39, v37;
	[tilespmem:$0x4950] =	vst v48  }
0x332: {  	v55 =	vld [tilespmem:$0x47E0];
	[tilespmem:$0x4960] =	vst v50;
	v52 =	vadd.f32 v21, v63  }
0x333: {  	v57 =	vld [tilespmem:$0x45F0];
	[tilespmem:$0x49A0] =	vst v58;
	v54 =	vadd.f32 v25, v23  }
0x334: {  	v59 =	vld [tilespmem:$0x47F0];
	v56 =	vadd.f32 v29, v27;
	[tilespmem:$0x4970] =	vst v52  }
0x335: {  	v1 =	vadd.f32 v43, v41;
	[tilespmem:$0x4980] =	vst v54  }
0x336: {  	v60 =	vadd.f32 v47, v45;
	[tilespmem:$0x4990] =	vst v56  }
0x337: {  	v61 =	vadd.f32 v51, v49;
	[tilespmem:$0x49B0] =	vst v1  }
0x338: {  	[tilespmem:$0x49C0] =	vst v60;
	v62 =	vadd.f32 v55, v53  }
0x339: {  	[tilespmem:$0x49D0] =	vst v61;
	v63 =	vadd.f32 v59, v57  }
0x33a: {  	[tilespmem:$0x49E0] =	vst v62  }
0x33b: {  	s29 =	simm.s32 $0x4800;
	s28 =	rddreg [dreg:$0x15];
	[tilespmem:$0x49F0] =	vst v63  }
0x33c: {  	[hbm4b:s28+s2] =	stream.linear.scatter [tilespmem:s29], [sflag:$0x3], $0x200, $0x38;
	[tilespmem:$0x4A10] =	vst v63  }
0x33d: {  	_ =	swait.ge [sflag:s3], $0x200  }
0x33e: {  	s30 =	sld [smem:$0x7F4]  }
0x33f: {  	s31 =	sld [smem:$0x7FA];
	_ =	sdelay $0x1  }
0x340: {  	s1 =	sadd.s32 $0x1, s30  }
0x341: {  	p0 =	sne.s32 s1, s31  }
.Ltmp1:
0x342: {  	_ = 	snop;
	(pc) =	sbr.rel @p0 .LBB2_1-.Ltmp1, $3  }
0x343: {  	_ =	sdelay $0x1  }
0x344: {  	[sflag:s3] =	ssyncset.done $0x0  }
0x345: {  	[sflag:s3] =	ssyncadd.s32 $0xFFFFFE00  }
0x346: {  	_ =	sfence.sel $0x180000  }
0x347: {  	[bflag:$0x0] =	sbarrier.arrive $0xFFFF  }
0x348: {  	_ =	strace $0x90000047  }
0x349: {  	s0 =	stileid.u32;
	[bflag:$0x2] =	sbarrier.arrive $0xFFFF  }
0x34a: {  	p0 =	sne.s32 s0, $0x0;
	s0 =	rddreg [dreg:$0x2]  }
0x34b: {  	s0 =	sadd.s32 @!p0 $0x100000, s0  }
0x34c: {  	[sflag:s0] =	ssyncadd.tile.s32 @!p0 $0x1;
	_ =	shalt  }
.Lfunc_end2:
_tile_overlayer_lowered:
.L_overlay_start_2:
0x34d: {  	(tag) =	ssettag $0x2  }
0x34e: {  	s0 =	rddreg [dreg:$0x0];
	s2 =	stileid.u32  }
0x34f: {  	s1 =	rddreg [dreg:$0x1];
	p0 =	sne.s32 s2, $0x0  }
0x350: {  	s3 =	rddreg [dreg:$0x2];
	[bflag:$0x3] =	sbarrier.arrive $0xFFFF;
	s2 =	simm.s32 @!p0 $0x1C03  }
0x351: {  	[timem:s3], [sflag:s2] =	dma.local @!p0 [hbm:s0], s1  }
0x352: {  	s0 =	simm.s32 @!p0 $0x3  }
0x353: {  	_ =	swait.ge @!p0 [sflag:s0], s1  }
0x354: {  	s1 =	ssub.s32 @!p0 $0x0, s1;
	[sflag:s0] =	ssyncset.done @!p0 $0x0  }
0x355: {  	[sflag:s0] =	ssyncadd.s32 @!p0 s1  }
0x356: {  	[bflag:$0x3] =	sbarrier.arrive $0xFFFF  }
0x357: {  	_ =	shalt  }

</sc_bundles>
